<compile_context>
chip_gen: v7x
topology: tpu7x:2x2x1
jax: 0.10.2.dev20260603
libtpu: 0.0.44.dev20260713+nightly
codegen_flags: <defaults>
</compile_context>

<pallas_src>
import jax
import jax.numpy as jnp
from jax import lax
from jax.experimental import pallas as pl
from jax.experimental.pallas import tpu as pltpu
from jax.experimental.pallas import tpu_sc as plsc

_N_TILES = 1024
_EMBED = 32
_HID = 256
_NA = 4
_B = 4096

_KP = _N_TILES * _EMBED // 2
_WPR = 16

_NC, _NS = 2, 16
_NW = _NC * _NS
_NCHUNK = 4
_CB = _B // _NCHUNK
_BPW = _CB // _NW


def _sc_gather_body(table_hbm, board_hbm, out_hbm, table_v, idx_v, emb_v,
                    sem_out, sem_idx):
    w = lax.axis_index("s") * _NC + lax.axis_index("c")
    base = w * _BPW
    pltpu.sync_copy(table_hbm, table_v)
    iota = lax.iota(jnp.int32, 16)
    c127 = jnp.full((16,), 127, jnp.int32)

    pltpu.async_copy(board_hbm.at[base], idx_v.at[0], sem_idx).wait()

    def row_body(i, carry):
        br = base + i
        p = lax.rem(i, 2)
        @pl.when(i + 1 < _BPW)
        def _():
            pltpu.async_copy(board_hbm.at[br + 1], idx_v.at[1 - p], sem_idx)
        @pl.when(i >= 2)
        def _():
            pltpu.make_async_copy(emb_v.at[p], out_hbm.at[base], sem_out).wait()

        @plsc.parallel_loop(0, _KP // 128, unroll=4)
        def grp_body(g):
            n0 = g * 8
            rowv = jnp.full((16,), n0 >> 7, jnp.int32)
            col0 = jnp.full((16,), n0 & 127, jnp.int32)
            for c in range(8):
                vsp = plsc.load_gather(idx_v.at[p], [rowv, col0 + c])
                srow = vsp >> 3
                e0 = ((vsp << 4) & c127) + iota
                g0 = plsc.load_gather(table_v, [srow, e0])
                emb_v[p, g, pl.ds(c * 16, 16)] = g0

        pltpu.async_copy(emb_v.at[p], out_hbm.at[br], sem_out)

        @pl.when(i + 1 < _BPW)
        def _():
            pltpu.make_async_copy(board_hbm.at[br], idx_v.at[1 - p],
                                  sem_idx).wait()
        return carry

    lax.fori_loop(0, _BPW, row_body, 0)
    pltpu.make_async_copy(emb_v.at[0], out_hbm.at[base], sem_out).wait()
    pltpu.make_async_copy(emb_v.at[0], out_hbm.at[base], sem_out).wait()


def _sc_gather(table_p, board3):
    mesh = plsc.VectorSubcoreMesh(core_axis_name="c", subcore_axis_name="s")
    f = pl.kernel(
        _sc_gather_body,
        out_type=jax.ShapeDtypeStruct((_CB, _KP // 128, 128), jnp.float32),
        mesh=mesh,
        scratch_types=[
            pltpu.VMEM((_N_TILES * _WPR // 128, 128), jnp.float32),
            pltpu.VMEM((2, 8, 128), jnp.int32),
            pltpu.VMEM((2, _KP // 128, 128), jnp.float32),
            pltpu.SemaphoreType.DMA,
            pltpu.SemaphoreType.DMA,
        ],
        compiler_params=pltpu.CompilerParams(use_tc_tiling_on_sc=True,
                                             needs_layout_passes=False),
    )
    return f(table_p, board3)


_BB = 512
_KBP = 2048


def _mlp_body(flat_ref, w1e_ref, w1o_ref, b1_ref, w2_ref, b2_ref, w3_ref,
              b3_ref, out_ref, acc_ref):
    k = pl.program_id(0)
    b = pl.program_id(1)
    nk = pl.num_programs(0)
    xw = lax.bitcast_convert_type(flat_ref[...].reshape(_BB, _KBP), jnp.int32)
    xlo = lax.bitcast_convert_type(xw << 16, jnp.float32)
    xhi = lax.bitcast_convert_type(xw & jnp.int32(-65536), jnp.float32)
    w1e = w1e_ref[...].reshape(_KBP, _HID)
    w1o = w1o_ref[...].reshape(_KBP, _HID)
    part = jnp.dot(xlo, w1e, preferred_element_type=jnp.float32)
    part = part + jnp.dot(xhi, w1o, preferred_element_type=jnp.float32)
    sl = pl.ds(b * _BB, _BB)

    @pl.when(k == 0)
    def _():
        acc_ref[sl, :] = part

    @pl.when(k > 0)
    def _():
        acc_ref[sl, :] = acc_ref[sl, :] + part

    @pl.when(k == nk - 1)
    def _():
        h1 = jnp.maximum(acc_ref[sl, :] + b1_ref[...], 0.0)
        h2 = jnp.dot(h1, w2_ref[...], preferred_element_type=jnp.float32)
        h2 = jnp.maximum(h2 + b2_ref[...], 0.0)
        out_ref[...] = (
            jnp.dot(h2, w3_ref[...], preferred_element_type=jnp.float32)
            + b3_ref[...]
        )


def _tc_mlp(flat3, W1e, W1o, b1, W2, b2, W3, b3):
    grid = (_KP // _KBP, _CB // _BB)
    return pl.pallas_call(
        _mlp_body,
        grid=grid,
        in_specs=[
            pl.BlockSpec((_BB, _KBP // 128, 128), lambda k, b: (b, k, 0)),
            pl.BlockSpec((_KBP // 16, 1, 16, _HID), lambda k, b: (k, 0, 0, 0)),
            pl.BlockSpec((_KBP // 16, 1, 16, _HID), lambda k, b: (k, 1, 0, 0)),
            pl.BlockSpec((1, _HID), lambda k, b: (0, 0)),
            pl.BlockSpec((_HID, _HID), lambda k, b: (0, 0)),
            pl.BlockSpec((1, _HID), lambda k, b: (0, 0)),
            pl.BlockSpec((_HID, _NA), lambda k, b: (0, 0)),
            pl.BlockSpec((1, _NA), lambda k, b: (0, 0)),
        ],
        out_specs=pl.BlockSpec((_BB, _NA), lambda k, b: (b, 0)),
        out_shape=jax.ShapeDtypeStruct((_CB, _NA), jnp.float32),
        scratch_shapes=[pltpu.VMEM((_CB, _HID), jnp.float32)],
        compiler_params=pltpu.CompilerParams(
            dimension_semantics=("arbitrary", "arbitrary"),
        ),
    )(flat3, W1e, W1o, b1, W2, b2, W3, b3)


def kernel(board, emb_table, W1, b1, W2, b2, W3, b3):
    board4 = board.astype(jnp.int32).reshape(_NCHUNK, _CB, 8, 128)
    tb = emb_table.astype(jnp.bfloat16)
    tb_i = lax.bitcast_convert_type(tb, jnp.uint16).astype(jnp.uint32)
    packed = tb_i[:, :16] | (tb_i[:, 16:] << 16)
    table_p = lax.bitcast_convert_type(packed, jnp.float32) \
        .reshape(_N_TILES * _WPR // 128, 128)
    W1r = W1.reshape(_N_TILES, 2, 16, _HID)
    b1r, b2r, b3r = b1.reshape(1, _HID), b2.reshape(1, _HID), b3.reshape(1, _NA)
    outs = []
    for c in range(_NCHUNK):
        flat3 = _sc_gather(table_p, board4[c])
        outs.append(_tc_mlp(flat3, W1r, W1r, b1r, W2, b2r, W3, b3r))
    return jnp.concatenate(outs, axis=0)

# --- scband reference (transcript-rebuilt; emitter-appended) ---
"""Pipeline reference for scband-tile-embedding-dqn-83073257439417 (READ-ONLY COPY).

The authoritative reference and input builder live on the scoring server;
editing this copy changes nothing except your own understanding.
"""

import jax, jax.numpy as jnp
import numpy as np

N_TILES = 1024
EMBED_DIM = 32
HIDDEN_DIM = 256
N_ACTIONS = 4
BATCH = 4096


def setup_inputs(seed: int = 0) -> dict:
    key = jax.random.key(seed)
    k_board, k_emb, k_w1, k_b1, k_w2, k_b2, k_w3, k_b3 = jax.random.split(key, 8)
    board = jax.random.randint(k_board, (BATCH, N_TILES), 0, N_TILES, dtype=jnp.int64 if jax.config.jax_enable_x64 else jnp.int32)
    emb_table = jax.random.normal(k_emb, (N_TILES, EMBED_DIM), dtype=jnp.float32)
    in1 = N_TILES * EMBED_DIM
    # torch Linear default init: U(-1/sqrt(fan_in), 1/sqrt(fan_in)); stored here as [in, out]
    W1 = jax.random.uniform(k_w1, (in1, HIDDEN_DIM), jnp.float32, -1.0 / np.sqrt(in1), 1.0 / np.sqrt(in1))
    b1 = jax.random.uniform(k_b1, (HIDDEN_DIM,), jnp.float32, -1.0 / np.sqrt(in1), 1.0 / np.sqrt(in1))
    W2 = jax.random.uniform(k_w2, (HIDDEN_DIM, HIDDEN_DIM), jnp.float32, -1.0 / np.sqrt(HIDDEN_DIM), 1.0 / np.sqrt(HIDDEN_DIM))
    b2 = jax.random.uniform(k_b2, (HIDDEN_DIM,), jnp.float32, -1.0 / np.sqrt(HIDDEN_DIM), 1.0 / np.sqrt(HIDDEN_DIM))
    W3 = jax.random.uniform(k_w3, (HIDDEN_DIM, N_ACTIONS), jnp.float32, -1.0 / np.sqrt(HIDDEN_DIM), 1.0 / np.sqrt(HIDDEN_DIM))
    b3 = jax.random.uniform(k_b3, (N_ACTIONS,), jnp.float32, -1.0 / np.sqrt(HIDDEN_DIM), 1.0 / np.sqrt(HIDDEN_DIM))
    return {"board": board, "emb_table": emb_table, "W1": W1, "b1": b1, "W2": W2, "b2": b2, "W3": W3, "b3": b3}


def reference(board, emb_table, W1, b1, W2, b2, W3, b3):
    # embedding lookup: gather rows of the table by tile id
    embedded = jnp.take(emb_table, board, axis=0)  # [B, n_tiles, embed_dim]
    flat = embedded.reshape(board.shape[0], -1)     # [B, n_tiles*embed_dim]
    h = jax.nn.relu(flat @ W1 + b1)
    h = jax.nn.relu(h @ W2 + b2)
    out = h @ W3 + b3                               # [B, n_actions]
    return out

if __name__ == "__main__":
    import jax
    _d = setup_inputs()
    print(jax.jit(kernel)(*tuple(_d.values())))

</pallas_src>

<mosaic_0001>
#map = affine_map<(d0, d1) -> (0, 0)>
#map1 = affine_map<(d0, d1) -> (0, 0, 0)>
module attributes {stable_mosaic.version = 14 : i64} {
  func.func @_sc_gather_body(%arg0: i32, %arg1: i32, %arg2: memref<128x128xf32, #tpu.memory_space<hbm>>, %arg3: memref<1024x8x128xi32, #tpu.memory_space<hbm>>, %arg4: memref<1024x128x128xf32, #tpu.memory_space<hbm>>, %arg5: memref<128x128xf32, #tpu.memory_space<vmem>>, %arg6: memref<2x8x128xi32, #tpu.memory_space<vmem>>, %arg7: memref<2x128x128xf32, #tpu.memory_space<vmem>>, %arg8: memref<!tpu.dma_semaphore, #tpu.memory_space<semaphore_mem>>, %arg9: memref<!tpu.dma_semaphore, #tpu.memory_space<semaphore_mem>>) attributes {dimension_semantics = [#tpu.dimension_semantics<core_parallel>, #tpu.dimension_semantics<subcore_parallel>], iteration_bounds = array<i64: 2, 16>, scalar_prefetch = 0 : i64, scratch_operands = 5 : i64, tpu.core_type = #tpu.core_type<sc_vector_subcore>, window_params = [{transform_indices = #map}, {transform_indices = #map1}, {transform_indices = #map1}]} {
    %mul3A = arith.constant 2 : i32
    %mul3A_0 = arith.muli %arg1, %mul3A : i32
    %add3A = arith.addi %mul3A_0, %arg0 : i32
    %mul3A_1 = arith.constant 32 : i32
    %mul3A_2 = arith.muli %add3A, %mul3A_1 : i32
    "tpu.region"() ({
      %run_scoped3A = tpu.sem_alloc : memref<!tpu.dma_semaphore, #tpu.memory_space<semaphore_mem>>
      tpu.enqueue_dma source(%arg2 : memref<128x128xf32, #tpu.memory_space<hbm>>) target(%arg5 : memref<128x128xf32, #tpu.memory_space<vmem>>) target_semaphore(%run_scoped3A : memref<!tpu.dma_semaphore, #tpu.memory_space<semaphore_mem>>)
      tpu.wait_dma2 semaphore(%run_scoped3A : memref<!tpu.dma_semaphore, #tpu.memory_space<semaphore_mem>>) src(%arg2 : memref<128x128xf32, #tpu.memory_space<hbm>>) dst(%arg5 : memref<128x128xf32, #tpu.memory_space<vmem>>)
      tpu.yield
    }) : () -> ()
    %iota3A = tpu.iota {dimensions = array<i32: 0>} : vector<16xi32>
    %broadcast_in_dim3A = arith.constant 127 : i32
    %broadcast_in_dim3A_3 = vector.broadcast %broadcast_in_dim3A : i32 to vector<16xi32>
    %dma_start3A = arith.constant 0 : i32
    %dma_start3A_4 = arith.constant 0 : i32
    %dma_start3A_5 = arith.constant 0 : i32
    %dma_start3A_6 = tpu.memref_slice %arg6[%dma_start3A, %dma_start3A_4, %dma_start3A_5] : memref<2x8x128xi32, #tpu.memory_space<vmem>> -> memref<1x8x128xi32, #tpu.memory_space<vmem>>
    %dma_start3A_7 = tpu.memref_squeeze %dma_start3A_6 : memref<1x8x128xi32, #tpu.memory_space<vmem>> -> memref<8x128xi32, #tpu.memory_space<vmem>>
    %dma_start3A_8 = arith.constant 0 : i32
    %dma_start3A_9 = arith.constant 0 : i32
    %dma_start3A_10 = tpu.memref_slice %arg3[%mul3A_2, %dma_start3A_8, %dma_start3A_9] : memref<1024x8x128xi32, #tpu.memory_space<hbm>> -> memref<1x8x128xi32, #tpu.memory_space<hbm>>
    %dma_start3A_11 = tpu.memref_squeeze %dma_start3A_10 : memref<1x8x128xi32, #tpu.memory_space<hbm>> -> memref<8x128xi32, #tpu.memory_space<hbm>>
    %dma_start3A_12 = arith.constant 0 : i32
    %dma_start3A_13 = arith.constant 0 : i32
    %dma_start3A_14 = tpu.memref_slice %arg6[%dma_start3A, %dma_start3A_12, %dma_start3A_13] : memref<2x8x128xi32, #tpu.memory_space<vmem>> -> memref<1x8x128xi32, #tpu.memory_space<vmem>>
    %dma_start3A_15 = tpu.memref_squeeze %dma_start3A_14 : memref<1x8x128xi32, #tpu.memory_space<vmem>> -> memref<8x128xi32, #tpu.memory_space<vmem>>
    %dma_start3A_16 = arith.constant 0 : i32
    %dma_start3A_17 = arith.constant 0 : i32
    %dma_start3A_18 = tpu.memref_slice %arg3[%mul3A_2, %dma_start3A_16, %dma_start3A_17] : memref<1024x8x128xi32, #tpu.memory_space<hbm>> -> memref<1x8x128xi32, #tpu.memory_space<hbm>>
    %dma_start3A_19 = tpu.memref_squeeze %dma_start3A_18 : memref<1x8x128xi32, #tpu.memory_space<hbm>> -> memref<8x128xi32, #tpu.memory_space<hbm>>
    tpu.enqueue_dma source(%dma_start3A_19 : memref<8x128xi32, #tpu.memory_space<hbm>>) target(%dma_start3A_15 : memref<8x128xi32, #tpu.memory_space<vmem>>) target_semaphore(%arg9 : memref<!tpu.dma_semaphore, #tpu.memory_space<semaphore_mem>>)
    %dma_wait3A = arith.constant 0 : i32
    %dma_wait3A_20 = arith.constant 0 : i32
    %dma_wait3A_21 = arith.constant 0 : i32
    %dma_wait3A_22 = tpu.memref_slice %arg6[%dma_wait3A, %dma_wait3A_20, %dma_wait3A_21] : memref<2x8x128xi32, #tpu.memory_space<vmem>> -> memref<1x8x128xi32, #tpu.memory_space<vmem>>
    %dma_wait3A_23 = tpu.memref_squeeze %dma_wait3A_22 : memref<1x8x128xi32, #tpu.memory_space<vmem>> -> memref<8x128xi32, #tpu.memory_space<vmem>>
    %dma_wait3A_24 = arith.constant 0 : i32
    %dma_wait3A_25 = arith.constant 0 : i32
    %dma_wait3A_26 = tpu.memref_slice %arg3[%mul3A_2, %dma_wait3A_24, %dma_wait3A_25] : memref<1024x8x128xi32, #tpu.memory_space<hbm>> -> memref<1x8x128xi32, #tpu.memory_space<hbm>>
    %dma_wait3A_27 = tpu.memref_squeeze %dma_wait3A_26 : memref<1x8x128xi32, #tpu.memory_space<hbm>> -> memref<8x128xi32, #tpu.memory_space<hbm>>
    %dma_wait3A_28 = arith.constant 0 : i32
    %dma_wait3A_29 = arith.constant 0 : i32
    %dma_wait3A_30 = tpu.memref_slice %arg6[%dma_wait3A, %dma_wait3A_28, %dma_wait3A_29] : memref<2x8x128xi32, #tpu.memory_space<vmem>> -> memref<1x8x128xi32, #tpu.memory_space<vmem>>
    %dma_wait3A_31 = tpu.memref_squeeze %dma_wait3A_30 : memref<1x8x128xi32, #tpu.memory_space<vmem>> -> memref<8x128xi32, #tpu.memory_space<vmem>>
    %dma_wait3A_32 = arith.constant 0 : i32
    %dma_wait3A_33 = arith.constant 0 : i32
    %dma_wait3A_34 = tpu.memref_slice %arg3[%mul3A_2, %dma_wait3A_32, %dma_wait3A_33] : memref<1024x8x128xi32, #tpu.memory_space<hbm>> -> memref<1x8x128xi32, #tpu.memory_space<hbm>>
    %dma_wait3A_35 = tpu.memref_squeeze %dma_wait3A_34 : memref<1x8x128xi32, #tpu.memory_space<hbm>> -> memref<8x128xi32, #tpu.memory_space<hbm>>
    tpu.wait_dma2 semaphore(%arg9 : memref<!tpu.dma_semaphore, #tpu.memory_space<semaphore_mem>>) src(%dma_wait3A_35 : memref<8x128xi32, #tpu.memory_space<hbm>>) dst(%dma_wait3A_31 : memref<8x128xi32, #tpu.memory_space<vmem>>)
    %scan3A = arith.constant 0 : i32
    %scan3A_36 = arith.constant 0 : i32
    %scan3A_37 = arith.constant 32 : i32
    %scan3A_38 = arith.addi %scan3A_36, %scan3A_37 : i32
    %scan3A_39 = arith.constant 1 : i32
    scf.for %scan3A_75 = %scan3A_36 to %scan3A_38 step %scan3A_39  : i32 {
      %add3A_76 = arith.addi %mul3A_2, %scan3A_75 : i32
      %rem3A = arith.constant 2 : i32
      %rem3A_77 = arith.remsi %scan3A_75, %rem3A : i32
      %add3A_78 = arith.constant 1 : i32
      %add3A_79 = arith.addi %scan3A_75, %add3A_78 : i32
      %lt3A = arith.constant 32 : i32
      %lt3A_80 = arith.cmpi slt, %add3A_79, %lt3A : i32
      %convert_element_type3A = arith.extui %lt3A_80 : i1 to i32
      %cond3A = arith.constant 0 : i32
      %cond3A_81 = arith.cmpi ne, %convert_element_type3A, %cond3A : i32
      scf.if %cond3A_81 {
        %add3A_111 = arith.constant 1 : i32
        %add3A_112 = arith.addi %add3A_76, %add3A_111 : i32
        %sub3A = arith.constant 1 : i32
        %sub3A_113 = arith.subi %sub3A, %rem3A_77 : i32
        %dma_start3A_114 = arith.constant 0 : i32
        %dma_start3A_115 = arith.constant 0 : i32
        %dma_start3A_116 = tpu.memref_slice %arg6[%sub3A_113, %dma_start3A_114, %dma_start3A_115] : memref<2x8x128xi32, #tpu.memory_space<vmem>> -> memref<1x8x128xi32, #tpu.memory_space<vmem>>
        %dma_start3A_117 = tpu.memref_squeeze %dma_start3A_116 : memref<1x8x128xi32, #tpu.memory_space<vmem>> -> memref<8x128xi32, #tpu.memory_space<vmem>>
        %dma_start3A_118 = arith.constant 0 : i32
        %dma_start3A_119 = arith.constant 0 : i32
        %dma_start3A_120 = tpu.memref_slice %arg3[%add3A_112, %dma_start3A_118, %dma_start3A_119] : memref<1024x8x128xi32, #tpu.memory_space<hbm>> -> memref<1x8x128xi32, #tpu.memory_space<hbm>>
        %dma_start3A_121 = tpu.memref_squeeze %dma_start3A_120 : memref<1x8x128xi32, #tpu.memory_space<hbm>> -> memref<8x128xi32, #tpu.memory_space<hbm>>
        %dma_start3A_122 = arith.constant 0 : i32
        %dma_start3A_123 = arith.constant 0 : i32
        %dma_start3A_124 = tpu.memref_slice %arg6[%sub3A_113, %dma_start3A_122, %dma_start3A_123] : memref<2x8x128xi32, #tpu.memory_space<vmem>> -> memref<1x8x128xi32, #tpu.memory_space<vmem>>
        %dma_start3A_125 = tpu.memref_squeeze %dma_start3A_124 : memref<1x8x128xi32, #tpu.memory_space<vmem>> -> memref<8x128xi32, #tpu.memory_space<vmem>>
        %dma_start3A_126 = arith.constant 0 : i32
        %dma_start3A_127 = arith.constant 0 : i32
        %dma_start3A_128 = tpu.memref_slice %arg3[%add3A_112, %dma_start3A_126, %dma_start3A_127] : memref<1024x8x128xi32, #tpu.memory_space<hbm>> -> memref<1x8x128xi32, #tpu.memory_space<hbm>>
        %dma_start3A_129 = tpu.memref_squeeze %dma_start3A_128 : memref<1x8x128xi32, #tpu.memory_space<hbm>> -> memref<8x128xi32, #tpu.memory_space<hbm>>
        tpu.enqueue_dma source(%dma_start3A_129 : memref<8x128xi32, #tpu.memory_space<hbm>>) target(%dma_start3A_125 : memref<8x128xi32, #tpu.memory_space<vmem>>) target_semaphore(%arg9 : memref<!tpu.dma_semaphore, #tpu.memory_space<semaphore_mem>>)
      } else {
      }
      %ge3A = arith.constant 2 : i32
      %ge3A_82 = arith.cmpi sge, %scan3A_75, %ge3A : i32
      %convert_element_type3A_83 = arith.extui %ge3A_82 : i1 to i32
      %cond3A_84 = arith.constant 0 : i32
      %cond3A_85 = arith.cmpi ne, %convert_element_type3A_83, %cond3A_84 : i32
      scf.if %cond3A_85 {
        %dma_wait3A_111 = arith.constant 0 : i32
        %dma_wait3A_112 = arith.constant 0 : i32
        %dma_wait3A_113 = tpu.memref_slice %arg7[%rem3A_77, %dma_wait3A_111, %dma_wait3A_112] : memref<2x128x128xf32, #tpu.memory_space<vmem>> -> memref<1x128x128xf32, #tpu.memory_space<vmem>>
        %dma_wait3A_114 = tpu.memref_squeeze %dma_wait3A_113 : memref<1x128x128xf32, #tpu.memory_space<vmem>> -> memref<128x128xf32, #tpu.memory_space<vmem>>
        %dma_wait3A_115 = arith.constant 0 : i32
        %dma_wait3A_116 = arith.constant 0 : i32
        %dma_wait3A_117 = tpu.memref_slice %arg4[%mul3A_2, %dma_wait3A_115, %dma_wait3A_116] : memref<1024x128x128xf32, #tpu.memory_space<hbm>> -> memref<1x128x128xf32, #tpu.memory_space<hbm>>
        %dma_wait3A_118 = tpu.memref_squeeze %dma_wait3A_117 : memref<1x128x128xf32, #tpu.memory_space<hbm>> -> memref<128x128xf32, #tpu.memory_space<hbm>>
        %dma_wait3A_119 = arith.constant 0 : i32
        %dma_wait3A_120 = arith.constant 0 : i32
        %dma_wait3A_121 = tpu.memref_slice %arg4[%mul3A_2, %dma_wait3A_119, %dma_wait3A_120] : memref<1024x128x128xf32, #tpu.memory_space<hbm>> -> memref<1x128x128xf32, #tpu.memory_space<hbm>>
        %dma_wait3A_122 = tpu.memref_squeeze %dma_wait3A_121 : memref<1x128x128xf32, #tpu.memory_space<hbm>> -> memref<128x128xf32, #tpu.memory_space<hbm>>
        %dma_wait3A_123 = arith.constant 0 : i32
        %dma_wait3A_124 = arith.constant 0 : i32
        %dma_wait3A_125 = tpu.memref_slice %arg7[%rem3A_77, %dma_wait3A_123, %dma_wait3A_124] : memref<2x128x128xf32, #tpu.memory_space<vmem>> -> memref<1x128x128xf32, #tpu.memory_space<vmem>>
        %dma_wait3A_126 = tpu.memref_squeeze %dma_wait3A_125 : memref<1x128x128xf32, #tpu.memory_space<vmem>> -> memref<128x128xf32, #tpu.memory_space<vmem>>
        tpu.wait_dma2 semaphore(%arg8 : memref<!tpu.dma_semaphore, #tpu.memory_space<semaphore_mem>>) src(%dma_wait3A_126 : memref<128x128xf32, #tpu.memory_space<vmem>>) dst(%dma_wait3A_122 : memref<128x128xf32, #tpu.memory_space<hbm>>)
      } else {
      }
      %parallel_loop3A = arith.constant 0 : i32
      %parallel_loop3A_86 = arith.constant 128 : i32
      %parallel_loop3A_87 = arith.constant 1 : i32
      scf.for %parallel_loop3A_111 = %parallel_loop3A to %parallel_loop3A_86 step %parallel_loop3A_87  : i32 {
        %parallel_loop3A_112 = arith.constant 8 : i32
        %parallel_loop3A_113 = arith.muli %parallel_loop3A_111, %parallel_loop3A_112 : i32
        %parallel_loop3A_114 = arith.constant 7 : i32
        %parallel_loop3A_115 = arith.shrsi %parallel_loop3A_113, %parallel_loop3A_114 : i32
        %parallel_loop3A_116 = vector.broadcast %parallel_loop3A_115 : i32 to vector<16xi32>
        %parallel_loop3A_117 = arith.constant 127 : i32
        %parallel_loop3A_118 = arith.andi %parallel_loop3A_113, %parallel_loop3A_117 : i32
        %parallel_loop3A_119 = vector.broadcast %parallel_loop3A_118 : i32 to vector<16xi32>
        %parallel_loop3A_120 = arith.constant 0 : i32
        %parallel_loop3A_121 = vector.broadcast %parallel_loop3A_120 : i32 to vector<16xi32>
        %parallel_loop3A_122 = arith.addi %parallel_loop3A_119, %parallel_loop3A_121 : vector<16xi32>
        %parallel_loop3A_123 = arith.constant 0 : i32
        %parallel_loop3A_124 = arith.constant 0 : i32
        %parallel_loop3A_125 = tpu.memref_slice %arg6[%rem3A_77, %parallel_loop3A_123, %parallel_loop3A_124] : memref<2x8x128xi32, #tpu.memory_space<vmem>> -> memref<1x8x128xi32, #tpu.memory_space<vmem>>
        %parallel_loop3A_126 = tpu.memref_squeeze %parallel_loop3A_125 : memref<1x8x128xi32, #tpu.memory_space<vmem>> -> memref<8x128xi32, #tpu.memory_space<vmem>>
        %parallel_loop3A_127 = tpu.vector_load_idx %parallel_loop3A_126[%parallel_loop3A_116, %parallel_loop3A_122] : memref<8x128xi32, #tpu.memory_space<vmem>>[vector<16xi32>, vector<16xi32>], vector<16xi32>,
        %parallel_loop3A_128 = arith.constant 3 : i32
        %parallel_loop3A_129 = vector.broadcast %parallel_loop3A_128 : i32 to vector<16xi32>
        %parallel_loop3A_130 = arith.shrsi %parallel_loop3A_127, %parallel_loop3A_129 : vector<16xi32>
        %parallel_loop3A_131 = arith.constant 4 : i32
        %parallel_loop3A_132 = vector.broadcast %parallel_loop3A_131 : i32 to vector<16xi32>
        %parallel_loop3A_133 = arith.shli %parallel_loop3A_127, %parallel_loop3A_132 : vector<16xi32>
        %parallel_loop3A_134 = arith.andi %parallel_loop3A_133, %broadcast_in_dim3A_3 : vector<16xi32>
        %parallel_loop3A_135 = arith.addi %parallel_loop3A_134, %iota3A : vector<16xi32>
        %parallel_loop3A_136 = tpu.vector_load_idx %arg5[%parallel_loop3A_130, %parallel_loop3A_135] : memref<128x128xf32, #tpu.memory_space<vmem>>[vector<16xi32>, vector<16xi32>], vector<16xf32>,
        %parallel_loop3A_137 = arith.index_cast %rem3A_77 : i32 to index
        %parallel_loop3A_138 = arith.index_cast %parallel_loop3A_111 : i32 to index
        %parallel_loop3A_139 = arith.constant 0 : index
        %parallel_loop3A_140 = tpu.vector_load %arg7[%parallel_loop3A_137, %parallel_loop3A_138, %parallel_loop3A_139] {strides = array<i32>} : memref<2x128x128xf32, #tpu.memory_space<vmem>>, vector<16xf32>,
        tpu.vector_store %arg7[%parallel_loop3A_137, %parallel_loop3A_138, %parallel_loop3A_139], %parallel_loop3A_136 {strides = array<i32>} : memref<2x128x128xf32, #tpu.memory_space<vmem>>, vector<16xf32>,
        %parallel_loop3A_141 = arith.constant 1 : i32
        %parallel_loop3A_142 = vector.broadcast %parallel_loop3A_141 : i32 to vector<16xi32>
        %parallel_loop3A_143 = arith.addi %parallel_loop3A_119, %parallel_loop3A_142 : vector<16xi32>
        %parallel_loop3A_144 = arith.constant 0 : i32
        %parallel_loop3A_145 = arith.constant 0 : i32
        %parallel_loop3A_146 = tpu.memref_slice %arg6[%rem3A_77, %parallel_loop3A_144, %parallel_loop3A_145] : memref<2x8x128xi32, #tpu.memory_space<vmem>> -> memref<1x8x128xi32, #tpu.memory_space<vmem>>
        %parallel_loop3A_147 = tpu.memref_squeeze %parallel_loop3A_146 : memref<1x8x128xi32, #tpu.memory_space<vmem>> -> memref<8x128xi32, #tpu.memory_space<vmem>>
        %parallel_loop3A_148 = tpu.vector_load_idx %parallel_loop3A_147[%parallel_loop3A_116, %parallel_loop3A_143] : memref<8x128xi32, #tpu.memory_space<vmem>>[vector<16xi32>, vector<16xi32>], vector<16xi32>,
        %parallel_loop3A_149 = arith.constant 3 : i32
        %parallel_loop3A_150 = vector.broadcast %parallel_loop3A_149 : i32 to vector<16xi32>
        %parallel_loop3A_151 = arith.shrsi %parallel_loop3A_148, %parallel_loop3A_150 : vector<16xi32>
        %parallel_loop3A_152 = arith.constant 4 : i32
        %parallel_loop3A_153 = vector.broadcast %parallel_loop3A_152 : i32 to vector<16xi32>
        %parallel_loop3A_154 = arith.shli %parallel_loop3A_148, %parallel_loop3A_153 : vector<16xi32>
        %parallel_loop3A_155 = arith.andi %parallel_loop3A_154, %broadcast_in_dim3A_3 : vector<16xi32>
        %parallel_loop3A_156 = arith.addi %parallel_loop3A_155, %iota3A : vector<16xi32>
        %parallel_loop3A_157 = tpu.vector_load_idx %arg5[%parallel_loop3A_151, %parallel_loop3A_156] : memref<128x128xf32, #tpu.memory_space<vmem>>[vector<16xi32>, vector<16xi32>], vector<16xf32>,
        %parallel_loop3A_158 = arith.index_cast %rem3A_77 : i32 to index
        %parallel_loop3A_159 = arith.index_cast %parallel_loop3A_111 : i32 to index
        %parallel_loop3A_160 = arith.constant 16 : index
        %parallel_loop3A_161 = tpu.vector_load %arg7[%parallel_loop3A_158, %parallel_loop3A_159, %parallel_loop3A_160] {strides = array<i32>} : memref<2x128x128xf32, #tpu.memory_space<vmem>>, vector<16xf32>,
        tpu.vector_store %arg7[%parallel_loop3A_158, %parallel_loop3A_159, %parallel_loop3A_160], %parallel_loop3A_157 {strides = array<i32>} : memref<2x128x128xf32, #tpu.memory_space<vmem>>, vector<16xf32>,
        %parallel_loop3A_162 = arith.constant 2 : i32
        %parallel_loop3A_163 = vector.broadcast %parallel_loop3A_162 : i32 to vector<16xi32>
        %parallel_loop3A_164 = arith.addi %parallel_loop3A_119, %parallel_loop3A_163 : vector<16xi32>
        %parallel_loop3A_165 = arith.constant 0 : i32
        %parallel_loop3A_166 = arith.constant 0 : i32
        %parallel_loop3A_167 = tpu.memref_slice %arg6[%rem3A_77, %parallel_loop3A_165, %parallel_loop3A_166] : memref<2x8x128xi32, #tpu.memory_space<vmem>> -> memref<1x8x128xi32, #tpu.memory_space<vmem>>
        %parallel_loop3A_168 = tpu.memref_squeeze %parallel_loop3A_167 : memref<1x8x128xi32, #tpu.memory_space<vmem>> -> memref<8x128xi32, #tpu.memory_space<vmem>>
        %parallel_loop3A_169 = tpu.vector_load_idx %parallel_loop3A_168[%parallel_loop3A_116, %parallel_loop3A_164] : memref<8x128xi32, #tpu.memory_space<vmem>>[vector<16xi32>, vector<16xi32>], vector<16xi32>,
        %parallel_loop3A_170 = arith.constant 3 : i32
        %parallel_loop3A_171 = vector.broadcast %parallel_loop3A_170 : i32 to vector<16xi32>
        %parallel_loop3A_172 = arith.shrsi %parallel_loop3A_169, %parallel_loop3A_171 : vector<16xi32>
        %parallel_loop3A_173 = arith.constant 4 : i32
        %parallel_loop3A_174 = vector.broadcast %parallel_loop3A_173 : i32 to vector<16xi32>
        %parallel_loop3A_175 = arith.shli %parallel_loop3A_169, %parallel_loop3A_174 : vector<16xi32>
        %parallel_loop3A_176 = arith.andi %parallel_loop3A_175, %broadcast_in_dim3A_3 : vector<16xi32>
        %parallel_loop3A_177 = arith.addi %parallel_loop3A_176, %iota3A : vector<16xi32>
        %parallel_loop3A_178 = tpu.vector_load_idx %arg5[%parallel_loop3A_172, %parallel_loop3A_177] : memref<128x128xf32, #tpu.memory_space<vmem>>[vector<16xi32>, vector<16xi32>], vector<16xf32>,
        %parallel_loop3A_179 = arith.index_cast %rem3A_77 : i32 to index
        %parallel_loop3A_180 = arith.index_cast %parallel_loop3A_111 : i32 to index
        %parallel_loop3A_181 = arith.constant 32 : index
        %parallel_loop3A_182 = tpu.vector_load %arg7[%parallel_loop3A_179, %parallel_loop3A_180, %parallel_loop3A_181] {strides = array<i32>} : memref<2x128x128xf32, #tpu.memory_space<vmem>>, vector<16xf32>,
        tpu.vector_store %arg7[%parallel_loop3A_179, %parallel_loop3A_180, %parallel_loop3A_181], %parallel_loop3A_178 {strides = array<i32>} : memref<2x128x128xf32, #tpu.memory_space<vmem>>, vector<16xf32>,
        %parallel_loop3A_183 = arith.constant 3 : i32
        %parallel_loop3A_184 = vector.broadcast %parallel_loop3A_183 : i32 to vector<16xi32>
        %parallel_loop3A_185 = arith.addi %parallel_loop3A_119, %parallel_loop3A_184 : vector<16xi32>
        %parallel_loop3A_186 = arith.constant 0 : i32
        %parallel_loop3A_187 = arith.constant 0 : i32
        %parallel_loop3A_188 = tpu.memref_slice %arg6[%rem3A_77, %parallel_loop3A_186, %parallel_loop3A_187] : memref<2x8x128xi32, #tpu.memory_space<vmem>> -> memref<1x8x128xi32, #tpu.memory_space<vmem>>
        %parallel_loop3A_189 = tpu.memref_squeeze %parallel_loop3A_188 : memref<1x8x128xi32, #tpu.memory_space<vmem>> -> memref<8x128xi32, #tpu.memory_space<vmem>>
        %parallel_loop3A_190 = tpu.vector_load_idx %parallel_loop3A_189[%parallel_loop3A_116, %parallel_loop3A_185] : memref<8x128xi32, #tpu.memory_space<vmem>>[vector<16xi32>, vector<16xi32>], vector<16xi32>,
        %parallel_loop3A_191 = arith.constant 3 : i32
        %parallel_loop3A_192 = vector.broadcast %parallel_loop3A_191 : i32 to vector<16xi32>
        %parallel_loop3A_193 = arith.shrsi %parallel_loop3A_190, %parallel_loop3A_192 : vector<16xi32>
        %parallel_loop3A_194 = arith.constant 4 : i32
        %parallel_loop3A_195 = vector.broadcast %parallel_loop3A_194 : i32 to vector<16xi32>
        %parallel_loop3A_196 = arith.shli %parallel_loop3A_190, %parallel_loop3A_195 : vector<16xi32>
        %parallel_loop3A_197 = arith.andi %parallel_loop3A_196, %broadcast_in_dim3A_3 : vector<16xi32>
        %parallel_loop3A_198 = arith.addi %parallel_loop3A_197, %iota3A : vector<16xi32>
        %parallel_loop3A_199 = tpu.vector_load_idx %arg5[%parallel_loop3A_193, %parallel_loop3A_198] : memref<128x128xf32, #tpu.memory_space<vmem>>[vector<16xi32>, vector<16xi32>], vector<16xf32>,
        %parallel_loop3A_200 = arith.index_cast %rem3A_77 : i32 to index
        %parallel_loop3A_201 = arith.index_cast %parallel_loop3A_111 : i32 to index
        %parallel_loop3A_202 = arith.constant 48 : index
        %parallel_loop3A_203 = tpu.vector_load %arg7[%parallel_loop3A_200, %parallel_loop3A_201, %parallel_loop3A_202] {strides = array<i32>} : memref<2x128x128xf32, #tpu.memory_space<vmem>>, vector<16xf32>,
        tpu.vector_store %arg7[%parallel_loop3A_200, %parallel_loop3A_201, %parallel_loop3A_202], %parallel_loop3A_199 {strides = array<i32>} : memref<2x128x128xf32, #tpu.memory_space<vmem>>, vector<16xf32>,
        %parallel_loop3A_204 = arith.constant 4 : i32
        %parallel_loop3A_205 = vector.broadcast %parallel_loop3A_204 : i32 to vector<16xi32>
        %parallel_loop3A_206 = arith.addi %parallel_loop3A_119, %parallel_loop3A_205 : vector<16xi32>
        %parallel_loop3A_207 = arith.constant 0 : i32
        %parallel_loop3A_208 = arith.constant 0 : i32
        %parallel_loop3A_209 = tpu.memref_slice %arg6[%rem3A_77, %parallel_loop3A_207, %parallel_loop3A_208] : memref<2x8x128xi32, #tpu.memory_space<vmem>> -> memref<1x8x128xi32, #tpu.memory_space<vmem>>
        %parallel_loop3A_210 = tpu.memref_squeeze %parallel_loop3A_209 : memref<1x8x128xi32, #tpu.memory_space<vmem>> -> memref<8x128xi32, #tpu.memory_space<vmem>>
        %parallel_loop3A_211 = tpu.vector_load_idx %parallel_loop3A_210[%parallel_loop3A_116, %parallel_loop3A_206] : memref<8x128xi32, #tpu.memory_space<vmem>>[vector<16xi32>, vector<16xi32>], vector<16xi32>,
        %parallel_loop3A_212 = arith.constant 3 : i32
        %parallel_loop3A_213 = vector.broadcast %parallel_loop3A_212 : i32 to vector<16xi32>
        %parallel_loop3A_214 = arith.shrsi %parallel_loop3A_211, %parallel_loop3A_213 : vector<16xi32>
        %parallel_loop3A_215 = arith.constant 4 : i32
        %parallel_loop3A_216 = vector.broadcast %parallel_loop3A_215 : i32 to vector<16xi32>
        %parallel_loop3A_217 = arith.shli %parallel_loop3A_211, %parallel_loop3A_216 : vector<16xi32>
        %parallel_loop3A_218 = arith.andi %parallel_loop3A_217, %broadcast_in_dim3A_3 : vector<16xi32>
        %parallel_loop3A_219 = arith.addi %parallel_loop3A_218, %iota3A : vector<16xi32>
        %parallel_loop3A_220 = tpu.vector_load_idx %arg5[%parallel_loop3A_214, %parallel_loop3A_219] : memref<128x128xf32, #tpu.memory_space<vmem>>[vector<16xi32>, vector<16xi32>], vector<16xf32>,
        %parallel_loop3A_221 = arith.index_cast %rem3A_77 : i32 to index
        %parallel_loop3A_222 = arith.index_cast %parallel_loop3A_111 : i32 to index
        %parallel_loop3A_223 = arith.constant 64 : index
        %parallel_loop3A_224 = tpu.vector_load %arg7[%parallel_loop3A_221, %parallel_loop3A_222, %parallel_loop3A_223] {strides = array<i32>} : memref<2x128x128xf32, #tpu.memory_space<vmem>>, vector<16xf32>,
        tpu.vector_store %arg7[%parallel_loop3A_221, %parallel_loop3A_222, %parallel_loop3A_223], %parallel_loop3A_220 {strides = array<i32>} : memref<2x128x128xf32, #tpu.memory_space<vmem>>, vector<16xf32>,
        %parallel_loop3A_225 = arith.constant 5 : i32
        %parallel_loop3A_226 = vector.broadcast %parallel_loop3A_225 : i32 to vector<16xi32>
        %parallel_loop3A_227 = arith.addi %parallel_loop3A_119, %parallel_loop3A_226 : vector<16xi32>
        %parallel_loop3A_228 = arith.constant 0 : i32
        %parallel_loop3A_229 = arith.constant 0 : i32
        %parallel_loop3A_230 = tpu.memref_slice %arg6[%rem3A_77, %parallel_loop3A_228, %parallel_loop3A_229] : memref<2x8x128xi32, #tpu.memory_space<vmem>> -> memref<1x8x128xi32, #tpu.memory_space<vmem>>
        %parallel_loop3A_231 = tpu.memref_squeeze %parallel_loop3A_230 : memref<1x8x128xi32, #tpu.memory_space<vmem>> -> memref<8x128xi32, #tpu.memory_space<vmem>>
        %parallel_loop3A_232 = tpu.vector_load_idx %parallel_loop3A_231[%parallel_loop3A_116, %parallel_loop3A_227] : memref<8x128xi32, #tpu.memory_space<vmem>>[vector<16xi32>, vector<16xi32>], vector<16xi32>,
        %parallel_loop3A_233 = arith.constant 3 : i32
        %parallel_loop3A_234 = vector.broadcast %parallel_loop3A_233 : i32 to vector<16xi32>
        %parallel_loop3A_235 = arith.shrsi %parallel_loop3A_232, %parallel_loop3A_234 : vector<16xi32>
        %parallel_loop3A_236 = arith.constant 4 : i32
        %parallel_loop3A_237 = vector.broadcast %parallel_loop3A_236 : i32 to vector<16xi32>
        %parallel_loop3A_238 = arith.shli %parallel_loop3A_232, %parallel_loop3A_237 : vector<16xi32>
        %parallel_loop3A_239 = arith.andi %parallel_loop3A_238, %broadcast_in_dim3A_3 : vector<16xi32>
        %parallel_loop3A_240 = arith.addi %parallel_loop3A_239, %iota3A : vector<16xi32>
        %parallel_loop3A_241 = tpu.vector_load_idx %arg5[%parallel_loop3A_235, %parallel_loop3A_240] : memref<128x128xf32, #tpu.memory_space<vmem>>[vector<16xi32>, vector<16xi32>], vector<16xf32>,
        %parallel_loop3A_242 = arith.index_cast %rem3A_77 : i32 to index
        %parallel_loop3A_243 = arith.index_cast %parallel_loop3A_111 : i32 to index
        %parallel_loop3A_244 = arith.constant 80 : index
        %parallel_loop3A_245 = tpu.vector_load %arg7[%parallel_loop3A_242, %parallel_loop3A_243, %parallel_loop3A_244] {strides = array<i32>} : memref<2x128x128xf32, #tpu.memory_space<vmem>>, vector<16xf32>,
        tpu.vector_store %arg7[%parallel_loop3A_242, %parallel_loop3A_243, %parallel_loop3A_244], %parallel_loop3A_241 {strides = array<i32>} : memref<2x128x128xf32, #tpu.memory_space<vmem>>, vector<16xf32>,
        %parallel_loop3A_246 = arith.constant 6 : i32
        %parallel_loop3A_247 = vector.broadcast %parallel_loop3A_246 : i32 to vector<16xi32>
        %parallel_loop3A_248 = arith.addi %parallel_loop3A_119, %parallel_loop3A_247 : vector<16xi32>
        %parallel_loop3A_249 = arith.constant 0 : i32
        %parallel_loop3A_250 = arith.constant 0 : i32
        %parallel_loop3A_251 = tpu.memref_slice %arg6[%rem3A_77, %parallel_loop3A_249, %parallel_loop3A_250] : memref<2x8x128xi32, #tpu.memory_space<vmem>> -> memref<1x8x128xi32, #tpu.memory_space<vmem>>
        %parallel_loop3A_252 = tpu.memref_squeeze %parallel_loop3A_251 : memref<1x8x128xi32, #tpu.memory_space<vmem>> -> memref<8x128xi32, #tpu.memory_space<vmem>>
        %parallel_loop3A_253 = tpu.vector_load_idx %parallel_loop3A_252[%parallel_loop3A_116, %parallel_loop3A_248] : memref<8x128xi32, #tpu.memory_space<vmem>>[vector<16xi32>, vector<16xi32>], vector<16xi32>,
        %parallel_loop3A_254 = arith.constant 3 : i32
        %parallel_loop3A_255 = vector.broadcast %parallel_loop3A_254 : i32 to vector<16xi32>
        %parallel_loop3A_256 = arith.shrsi %parallel_loop3A_253, %parallel_loop3A_255 : vector<16xi32>
        %parallel_loop3A_257 = arith.constant 4 : i32
        %parallel_loop3A_258 = vector.broadcast %parallel_loop3A_257 : i32 to vector<16xi32>
        %parallel_loop3A_259 = arith.shli %parallel_loop3A_253, %parallel_loop3A_258 : vector<16xi32>
        %parallel_loop3A_260 = arith.andi %parallel_loop3A_259, %broadcast_in_dim3A_3 : vector<16xi32>
        %parallel_loop3A_261 = arith.addi %parallel_loop3A_260, %iota3A : vector<16xi32>
        %parallel_loop3A_262 = tpu.vector_load_idx %arg5[%parallel_loop3A_256, %parallel_loop3A_261] : memref<128x128xf32, #tpu.memory_space<vmem>>[vector<16xi32>, vector<16xi32>], vector<16xf32>,
        %parallel_loop3A_263 = arith.index_cast %rem3A_77 : i32 to index
        %parallel_loop3A_264 = arith.index_cast %parallel_loop3A_111 : i32 to index
        %parallel_loop3A_265 = arith.constant 96 : index
        %parallel_loop3A_266 = tpu.vector_load %arg7[%parallel_loop3A_263, %parallel_loop3A_264, %parallel_loop3A_265] {strides = array<i32>} : memref<2x128x128xf32, #tpu.memory_space<vmem>>, vector<16xf32>,
        tpu.vector_store %arg7[%parallel_loop3A_263, %parallel_loop3A_264, %parallel_loop3A_265], %parallel_loop3A_262 {strides = array<i32>} : memref<2x128x128xf32, #tpu.memory_space<vmem>>, vector<16xf32>,
        %parallel_loop3A_267 = arith.constant 7 : i32
        %parallel_loop3A_268 = vector.broadcast %parallel_loop3A_267 : i32 to vector<16xi32>
        %parallel_loop3A_269 = arith.addi %parallel_loop3A_119, %parallel_loop3A_268 : vector<16xi32>
        %parallel_loop3A_270 = arith.constant 0 : i32
        %parallel_loop3A_271 = arith.constant 0 : i32
        %parallel_loop3A_272 = tpu.memref_slice %arg6[%rem3A_77, %parallel_loop3A_270, %parallel_loop3A_271] : memref<2x8x128xi32, #tpu.memory_space<vmem>> -> memref<1x8x128xi32, #tpu.memory_space<vmem>>
        %parallel_loop3A_273 = tpu.memref_squeeze %parallel_loop3A_272 : memref<1x8x128xi32, #tpu.memory_space<vmem>> -> memref<8x128xi32, #tpu.memory_space<vmem>>
        %parallel_loop3A_274 = tpu.vector_load_idx %parallel_loop3A_273[%parallel_loop3A_116, %parallel_loop3A_269] : memref<8x128xi32, #tpu.memory_space<vmem>>[vector<16xi32>, vector<16xi32>], vector<16xi32>,
        %parallel_loop3A_275 = arith.constant 3 : i32
        %parallel_loop3A_276 = vector.broadcast %parallel_loop3A_275 : i32 to vector<16xi32>
        %parallel_loop3A_277 = arith.shrsi %parallel_loop3A_274, %parallel_loop3A_276 : vector<16xi32>
        %parallel_loop3A_278 = arith.constant 4 : i32
        %parallel_loop3A_279 = vector.broadcast %parallel_loop3A_278 : i32 to vector<16xi32>
        %parallel_loop3A_280 = arith.shli %parallel_loop3A_274, %parallel_loop3A_279 : vector<16xi32>
        %parallel_loop3A_281 = arith.andi %parallel_loop3A_280, %broadcast_in_dim3A_3 : vector<16xi32>
        %parallel_loop3A_282 = arith.addi %parallel_loop3A_281, %iota3A : vector<16xi32>
        %parallel_loop3A_283 = tpu.vector_load_idx %arg5[%parallel_loop3A_277, %parallel_loop3A_282] : memref<128x128xf32, #tpu.memory_space<vmem>>[vector<16xi32>, vector<16xi32>], vector<16xf32>,
        %parallel_loop3A_284 = arith.index_cast %rem3A_77 : i32 to index
        %parallel_loop3A_285 = arith.index_cast %parallel_loop3A_111 : i32 to index
        %parallel_loop3A_286 = arith.constant 112 : index
        %parallel_loop3A_287 = tpu.vector_load %arg7[%parallel_loop3A_284, %parallel_loop3A_285, %parallel_loop3A_286] {strides = array<i32>} : memref<2x128x128xf32, #tpu.memory_space<vmem>>, vector<16xf32>,
        tpu.vector_store %arg7[%parallel_loop3A_284, %parallel_loop3A_285, %parallel_loop3A_286], %parallel_loop3A_283 {strides = array<i32>} : memref<2x128x128xf32, #tpu.memory_space<vmem>>, vector<16xf32>,
      } {sc.loop_unroll_factor = 4 : i64, sc.parallel_access}
      %dma_start3A_88 = arith.constant 0 : i32
      %dma_start3A_89 = arith.constant 0 : i32
      %dma_start3A_90 = tpu.memref_slice %arg7[%rem3A_77, %dma_start3A_88, %dma_start3A_89] : memref<2x128x128xf32, #tpu.memory_space<vmem>> -> memref<1x128x128xf32, #tpu.memory_space<vmem>>
      %dma_start3A_91 = tpu.memref_squeeze %dma_start3A_90 : memref<1x128x128xf32, #tpu.memory_space<vmem>> -> memref<128x128xf32, #tpu.memory_space<vmem>>
      %dma_start3A_92 = arith.constant 0 : i32
      %dma_start3A_93 = arith.constant 0 : i32
      %dma_start3A_94 = tpu.memref_slice %arg4[%add3A_76, %dma_start3A_92, %dma_start3A_93] : memref<1024x128x128xf32, #tpu.memory_space<hbm>> -> memref<1x128x128xf32, #tpu.memory_space<hbm>>
      %dma_start3A_95 = tpu.memref_squeeze %dma_start3A_94 : memref<1x128x128xf32, #tpu.memory_space<hbm>> -> memref<128x128xf32, #tpu.memory_space<hbm>>
      %dma_start3A_96 = arith.constant 0 : i32
      %dma_start3A_97 = arith.constant 0 : i32
      %dma_start3A_98 = tpu.memref_slice %arg4[%add3A_76, %dma_start3A_96, %dma_start3A_97] : memref<1024x128x128xf32, #tpu.memory_space<hbm>> -> memref<1x128x128xf32, #tpu.memory_space<hbm>>
      %dma_start3A_99 = tpu.memref_squeeze %dma_start3A_98 : memref<1x128x128xf32, #tpu.memory_space<hbm>> -> memref<128x128xf32, #tpu.memory_space<hbm>>
      %dma_start3A_100 = arith.constant 0 : i32
      %dma_start3A_101 = arith.constant 0 : i32
      %dma_start3A_102 = tpu.memref_slice %arg7[%rem3A_77, %dma_start3A_100, %dma_start3A_101] : memref<2x128x128xf32, #tpu.memory_space<vmem>> -> memref<1x128x128xf32, #tpu.memory_space<vmem>>
      %dma_start3A_103 = tpu.memref_squeeze %dma_start3A_102 : memref<1x128x128xf32, #tpu.memory_space<vmem>> -> memref<128x128xf32, #tpu.memory_space<vmem>>
      tpu.enqueue_dma source(%dma_start3A_103 : memref<128x128xf32, #tpu.memory_space<vmem>>) target(%dma_start3A_99 : memref<128x128xf32, #tpu.memory_space<hbm>>) target_semaphore(%arg8 : memref<!tpu.dma_semaphore, #tpu.memory_space<semaphore_mem>>)
      %add3A_104 = arith.constant 1 : i32
      %add3A_105 = arith.addi %scan3A_75, %add3A_104 : i32
      %lt3A_106 = arith.constant 32 : i32
      %lt3A_107 = arith.cmpi slt, %add3A_105, %lt3A_106 : i32
      %convert_element_type3A_108 = arith.extui %lt3A_107 : i1 to i32
      %cond3A_109 = arith.constant 0 : i32
      %cond3A_110 = arith.cmpi ne, %convert_element_type3A_108, %cond3A_109 : i32
      scf.if %cond3A_110 {
        %sub3A = arith.constant 1 : i32
        %sub3A_111 = arith.subi %sub3A, %rem3A_77 : i32
        %dma_wait3A_112 = arith.constant 0 : i32
        %dma_wait3A_113 = arith.constant 0 : i32
        %dma_wait3A_114 = tpu.memref_slice %arg6[%sub3A_111, %dma_wait3A_112, %dma_wait3A_113] : memref<2x8x128xi32, #tpu.memory_space<vmem>> -> memref<1x8x128xi32, #tpu.memory_space<vmem>>
        %dma_wait3A_115 = tpu.memref_squeeze %dma_wait3A_114 : memref<1x8x128xi32, #tpu.memory_space<vmem>> -> memref<8x128xi32, #tpu.memory_space<vmem>>
        %dma_wait3A_116 = arith.constant 0 : i32
        %dma_wait3A_117 = arith.constant 0 : i32
        %dma_wait3A_118 = tpu.memref_slice %arg3[%add3A_76, %dma_wait3A_116, %dma_wait3A_117] : memref<1024x8x128xi32, #tpu.memory_space<hbm>> -> memref<1x8x128xi32, #tpu.memory_space<hbm>>
        %dma_wait3A_119 = tpu.memref_squeeze %dma_wait3A_118 : memref<1x8x128xi32, #tpu.memory_space<hbm>> -> memref<8x128xi32, #tpu.memory_space<hbm>>
        %dma_wait3A_120 = arith.constant 0 : i32
        %dma_wait3A_121 = arith.constant 0 : i32
        %dma_wait3A_122 = tpu.memref_slice %arg6[%sub3A_111, %dma_wait3A_120, %dma_wait3A_121] : memref<2x8x128xi32, #tpu.memory_space<vmem>> -> memref<1x8x128xi32, #tpu.memory_space<vmem>>
        %dma_wait3A_123 = tpu.memref_squeeze %dma_wait3A_122 : memref<1x8x128xi32, #tpu.memory_space<vmem>> -> memref<8x128xi32, #tpu.memory_space<vmem>>
        %dma_wait3A_124 = arith.constant 0 : i32
        %dma_wait3A_125 = arith.constant 0 : i32
        %dma_wait3A_126 = tpu.memref_slice %arg3[%add3A_76, %dma_wait3A_124, %dma_wait3A_125] : memref<1024x8x128xi32, #tpu.memory_space<hbm>> -> memref<1x8x128xi32, #tpu.memory_space<hbm>>
        %dma_wait3A_127 = tpu.memref_squeeze %dma_wait3A_126 : memref<1x8x128xi32, #tpu.memory_space<hbm>> -> memref<8x128xi32, #tpu.memory_space<hbm>>
        tpu.wait_dma2 semaphore(%arg9 : memref<!tpu.dma_semaphore, #tpu.memory_space<semaphore_mem>>) src(%dma_wait3A_127 : memref<8x128xi32, #tpu.memory_space<hbm>>) dst(%dma_wait3A_123 : memref<8x128xi32, #tpu.memory_space<vmem>>)
      } else {
      }
    }
    %scan3A_40 = arith.constant 32 : i32
    %dma_wait3A_41 = arith.constant 0 : i32
    %dma_wait3A_42 = arith.constant 0 : i32
    %dma_wait3A_43 = arith.constant 0 : i32
    %dma_wait3A_44 = tpu.memref_slice %arg7[%dma_wait3A_41, %dma_wait3A_42, %dma_wait3A_43] : memref<2x128x128xf32, #tpu.memory_space<vmem>> -> memref<1x128x128xf32, #tpu.memory_space<vmem>>
    %dma_wait3A_45 = tpu.memref_squeeze %dma_wait3A_44 : memref<1x128x128xf32, #tpu.memory_space<vmem>> -> memref<128x128xf32, #tpu.memory_space<vmem>>
    %dma_wait3A_46 = arith.constant 0 : i32
    %dma_wait3A_47 = arith.constant 0 : i32
    %dma_wait3A_48 = tpu.memref_slice %arg4[%mul3A_2, %dma_wait3A_46, %dma_wait3A_47] : memref<1024x128x128xf32, #tpu.memory_space<hbm>> -> memref<1x128x128xf32, #tpu.memory_space<hbm>>
    %dma_wait3A_49 = tpu.memref_squeeze %dma_wait3A_48 : memref<1x128x128xf32, #tpu.memory_space<hbm>> -> memref<128x128xf32, #tpu.memory_space<hbm>>
    %dma_wait3A_50 = arith.constant 0 : i32
    %dma_wait3A_51 = arith.constant 0 : i32
    %dma_wait3A_52 = tpu.memref_slice %arg4[%mul3A_2, %dma_wait3A_50, %dma_wait3A_51] : memref<1024x128x128xf32, #tpu.memory_space<hbm>> -> memref<1x128x128xf32, #tpu.memory_space<hbm>>
    %dma_wait3A_53 = tpu.memref_squeeze %dma_wait3A_52 : memref<1x128x128xf32, #tpu.memory_space<hbm>> -> memref<128x128xf32, #tpu.memory_space<hbm>>
    %dma_wait3A_54 = arith.constant 0 : i32
    %dma_wait3A_55 = arith.constant 0 : i32
    %dma_wait3A_56 = tpu.memref_slice %arg7[%dma_wait3A_41, %dma_wait3A_54, %dma_wait3A_55] : memref<2x128x128xf32, #tpu.memory_space<vmem>> -> memref<1x128x128xf32, #tpu.memory_space<vmem>>
    %dma_wait3A_57 = tpu.memref_squeeze %dma_wait3A_56 : memref<1x128x128xf32, #tpu.memory_space<vmem>> -> memref<128x128xf32, #tpu.memory_space<vmem>>
    tpu.wait_dma2 semaphore(%arg8 : memref<!tpu.dma_semaphore, #tpu.memory_space<semaphore_mem>>) src(%dma_wait3A_57 : memref<128x128xf32, #tpu.memory_space<vmem>>) dst(%dma_wait3A_53 : memref<128x128xf32, #tpu.memory_space<hbm>>)
    %dma_wait3A_58 = arith.constant 0 : i32
    %dma_wait3A_59 = arith.constant 0 : i32
    %dma_wait3A_60 = arith.constant 0 : i32
    %dma_wait3A_61 = tpu.memref_slice %arg7[%dma_wait3A_58, %dma_wait3A_59, %dma_wait3A_60] : memref<2x128x128xf32, #tpu.memory_space<vmem>> -> memref<1x128x128xf32, #tpu.memory_space<vmem>>
    %dma_wait3A_62 = tpu.memref_squeeze %dma_wait3A_61 : memref<1x128x128xf32, #tpu.memory_space<vmem>> -> memref<128x128xf32, #tpu.memory_space<vmem>>
    %dma_wait3A_63 = arith.constant 0 : i32
    %dma_wait3A_64 = arith.constant 0 : i32
    %dma_wait3A_65 = tpu.memref_slice %arg4[%mul3A_2, %dma_wait3A_63, %dma_wait3A_64] : memref<1024x128x128xf32, #tpu.memory_space<hbm>> -> memref<1x128x128xf32, #tpu.memory_space<hbm>>
    %dma_wait3A_66 = tpu.memref_squeeze %dma_wait3A_65 : memref<1x128x128xf32, #tpu.memory_space<hbm>> -> memref<128x128xf32, #tpu.memory_space<hbm>>
    %dma_wait3A_67 = arith.constant 0 : i32
    %dma_wait3A_68 = arith.constant 0 : i32
    %dma_wait3A_69 = tpu.memref_slice %arg4[%mul3A_2, %dma_wait3A_67, %dma_wait3A_68] : memref<1024x128x128xf32, #tpu.memory_space<hbm>> -> memref<1x128x128xf32, #tpu.memory_space<hbm>>
    %dma_wait3A_70 = tpu.memref_squeeze %dma_wait3A_69 : memref<1x128x128xf32, #tpu.memory_space<hbm>> -> memref<128x128xf32, #tpu.memory_space<hbm>>
    %dma_wait3A_71 = arith.constant 0 : i32
    %dma_wait3A_72 = arith.constant 0 : i32
    %dma_wait3A_73 = tpu.memref_slice %arg7[%dma_wait3A_58, %dma_wait3A_71, %dma_wait3A_72] : memref<2x128x128xf32, #tpu.memory_space<vmem>> -> memref<1x128x128xf32, #tpu.memory_space<vmem>>
    %dma_wait3A_74 = tpu.memref_squeeze %dma_wait3A_73 : memref<1x128x128xf32, #tpu.memory_space<vmem>> -> memref<128x128xf32, #tpu.memory_space<vmem>>
    tpu.wait_dma2 semaphore(%arg8 : memref<!tpu.dma_semaphore, #tpu.memory_space<semaphore_mem>>) src(%dma_wait3A_74 : memref<128x128xf32, #tpu.memory_space<vmem>>) dst(%dma_wait3A_70 : memref<128x128xf32, #tpu.memory_space<hbm>>)
    return
  }
}

#map = affine_map<(d0, d1) -> (0, 0)>
#map1 = affine_map<(d0, d1) -> (0, 0, 0)>
module attributes {stable_mosaic.version = 14 : i64} {
  func.func @_sc_gather_body(%arg0: i32, %arg1: i32, %arg2: memref<128x128xf32, #tpu.memory_space<hbm>>, %arg3: memref<1024x8x128xi32, #tpu.memory_space<hbm>>, %arg4: memref<1024x128x128xf32, #tpu.memory_space<hbm>>, %arg5: memref<128x128xf32, #tpu.memory_space<vmem>>, %arg6: memref<2x8x128xi32, #tpu.memory_space<vmem>>, %arg7: memref<2x128x128xf32, #tpu.memory_space<vmem>>, %arg8: memref<!tpu.dma_semaphore, #tpu.memory_space<semaphore_mem>>, %arg9: memref<!tpu.dma_semaphore, #tpu.memory_space<semaphore_mem>>) attributes {dimension_semantics = [#tpu.dimension_semantics<core_parallel>, #tpu.dimension_semantics<subcore_parallel>], iteration_bounds = array<i64: 2, 16>, scalar_prefetch = 0 : i64, scratch_operands = 5 : i64, tpu.core_type = #tpu.core_type<sc_vector_subcore>, window_params = [{transform_indices = #map}, {transform_indices = #map1}, {transform_indices = #map1}]} {
    %mul3A = arith.constant 2 : i32
    %mul3A_0 = arith.muli %arg1, %mul3A : i32
    %add3A = arith.addi %mul3A_0, %arg0 : i32
    %mul3A_1 = arith.constant 32 : i32
    %mul3A_2 = arith.muli %add3A, %mul3A_1 : i32
    "tpu.region"() ({
      %run_scoped3A = tpu.sem_alloc : memref<!tpu.dma_semaphore, #tpu.memory_space<semaphore_mem>>
      tpu.enqueue_dma source(%arg2 : memref<128x128xf32, #tpu.memory_space<hbm>>) target(%arg5 : memref<128x128xf32, #tpu.memory_space<vmem>>) target_semaphore(%run_scoped3A : memref<!tpu.dma_semaphore, #tpu.memory_space<semaphore_mem>>)
      tpu.wait_dma2 semaphore(%run_scoped3A : memref<!tpu.dma_semaphore, #tpu.memory_space<semaphore_mem>>) src(%arg2 : memref<128x128xf32, #tpu.memory_space<hbm>>) dst(%arg5 : memref<128x128xf32, #tpu.memory_space<vmem>>)
      tpu.yield
    }) : () -> ()
    %iota3A = tpu.iota {dimensions = array<i32: 0>} : vector<16xi32>
    %broadcast_in_dim3A = arith.constant 127 : i32
    %broadcast_in_dim3A_3 = vector.broadcast %broadcast_in_dim3A : i32 to vector<16xi32>
    %dma_start3A = arith.constant 0 : i32
    %dma_start3A_4 = arith.constant 0 : i32
    %dma_start3A_5 = arith.constant 0 : i32
    %dma_start3A_6 = tpu.memref_slice %arg6[%dma_start3A, %dma_start3A_4, %dma_start3A_5] : memref<2x8x128xi32, #tpu.memory_space<vmem>> -> memref<1x8x128xi32, #tpu.memory_space<vmem>>
    %dma_start3A_7 = tpu.memref_squeeze %dma_start3A_6 : memref<1x8x128xi32, #tpu.memory_space<vmem>> -> memref<8x128xi32, #tpu.memory_space<vmem>>
    %dma_start3A_8 = arith.constant 0 : i32
    %dma_start3A_9 = arith.constant 0 : i32
    %dma_start3A_10 = tpu.memref_slice %arg3[%mul3A_2, %dma_start3A_8, %dma_start3A_9] : memref<1024x8x128xi32, #tpu.memory_space<hbm>> -> memref<1x8x128xi32, #tpu.memory_space<hbm>>
    %dma_start3A_11 = tpu.memref_squeeze %dma_start3A_10 : memref<1x8x128xi32, #tpu.memory_space<hbm>> -> memref<8x128xi32, #tpu.memory_space<hbm>>
    %dma_start3A_12 = arith.constant 0 : i32
    %dma_start3A_13 = arith.constant 0 : i32
    %dma_start3A_14 = tpu.memref_slice %arg6[%dma_start3A, %dma_start3A_12, %dma_start3A_13] : memref<2x8x128xi32, #tpu.memory_space<vmem>> -> memref<1x8x128xi32, #tpu.memory_space<vmem>>
    %dma_start3A_15 = tpu.memref_squeeze %dma_start3A_14 : memref<1x8x128xi32, #tpu.memory_space<vmem>> -> memref<8x128xi32, #tpu.memory_space<vmem>>
    %dma_start3A_16 = arith.constant 0 : i32
    %dma_start3A_17 = arith.constant 0 : i32
    %dma_start3A_18 = tpu.memref_slice %arg3[%mul3A_2, %dma_start3A_16, %dma_start3A_17] : memref<1024x8x128xi32, #tpu.memory_space<hbm>> -> memref<1x8x128xi32, #tpu.memory_space<hbm>>
    %dma_start3A_19 = tpu.memref_squeeze %dma_start3A_18 : memref<1x8x128xi32, #tpu.memory_space<hbm>> -> memref<8x128xi32, #tpu.memory_space<hbm>>
    tpu.enqueue_dma source(%dma_start3A_19 : memref<8x128xi32, #tpu.memory_space<hbm>>) target(%dma_start3A_15 : memref<8x128xi32, #tpu.memory_space<vmem>>) target_semaphore(%arg9 : memref<!tpu.dma_semaphore, #tpu.memory_space<semaphore_mem>>)
    %dma_wait3A = arith.constant 0 : i32
    %dma_wait3A_20 = arith.constant 0 : i32
    %dma_wait3A_21 = arith.constant 0 : i32
    %dma_wait3A_22 = tpu.memref_slice %arg6[%dma_wait3A, %dma_wait3A_20, %dma_wait3A_21] : memref<2x8x128xi32, #tpu.memory_space<vmem>> -> memref<1x8x128xi32, #tpu.memory_space<vmem>>
    %dma_wait3A_23 = tpu.memref_squeeze %dma_wait3A_22 : memref<1x8x128xi32, #tpu.memory_space<vmem>> -> memref<8x128xi32, #tpu.memory_space<vmem>>
    %dma_wait3A_24 = arith.constant 0 : i32
    %dma_wait3A_25 = arith.constant 0 : i32
    %dma_wait3A_26 = tpu.memref_slice %arg3[%mul3A_2, %dma_wait3A_24, %dma_wait3A_25] : memref<1024x8x128xi32, #tpu.memory_space<hbm>> -> memref<1x8x128xi32, #tpu.memory_space<hbm>>
    %dma_wait3A_27 = tpu.memref_squeeze %dma_wait3A_26 : memref<1x8x128xi32, #tpu.memory_space<hbm>> -> memref<8x128xi32, #tpu.memory_space<hbm>>
    %dma_wait3A_28 = arith.constant 0 : i32
    %dma_wait3A_29 = arith.constant 0 : i32
    %dma_wait3A_30 = tpu.memref_slice %arg6[%dma_wait3A, %dma_wait3A_28, %dma_wait3A_29] : memref<2x8x128xi32, #tpu.memory_space<vmem>> -> memref<1x8x128xi32, #tpu.memory_space<vmem>>
    %dma_wait3A_31 = tpu.memref_squeeze %dma_wait3A_30 : memref<1x8x128xi32, #tpu.memory_space<vmem>> -> memref<8x128xi32, #tpu.memory_space<vmem>>
    %dma_wait3A_32 = arith.constant 0 : i32
    %dma_wait3A_33 = arith.constant 0 : i32
    %dma_wait3A_34 = tpu.memref_slice %arg3[%mul3A_2, %dma_wait3A_32, %dma_wait3A_33] : memref<1024x8x128xi32, #tpu.memory_space<hbm>> -> memref<1x8x128xi32, #tpu.memory_space<hbm>>
    %dma_wait3A_35 = tpu.memref_squeeze %dma_wait3A_34 : memref<1x8x128xi32, #tpu.memory_space<hbm>> -> memref<8x128xi32, #tpu.memory_space<hbm>>
    tpu.wait_dma2 semaphore(%arg9 : memref<!tpu.dma_semaphore, #tpu.memory_space<semaphore_mem>>) src(%dma_wait3A_35 : memref<8x128xi32, #tpu.memory_space<hbm>>) dst(%dma_wait3A_31 : memref<8x128xi32, #tpu.memory_space<vmem>>)
    %scan3A = arith.constant 0 : i32
    %scan3A_36 = arith.constant 0 : i32
    %scan3A_37 = arith.constant 32 : i32
    %scan3A_38 = arith.addi %scan3A_36, %scan3A_37 : i32
    %scan3A_39 = arith.constant 1 : i32
    scf.for %scan3A_75 = %scan3A_36 to %scan3A_38 step %scan3A_39  : i32 {
      %add3A_76 = arith.addi %mul3A_2, %scan3A_75 : i32
      %rem3A = arith.constant 2 : i32
      %rem3A_77 = arith.remsi %scan3A_75, %rem3A : i32
      %add3A_78 = arith.constant 1 : i32
      %add3A_79 = arith.addi %scan3A_75, %add3A_78 : i32
      %lt3A = arith.constant 32 : i32
      %lt3A_80 = arith.cmpi slt, %add3A_79, %lt3A : i32
      %convert_element_type3A = arith.extui %lt3A_80 : i1 to i32
      %cond3A = arith.constant 0 : i32
      %cond3A_81 = arith.cmpi ne, %convert_element_type3A, %cond3A : i32
      scf.if %cond3A_81 {
        %add3A_111 = arith.constant 1 : i32
        %add3A_112 = arith.addi %add3A_76, %add3A_111 : i32
        %sub3A = arith.constant 1 : i32
        %sub3A_113 = arith.subi %sub3A, %rem3A_77 : i32
        %dma_start3A_114 = arith.constant 0 : i32
        %dma_start3A_115 = arith.constant 0 : i32
        %dma_start3A_116 = tpu.memref_slice %arg6[%sub3A_113, %dma_start3A_114, %dma_start3A_115] : memref<2x8x128xi32, #tpu.memory_space<vmem>> -> memref<1x8x128xi32, #tpu.memory_space<vmem>>
        %dma_start3A_117 = tpu.memref_squeeze %dma_start3A_116 : memref<1x8x128xi32, #tpu.memory_space<vmem>> -> memref<8x128xi32, #tpu.memory_space<vmem>>
        %dma_start3A_118 = arith.constant 0 : i32
        %dma_start3A_119 = arith.constant 0 : i32
        %dma_start3A_120 = tpu.memref_slice %arg3[%add3A_112, %dma_start3A_118, %dma_start3A_119] : memref<1024x8x128xi32, #tpu.memory_space<hbm>> -> memref<1x8x128xi32, #tpu.memory_space<hbm>>
        %dma_start3A_121 = tpu.memref_squeeze %dma_start3A_120 : memref<1x8x128xi32, #tpu.memory_space<hbm>> -> memref<8x128xi32, #tpu.memory_space<hbm>>
        %dma_start3A_122 = arith.constant 0 : i32
        %dma_start3A_123 = arith.constant 0 : i32
        %dma_start3A_124 = tpu.memref_slice %arg6[%sub3A_113, %dma_start3A_122, %dma_start3A_123] : memref<2x8x128xi32, #tpu.memory_space<vmem>> -> memref<1x8x128xi32, #tpu.memory_space<vmem>>
        %dma_start3A_125 = tpu.memref_squeeze %dma_start3A_124 : memref<1x8x128xi32, #tpu.memory_space<vmem>> -> memref<8x128xi32, #tpu.memory_space<vmem>>
        %dma_start3A_126 = arith.constant 0 : i32
        %dma_start3A_127 = arith.constant 0 : i32
        %dma_start3A_128 = tpu.memref_slice %arg3[%add3A_112, %dma_start3A_126, %dma_start3A_127] : memref<1024x8x128xi32, #tpu.memory_space<hbm>> -> memref<1x8x128xi32, #tpu.memory_space<hbm>>
        %dma_start3A_129 = tpu.memref_squeeze %dma_start3A_128 : memref<1x8x128xi32, #tpu.memory_space<hbm>> -> memref<8x128xi32, #tpu.memory_space<hbm>>
        tpu.enqueue_dma source(%dma_start3A_129 : memref<8x128xi32, #tpu.memory_space<hbm>>) target(%dma_start3A_125 : memref<8x128xi32, #tpu.memory_space<vmem>>) target_semaphore(%arg9 : memref<!tpu.dma_semaphore, #tpu.memory_space<semaphore_mem>>)
      } else {
      }
      %ge3A = arith.constant 2 : i32
      %ge3A_82 = arith.cmpi sge, %scan3A_75, %ge3A : i32
      %convert_element_type3A_83 = arith.extui %ge3A_82 : i1 to i32
      %cond3A_84 = arith.constant 0 : i32
      %cond3A_85 = arith.cmpi ne, %convert_element_type3A_83, %cond3A_84 : i32
      scf.if %cond3A_85 {
        %dma_wait3A_111 = arith.constant 0 : i32
        %dma_wait3A_112 = arith.constant 0 : i32
        %dma_wait3A_113 = tpu.memref_slice %arg7[%rem3A_77, %dma_wait3A_111, %dma_wait3A_112] : memref<2x128x128xf32, #tpu.memory_space<vmem>> -> memref<1x128x128xf32, #tpu.memory_space<vmem>>
        %dma_wait3A_114 = tpu.memref_squeeze %dma_wait3A_113 : memref<1x128x128xf32, #tpu.memory_space<vmem>> -> memref<128x128xf32, #tpu.memory_space<vmem>>
        %dma_wait3A_115 = arith.constant 0 : i32
        %dma_wait3A_116 = arith.constant 0 : i32
        %dma_wait3A_117 = tpu.memref_slice %arg4[%mul3A_2, %dma_wait3A_115, %dma_wait3A_116] : memref<1024x128x128xf32, #tpu.memory_space<hbm>> -> memref<1x128x128xf32, #tpu.memory_space<hbm>>
        %dma_wait3A_118 = tpu.memref_squeeze %dma_wait3A_117 : memref<1x128x128xf32, #tpu.memory_space<hbm>> -> memref<128x128xf32, #tpu.memory_space<hbm>>
        %dma_wait3A_119 = arith.constant 0 : i32
        %dma_wait3A_120 = arith.constant 0 : i32
        %dma_wait3A_121 = tpu.memref_slice %arg4[%mul3A_2, %dma_wait3A_119, %dma_wait3A_120] : memref<1024x128x128xf32, #tpu.memory_space<hbm>> -> memref<1x128x128xf32, #tpu.memory_space<hbm>>
        %dma_wait3A_122 = tpu.memref_squeeze %dma_wait3A_121 : memref<1x128x128xf32, #tpu.memory_space<hbm>> -> memref<128x128xf32, #tpu.memory_space<hbm>>
        %dma_wait3A_123 = arith.constant 0 : i32
        %dma_wait3A_124 = arith.constant 0 : i32
        %dma_wait3A_125 = tpu.memref_slice %arg7[%rem3A_77, %dma_wait3A_123, %dma_wait3A_124] : memref<2x128x128xf32, #tpu.memory_space<vmem>> -> memref<1x128x128xf32, #tpu.memory_space<vmem>>
        %dma_wait3A_126 = tpu.memref_squeeze %dma_wait3A_125 : memref<1x128x128xf32, #tpu.memory_space<vmem>> -> memref<128x128xf32, #tpu.memory_space<vmem>>
        tpu.wait_dma2 semaphore(%arg8 : memref<!tpu.dma_semaphore, #tpu.memory_space<semaphore_mem>>) src(%dma_wait3A_126 : memref<128x128xf32, #tpu.memory_space<vmem>>) dst(%dma_wait3A_122 : memref<128x128xf32, #tpu.memory_space<hbm>>)
      } else {
      }
      %parallel_loop3A = arith.constant 0 : i32
      %parallel_loop3A_86 = arith.constant 128 : i32
      %parallel_loop3A_87 = arith.constant 1 : i32
      scf.for %parallel_loop3A_111 = %parallel_loop3A to %parallel_loop3A_86 step %parallel_loop3A_87  : i32 {
        %parallel_loop3A_112 = arith.constant 8 : i32
        %parallel_loop3A_113 = arith.muli %parallel_loop3A_111, %parallel_loop3A_112 : i32
        %parallel_loop3A_114 = arith.constant 7 : i32
        %parallel_loop3A_115 = arith.shrsi %parallel_loop3A_113, %parallel_loop3A_114 : i32
        %parallel_loop3A_116 = vector.broadcast %parallel_loop3A_115 : i32 to vector<16xi32>
        %parallel_loop3A_117 = arith.constant 127 : i32
        %parallel_loop3A_118 = arith.andi %parallel_loop3A_113, %parallel_loop3A_117 : i32
        %parallel_loop3A_119 = vector.broadcast %parallel_loop3A_118 : i32 to vector<16xi32>
        %parallel_loop3A_120 = arith.constant 0 : i32
        %parallel_loop3A_121 = vector.broadcast %parallel_loop3A_120 : i32 to vector<16xi32>
        %parallel_loop3A_122 = arith.addi %parallel_loop3A_119, %parallel_loop3A_121 : vector<16xi32>
        %parallel_loop3A_123 = arith.constant 0 : i32
        %parallel_loop3A_124 = arith.constant 0 : i32
        %parallel_loop3A_125 = tpu.memref_slice %arg6[%rem3A_77, %parallel_loop3A_123, %parallel_loop3A_124] : memref<2x8x128xi32, #tpu.memory_space<vmem>> -> memref<1x8x128xi32, #tpu.memory_space<vmem>>
        %parallel_loop3A_126 = tpu.memref_squeeze %parallel_loop3A_125 : memref<1x8x128xi32, #tpu.memory_space<vmem>> -> memref<8x128xi32, #tpu.memory_space<vmem>>
        %parallel_loop3A_127 = tpu.vector_load_idx %parallel_loop3A_126[%parallel_loop3A_116, %parallel_loop3A_122] : memref<8x128xi32, #tpu.memory_space<vmem>>[vector<16xi32>, vector<16xi32>], vector<16xi32>,
        %parallel_loop3A_128 = arith.constant 3 : i32
        %parallel_loop3A_129 = vector.broadcast %parallel_loop3A_128 : i32 to vector<16xi32>
        %parallel_loop3A_130 = arith.shrsi %parallel_loop3A_127, %parallel_loop3A_129 : vector<16xi32>
        %parallel_loop3A_131 = arith.constant 4 : i32
        %parallel_loop3A_132 = vector.broadcast %parallel_loop3A_131 : i32 to vector<16xi32>
        %parallel_loop3A_133 = arith.shli %parallel_loop3A_127, %parallel_loop3A_132 : vector<16xi32>
        %parallel_loop3A_134 = arith.andi %parallel_loop3A_133, %broadcast_in_dim3A_3 : vector<16xi32>
        %parallel_loop3A_135 = arith.addi %parallel_loop3A_134, %iota3A : vector<16xi32>
        %parallel_loop3A_136 = tpu.vector_load_idx %arg5[%parallel_loop3A_130, %parallel_loop3A_135] : memref<128x128xf32, #tpu.memory_space<vmem>>[vector<16xi32>, vector<16xi32>], vector<16xf32>,
        %parallel_loop3A_137 = arith.index_cast %rem3A_77 : i32 to index
        %parallel_loop3A_138 = arith.index_cast %parallel_loop3A_111 : i32 to index
        %parallel_loop3A_139 = arith.constant 0 : index
        %parallel_loop3A_140 = tpu.vector_load %arg7[%parallel_loop3A_137, %parallel_loop3A_138, %parallel_loop3A_139] {strides = array<i32>} : memref<2x128x128xf32, #tpu.memory_space<vmem>>, vector<16xf32>,
        tpu.vector_store %arg7[%parallel_loop3A_137, %parallel_loop3A_138, %parallel_loop3A_139], %parallel_loop3A_136 {strides = array<i32>} : memref<2x128x128xf32, #tpu.memory_space<vmem>>, vector<16xf32>,
        %parallel_loop3A_141 = arith.constant 1 : i32
        %parallel_loop3A_142 = vector.broadcast %parallel_loop3A_141 : i32 to vector<16xi32>
        %parallel_loop3A_143 = arith.addi %parallel_loop3A_119, %parallel_loop3A_142 : vector<16xi32>
        %parallel_loop3A_144 = arith.constant 0 : i32
        %parallel_loop3A_145 = arith.constant 0 : i32
        %parallel_loop3A_146 = tpu.memref_slice %arg6[%rem3A_77, %parallel_loop3A_144, %parallel_loop3A_145] : memref<2x8x128xi32, #tpu.memory_space<vmem>> -> memref<1x8x128xi32, #tpu.memory_space<vmem>>
        %parallel_loop3A_147 = tpu.memref_squeeze %parallel_loop3A_146 : memref<1x8x128xi32, #tpu.memory_space<vmem>> -> memref<8x128xi32, #tpu.memory_space<vmem>>
        %parallel_loop3A_148 = tpu.vector_load_idx %parallel_loop3A_147[%parallel_loop3A_116, %parallel_loop3A_143] : memref<8x128xi32, #tpu.memory_space<vmem>>[vector<16xi32>, vector<16xi32>], vector<16xi32>,
        %parallel_loop3A_149 = arith.constant 3 : i32
        %parallel_loop3A_150 = vector.broadcast %parallel_loop3A_149 : i32 to vector<16xi32>
        %parallel_loop3A_151 = arith.shrsi %parallel_loop3A_148, %parallel_loop3A_150 : vector<16xi32>
        %parallel_loop3A_152 = arith.constant 4 : i32
        %parallel_loop3A_153 = vector.broadcast %parallel_loop3A_152 : i32 to vector<16xi32>
        %parallel_loop3A_154 = arith.shli %parallel_loop3A_148, %parallel_loop3A_153 : vector<16xi32>
        %parallel_loop3A_155 = arith.andi %parallel_loop3A_154, %broadcast_in_dim3A_3 : vector<16xi32>
        %parallel_loop3A_156 = arith.addi %parallel_loop3A_155, %iota3A : vector<16xi32>
        %parallel_loop3A_157 = tpu.vector_load_idx %arg5[%parallel_loop3A_151, %parallel_loop3A_156] : memref<128x128xf32, #tpu.memory_space<vmem>>[vector<16xi32>, vector<16xi32>], vector<16xf32>,
        %parallel_loop3A_158 = arith.index_cast %rem3A_77 : i32 to index
        %parallel_loop3A_159 = arith.index_cast %parallel_loop3A_111 : i32 to index
        %parallel_loop3A_160 = arith.constant 16 : index
        %parallel_loop3A_161 = tpu.vector_load %arg7[%parallel_loop3A_158, %parallel_loop3A_159, %parallel_loop3A_160] {strides = array<i32>} : memref<2x128x128xf32, #tpu.memory_space<vmem>>, vector<16xf32>,
        tpu.vector_store %arg7[%parallel_loop3A_158, %parallel_loop3A_159, %parallel_loop3A_160], %parallel_loop3A_157 {strides = array<i32>} : memref<2x128x128xf32, #tpu.memory_space<vmem>>, vector<16xf32>,
        %parallel_loop3A_162 = arith.constant 2 : i32
        %parallel_loop3A_163 = vector.broadcast %parallel_loop3A_162 : i32 to vector<16xi32>
        %parallel_loop3A_164 = arith.addi %parallel_loop3A_119, %parallel_loop3A_163 : vector<16xi32>
        %parallel_loop3A_165 = arith.constant 0 : i32
        %parallel_loop3A_166 = arith.constant 0 : i32
        %parallel_loop3A_167 = tpu.memref_slice %arg6[%rem3A_77, %parallel_loop3A_165, %parallel_loop3A_166] : memref<2x8x128xi32, #tpu.memory_space<vmem>> -> memref<1x8x128xi32, #tpu.memory_space<vmem>>
        %parallel_loop3A_168 = tpu.memref_squeeze %parallel_loop3A_167 : memref<1x8x128xi32, #tpu.memory_space<vmem>> -> memref<8x128xi32, #tpu.memory_space<vmem>>
        %parallel_loop3A_169 = tpu.vector_load_idx %parallel_loop3A_168[%parallel_loop3A_116, %parallel_loop3A_164] : memref<8x128xi32, #tpu.memory_space<vmem>>[vector<16xi32>, vector<16xi32>], vector<16xi32>,
        %parallel_loop3A_170 = arith.constant 3 : i32
        %parallel_loop3A_171 = vector.broadcast %parallel_loop3A_170 : i32 to vector<16xi32>
        %parallel_loop3A_172 = arith.shrsi %parallel_loop3A_169, %parallel_loop3A_171 : vector<16xi32>
        %parallel_loop3A_173 = arith.constant 4 : i32
        %parallel_loop3A_174 = vector.broadcast %parallel_loop3A_173 : i32 to vector<16xi32>
        %parallel_loop3A_175 = arith.shli %parallel_loop3A_169, %parallel_loop3A_174 : vector<16xi32>
        %parallel_loop3A_176 = arith.andi %parallel_loop3A_175, %broadcast_in_dim3A_3 : vector<16xi32>
        %parallel_loop3A_177 = arith.addi %parallel_loop3A_176, %iota3A : vector<16xi32>
        %parallel_loop3A_178 = tpu.vector_load_idx %arg5[%parallel_loop3A_172, %parallel_loop3A_177] : memref<128x128xf32, #tpu.memory_space<vmem>>[vector<16xi32>, vector<16xi32>], vector<16xf32>,
        %parallel_loop3A_179 = arith.index_cast %rem3A_77 : i32 to index
        %parallel_loop3A_180 = arith.index_cast %parallel_loop3A_111 : i32 to index
        %parallel_loop3A_181 = arith.constant 32 : index
        %parallel_loop3A_182 = tpu.vector_load %arg7[%parallel_loop3A_179, %parallel_loop3A_180, %parallel_loop3A_181] {strides = array<i32>} : memref<2x128x128xf32, #tpu.memory_space<vmem>>, vector<16xf32>,
        tpu.vector_store %arg7[%parallel_loop3A_179, %parallel_loop3A_180, %parallel_loop3A_181], %parallel_loop3A_178 {strides = array<i32>} : memref<2x128x128xf32, #tpu.memory_space<vmem>>, vector<16xf32>,
        %parallel_loop3A_183 = arith.constant 3 : i32
        %parallel_loop3A_184 = vector.broadcast %parallel_loop3A_183 : i32 to vector<16xi32>
        %parallel_loop3A_185 = arith.addi %parallel_loop3A_119, %parallel_loop3A_184 : vector<16xi32>
        %parallel_loop3A_186 = arith.constant 0 : i32
        %parallel_loop3A_187 = arith.constant 0 : i32
        %parallel_loop3A_188 = tpu.memref_slice %arg6[%rem3A_77, %parallel_loop3A_186, %parallel_loop3A_187] : memref<2x8x128xi32, #tpu.memory_space<vmem>> -> memref<1x8x128xi32, #tpu.memory_space<vmem>>
        %parallel_loop3A_189 = tpu.memref_squeeze %parallel_loop3A_188 : memref<1x8x128xi32, #tpu.memory_space<vmem>> -> memref<8x128xi32, #tpu.memory_space<vmem>>
        %parallel_loop3A_190 = tpu.vector_load_idx %parallel_loop3A_189[%parallel_loop3A_116, %parallel_loop3A_185] : memref<8x128xi32, #tpu.memory_space<vmem>>[vector<16xi32>, vector<16xi32>], vector<16xi32>,
        %parallel_loop3A_191 = arith.constant 3 : i32
        %parallel_loop3A_192 = vector.broadcast %parallel_loop3A_191 : i32 to vector<16xi32>
        %parallel_loop3A_193 = arith.shrsi %parallel_loop3A_190, %parallel_loop3A_192 : vector<16xi32>
        %parallel_loop3A_194 = arith.constant 4 : i32
        %parallel_loop3A_195 = vector.broadcast %parallel_loop3A_194 : i32 to vector<16xi32>
        %parallel_loop3A_196 = arith.shli %parallel_loop3A_190, %parallel_loop3A_195 : vector<16xi32>
        %parallel_loop3A_197 = arith.andi %parallel_loop3A_196, %broadcast_in_dim3A_3 : vector<16xi32>
        %parallel_loop3A_198 = arith.addi %parallel_loop3A_197, %iota3A : vector<16xi32>
        %parallel_loop3A_199 = tpu.vector_load_idx %arg5[%parallel_loop3A_193, %parallel_loop3A_198] : memref<128x128xf32, #tpu.memory_space<vmem>>[vector<16xi32>, vector<16xi32>], vector<16xf32>,
        %parallel_loop3A_200 = arith.index_cast %rem3A_77 : i32 to index
        %parallel_loop3A_201 = arith.index_cast %parallel_loop3A_111 : i32 to index
        %parallel_loop3A_202 = arith.constant 48 : index
        %parallel_loop3A_203 = tpu.vector_load %arg7[%parallel_loop3A_200, %parallel_loop3A_201, %parallel_loop3A_202] {strides = array<i32>} : memref<2x128x128xf32, #tpu.memory_space<vmem>>, vector<16xf32>,
        tpu.vector_store %arg7[%parallel_loop3A_200, %parallel_loop3A_201, %parallel_loop3A_202], %parallel_loop3A_199 {strides = array<i32>} : memref<2x128x128xf32, #tpu.memory_space<vmem>>, vector<16xf32>,
        %parallel_loop3A_204 = arith.constant 4 : i32
        %parallel_loop3A_205 = vector.broadcast %parallel_loop3A_204 : i32 to vector<16xi32>
        %parallel_loop3A_206 = arith.addi %parallel_loop3A_119, %parallel_loop3A_205 : vector<16xi32>
        %parallel_loop3A_207 = arith.constant 0 : i32
        %parallel_loop3A_208 = arith.constant 0 : i32
        %parallel_loop3A_209 = tpu.memref_slice %arg6[%rem3A_77, %parallel_loop3A_207, %parallel_loop3A_208] : memref<2x8x128xi32, #tpu.memory_space<vmem>> -> memref<1x8x128xi32, #tpu.memory_space<vmem>>
        %parallel_loop3A_210 = tpu.memref_squeeze %parallel_loop3A_209 : memref<1x8x128xi32, #tpu.memory_space<vmem>> -> memref<8x128xi32, #tpu.memory_space<vmem>>
        %parallel_loop3A_211 = tpu.vector_load_idx %parallel_loop3A_210[%parallel_loop3A_116, %parallel_loop3A_206] : memref<8x128xi32, #tpu.memory_space<vmem>>[vector<16xi32>, vector<16xi32>], vector<16xi32>,
        %parallel_loop3A_212 = arith.constant 3 : i32
        %parallel_loop3A_213 = vector.broadcast %parallel_loop3A_212 : i32 to vector<16xi32>
        %parallel_loop3A_214 = arith.shrsi %parallel_loop3A_211, %parallel_loop3A_213 : vector<16xi32>
        %parallel_loop3A_215 = arith.constant 4 : i32
        %parallel_loop3A_216 = vector.broadcast %parallel_loop3A_215 : i32 to vector<16xi32>
        %parallel_loop3A_217 = arith.shli %parallel_loop3A_211, %parallel_loop3A_216 : vector<16xi32>
        %parallel_loop3A_218 = arith.andi %parallel_loop3A_217, %broadcast_in_dim3A_3 : vector<16xi32>
        %parallel_loop3A_219 = arith.addi %parallel_loop3A_218, %iota3A : vector<16xi32>
        %parallel_loop3A_220 = tpu.vector_load_idx %arg5[%parallel_loop3A_214, %parallel_loop3A_219] : memref<128x128xf32, #tpu.memory_space<vmem>>[vector<16xi32>, vector<16xi32>], vector<16xf32>,
        %parallel_loop3A_221 = arith.index_cast %rem3A_77 : i32 to index
        %parallel_loop3A_222 = arith.index_cast %parallel_loop3A_111 : i32 to index
        %parallel_loop3A_223 = arith.constant 64 : index
        %parallel_loop3A_224 = tpu.vector_load %arg7[%parallel_loop3A_221, %parallel_loop3A_222, %parallel_loop3A_223] {strides = array<i32>} : memref<2x128x128xf32, #tpu.memory_space<vmem>>, vector<16xf32>,
        tpu.vector_store %arg7[%parallel_loop3A_221, %parallel_loop3A_222, %parallel_loop3A_223], %parallel_loop3A_220 {strides = array<i32>} : memref<2x128x128xf32, #tpu.memory_space<vmem>>, vector<16xf32>,
        %parallel_loop3A_225 = arith.constant 5 : i32
        %parallel_loop3A_226 = vector.broadcast %parallel_loop3A_225 : i32 to vector<16xi32>
        %parallel_loop3A_227 = arith.addi %parallel_loop3A_119, %parallel_loop3A_226 : vector<16xi32>
        %parallel_loop3A_228 = arith.constant 0 : i32
        %parallel_loop3A_229 = arith.constant 0 : i32
        %parallel_loop3A_230 = tpu.memref_slice %arg6[%rem3A_77, %parallel_loop3A_228, %parallel_loop3A_229] : memref<2x8x128xi32, #tpu.memory_space<vmem>> -> memref<1x8x128xi32, #tpu.memory_space<vmem>>
        %parallel_loop3A_231 = tpu.memref_squeeze %parallel_loop3A_230 : memref<1x8x128xi32, #tpu.memory_space<vmem>> -> memref<8x128xi32, #tpu.memory_space<vmem>>
        %parallel_loop3A_232 = tpu.vector_load_idx %parallel_loop3A_231[%parallel_loop3A_116, %parallel_loop3A_227] : memref<8x128xi32, #tpu.memory_space<vmem>>[vector<16xi32>, vector<16xi32>], vector<16xi32>,
        %parallel_loop3A_233 = arith.constant 3 : i32
        %parallel_loop3A_234 = vector.broadcast %parallel_loop3A_233 : i32 to vector<16xi32>
        %parallel_loop3A_235 = arith.shrsi %parallel_loop3A_232, %parallel_loop3A_234 : vector<16xi32>
        %parallel_loop3A_236 = arith.constant 4 : i32
        %parallel_loop3A_237 = vector.broadcast %parallel_loop3A_236 : i32 to vector<16xi32>
        %parallel_loop3A_238 = arith.shli %parallel_loop3A_232, %parallel_loop3A_237 : vector<16xi32>
        %parallel_loop3A_239 = arith.andi %parallel_loop3A_238, %broadcast_in_dim3A_3 : vector<16xi32>
        %parallel_loop3A_240 = arith.addi %parallel_loop3A_239, %iota3A : vector<16xi32>
        %parallel_loop3A_241 = tpu.vector_load_idx %arg5[%parallel_loop3A_235, %parallel_loop3A_240] : memref<128x128xf32, #tpu.memory_space<vmem>>[vector<16xi32>, vector<16xi32>], vector<16xf32>,
        %parallel_loop3A_242 = arith.index_cast %rem3A_77 : i32 to index
        %parallel_loop3A_243 = arith.index_cast %parallel_loop3A_111 : i32 to index
        %parallel_loop3A_244 = arith.constant 80 : index
        %parallel_loop3A_245 = tpu.vector_load %arg7[%parallel_loop3A_242, %parallel_loop3A_243, %parallel_loop3A_244] {strides = array<i32>} : memref<2x128x128xf32, #tpu.memory_space<vmem>>, vector<16xf32>,
        tpu.vector_store %arg7[%parallel_loop3A_242, %parallel_loop3A_243, %parallel_loop3A_244], %parallel_loop3A_241 {strides = array<i32>} : memref<2x128x128xf32, #tpu.memory_space<vmem>>, vector<16xf32>,
        %parallel_loop3A_246 = arith.constant 6 : i32
        %parallel_loop3A_247 = vector.broadcast %parallel_loop3A_246 : i32 to vector<16xi32>
        %parallel_loop3A_248 = arith.addi %parallel_loop3A_119, %parallel_loop3A_247 : vector<16xi32>
        %parallel_loop3A_249 = arith.constant 0 : i32
        %parallel_loop3A_250 = arith.constant 0 : i32
        %parallel_loop3A_251 = tpu.memref_slice %arg6[%rem3A_77, %parallel_loop3A_249, %parallel_loop3A_250] : memref<2x8x128xi32, #tpu.memory_space<vmem>> -> memref<1x8x128xi32, #tpu.memory_space<vmem>>
        %parallel_loop3A_252 = tpu.memref_squeeze %parallel_loop3A_251 : memref<1x8x128xi32, #tpu.memory_space<vmem>> -> memref<8x128xi32, #tpu.memory_space<vmem>>
        %parallel_loop3A_253 = tpu.vector_load_idx %parallel_loop3A_252[%parallel_loop3A_116, %parallel_loop3A_248] : memref<8x128xi32, #tpu.memory_space<vmem>>[vector<16xi32>, vector<16xi32>], vector<16xi32>,
        %parallel_loop3A_254 = arith.constant 3 : i32
        %parallel_loop3A_255 = vector.broadcast %parallel_loop3A_254 : i32 to vector<16xi32>
        %parallel_loop3A_256 = arith.shrsi %parallel_loop3A_253, %parallel_loop3A_255 : vector<16xi32>
        %parallel_loop3A_257 = arith.constant 4 : i32
        %parallel_loop3A_258 = vector.broadcast %parallel_loop3A_257 : i32 to vector<16xi32>
        %parallel_loop3A_259 = arith.shli %parallel_loop3A_253, %parallel_loop3A_258 : vector<16xi32>
        %parallel_loop3A_260 = arith.andi %parallel_loop3A_259, %broadcast_in_dim3A_3 : vector<16xi32>
        %parallel_loop3A_261 = arith.addi %parallel_loop3A_260, %iota3A : vector<16xi32>
        %parallel_loop3A_262 = tpu.vector_load_idx %arg5[%parallel_loop3A_256, %parallel_loop3A_261] : memref<128x128xf32, #tpu.memory_space<vmem>>[vector<16xi32>, vector<16xi32>], vector<16xf32>,
        %parallel_loop3A_263 = arith.index_cast %rem3A_77 : i32 to index
        %parallel_loop3A_264 = arith.index_cast %parallel_loop3A_111 : i32 to index
        %parallel_loop3A_265 = arith.constant 96 : index
        %parallel_loop3A_266 = tpu.vector_load %arg7[%parallel_loop3A_263, %parallel_loop3A_264, %parallel_loop3A_265] {strides = array<i32>} : memref<2x128x128xf32, #tpu.memory_space<vmem>>, vector<16xf32>,
        tpu.vector_store %arg7[%parallel_loop3A_263, %parallel_loop3A_264, %parallel_loop3A_265], %parallel_loop3A_262 {strides = array<i32>} : memref<2x128x128xf32, #tpu.memory_space<vmem>>, vector<16xf32>,
        %parallel_loop3A_267 = arith.constant 7 : i32
        %parallel_loop3A_268 = vector.broadcast %parallel_loop3A_267 : i32 to vector<16xi32>
        %parallel_loop3A_269 = arith.addi %parallel_loop3A_119, %parallel_loop3A_268 : vector<16xi32>
        %parallel_loop3A_270 = arith.constant 0 : i32
        %parallel_loop3A_271 = arith.constant 0 : i32
        %parallel_loop3A_272 = tpu.memref_slice %arg6[%rem3A_77, %parallel_loop3A_270, %parallel_loop3A_271] : memref<2x8x128xi32, #tpu.memory_space<vmem>> -> memref<1x8x128xi32, #tpu.memory_space<vmem>>
        %parallel_loop3A_273 = tpu.memref_squeeze %parallel_loop3A_272 : memref<1x8x128xi32, #tpu.memory_space<vmem>> -> memref<8x128xi32, #tpu.memory_space<vmem>>
        %parallel_loop3A_274 = tpu.vector_load_idx %parallel_loop3A_273[%parallel_loop3A_116, %parallel_loop3A_269] : memref<8x128xi32, #tpu.memory_space<vmem>>[vector<16xi32>, vector<16xi32>], vector<16xi32>,
        %parallel_loop3A_275 = arith.constant 3 : i32
        %parallel_loop3A_276 = vector.broadcast %parallel_loop3A_275 : i32 to vector<16xi32>
        %parallel_loop3A_277 = arith.shrsi %parallel_loop3A_274, %parallel_loop3A_276 : vector<16xi32>
        %parallel_loop3A_278 = arith.constant 4 : i32
        %parallel_loop3A_279 = vector.broadcast %parallel_loop3A_278 : i32 to vector<16xi32>
        %parallel_loop3A_280 = arith.shli %parallel_loop3A_274, %parallel_loop3A_279 : vector<16xi32>
        %parallel_loop3A_281 = arith.andi %parallel_loop3A_280, %broadcast_in_dim3A_3 : vector<16xi32>
        %parallel_loop3A_282 = arith.addi %parallel_loop3A_281, %iota3A : vector<16xi32>
        %parallel_loop3A_283 = tpu.vector_load_idx %arg5[%parallel_loop3A_277, %parallel_loop3A_282] : memref<128x128xf32, #tpu.memory_space<vmem>>[vector<16xi32>, vector<16xi32>], vector<16xf32>,
        %parallel_loop3A_284 = arith.index_cast %rem3A_77 : i32 to index
        %parallel_loop3A_285 = arith.index_cast %parallel_loop3A_111 : i32 to index
        %parallel_loop3A_286 = arith.constant 112 : index
        %parallel_loop3A_287 = tpu.vector_load %arg7[%parallel_loop3A_284, %parallel_loop3A_285, %parallel_loop3A_286] {strides = array<i32>} : memref<2x128x128xf32, #tpu.memory_space<vmem>>, vector<16xf32>,
        tpu.vector_store %arg7[%parallel_loop3A_284, %parallel_loop3A_285, %parallel_loop3A_286], %parallel_loop3A_283 {strides = array<i32>} : memref<2x128x128xf32, #tpu.memory_space<vmem>>, vector<16xf32>,
      } {sc.loop_unroll_factor = 4 : i64, sc.parallel_access}
      %dma_start3A_88 = arith.constant 0 : i32
      %dma_start3A_89 = arith.constant 0 : i32
      %dma_start3A_90 = tpu.memref_slice %arg7[%rem3A_77, %dma_start3A_88, %dma_start3A_89] : memref<2x128x128xf32, #tpu.memory_space<vmem>> -> memref<1x128x128xf32, #tpu.memory_space<vmem>>
      %dma_start3A_91 = tpu.memref_squeeze %dma_start3A_90 : memref<1x128x128xf32, #tpu.memory_space<vmem>> -> memref<128x128xf32, #tpu.memory_space<vmem>>
      %dma_start3A_92 = arith.constant 0 : i32
      %dma_start3A_93 = arith.constant 0 : i32
      %dma_start3A_94 = tpu.memref_slice %arg4[%add3A_76, %dma_start3A_92, %dma_start3A_93] : memref<1024x128x128xf32, #tpu.memory_space<hbm>> -> memref<1x128x128xf32, #tpu.memory_space<hbm>>
      %dma_start3A_95 = tpu.memref_squeeze %dma_start3A_94 : memref<1x128x128xf32, #tpu.memory_space<hbm>> -> memref<128x128xf32, #tpu.memory_space<hbm>>
      %dma_start3A_96 = arith.constant 0 : i32
      %dma_start3A_97 = arith.constant 0 : i32
      %dma_start3A_98 = tpu.memref_slice %arg4[%add3A_76, %dma_start3A_96, %dma_start3A_97] : memref<1024x128x128xf32, #tpu.memory_space<hbm>> -> memref<1x128x128xf32, #tpu.memory_space<hbm>>
      %dma_start3A_99 = tpu.memref_squeeze %dma_start3A_98 : memref<1x128x128xf32, #tpu.memory_space<hbm>> -> memref<128x128xf32, #tpu.memory_space<hbm>>
      %dma_start3A_100 = arith.constant 0 : i32
      %dma_start3A_101 = arith.constant 0 : i32
      %dma_start3A_102 = tpu.memref_slice %arg7[%rem3A_77, %dma_start3A_100, %dma_start3A_101] : memref<2x128x128xf32, #tpu.memory_space<vmem>> -> memref<1x128x128xf32, #tpu.memory_space<vmem>>
      %dma_start3A_103 = tpu.memref_squeeze %dma_start3A_102 : memref<1x128x128xf32, #tpu.memory_space<vmem>> -> memref<128x128xf32, #tpu.memory_space<vmem>>
      tpu.enqueue_dma source(%dma_start3A_103 : memref<128x128xf32, #tpu.memory_space<vmem>>) target(%dma_start3A_99 : memref<128x128xf32, #tpu.memory_space<hbm>>) target_semaphore(%arg8 : memref<!tpu.dma_semaphore, #tpu.memory_space<semaphore_mem>>)
      %add3A_104 = arith.constant 1 : i32
      %add3A_105 = arith.addi %scan3A_75, %add3A_104 : i32
      %lt3A_106 = arith.constant 32 : i32
      %lt3A_107 = arith.cmpi slt, %add3A_105, %lt3A_106 : i32
      %convert_element_type3A_108 = arith.extui %lt3A_107 : i1 to i32
      %cond3A_109 = arith.constant 0 : i32
      %cond3A_110 = arith.cmpi ne, %convert_element_type3A_108, %cond3A_109 : i32
      scf.if %cond3A_110 {
        %sub3A = arith.constant 1 : i32
        %sub3A_111 = arith.subi %sub3A, %rem3A_77 : i32
        %dma_wait3A_112 = arith.constant 0 : i32
        %dma_wait3A_113 = arith.constant 0 : i32
        %dma_wait3A_114 = tpu.memref_slice %arg6[%sub3A_111, %dma_wait3A_112, %dma_wait3A_113] : memref<2x8x128xi32, #tpu.memory_space<vmem>> -> memref<1x8x128xi32, #tpu.memory_space<vmem>>
        %dma_wait3A_115 = tpu.memref_squeeze %dma_wait3A_114 : memref<1x8x128xi32, #tpu.memory_space<vmem>> -> memref<8x128xi32, #tpu.memory_space<vmem>>
        %dma_wait3A_116 = arith.constant 0 : i32
        %dma_wait3A_117 = arith.constant 0 : i32
        %dma_wait3A_118 = tpu.memref_slice %arg3[%add3A_76, %dma_wait3A_116, %dma_wait3A_117] : memref<1024x8x128xi32, #tpu.memory_space<hbm>> -> memref<1x8x128xi32, #tpu.memory_space<hbm>>
        %dma_wait3A_119 = tpu.memref_squeeze %dma_wait3A_118 : memref<1x8x128xi32, #tpu.memory_space<hbm>> -> memref<8x128xi32, #tpu.memory_space<hbm>>
        %dma_wait3A_120 = arith.constant 0 : i32
        %dma_wait3A_121 = arith.constant 0 : i32
        %dma_wait3A_122 = tpu.memref_slice %arg6[%sub3A_111, %dma_wait3A_120, %dma_wait3A_121] : memref<2x8x128xi32, #tpu.memory_space<vmem>> -> memref<1x8x128xi32, #tpu.memory_space<vmem>>
        %dma_wait3A_123 = tpu.memref_squeeze %dma_wait3A_122 : memref<1x8x128xi32, #tpu.memory_space<vmem>> -> memref<8x128xi32, #tpu.memory_space<vmem>>
        %dma_wait3A_124 = arith.constant 0 : i32
        %dma_wait3A_125 = arith.constant 0 : i32
        %dma_wait3A_126 = tpu.memref_slice %arg3[%add3A_76, %dma_wait3A_124, %dma_wait3A_125] : memref<1024x8x128xi32, #tpu.memory_space<hbm>> -> memref<1x8x128xi32, #tpu.memory_space<hbm>>
        %dma_wait3A_127 = tpu.memref_squeeze %dma_wait3A_126 : memref<1x8x128xi32, #tpu.memory_space<hbm>> -> memref<8x128xi32, #tpu.memory_space<hbm>>
        tpu.wait_dma2 semaphore(%arg9 : memref<!tpu.dma_semaphore, #tpu.memory_space<semaphore_mem>>) src(%dma_wait3A_127 : memref<8x128xi32, #tpu.memory_space<hbm>>) dst(%dma_wait3A_123 : memref<8x128xi32, #tpu.memory_space<vmem>>)
      } else {
      }
    }
    %scan3A_40 = arith.constant 32 : i32
    %dma_wait3A_41 = arith.constant 0 : i32
    %dma_wait3A_42 = arith.constant 0 : i32
    %dma_wait3A_43 = arith.constant 0 : i32
    %dma_wait3A_44 = tpu.memref_slice %arg7[%dma_wait3A_41, %dma_wait3A_42, %dma_wait3A_43] : memref<2x128x128xf32, #tpu.memory_space<vmem>> -> memref<1x128x128xf32, #tpu.memory_space<vmem>>
    %dma_wait3A_45 = tpu.memref_squeeze %dma_wait3A_44 : memref<1x128x128xf32, #tpu.memory_space<vmem>> -> memref<128x128xf32, #tpu.memory_space<vmem>>
    %dma_wait3A_46 = arith.constant 0 : i32
    %dma_wait3A_47 = arith.constant 0 : i32
    %dma_wait3A_48 = tpu.memref_slice %arg4[%mul3A_2, %dma_wait3A_46, %dma_wait3A_47] : memref<1024x128x128xf32, #tpu.memory_space<hbm>> -> memref<1x128x128xf32, #tpu.memory_space<hbm>>
    %dma_wait3A_49 = tpu.memref_squeeze %dma_wait3A_48 : memref<1x128x128xf32, #tpu.memory_space<hbm>> -> memref<128x128xf32, #tpu.memory_space<hbm>>
    %dma_wait3A_50 = arith.constant 0 : i32
    %dma_wait3A_51 = arith.constant 0 : i32
    %dma_wait3A_52 = tpu.memref_slice %arg4[%mul3A_2, %dma_wait3A_50, %dma_wait3A_51] : memref<1024x128x128xf32, #tpu.memory_space<hbm>> -> memref<1x128x128xf32, #tpu.memory_space<hbm>>
    %dma_wait3A_53 = tpu.memref_squeeze %dma_wait3A_52 : memref<1x128x128xf32, #tpu.memory_space<hbm>> -> memref<128x128xf32, #tpu.memory_space<hbm>>
    %dma_wait3A_54 = arith.constant 0 : i32
    %dma_wait3A_55 = arith.constant 0 : i32
    %dma_wait3A_56 = tpu.memref_slice %arg7[%dma_wait3A_41, %dma_wait3A_54, %dma_wait3A_55] : memref<2x128x128xf32, #tpu.memory_space<vmem>> -> memref<1x128x128xf32, #tpu.memory_space<vmem>>
    %dma_wait3A_57 = tpu.memref_squeeze %dma_wait3A_56 : memref<1x128x128xf32, #tpu.memory_space<vmem>> -> memref<128x128xf32, #tpu.memory_space<vmem>>
    tpu.wait_dma2 semaphore(%arg8 : memref<!tpu.dma_semaphore, #tpu.memory_space<semaphore_mem>>) src(%dma_wait3A_57 : memref<128x128xf32, #tpu.memory_space<vmem>>) dst(%dma_wait3A_53 : memref<128x128xf32, #tpu.memory_space<hbm>>)
    %dma_wait3A_58 = arith.constant 0 : i32
    %dma_wait3A_59 = arith.constant 0 : i32
    %dma_wait3A_60 = arith.constant 0 : i32
    %dma_wait3A_61 = tpu.memref_slice %arg7[%dma_wait3A_58, %dma_wait3A_59, %dma_wait3A_60] : memref<2x128x128xf32, #tpu.memory_space<vmem>> -> memref<1x128x128xf32, #tpu.memory_space<vmem>>
    %dma_wait3A_62 = tpu.memref_squeeze %dma_wait3A_61 : memref<1x128x128xf32, #tpu.memory_space<vmem>> -> memref<128x128xf32, #tpu.memory_space<vmem>>
    %dma_wait3A_63 = arith.constant 0 : i32
    %dma_wait3A_64 = arith.constant 0 : i32
    %dma_wait3A_65 = tpu.memref_slice %arg4[%mul3A_2, %dma_wait3A_63, %dma_wait3A_64] : memref<1024x128x128xf32, #tpu.memory_space<hbm>> -> memref<1x128x128xf32, #tpu.memory_space<hbm>>
    %dma_wait3A_66 = tpu.memref_squeeze %dma_wait3A_65 : memref<1x128x128xf32, #tpu.memory_space<hbm>> -> memref<128x128xf32, #tpu.memory_space<hbm>>
    %dma_wait3A_67 = arith.constant 0 : i32
    %dma_wait3A_68 = arith.constant 0 : i32
    %dma_wait3A_69 = tpu.memref_slice %arg4[%mul3A_2, %dma_wait3A_67, %dma_wait3A_68] : memref<1024x128x128xf32, #tpu.memory_space<hbm>> -> memref<1x128x128xf32, #tpu.memory_space<hbm>>
    %dma_wait3A_70 = tpu.memref_squeeze %dma_wait3A_69 : memref<1x128x128xf32, #tpu.memory_space<hbm>> -> memref<128x128xf32, #tpu.memory_space<hbm>>
    %dma_wait3A_71 = arith.constant 0 : i32
    %dma_wait3A_72 = arith.constant 0 : i32
    %dma_wait3A_73 = tpu.memref_slice %arg7[%dma_wait3A_58, %dma_wait3A_71, %dma_wait3A_72] : memref<2x128x128xf32, #tpu.memory_space<vmem>> -> memref<1x128x128xf32, #tpu.memory_space<vmem>>
    %dma_wait3A_74 = tpu.memref_squeeze %dma_wait3A_73 : memref<1x128x128xf32, #tpu.memory_space<vmem>> -> memref<128x128xf32, #tpu.memory_space<vmem>>
    tpu.wait_dma2 semaphore(%arg8 : memref<!tpu.dma_semaphore, #tpu.memory_space<semaphore_mem>>) src(%dma_wait3A_74 : memref<128x128xf32, #tpu.memory_space<vmem>>) dst(%dma_wait3A_70 : memref<128x128xf32, #tpu.memory_space<hbm>>)
    return
  }
}

#map = affine_map<(d0, d1) -> (0, 0)>
#map1 = affine_map<(d0, d1) -> (0, 0, 0)>
module attributes {stable_mosaic.version = 14 : i64} {
  func.func @_sc_gather_body(%arg0: i32, %arg1: i32, %arg2: memref<128x128xf32, #tpu.memory_space<hbm>>, %arg3: memref<1024x8x128xi32, #tpu.memory_space<hbm>>, %arg4: memref<1024x128x128xf32, #tpu.memory_space<hbm>>, %arg5: memref<128x128xf32, #tpu.memory_space<vmem>>, %arg6: memref<2x8x128xi32, #tpu.memory_space<vmem>>, %arg7: memref<2x128x128xf32, #tpu.memory_space<vmem>>, %arg8: memref<!tpu.dma_semaphore, #tpu.memory_space<semaphore_mem>>, %arg9: memref<!tpu.dma_semaphore, #tpu.memory_space<semaphore_mem>>) attributes {dimension_semantics = [#tpu.dimension_semantics<core_parallel>, #tpu.dimension_semantics<subcore_parallel>], iteration_bounds = array<i64: 2, 16>, scalar_prefetch = 0 : i64, scratch_operands = 5 : i64, tpu.core_type = #tpu.core_type<sc_vector_subcore>, window_params = [{transform_indices = #map}, {transform_indices = #map1}, {transform_indices = #map1}]} {
    %mul3A = arith.constant 2 : i32
    %mul3A_0 = arith.muli %arg1, %mul3A : i32
    %add3A = arith.addi %mul3A_0, %arg0 : i32
    %mul3A_1 = arith.constant 32 : i32
    %mul3A_2 = arith.muli %add3A, %mul3A_1 : i32
    "tpu.region"() ({
      %run_scoped3A = tpu.sem_alloc : memref<!tpu.dma_semaphore, #tpu.memory_space<semaphore_mem>>
      tpu.enqueue_dma source(%arg2 : memref<128x128xf32, #tpu.memory_space<hbm>>) target(%arg5 : memref<128x128xf32, #tpu.memory_space<vmem>>) target_semaphore(%run_scoped3A : memref<!tpu.dma_semaphore, #tpu.memory_space<semaphore_mem>>)
      tpu.wait_dma2 semaphore(%run_scoped3A : memref<!tpu.dma_semaphore, #tpu.memory_space<semaphore_mem>>) src(%arg2 : memref<128x128xf32, #tpu.memory_space<hbm>>) dst(%arg5 : memref<128x128xf32, #tpu.memory_space<vmem>>)
      tpu.yield
    }) : () -> ()
    %iota3A = tpu.iota {dimensions = array<i32: 0>} : vector<16xi32>
    %broadcast_in_dim3A = arith.constant 127 : i32
    %broadcast_in_dim3A_3 = vector.broadcast %broadcast_in_dim3A : i32 to vector<16xi32>
    %dma_start3A = arith.constant 0 : i32
    %dma_start3A_4 = arith.constant 0 : i32
    %dma_start3A_5 = arith.constant 0 : i32
    %dma_start3A_6 = tpu.memref_slice %arg6[%dma_start3A, %dma_start3A_4, %dma_start3A_5] : memref<2x8x128xi32, #tpu.memory_space<vmem>> -> memref<1x8x128xi32, #tpu.memory_space<vmem>>
    %dma_start3A_7 = tpu.memref_squeeze %dma_start3A_6 : memref<1x8x128xi32, #tpu.memory_space<vmem>> -> memref<8x128xi32, #tpu.memory_space<vmem>>
    %dma_start3A_8 = arith.constant 0 : i32
    %dma_start3A_9 = arith.constant 0 : i32
    %dma_start3A_10 = tpu.memref_slice %arg3[%mul3A_2, %dma_start3A_8, %dma_start3A_9] : memref<1024x8x128xi32, #tpu.memory_space<hbm>> -> memref<1x8x128xi32, #tpu.memory_space<hbm>>
    %dma_start3A_11 = tpu.memref_squeeze %dma_start3A_10 : memref<1x8x128xi32, #tpu.memory_space<hbm>> -> memref<8x128xi32, #tpu.memory_space<hbm>>
    %dma_start3A_12 = arith.constant 0 : i32
    %dma_start3A_13 = arith.constant 0 : i32
    %dma_start3A_14 = tpu.memref_slice %arg6[%dma_start3A, %dma_start3A_12, %dma_start3A_13] : memref<2x8x128xi32, #tpu.memory_space<vmem>> -> memref<1x8x128xi32, #tpu.memory_space<vmem>>
    %dma_start3A_15 = tpu.memref_squeeze %dma_start3A_14 : memref<1x8x128xi32, #tpu.memory_space<vmem>> -> memref<8x128xi32, #tpu.memory_space<vmem>>
    %dma_start3A_16 = arith.constant 0 : i32
    %dma_start3A_17 = arith.constant 0 : i32
    %dma_start3A_18 = tpu.memref_slice %arg3[%mul3A_2, %dma_start3A_16, %dma_start3A_17] : memref<1024x8x128xi32, #tpu.memory_space<hbm>> -> memref<1x8x128xi32, #tpu.memory_space<hbm>>
    %dma_start3A_19 = tpu.memref_squeeze %dma_start3A_18 : memref<1x8x128xi32, #tpu.memory_space<hbm>> -> memref<8x128xi32, #tpu.memory_space<hbm>>
    tpu.enqueue_dma source(%dma_start3A_19 : memref<8x128xi32, #tpu.memory_space<hbm>>) target(%dma_start3A_15 : memref<8x128xi32, #tpu.memory_space<vmem>>) target_semaphore(%arg9 : memref<!tpu.dma_semaphore, #tpu.memory_space<semaphore_mem>>)
    %dma_wait3A = arith.constant 0 : i32
    %dma_wait3A_20 = arith.constant 0 : i32
    %dma_wait3A_21 = arith.constant 0 : i32
    %dma_wait3A_22 = tpu.memref_slice %arg6[%dma_wait3A, %dma_wait3A_20, %dma_wait3A_21] : memref<2x8x128xi32, #tpu.memory_space<vmem>> -> memref<1x8x128xi32, #tpu.memory_space<vmem>>
    %dma_wait3A_23 = tpu.memref_squeeze %dma_wait3A_22 : memref<1x8x128xi32, #tpu.memory_space<vmem>> -> memref<8x128xi32, #tpu.memory_space<vmem>>
    %dma_wait3A_24 = arith.constant 0 : i32
    %dma_wait3A_25 = arith.constant 0 : i32
    %dma_wait3A_26 = tpu.memref_slice %arg3[%mul3A_2, %dma_wait3A_24, %dma_wait3A_25] : memref<1024x8x128xi32, #tpu.memory_space<hbm>> -> memref<1x8x128xi32, #tpu.memory_space<hbm>>
    %dma_wait3A_27 = tpu.memref_squeeze %dma_wait3A_26 : memref<1x8x128xi32, #tpu.memory_space<hbm>> -> memref<8x128xi32, #tpu.memory_space<hbm>>
    %dma_wait3A_28 = arith.constant 0 : i32
    %dma_wait3A_29 = arith.constant 0 : i32
    %dma_wait3A_30 = tpu.memref_slice %arg6[%dma_wait3A, %dma_wait3A_28, %dma_wait3A_29] : memref<2x8x128xi32, #tpu.memory_space<vmem>> -> memref<1x8x128xi32, #tpu.memory_space<vmem>>
    %dma_wait3A_31 = tpu.memref_squeeze %dma_wait3A_30 : memref<1x8x128xi32, #tpu.memory_space<vmem>> -> memref<8x128xi32, #tpu.memory_space<vmem>>
    %dma_wait3A_32 = arith.constant 0 : i32
    %dma_wait3A_33 = arith.constant 0 : i32
    %dma_wait3A_34 = tpu.memref_slice %arg3[%mul3A_2, %dma_wait3A_32, %dma_wait3A_33] : memref<1024x8x128xi32, #tpu.memory_space<hbm>> -> memref<1x8x128xi32, #tpu.memory_space<hbm>>
    %dma_wait3A_35 = tpu.memref_squeeze %dma_wait3A_34 : memref<1x8x128xi32, #tpu.memory_space<hbm>> -> memref<8x128xi32, #tpu.memory_space<hbm>>
    tpu.wait_dma2 semaphore(%arg9 : memref<!tpu.dma_semaphore, #tpu.memory_space<semaphore_mem>>) src(%dma_wait3A_35 : memref<8x128xi32, #tpu.memory_space<hbm>>) dst(%dma_wait3A_31 : memref<8x128xi32, #tpu.memory_space<vmem>>)
    %scan3A = arith.constant 0 : i32
    %scan3A_36 = arith.constant 0 : i32
    %scan3A_37 = arith.constant 32 : i32
    %scan3A_38 = arith.addi %scan3A_36, %scan3A_37 : i32
    %scan3A_39 = arith.constant 1 : i32
    scf.for %scan3A_75 = %scan3A_36 to %scan3A_38 step %scan3A_39  : i32 {
      %add3A_76 = arith.addi %mul3A_2, %scan3A_75 : i32
      %rem3A = arith.constant 2 : i32
      %rem3A_77 = arith.remsi %scan3A_75, %rem3A : i32
      %add3A_78 = arith.constant 1 : i32
      %add3A_79 = arith.addi %scan3A_75, %add3A_78 : i32
      %lt3A = arith.constant 32 : i32
      %lt3A_80 = arith.cmpi slt, %add3A_79, %lt3A : i32
      %convert_element_type3A = arith.extui %lt3A_80 : i1 to i32
      %cond3A = arith.constant 0 : i32
      %cond3A_81 = arith.cmpi ne, %convert_element_type3A, %cond3A : i32
      scf.if %cond3A_81 {
        %add3A_111 = arith.constant 1 : i32
        %add3A_112 = arith.addi %add3A_76, %add3A_111 : i32
        %sub3A = arith.constant 1 : i32
        %sub3A_113 = arith.subi %sub3A, %rem3A_77 : i32
        %dma_start3A_114 = arith.constant 0 : i32
        %dma_start3A_115 = arith.constant 0 : i32
        %dma_start3A_116 = tpu.memref_slice %arg6[%sub3A_113, %dma_start3A_114, %dma_start3A_115] : memref<2x8x128xi32, #tpu.memory_space<vmem>> -> memref<1x8x128xi32, #tpu.memory_space<vmem>>
        %dma_start3A_117 = tpu.memref_squeeze %dma_start3A_116 : memref<1x8x128xi32, #tpu.memory_space<vmem>> -> memref<8x128xi32, #tpu.memory_space<vmem>>
        %dma_start3A_118 = arith.constant 0 : i32
        %dma_start3A_119 = arith.constant 0 : i32
        %dma_start3A_120 = tpu.memref_slice %arg3[%add3A_112, %dma_start3A_118, %dma_start3A_119] : memref<1024x8x128xi32, #tpu.memory_space<hbm>> -> memref<1x8x128xi32, #tpu.memory_space<hbm>>
        %dma_start3A_121 = tpu.memref_squeeze %dma_start3A_120 : memref<1x8x128xi32, #tpu.memory_space<hbm>> -> memref<8x128xi32, #tpu.memory_space<hbm>>
        %dma_start3A_122 = arith.constant 0 : i32
        %dma_start3A_123 = arith.constant 0 : i32
        %dma_start3A_124 = tpu.memref_slice %arg6[%sub3A_113, %dma_start3A_122, %dma_start3A_123] : memref<2x8x128xi32, #tpu.memory_space<vmem>> -> memref<1x8x128xi32, #tpu.memory_space<vmem>>
        %dma_start3A_125 = tpu.memref_squeeze %dma_start3A_124 : memref<1x8x128xi32, #tpu.memory_space<vmem>> -> memref<8x128xi32, #tpu.memory_space<vmem>>
        %dma_start3A_126 = arith.constant 0 : i32
        %dma_start3A_127 = arith.constant 0 : i32
        %dma_start3A_128 = tpu.memref_slice %arg3[%add3A_112, %dma_start3A_126, %dma_start3A_127] : memref<1024x8x128xi32, #tpu.memory_space<hbm>> -> memref<1x8x128xi32, #tpu.memory_space<hbm>>
        %dma_start3A_129 = tpu.memref_squeeze %dma_start3A_128 : memref<1x8x128xi32, #tpu.memory_space<hbm>> -> memref<8x128xi32, #tpu.memory_space<hbm>>
        tpu.enqueue_dma source(%dma_start3A_129 : memref<8x128xi32, #tpu.memory_space<hbm>>) target(%dma_start3A_125 : memref<8x128xi32, #tpu.memory_space<vmem>>) target_semaphore(%arg9 : memref<!tpu.dma_semaphore, #tpu.memory_space<semaphore_mem>>)
      } else {
      }
      %ge3A = arith.constant 2 : i32
      %ge3A_82 = arith.cmpi sge, %scan3A_75, %ge3A : i32
      %convert_element_type3A_83 = arith.extui %ge3A_82 : i1 to i32
      %cond3A_84 = arith.constant 0 : i32
      %cond3A_85 = arith.cmpi ne, %convert_element_type3A_83, %cond3A_84 : i32
      scf.if %cond3A_85 {
        %dma_wait3A_111 = arith.constant 0 : i32
        %dma_wait3A_112 = arith.constant 0 : i32
        %dma_wait3A_113 = tpu.memref_slice %arg7[%rem3A_77, %dma_wait3A_111, %dma_wait3A_112] : memref<2x128x128xf32, #tpu.memory_space<vmem>> -> memref<1x128x128xf32, #tpu.memory_space<vmem>>
        %dma_wait3A_114 = tpu.memref_squeeze %dma_wait3A_113 : memref<1x128x128xf32, #tpu.memory_space<vmem>> -> memref<128x128xf32, #tpu.memory_space<vmem>>
        %dma_wait3A_115 = arith.constant 0 : i32
        %dma_wait3A_116 = arith.constant 0 : i32
        %dma_wait3A_117 = tpu.memref_slice %arg4[%mul3A_2, %dma_wait3A_115, %dma_wait3A_116] : memref<1024x128x128xf32, #tpu.memory_space<hbm>> -> memref<1x128x128xf32, #tpu.memory_space<hbm>>
        %dma_wait3A_118 = tpu.memref_squeeze %dma_wait3A_117 : memref<1x128x128xf32, #tpu.memory_space<hbm>> -> memref<128x128xf32, #tpu.memory_space<hbm>>
        %dma_wait3A_119 = arith.constant 0 : i32
        %dma_wait3A_120 = arith.constant 0 : i32
        %dma_wait3A_121 = tpu.memref_slice %arg4[%mul3A_2, %dma_wait3A_119, %dma_wait3A_120] : memref<1024x128x128xf32, #tpu.memory_space<hbm>> -> memref<1x128x128xf32, #tpu.memory_space<hbm>>
        %dma_wait3A_122 = tpu.memref_squeeze %dma_wait3A_121 : memref<1x128x128xf32, #tpu.memory_space<hbm>> -> memref<128x128xf32, #tpu.memory_space<hbm>>
        %dma_wait3A_123 = arith.constant 0 : i32
        %dma_wait3A_124 = arith.constant 0 : i32
        %dma_wait3A_125 = tpu.memref_slice %arg7[%rem3A_77, %dma_wait3A_123, %dma_wait3A_124] : memref<2x128x128xf32, #tpu.memory_space<vmem>> -> memref<1x128x128xf32, #tpu.memory_space<vmem>>
        %dma_wait3A_126 = tpu.memref_squeeze %dma_wait3A_125 : memref<1x128x128xf32, #tpu.memory_space<vmem>> -> memref<128x128xf32, #tpu.memory_space<vmem>>
        tpu.wait_dma2 semaphore(%arg8 : memref<!tpu.dma_semaphore, #tpu.memory_space<semaphore_mem>>) src(%dma_wait3A_126 : memref<128x128xf32, #tpu.memory_space<vmem>>) dst(%dma_wait3A_122 : memref<128x128xf32, #tpu.memory_space<hbm>>)
      } else {
      }
      %parallel_loop3A = arith.constant 0 : i32
      %parallel_loop3A_86 = arith.constant 128 : i32
      %parallel_loop3A_87 = arith.constant 1 : i32
      scf.for %parallel_loop3A_111 = %parallel_loop3A to %parallel_loop3A_86 step %parallel_loop3A_87  : i32 {
        %parallel_loop3A_112 = arith.constant 8 : i32
        %parallel_loop3A_113 = arith.muli %parallel_loop3A_111, %parallel_loop3A_112 : i32
        %parallel_loop3A_114 = arith.constant 7 : i32
        %parallel_loop3A_115 = arith.shrsi %parallel_loop3A_113, %parallel_loop3A_114 : i32
        %parallel_loop3A_116 = vector.broadcast %parallel_loop3A_115 : i32 to vector<16xi32>
        %parallel_loop3A_117 = arith.constant 127 : i32
        %parallel_loop3A_118 = arith.andi %parallel_loop3A_113, %parallel_loop3A_117 : i32
        %parallel_loop3A_119 = vector.broadcast %parallel_loop3A_118 : i32 to vector<16xi32>
        %parallel_loop3A_120 = arith.constant 0 : i32
        %parallel_loop3A_121 = vector.broadcast %parallel_loop3A_120 : i32 to vector<16xi32>
        %parallel_loop3A_122 = arith.addi %parallel_loop3A_119, %parallel_loop3A_121 : vector<16xi32>
        %parallel_loop3A_123 = arith.constant 0 : i32
        %parallel_loop3A_124 = arith.constant 0 : i32
        %parallel_loop3A_125 = tpu.memref_slice %arg6[%rem3A_77, %parallel_loop3A_123, %parallel_loop3A_124] : memref<2x8x128xi32, #tpu.memory_space<vmem>> -> memref<1x8x128xi32, #tpu.memory_space<vmem>>
        %parallel_loop3A_126 = tpu.memref_squeeze %parallel_loop3A_125 : memref<1x8x128xi32, #tpu.memory_space<vmem>> -> memref<8x128xi32, #tpu.memory_space<vmem>>
        %parallel_loop3A_127 = tpu.vector_load_idx %parallel_loop3A_126[%parallel_loop3A_116, %parallel_loop3A_122] : memref<8x128xi32, #tpu.memory_space<vmem>>[vector<16xi32>, vector<16xi32>], vector<16xi32>,
        %parallel_loop3A_128 = arith.constant 3 : i32
        %parallel_loop3A_129 = vector.broadcast %parallel_loop3A_128 : i32 to vector<16xi32>
        %parallel_loop3A_130 = arith.shrsi %parallel_loop3A_127, %parallel_loop3A_129 : vector<16xi32>
        %parallel_loop3A_131 = arith.constant 4 : i32
        %parallel_loop3A_132 = vector.broadcast %parallel_loop3A_131 : i32 to vector<16xi32>
        %parallel_loop3A_133 = arith.shli %parallel_loop3A_127, %parallel_loop3A_132 : vector<16xi32>
        %parallel_loop3A_134 = arith.andi %parallel_loop3A_133, %broadcast_in_dim3A_3 : vector<16xi32>
        %parallel_loop3A_135 = arith.addi %parallel_loop3A_134, %iota3A : vector<16xi32>
        %parallel_loop3A_136 = tpu.vector_load_idx %arg5[%parallel_loop3A_130, %parallel_loop3A_135] : memref<128x128xf32, #tpu.memory_space<vmem>>[vector<16xi32>, vector<16xi32>], vector<16xf32>,
        %parallel_loop3A_137 = arith.index_cast %rem3A_77 : i32 to index
        %parallel_loop3A_138 = arith.index_cast %parallel_loop3A_111 : i32 to index
        %parallel_loop3A_139 = arith.constant 0 : index
        %parallel_loop3A_140 = tpu.vector_load %arg7[%parallel_loop3A_137, %parallel_loop3A_138, %parallel_loop3A_139] {strides = array<i32>} : memref<2x128x128xf32, #tpu.memory_space<vmem>>, vector<16xf32>,
        tpu.vector_store %arg7[%parallel_loop3A_137, %parallel_loop3A_138, %parallel_loop3A_139], %parallel_loop3A_136 {strides = array<i32>} : memref<2x128x128xf32, #tpu.memory_space<vmem>>, vector<16xf32>,
        %parallel_loop3A_141 = arith.constant 1 : i32
        %parallel_loop3A_142 = vector.broadcast %parallel_loop3A_141 : i32 to vector<16xi32>
        %parallel_loop3A_143 = arith.addi %parallel_loop3A_119, %parallel_loop3A_142 : vector<16xi32>
        %parallel_loop3A_144 = arith.constant 0 : i32
        %parallel_loop3A_145 = arith.constant 0 : i32
        %parallel_loop3A_146 = tpu.memref_slice %arg6[%rem3A_77, %parallel_loop3A_144, %parallel_loop3A_145] : memref<2x8x128xi32, #tpu.memory_space<vmem>> -> memref<1x8x128xi32, #tpu.memory_space<vmem>>
        %parallel_loop3A_147 = tpu.memref_squeeze %parallel_loop3A_146 : memref<1x8x128xi32, #tpu.memory_space<vmem>> -> memref<8x128xi32, #tpu.memory_space<vmem>>
        %parallel_loop3A_148 = tpu.vector_load_idx %parallel_loop3A_147[%parallel_loop3A_116, %parallel_loop3A_143] : memref<8x128xi32, #tpu.memory_space<vmem>>[vector<16xi32>, vector<16xi32>], vector<16xi32>,
        %parallel_loop3A_149 = arith.constant 3 : i32
        %parallel_loop3A_150 = vector.broadcast %parallel_loop3A_149 : i32 to vector<16xi32>
        %parallel_loop3A_151 = arith.shrsi %parallel_loop3A_148, %parallel_loop3A_150 : vector<16xi32>
        %parallel_loop3A_152 = arith.constant 4 : i32
        %parallel_loop3A_153 = vector.broadcast %parallel_loop3A_152 : i32 to vector<16xi32>
        %parallel_loop3A_154 = arith.shli %parallel_loop3A_148, %parallel_loop3A_153 : vector<16xi32>
        %parallel_loop3A_155 = arith.andi %parallel_loop3A_154, %broadcast_in_dim3A_3 : vector<16xi32>
        %parallel_loop3A_156 = arith.addi %parallel_loop3A_155, %iota3A : vector<16xi32>
        %parallel_loop3A_157 = tpu.vector_load_idx %arg5[%parallel_loop3A_151, %parallel_loop3A_156] : memref<128x128xf32, #tpu.memory_space<vmem>>[vector<16xi32>, vector<16xi32>], vector<16xf32>,
        %parallel_loop3A_158 = arith.index_cast %rem3A_77 : i32 to index
        %parallel_loop3A_159 = arith.index_cast %parallel_loop3A_111 : i32 to index
        %parallel_loop3A_160 = arith.constant 16 : index
        %parallel_loop3A_161 = tpu.vector_load %arg7[%parallel_loop3A_158, %parallel_loop3A_159, %parallel_loop3A_160] {strides = array<i32>} : memref<2x128x128xf32, #tpu.memory_space<vmem>>, vector<16xf32>,
        tpu.vector_store %arg7[%parallel_loop3A_158, %parallel_loop3A_159, %parallel_loop3A_160], %parallel_loop3A_157 {strides = array<i32>} : memref<2x128x128xf32, #tpu.memory_space<vmem>>, vector<16xf32>,
        %parallel_loop3A_162 = arith.constant 2 : i32
        %parallel_loop3A_163 = vector.broadcast %parallel_loop3A_162 : i32 to vector<16xi32>
        %parallel_loop3A_164 = arith.addi %parallel_loop3A_119, %parallel_loop3A_163 : vector<16xi32>
        %parallel_loop3A_165 = arith.constant 0 : i32
        %parallel_loop3A_166 = arith.constant 0 : i32
        %parallel_loop3A_167 = tpu.memref_slice %arg6[%rem3A_77, %parallel_loop3A_165, %parallel_loop3A_166] : memref<2x8x128xi32, #tpu.memory_space<vmem>> -> memref<1x8x128xi32, #tpu.memory_space<vmem>>
        %parallel_loop3A_168 = tpu.memref_squeeze %parallel_loop3A_167 : memref<1x8x128xi32, #tpu.memory_space<vmem>> -> memref<8x128xi32, #tpu.memory_space<vmem>>
        %parallel_loop3A_169 = tpu.vector_load_idx %parallel_loop3A_168[%parallel_loop3A_116, %parallel_loop3A_164] : memref<8x128xi32, #tpu.memory_space<vmem>>[vector<16xi32>, vector<16xi32>], vector<16xi32>,
        %parallel_loop3A_170 = arith.constant 3 : i32
        %parallel_loop3A_171 = vector.broadcast %parallel_loop3A_170 : i32 to vector<16xi32>
        %parallel_loop3A_172 = arith.shrsi %parallel_loop3A_169, %parallel_loop3A_171 : vector<16xi32>
        %parallel_loop3A_173 = arith.constant 4 : i32
        %parallel_loop3A_174 = vector.broadcast %parallel_loop3A_173 : i32 to vector<16xi32>
        %parallel_loop3A_175 = arith.shli %parallel_loop3A_169, %parallel_loop3A_174 : vector<16xi32>
        %parallel_loop3A_176 = arith.andi %parallel_loop3A_175, %broadcast_in_dim3A_3 : vector<16xi32>
        %parallel_loop3A_177 = arith.addi %parallel_loop3A_176, %iota3A : vector<16xi32>
        %parallel_loop3A_178 = tpu.vector_load_idx %arg5[%parallel_loop3A_172, %parallel_loop3A_177] : memref<128x128xf32, #tpu.memory_space<vmem>>[vector<16xi32>, vector<16xi32>], vector<16xf32>,
        %parallel_loop3A_179 = arith.index_cast %rem3A_77 : i32 to index
        %parallel_loop3A_180 = arith.index_cast %parallel_loop3A_111 : i32 to index
        %parallel_loop3A_181 = arith.constant 32 : index
        %parallel_loop3A_182 = tpu.vector_load %arg7[%parallel_loop3A_179, %parallel_loop3A_180, %parallel_loop3A_181] {strides = array<i32>} : memref<2x128x128xf32, #tpu.memory_space<vmem>>, vector<16xf32>,
        tpu.vector_store %arg7[%parallel_loop3A_179, %parallel_loop3A_180, %parallel_loop3A_181], %parallel_loop3A_178 {strides = array<i32>} : memref<2x128x128xf32, #tpu.memory_space<vmem>>, vector<16xf32>,
        %parallel_loop3A_183 = arith.constant 3 : i32
        %parallel_loop3A_184 = vector.broadcast %parallel_loop3A_183 : i32 to vector<16xi32>
        %parallel_loop3A_185 = arith.addi %parallel_loop3A_119, %parallel_loop3A_184 : vector<16xi32>
        %parallel_loop3A_186 = arith.constant 0 : i32
        %parallel_loop3A_187 = arith.constant 0 : i32
        %parallel_loop3A_188 = tpu.memref_slice %arg6[%rem3A_77, %parallel_loop3A_186, %parallel_loop3A_187] : memref<2x8x128xi32, #tpu.memory_space<vmem>> -> memref<1x8x128xi32, #tpu.memory_space<vmem>>
        %parallel_loop3A_189 = tpu.memref_squeeze %parallel_loop3A_188 : memref<1x8x128xi32, #tpu.memory_space<vmem>> -> memref<8x128xi32, #tpu.memory_space<vmem>>
        %parallel_loop3A_190 = tpu.vector_load_idx %parallel_loop3A_189[%parallel_loop3A_116, %parallel_loop3A_185] : memref<8x128xi32, #tpu.memory_space<vmem>>[vector<16xi32>, vector<16xi32>], vector<16xi32>,
        %parallel_loop3A_191 = arith.constant 3 : i32
        %parallel_loop3A_192 = vector.broadcast %parallel_loop3A_191 : i32 to vector<16xi32>
        %parallel_loop3A_193 = arith.shrsi %parallel_loop3A_190, %parallel_loop3A_192 : vector<16xi32>
        %parallel_loop3A_194 = arith.constant 4 : i32
        %parallel_loop3A_195 = vector.broadcast %parallel_loop3A_194 : i32 to vector<16xi32>
        %parallel_loop3A_196 = arith.shli %parallel_loop3A_190, %parallel_loop3A_195 : vector<16xi32>
        %parallel_loop3A_197 = arith.andi %parallel_loop3A_196, %broadcast_in_dim3A_3 : vector<16xi32>
        %parallel_loop3A_198 = arith.addi %parallel_loop3A_197, %iota3A : vector<16xi32>
        %parallel_loop3A_199 = tpu.vector_load_idx %arg5[%parallel_loop3A_193, %parallel_loop3A_198] : memref<128x128xf32, #tpu.memory_space<vmem>>[vector<16xi32>, vector<16xi32>], vector<16xf32>,
        %parallel_loop3A_200 = arith.index_cast %rem3A_77 : i32 to index
        %parallel_loop3A_201 = arith.index_cast %parallel_loop3A_111 : i32 to index
        %parallel_loop3A_202 = arith.constant 48 : index
        %parallel_loop3A_203 = tpu.vector_load %arg7[%parallel_loop3A_200, %parallel_loop3A_201, %parallel_loop3A_202] {strides = array<i32>} : memref<2x128x128xf32, #tpu.memory_space<vmem>>, vector<16xf32>,
        tpu.vector_store %arg7[%parallel_loop3A_200, %parallel_loop3A_201, %parallel_loop3A_202], %parallel_loop3A_199 {strides = array<i32>} : memref<2x128x128xf32, #tpu.memory_space<vmem>>, vector<16xf32>,
        %parallel_loop3A_204 = arith.constant 4 : i32
        %parallel_loop3A_205 = vector.broadcast %parallel_loop3A_204 : i32 to vector<16xi32>
        %parallel_loop3A_206 = arith.addi %parallel_loop3A_119, %parallel_loop3A_205 : vector<16xi32>
        %parallel_loop3A_207 = arith.constant 0 : i32
        %parallel_loop3A_208 = arith.constant 0 : i32
        %parallel_loop3A_209 = tpu.memref_slice %arg6[%rem3A_77, %parallel_loop3A_207, %parallel_loop3A_208] : memref<2x8x128xi32, #tpu.memory_space<vmem>> -> memref<1x8x128xi32, #tpu.memory_space<vmem>>
        %parallel_loop3A_210 = tpu.memref_squeeze %parallel_loop3A_209 : memref<1x8x128xi32, #tpu.memory_space<vmem>> -> memref<8x128xi32, #tpu.memory_space<vmem>>
        %parallel_loop3A_211 = tpu.vector_load_idx %parallel_loop3A_210[%parallel_loop3A_116, %parallel_loop3A_206] : memref<8x128xi32, #tpu.memory_space<vmem>>[vector<16xi32>, vector<16xi32>], vector<16xi32>,
        %parallel_loop3A_212 = arith.constant 3 : i32
        %parallel_loop3A_213 = vector.broadcast %parallel_loop3A_212 : i32 to vector<16xi32>
        %parallel_loop3A_214 = arith.shrsi %parallel_loop3A_211, %parallel_loop3A_213 : vector<16xi32>
        %parallel_loop3A_215 = arith.constant 4 : i32
        %parallel_loop3A_216 = vector.broadcast %parallel_loop3A_215 : i32 to vector<16xi32>
        %parallel_loop3A_217 = arith.shli %parallel_loop3A_211, %parallel_loop3A_216 : vector<16xi32>
        %parallel_loop3A_218 = arith.andi %parallel_loop3A_217, %broadcast_in_dim3A_3 : vector<16xi32>
        %parallel_loop3A_219 = arith.addi %parallel_loop3A_218, %iota3A : vector<16xi32>
        %parallel_loop3A_220 = tpu.vector_load_idx %arg5[%parallel_loop3A_214, %parallel_loop3A_219] : memref<128x128xf32, #tpu.memory_space<vmem>>[vector<16xi32>, vector<16xi32>], vector<16xf32>,
        %parallel_loop3A_221 = arith.index_cast %rem3A_77 : i32 to index
        %parallel_loop3A_222 = arith.index_cast %parallel_loop3A_111 : i32 to index
        %parallel_loop3A_223 = arith.constant 64 : index
        %parallel_loop3A_224 = tpu.vector_load %arg7[%parallel_loop3A_221, %parallel_loop3A_222, %parallel_loop3A_223] {strides = array<i32>} : memref<2x128x128xf32, #tpu.memory_space<vmem>>, vector<16xf32>,
        tpu.vector_store %arg7[%parallel_loop3A_221, %parallel_loop3A_222, %parallel_loop3A_223], %parallel_loop3A_220 {strides = array<i32>} : memref<2x128x128xf32, #tpu.memory_space<vmem>>, vector<16xf32>,
        %parallel_loop3A_225 = arith.constant 5 : i32
        %parallel_loop3A_226 = vector.broadcast %parallel_loop3A_225 : i32 to vector<16xi32>
        %parallel_loop3A_227 = arith.addi %parallel_loop3A_119, %parallel_loop3A_226 : vector<16xi32>
        %parallel_loop3A_228 = arith.constant 0 : i32
        %parallel_loop3A_229 = arith.constant 0 : i32
        %parallel_loop3A_230 = tpu.memref_slice %arg6[%rem3A_77, %parallel_loop3A_228, %parallel_loop3A_229] : memref<2x8x128xi32, #tpu.memory_space<vmem>> -> memref<1x8x128xi32, #tpu.memory_space<vmem>>
        %parallel_loop3A_231 = tpu.memref_squeeze %parallel_loop3A_230 : memref<1x8x128xi32, #tpu.memory_space<vmem>> -> memref<8x128xi32, #tpu.memory_space<vmem>>
        %parallel_loop3A_232 = tpu.vector_load_idx %parallel_loop3A_231[%parallel_loop3A_116, %parallel_loop3A_227] : memref<8x128xi32, #tpu.memory_space<vmem>>[vector<16xi32>, vector<16xi32>], vector<16xi32>,
        %parallel_loop3A_233 = arith.constant 3 : i32
        %parallel_loop3A_234 = vector.broadcast %parallel_loop3A_233 : i32 to vector<16xi32>
        %parallel_loop3A_235 = arith.shrsi %parallel_loop3A_232, %parallel_loop3A_234 : vector<16xi32>
        %parallel_loop3A_236 = arith.constant 4 : i32
        %parallel_loop3A_237 = vector.broadcast %parallel_loop3A_236 : i32 to vector<16xi32>
        %parallel_loop3A_238 = arith.shli %parallel_loop3A_232, %parallel_loop3A_237 : vector<16xi32>
        %parallel_loop3A_239 = arith.andi %parallel_loop3A_238, %broadcast_in_dim3A_3 : vector<16xi32>
        %parallel_loop3A_240 = arith.addi %parallel_loop3A_239, %iota3A : vector<16xi32>
        %parallel_loop3A_241 = tpu.vector_load_idx %arg5[%parallel_loop3A_235, %parallel_loop3A_240] : memref<128x128xf32, #tpu.memory_space<vmem>>[vector<16xi32>, vector<16xi32>], vector<16xf32>,
        %parallel_loop3A_242 = arith.index_cast %rem3A_77 : i32 to index
        %parallel_loop3A_243 = arith.index_cast %parallel_loop3A_111 : i32 to index
        %parallel_loop3A_244 = arith.constant 80 : index
        %parallel_loop3A_245 = tpu.vector_load %arg7[%parallel_loop3A_242, %parallel_loop3A_243, %parallel_loop3A_244] {strides = array<i32>} : memref<2x128x128xf32, #tpu.memory_space<vmem>>, vector<16xf32>,
        tpu.vector_store %arg7[%parallel_loop3A_242, %parallel_loop3A_243, %parallel_loop3A_244], %parallel_loop3A_241 {strides = array<i32>} : memref<2x128x128xf32, #tpu.memory_space<vmem>>, vector<16xf32>,
        %parallel_loop3A_246 = arith.constant 6 : i32
        %parallel_loop3A_247 = vector.broadcast %parallel_loop3A_246 : i32 to vector<16xi32>
        %parallel_loop3A_248 = arith.addi %parallel_loop3A_119, %parallel_loop3A_247 : vector<16xi32>
        %parallel_loop3A_249 = arith.constant 0 : i32
        %parallel_loop3A_250 = arith.constant 0 : i32
        %parallel_loop3A_251 = tpu.memref_slice %arg6[%rem3A_77, %parallel_loop3A_249, %parallel_loop3A_250] : memref<2x8x128xi32, #tpu.memory_space<vmem>> -> memref<1x8x128xi32, #tpu.memory_space<vmem>>
        %parallel_loop3A_252 = tpu.memref_squeeze %parallel_loop3A_251 : memref<1x8x128xi32, #tpu.memory_space<vmem>> -> memref<8x128xi32, #tpu.memory_space<vmem>>
        %parallel_loop3A_253 = tpu.vector_load_idx %parallel_loop3A_252[%parallel_loop3A_116, %parallel_loop3A_248] : memref<8x128xi32, #tpu.memory_space<vmem>>[vector<16xi32>, vector<16xi32>], vector<16xi32>,
        %parallel_loop3A_254 = arith.constant 3 : i32
        %parallel_loop3A_255 = vector.broadcast %parallel_loop3A_254 : i32 to vector<16xi32>
        %parallel_loop3A_256 = arith.shrsi %parallel_loop3A_253, %parallel_loop3A_255 : vector<16xi32>
        %parallel_loop3A_257 = arith.constant 4 : i32
        %parallel_loop3A_258 = vector.broadcast %parallel_loop3A_257 : i32 to vector<16xi32>
        %parallel_loop3A_259 = arith.shli %parallel_loop3A_253, %parallel_loop3A_258 : vector<16xi32>
        %parallel_loop3A_260 = arith.andi %parallel_loop3A_259, %broadcast_in_dim3A_3 : vector<16xi32>
        %parallel_loop3A_261 = arith.addi %parallel_loop3A_260, %iota3A : vector<16xi32>
        %parallel_loop3A_262 = tpu.vector_load_idx %arg5[%parallel_loop3A_256, %parallel_loop3A_261] : memref<128x128xf32, #tpu.memory_space<vmem>>[vector<16xi32>, vector<16xi32>], vector<16xf32>,
        %parallel_loop3A_263 = arith.index_cast %rem3A_77 : i32 to index
        %parallel_loop3A_264 = arith.index_cast %parallel_loop3A_111 : i32 to index
        %parallel_loop3A_265 = arith.constant 96 : index
        %parallel_loop3A_266 = tpu.vector_load %arg7[%parallel_loop3A_263, %parallel_loop3A_264, %parallel_loop3A_265] {strides = array<i32>} : memref<2x128x128xf32, #tpu.memory_space<vmem>>, vector<16xf32>,
        tpu.vector_store %arg7[%parallel_loop3A_263, %parallel_loop3A_264, %parallel_loop3A_265], %parallel_loop3A_262 {strides = array<i32>} : memref<2x128x128xf32, #tpu.memory_space<vmem>>, vector<16xf32>,
        %parallel_loop3A_267 = arith.constant 7 : i32
        %parallel_loop3A_268 = vector.broadcast %parallel_loop3A_267 : i32 to vector<16xi32>
        %parallel_loop3A_269 = arith.addi %parallel_loop3A_119, %parallel_loop3A_268 : vector<16xi32>
        %parallel_loop3A_270 = arith.constant 0 : i32
        %parallel_loop3A_271 = arith.constant 0 : i32
        %parallel_loop3A_272 = tpu.memref_slice %arg6[%rem3A_77, %parallel_loop3A_270, %parallel_loop3A_271] : memref<2x8x128xi32, #tpu.memory_space<vmem>> -> memref<1x8x128xi32, #tpu.memory_space<vmem>>
        %parallel_loop3A_273 = tpu.memref_squeeze %parallel_loop3A_272 : memref<1x8x128xi32, #tpu.memory_space<vmem>> -> memref<8x128xi32, #tpu.memory_space<vmem>>
        %parallel_loop3A_274 = tpu.vector_load_idx %parallel_loop3A_273[%parallel_loop3A_116, %parallel_loop3A_269] : memref<8x128xi32, #tpu.memory_space<vmem>>[vector<16xi32>, vector<16xi32>], vector<16xi32>,
        %parallel_loop3A_275 = arith.constant 3 : i32
        %parallel_loop3A_276 = vector.broadcast %parallel_loop3A_275 : i32 to vector<16xi32>
        %parallel_loop3A_277 = arith.shrsi %parallel_loop3A_274, %parallel_loop3A_276 : vector<16xi32>
        %parallel_loop3A_278 = arith.constant 4 : i32
        %parallel_loop3A_279 = vector.broadcast %parallel_loop3A_278 : i32 to vector<16xi32>
        %parallel_loop3A_280 = arith.shli %parallel_loop3A_274, %parallel_loop3A_279 : vector<16xi32>
        %parallel_loop3A_281 = arith.andi %parallel_loop3A_280, %broadcast_in_dim3A_3 : vector<16xi32>
        %parallel_loop3A_282 = arith.addi %parallel_loop3A_281, %iota3A : vector<16xi32>
        %parallel_loop3A_283 = tpu.vector_load_idx %arg5[%parallel_loop3A_277, %parallel_loop3A_282] : memref<128x128xf32, #tpu.memory_space<vmem>>[vector<16xi32>, vector<16xi32>], vector<16xf32>,
        %parallel_loop3A_284 = arith.index_cast %rem3A_77 : i32 to index
        %parallel_loop3A_285 = arith.index_cast %parallel_loop3A_111 : i32 to index
        %parallel_loop3A_286 = arith.constant 112 : index
        %parallel_loop3A_287 = tpu.vector_load %arg7[%parallel_loop3A_284, %parallel_loop3A_285, %parallel_loop3A_286] {strides = array<i32>} : memref<2x128x128xf32, #tpu.memory_space<vmem>>, vector<16xf32>,
        tpu.vector_store %arg7[%parallel_loop3A_284, %parallel_loop3A_285, %parallel_loop3A_286], %parallel_loop3A_283 {strides = array<i32>} : memref<2x128x128xf32, #tpu.memory_space<vmem>>, vector<16xf32>,
      } {sc.loop_unroll_factor = 4 : i64, sc.parallel_access}
      %dma_start3A_88 = arith.constant 0 : i32
      %dma_start3A_89 = arith.constant 0 : i32
      %dma_start3A_90 = tpu.memref_slice %arg7[%rem3A_77, %dma_start3A_88, %dma_start3A_89] : memref<2x128x128xf32, #tpu.memory_space<vmem>> -> memref<1x128x128xf32, #tpu.memory_space<vmem>>
      %dma_start3A_91 = tpu.memref_squeeze %dma_start3A_90 : memref<1x128x128xf32, #tpu.memory_space<vmem>> -> memref<128x128xf32, #tpu.memory_space<vmem>>
      %dma_start3A_92 = arith.constant 0 : i32
      %dma_start3A_93 = arith.constant 0 : i32
      %dma_start3A_94 = tpu.memref_slice %arg4[%add3A_76, %dma_start3A_92, %dma_start3A_93] : memref<1024x128x128xf32, #tpu.memory_space<hbm>> -> memref<1x128x128xf32, #tpu.memory_space<hbm>>
      %dma_start3A_95 = tpu.memref_squeeze %dma_start3A_94 : memref<1x128x128xf32, #tpu.memory_space<hbm>> -> memref<128x128xf32, #tpu.memory_space<hbm>>
      %dma_start3A_96 = arith.constant 0 : i32
      %dma_start3A_97 = arith.constant 0 : i32
      %dma_start3A_98 = tpu.memref_slice %arg4[%add3A_76, %dma_start3A_96, %dma_start3A_97] : memref<1024x128x128xf32, #tpu.memory_space<hbm>> -> memref<1x128x128xf32, #tpu.memory_space<hbm>>
      %dma_start3A_99 = tpu.memref_squeeze %dma_start3A_98 : memref<1x128x128xf32, #tpu.memory_space<hbm>> -> memref<128x128xf32, #tpu.memory_space<hbm>>
      %dma_start3A_100 = arith.constant 0 : i32
      %dma_start3A_101 = arith.constant 0 : i32
      %dma_start3A_102 = tpu.memref_slice %arg7[%rem3A_77, %dma_start3A_100, %dma_start3A_101] : memref<2x128x128xf32, #tpu.memory_space<vmem>> -> memref<1x128x128xf32, #tpu.memory_space<vmem>>
      %dma_start3A_103 = tpu.memref_squeeze %dma_start3A_102 : memref<1x128x128xf32, #tpu.memory_space<vmem>> -> memref<128x128xf32, #tpu.memory_space<vmem>>
      tpu.enqueue_dma source(%dma_start3A_103 : memref<128x128xf32, #tpu.memory_space<vmem>>) target(%dma_start3A_99 : memref<128x128xf32, #tpu.memory_space<hbm>>) target_semaphore(%arg8 : memref<!tpu.dma_semaphore, #tpu.memory_space<semaphore_mem>>)
      %add3A_104 = arith.constant 1 : i32
      %add3A_105 = arith.addi %scan3A_75, %add3A_104 : i32
      %lt3A_106 = arith.constant 32 : i32
      %lt3A_107 = arith.cmpi slt, %add3A_105, %lt3A_106 : i32
      %convert_element_type3A_108 = arith.extui %lt3A_107 : i1 to i32
      %cond3A_109 = arith.constant 0 : i32
      %cond3A_110 = arith.cmpi ne, %convert_element_type3A_108, %cond3A_109 : i32
      scf.if %cond3A_110 {
        %sub3A = arith.constant 1 : i32
        %sub3A_111 = arith.subi %sub3A, %rem3A_77 : i32
        %dma_wait3A_112 = arith.constant 0 : i32
        %dma_wait3A_113 = arith.constant 0 : i32
        %dma_wait3A_114 = tpu.memref_slice %arg6[%sub3A_111, %dma_wait3A_112, %dma_wait3A_113] : memref<2x8x128xi32, #tpu.memory_space<vmem>> -> memref<1x8x128xi32, #tpu.memory_space<vmem>>
        %dma_wait3A_115 = tpu.memref_squeeze %dma_wait3A_114 : memref<1x8x128xi32, #tpu.memory_space<vmem>> -> memref<8x128xi32, #tpu.memory_space<vmem>>
        %dma_wait3A_116 = arith.constant 0 : i32
        %dma_wait3A_117 = arith.constant 0 : i32
        %dma_wait3A_118 = tpu.memref_slice %arg3[%add3A_76, %dma_wait3A_116, %dma_wait3A_117] : memref<1024x8x128xi32, #tpu.memory_space<hbm>> -> memref<1x8x128xi32, #tpu.memory_space<hbm>>
        %dma_wait3A_119 = tpu.memref_squeeze %dma_wait3A_118 : memref<1x8x128xi32, #tpu.memory_space<hbm>> -> memref<8x128xi32, #tpu.memory_space<hbm>>
        %dma_wait3A_120 = arith.constant 0 : i32
        %dma_wait3A_121 = arith.constant 0 : i32
        %dma_wait3A_122 = tpu.memref_slice %arg6[%sub3A_111, %dma_wait3A_120, %dma_wait3A_121] : memref<2x8x128xi32, #tpu.memory_space<vmem>> -> memref<1x8x128xi32, #tpu.memory_space<vmem>>
        %dma_wait3A_123 = tpu.memref_squeeze %dma_wait3A_122 : memref<1x8x128xi32, #tpu.memory_space<vmem>> -> memref<8x128xi32, #tpu.memory_space<vmem>>
        %dma_wait3A_124 = arith.constant 0 : i32
        %dma_wait3A_125 = arith.constant 0 : i32
        %dma_wait3A_126 = tpu.memref_slice %arg3[%add3A_76, %dma_wait3A_124, %dma_wait3A_125] : memref<1024x8x128xi32, #tpu.memory_space<hbm>> -> memref<1x8x128xi32, #tpu.memory_space<hbm>>
        %dma_wait3A_127 = tpu.memref_squeeze %dma_wait3A_126 : memref<1x8x128xi32, #tpu.memory_space<hbm>> -> memref<8x128xi32, #tpu.memory_space<hbm>>
        tpu.wait_dma2 semaphore(%arg9 : memref<!tpu.dma_semaphore, #tpu.memory_space<semaphore_mem>>) src(%dma_wait3A_127 : memref<8x128xi32, #tpu.memory_space<hbm>>) dst(%dma_wait3A_123 : memref<8x128xi32, #tpu.memory_space<vmem>>)
      } else {
      }
    }
    %scan3A_40 = arith.constant 32 : i32
    %dma_wait3A_41 = arith.constant 0 : i32
    %dma_wait3A_42 = arith.constant 0 : i32
    %dma_wait3A_43 = arith.constant 0 : i32
    %dma_wait3A_44 = tpu.memref_slice %arg7[%dma_wait3A_41, %dma_wait3A_42, %dma_wait3A_43] : memref<2x128x128xf32, #tpu.memory_space<vmem>> -> memref<1x128x128xf32, #tpu.memory_space<vmem>>
    %dma_wait3A_45 = tpu.memref_squeeze %dma_wait3A_44 : memref<1x128x128xf32, #tpu.memory_space<vmem>> -> memref<128x128xf32, #tpu.memory_space<vmem>>
    %dma_wait3A_46 = arith.constant 0 : i32
    %dma_wait3A_47 = arith.constant 0 : i32
    %dma_wait3A_48 = tpu.memref_slice %arg4[%mul3A_2, %dma_wait3A_46, %dma_wait3A_47] : memref<1024x128x128xf32, #tpu.memory_space<hbm>> -> memref<1x128x128xf32, #tpu.memory_space<hbm>>
    %dma_wait3A_49 = tpu.memref_squeeze %dma_wait3A_48 : memref<1x128x128xf32, #tpu.memory_space<hbm>> -> memref<128x128xf32, #tpu.memory_space<hbm>>
    %dma_wait3A_50 = arith.constant 0 : i32
    %dma_wait3A_51 = arith.constant 0 : i32
    %dma_wait3A_52 = tpu.memref_slice %arg4[%mul3A_2, %dma_wait3A_50, %dma_wait3A_51] : memref<1024x128x128xf32, #tpu.memory_space<hbm>> -> memref<1x128x128xf32, #tpu.memory_space<hbm>>
    %dma_wait3A_53 = tpu.memref_squeeze %dma_wait3A_52 : memref<1x128x128xf32, #tpu.memory_space<hbm>> -> memref<128x128xf32, #tpu.memory_space<hbm>>
    %dma_wait3A_54 = arith.constant 0 : i32
    %dma_wait3A_55 = arith.constant 0 : i32
    %dma_wait3A_56 = tpu.memref_slice %arg7[%dma_wait3A_41, %dma_wait3A_54, %dma_wait3A_55] : memref<2x128x128xf32, #tpu.memory_space<vmem>> -> memref<1x128x128xf32, #tpu.memory_space<vmem>>
    %dma_wait3A_57 = tpu.memref_squeeze %dma_wait3A_56 : memref<1x128x128xf32, #tpu.memory_space<vmem>> -> memref<128x128xf32, #tpu.memory_space<vmem>>
    tpu.wait_dma2 semaphore(%arg8 : memref<!tpu.dma_semaphore, #tpu.memory_space<semaphore_mem>>) src(%dma_wait3A_57 : memref<128x128xf32, #tpu.memory_space<vmem>>) dst(%dma_wait3A_53 : memref<128x128xf32, #tpu.memory_space<hbm>>)
    %dma_wait3A_58 = arith.constant 0 : i32
    %dma_wait3A_59 = arith.constant 0 : i32
    %dma_wait3A_60 = arith.constant 0 : i32
    %dma_wait3A_61 = tpu.memref_slice %arg7[%dma_wait3A_58, %dma_wait3A_59, %dma_wait3A_60] : memref<2x128x128xf32, #tpu.memory_space<vmem>> -> memref<1x128x128xf32, #tpu.memory_space<vmem>>
    %dma_wait3A_62 = tpu.memref_squeeze %dma_wait3A_61 : memref<1x128x128xf32, #tpu.memory_space<vmem>> -> memref<128x128xf32, #tpu.memory_space<vmem>>
    %dma_wait3A_63 = arith.constant 0 : i32
    %dma_wait3A_64 = arith.constant 0 : i32
    %dma_wait3A_65 = tpu.memref_slice %arg4[%mul3A_2, %dma_wait3A_63, %dma_wait3A_64] : memref<1024x128x128xf32, #tpu.memory_space<hbm>> -> memref<1x128x128xf32, #tpu.memory_space<hbm>>
    %dma_wait3A_66 = tpu.memref_squeeze %dma_wait3A_65 : memref<1x128x128xf32, #tpu.memory_space<hbm>> -> memref<128x128xf32, #tpu.memory_space<hbm>>
    %dma_wait3A_67 = arith.constant 0 : i32
    %dma_wait3A_68 = arith.constant 0 : i32
    %dma_wait3A_69 = tpu.memref_slice %arg4[%mul3A_2, %dma_wait3A_67, %dma_wait3A_68] : memref<1024x128x128xf32, #tpu.memory_space<hbm>> -> memref<1x128x128xf32, #tpu.memory_space<hbm>>
    %dma_wait3A_70 = tpu.memref_squeeze %dma_wait3A_69 : memref<1x128x128xf32, #tpu.memory_space<hbm>> -> memref<128x128xf32, #tpu.memory_space<hbm>>
    %dma_wait3A_71 = arith.constant 0 : i32
    %dma_wait3A_72 = arith.constant 0 : i32
    %dma_wait3A_73 = tpu.memref_slice %arg7[%dma_wait3A_58, %dma_wait3A_71, %dma_wait3A_72] : memref<2x128x128xf32, #tpu.memory_space<vmem>> -> memref<1x128x128xf32, #tpu.memory_space<vmem>>
    %dma_wait3A_74 = tpu.memref_squeeze %dma_wait3A_73 : memref<1x128x128xf32, #tpu.memory_space<vmem>> -> memref<128x128xf32, #tpu.memory_space<vmem>>
    tpu.wait_dma2 semaphore(%arg8 : memref<!tpu.dma_semaphore, #tpu.memory_space<semaphore_mem>>) src(%dma_wait3A_74 : memref<128x128xf32, #tpu.memory_space<vmem>>) dst(%dma_wait3A_70 : memref<128x128xf32, #tpu.memory_space<hbm>>)
    return
  }
}

#map = affine_map<(d0, d1) -> (0, 0)>
#map1 = affine_map<(d0, d1) -> (0, 0, 0)>
module attributes {stable_mosaic.version = 14 : i64} {
  func.func @_sc_gather_body(%arg0: i32, %arg1: i32, %arg2: memref<128x128xf32, #tpu.memory_space<hbm>>, %arg3: memref<1024x8x128xi32, #tpu.memory_space<hbm>>, %arg4: memref<1024x128x128xf32, #tpu.memory_space<hbm>>, %arg5: memref<128x128xf32, #tpu.memory_space<vmem>>, %arg6: memref<2x8x128xi32, #tpu.memory_space<vmem>>, %arg7: memref<2x128x128xf32, #tpu.memory_space<vmem>>, %arg8: memref<!tpu.dma_semaphore, #tpu.memory_space<semaphore_mem>>, %arg9: memref<!tpu.dma_semaphore, #tpu.memory_space<semaphore_mem>>) attributes {dimension_semantics = [#tpu.dimension_semantics<core_parallel>, #tpu.dimension_semantics<subcore_parallel>], iteration_bounds = array<i64: 2, 16>, scalar_prefetch = 0 : i64, scratch_operands = 5 : i64, tpu.core_type = #tpu.core_type<sc_vector_subcore>, window_params = [{transform_indices = #map}, {transform_indices = #map1}, {transform_indices = #map1}]} {
    %mul3A = arith.constant 2 : i32
    %mul3A_0 = arith.muli %arg1, %mul3A : i32
    %add3A = arith.addi %mul3A_0, %arg0 : i32
    %mul3A_1 = arith.constant 32 : i32
    %mul3A_2 = arith.muli %add3A, %mul3A_1 : i32
    "tpu.region"() ({
      %run_scoped3A = tpu.sem_alloc : memref<!tpu.dma_semaphore, #tpu.memory_space<semaphore_mem>>
      tpu.enqueue_dma source(%arg2 : memref<128x128xf32, #tpu.memory_space<hbm>>) target(%arg5 : memref<128x128xf32, #tpu.memory_space<vmem>>) target_semaphore(%run_scoped3A : memref<!tpu.dma_semaphore, #tpu.memory_space<semaphore_mem>>)
      tpu.wait_dma2 semaphore(%run_scoped3A : memref<!tpu.dma_semaphore, #tpu.memory_space<semaphore_mem>>) src(%arg2 : memref<128x128xf32, #tpu.memory_space<hbm>>) dst(%arg5 : memref<128x128xf32, #tpu.memory_space<vmem>>)
      tpu.yield
    }) : () -> ()
    %iota3A = tpu.iota {dimensions = array<i32: 0>} : vector<16xi32>
    %broadcast_in_dim3A = arith.constant 127 : i32
    %broadcast_in_dim3A_3 = vector.broadcast %broadcast_in_dim3A : i32 to vector<16xi32>
    %dma_start3A = arith.constant 0 : i32
    %dma_start3A_4 = arith.constant 0 : i32
    %dma_start3A_5 = arith.constant 0 : i32
    %dma_start3A_6 = tpu.memref_slice %arg6[%dma_start3A, %dma_start3A_4, %dma_start3A_5] : memref<2x8x128xi32, #tpu.memory_space<vmem>> -> memref<1x8x128xi32, #tpu.memory_space<vmem>>
    %dma_start3A_7 = tpu.memref_squeeze %dma_start3A_6 : memref<1x8x128xi32, #tpu.memory_space<vmem>> -> memref<8x128xi32, #tpu.memory_space<vmem>>
    %dma_start3A_8 = arith.constant 0 : i32
    %dma_start3A_9 = arith.constant 0 : i32
    %dma_start3A_10 = tpu.memref_slice %arg3[%mul3A_2, %dma_start3A_8, %dma_start3A_9] : memref<1024x8x128xi32, #tpu.memory_space<hbm>> -> memref<1x8x128xi32, #tpu.memory_space<hbm>>
    %dma_start3A_11 = tpu.memref_squeeze %dma_start3A_10 : memref<1x8x128xi32, #tpu.memory_space<hbm>> -> memref<8x128xi32, #tpu.memory_space<hbm>>
    %dma_start3A_12 = arith.constant 0 : i32
    %dma_start3A_13 = arith.constant 0 : i32
    %dma_start3A_14 = tpu.memref_slice %arg6[%dma_start3A, %dma_start3A_12, %dma_start3A_13] : memref<2x8x128xi32, #tpu.memory_space<vmem>> -> memref<1x8x128xi32, #tpu.memory_space<vmem>>
    %dma_start3A_15 = tpu.memref_squeeze %dma_start3A_14 : memref<1x8x128xi32, #tpu.memory_space<vmem>> -> memref<8x128xi32, #tpu.memory_space<vmem>>
    %dma_start3A_16 = arith.constant 0 : i32
    %dma_start3A_17 = arith.constant 0 : i32
    %dma_start3A_18 = tpu.memref_slice %arg3[%mul3A_2, %dma_start3A_16, %dma_start3A_17] : memref<1024x8x128xi32, #tpu.memory_space<hbm>> -> memref<1x8x128xi32, #tpu.memory_space<hbm>>
    %dma_start3A_19 = tpu.memref_squeeze %dma_start3A_18 : memref<1x8x128xi32, #tpu.memory_space<hbm>> -> memref<8x128xi32, #tpu.memory_space<hbm>>
    tpu.enqueue_dma source(%dma_start3A_19 : memref<8x128xi32, #tpu.memory_space<hbm>>) target(%dma_start3A_15 : memref<8x128xi32, #tpu.memory_space<vmem>>) target_semaphore(%arg9 : memref<!tpu.dma_semaphore, #tpu.memory_space<semaphore_mem>>)
    %dma_wait3A = arith.constant 0 : i32
    %dma_wait3A_20 = arith.constant 0 : i32
    %dma_wait3A_21 = arith.constant 0 : i32
    %dma_wait3A_22 = tpu.memref_slice %arg6[%dma_wait3A, %dma_wait3A_20, %dma_wait3A_21] : memref<2x8x128xi32, #tpu.memory_space<vmem>> -> memref<1x8x128xi32, #tpu.memory_space<vmem>>
    %dma_wait3A_23 = tpu.memref_squeeze %dma_wait3A_22 : memref<1x8x128xi32, #tpu.memory_space<vmem>> -> memref<8x128xi32, #tpu.memory_space<vmem>>
    %dma_wait3A_24 = arith.constant 0 : i32
    %dma_wait3A_25 = arith.constant 0 : i32
    %dma_wait3A_26 = tpu.memref_slice %arg3[%mul3A_2, %dma_wait3A_24, %dma_wait3A_25] : memref<1024x8x128xi32, #tpu.memory_space<hbm>> -> memref<1x8x128xi32, #tpu.memory_space<hbm>>
    %dma_wait3A_27 = tpu.memref_squeeze %dma_wait3A_26 : memref<1x8x128xi32, #tpu.memory_space<hbm>> -> memref<8x128xi32, #tpu.memory_space<hbm>>
    %dma_wait3A_28 = arith.constant 0 : i32
    %dma_wait3A_29 = arith.constant 0 : i32
    %dma_wait3A_30 = tpu.memref_slice %arg6[%dma_wait3A, %dma_wait3A_28, %dma_wait3A_29] : memref<2x8x128xi32, #tpu.memory_space<vmem>> -> memref<1x8x128xi32, #tpu.memory_space<vmem>>
    %dma_wait3A_31 = tpu.memref_squeeze %dma_wait3A_30 : memref<1x8x128xi32, #tpu.memory_space<vmem>> -> memref<8x128xi32, #tpu.memory_space<vmem>>
    %dma_wait3A_32 = arith.constant 0 : i32
    %dma_wait3A_33 = arith.constant 0 : i32
    %dma_wait3A_34 = tpu.memref_slice %arg3[%mul3A_2, %dma_wait3A_32, %dma_wait3A_33] : memref<1024x8x128xi32, #tpu.memory_space<hbm>> -> memref<1x8x128xi32, #tpu.memory_space<hbm>>
    %dma_wait3A_35 = tpu.memref_squeeze %dma_wait3A_34 : memref<1x8x128xi32, #tpu.memory_space<hbm>> -> memref<8x128xi32, #tpu.memory_space<hbm>>
    tpu.wait_dma2 semaphore(%arg9 : memref<!tpu.dma_semaphore, #tpu.memory_space<semaphore_mem>>) src(%dma_wait3A_35 : memref<8x128xi32, #tpu.memory_space<hbm>>) dst(%dma_wait3A_31 : memref<8x128xi32, #tpu.memory_space<vmem>>)
    %scan3A = arith.constant 0 : i32
    %scan3A_36 = arith.constant 0 : i32
    %scan3A_37 = arith.constant 32 : i32
    %scan3A_38 = arith.addi %scan3A_36, %scan3A_37 : i32
    %scan3A_39 = arith.constant 1 : i32
    scf.for %scan3A_75 = %scan3A_36 to %scan3A_38 step %scan3A_39  : i32 {
      %add3A_76 = arith.addi %mul3A_2, %scan3A_75 : i32
      %rem3A = arith.constant 2 : i32
      %rem3A_77 = arith.remsi %scan3A_75, %rem3A : i32
      %add3A_78 = arith.constant 1 : i32
      %add3A_79 = arith.addi %scan3A_75, %add3A_78 : i32
      %lt3A = arith.constant 32 : i32
      %lt3A_80 = arith.cmpi slt, %add3A_79, %lt3A : i32
      %convert_element_type3A = arith.extui %lt3A_80 : i1 to i32
      %cond3A = arith.constant 0 : i32
      %cond3A_81 = arith.cmpi ne, %convert_element_type3A, %cond3A : i32
      scf.if %cond3A_81 {
        %add3A_111 = arith.constant 1 : i32
        %add3A_112 = arith.addi %add3A_76, %add3A_111 : i32
        %sub3A = arith.constant 1 : i32
        %sub3A_113 = arith.subi %sub3A, %rem3A_77 : i32
        %dma_start3A_114 = arith.constant 0 : i32
        %dma_start3A_115 = arith.constant 0 : i32
        %dma_start3A_116 = tpu.memref_slice %arg6[%sub3A_113, %dma_start3A_114, %dma_start3A_115] : memref<2x8x128xi32, #tpu.memory_space<vmem>> -> memref<1x8x128xi32, #tpu.memory_space<vmem>>
        %dma_start3A_117 = tpu.memref_squeeze %dma_start3A_116 : memref<1x8x128xi32, #tpu.memory_space<vmem>> -> memref<8x128xi32, #tpu.memory_space<vmem>>
        %dma_start3A_118 = arith.constant 0 : i32
        %dma_start3A_119 = arith.constant 0 : i32
        %dma_start3A_120 = tpu.memref_slice %arg3[%add3A_112, %dma_start3A_118, %dma_start3A_119] : memref<1024x8x128xi32, #tpu.memory_space<hbm>> -> memref<1x8x128xi32, #tpu.memory_space<hbm>>
        %dma_start3A_121 = tpu.memref_squeeze %dma_start3A_120 : memref<1x8x128xi32, #tpu.memory_space<hbm>> -> memref<8x128xi32, #tpu.memory_space<hbm>>
        %dma_start3A_122 = arith.constant 0 : i32
        %dma_start3A_123 = arith.constant 0 : i32
        %dma_start3A_124 = tpu.memref_slice %arg6[%sub3A_113, %dma_start3A_122, %dma_start3A_123] : memref<2x8x128xi32, #tpu.memory_space<vmem>> -> memref<1x8x128xi32, #tpu.memory_space<vmem>>
        %dma_start3A_125 = tpu.memref_squeeze %dma_start3A_124 : memref<1x8x128xi32, #tpu.memory_space<vmem>> -> memref<8x128xi32, #tpu.memory_space<vmem>>
        %dma_start3A_126 = arith.constant 0 : i32
        %dma_start3A_127 = arith.constant 0 : i32
        %dma_start3A_128 = tpu.memref_slice %arg3[%add3A_112, %dma_start3A_126, %dma_start3A_127] : memref<1024x8x128xi32, #tpu.memory_space<hbm>> -> memref<1x8x128xi32, #tpu.memory_space<hbm>>
        %dma_start3A_129 = tpu.memref_squeeze %dma_start3A_128 : memref<1x8x128xi32, #tpu.memory_space<hbm>> -> memref<8x128xi32, #tpu.memory_space<hbm>>
        tpu.enqueue_dma source(%dma_start3A_129 : memref<8x128xi32, #tpu.memory_space<hbm>>) target(%dma_start3A_125 : memref<8x128xi32, #tpu.memory_space<vmem>>) target_semaphore(%arg9 : memref<!tpu.dma_semaphore, #tpu.memory_space<semaphore_mem>>)
      } else {
      }
      %ge3A = arith.constant 2 : i32
      %ge3A_82 = arith.cmpi sge, %scan3A_75, %ge3A : i32
      %convert_element_type3A_83 = arith.extui %ge3A_82 : i1 to i32
      %cond3A_84 = arith.constant 0 : i32
      %cond3A_85 = arith.cmpi ne, %convert_element_type3A_83, %cond3A_84 : i32
      scf.if %cond3A_85 {
        %dma_wait3A_111 = arith.constant 0 : i32
        %dma_wait3A_112 = arith.constant 0 : i32
        %dma_wait3A_113 = tpu.memref_slice %arg7[%rem3A_77, %dma_wait3A_111, %dma_wait3A_112] : memref<2x128x128xf32, #tpu.memory_space<vmem>> -> memref<1x128x128xf32, #tpu.memory_space<vmem>>
        %dma_wait3A_114 = tpu.memref_squeeze %dma_wait3A_113 : memref<1x128x128xf32, #tpu.memory_space<vmem>> -> memref<128x128xf32, #tpu.memory_space<vmem>>
        %dma_wait3A_115 = arith.constant 0 : i32
        %dma_wait3A_116 = arith.constant 0 : i32
        %dma_wait3A_117 = tpu.memref_slice %arg4[%mul3A_2, %dma_wait3A_115, %dma_wait3A_116] : memref<1024x128x128xf32, #tpu.memory_space<hbm>> -> memref<1x128x128xf32, #tpu.memory_space<hbm>>
        %dma_wait3A_118 = tpu.memref_squeeze %dma_wait3A_117 : memref<1x128x128xf32, #tpu.memory_space<hbm>> -> memref<128x128xf32, #tpu.memory_space<hbm>>
        %dma_wait3A_119 = arith.constant 0 : i32
        %dma_wait3A_120 = arith.constant 0 : i32
        %dma_wait3A_121 = tpu.memref_slice %arg4[%mul3A_2, %dma_wait3A_119, %dma_wait3A_120] : memref<1024x128x128xf32, #tpu.memory_space<hbm>> -> memref<1x128x128xf32, #tpu.memory_space<hbm>>
        %dma_wait3A_122 = tpu.memref_squeeze %dma_wait3A_121 : memref<1x128x128xf32, #tpu.memory_space<hbm>> -> memref<128x128xf32, #tpu.memory_space<hbm>>
        %dma_wait3A_123 = arith.constant 0 : i32
        %dma_wait3A_124 = arith.constant 0 : i32
        %dma_wait3A_125 = tpu.memref_slice %arg7[%rem3A_77, %dma_wait3A_123, %dma_wait3A_124] : memref<2x128x128xf32, #tpu.memory_space<vmem>> -> memref<1x128x128xf32, #tpu.memory_space<vmem>>
        %dma_wait3A_126 = tpu.memref_squeeze %dma_wait3A_125 : memref<1x128x128xf32, #tpu.memory_space<vmem>> -> memref<128x128xf32, #tpu.memory_space<vmem>>
        tpu.wait_dma2 semaphore(%arg8 : memref<!tpu.dma_semaphore, #tpu.memory_space<semaphore_mem>>) src(%dma_wait3A_126 : memref<128x128xf32, #tpu.memory_space<vmem>>) dst(%dma_wait3A_122 : memref<128x128xf32, #tpu.memory_space<hbm>>)
      } else {
      }
      %parallel_loop3A = arith.constant 0 : i32
      %parallel_loop3A_86 = arith.constant 128 : i32
      %parallel_loop3A_87 = arith.constant 1 : i32
      scf.for %parallel_loop3A_111 = %parallel_loop3A to %parallel_loop3A_86 step %parallel_loop3A_87  : i32 {
        %parallel_loop3A_112 = arith.constant 8 : i32
        %parallel_loop3A_113 = arith.muli %parallel_loop3A_111, %parallel_loop3A_112 : i32
        %parallel_loop3A_114 = arith.constant 7 : i32
        %parallel_loop3A_115 = arith.shrsi %parallel_loop3A_113, %parallel_loop3A_114 : i32
        %parallel_loop3A_116 = vector.broadcast %parallel_loop3A_115 : i32 to vector<16xi32>
        %parallel_loop3A_117 = arith.constant 127 : i32
        %parallel_loop3A_118 = arith.andi %parallel_loop3A_113, %parallel_loop3A_117 : i32
        %parallel_loop3A_119 = vector.broadcast %parallel_loop3A_118 : i32 to vector<16xi32>
        %parallel_loop3A_120 = arith.constant 0 : i32
        %parallel_loop3A_121 = vector.broadcast %parallel_loop3A_120 : i32 to vector<16xi32>
        %parallel_loop3A_122 = arith.addi %parallel_loop3A_119, %parallel_loop3A_121 : vector<16xi32>
        %parallel_loop3A_123 = arith.constant 0 : i32
        %parallel_loop3A_124 = arith.constant 0 : i32
        %parallel_loop3A_125 = tpu.memref_slice %arg6[%rem3A_77, %parallel_loop3A_123, %parallel_loop3A_124] : memref<2x8x128xi32, #tpu.memory_space<vmem>> -> memref<1x8x128xi32, #tpu.memory_space<vmem>>
        %parallel_loop3A_126 = tpu.memref_squeeze %parallel_loop3A_125 : memref<1x8x128xi32, #tpu.memory_space<vmem>> -> memref<8x128xi32, #tpu.memory_space<vmem>>
        %parallel_loop3A_127 = tpu.vector_load_idx %parallel_loop3A_126[%parallel_loop3A_116, %parallel_loop3A_122] : memref<8x128xi32, #tpu.memory_space<vmem>>[vector<16xi32>, vector<16xi32>], vector<16xi32>,
        %parallel_loop3A_128 = arith.constant 3 : i32
        %parallel_loop3A_129 = vector.broadcast %parallel_loop3A_128 : i32 to vector<16xi32>
        %parallel_loop3A_130 = arith.shrsi %parallel_loop3A_127, %parallel_loop3A_129 : vector<16xi32>
        %parallel_loop3A_131 = arith.constant 4 : i32
        %parallel_loop3A_132 = vector.broadcast %parallel_loop3A_131 : i32 to vector<16xi32>
        %parallel_loop3A_133 = arith.shli %parallel_loop3A_127, %parallel_loop3A_132 : vector<16xi32>
        %parallel_loop3A_134 = arith.andi %parallel_loop3A_133, %broadcast_in_dim3A_3 : vector<16xi32>
        %parallel_loop3A_135 = arith.addi %parallel_loop3A_134, %iota3A : vector<16xi32>
        %parallel_loop3A_136 = tpu.vector_load_idx %arg5[%parallel_loop3A_130, %parallel_loop3A_135] : memref<128x128xf32, #tpu.memory_space<vmem>>[vector<16xi32>, vector<16xi32>], vector<16xf32>,
        %parallel_loop3A_137 = arith.index_cast %rem3A_77 : i32 to index
        %parallel_loop3A_138 = arith.index_cast %parallel_loop3A_111 : i32 to index
        %parallel_loop3A_139 = arith.constant 0 : index
        %parallel_loop3A_140 = tpu.vector_load %arg7[%parallel_loop3A_137, %parallel_loop3A_138, %parallel_loop3A_139] {strides = array<i32>} : memref<2x128x128xf32, #tpu.memory_space<vmem>>, vector<16xf32>,
        tpu.vector_store %arg7[%parallel_loop3A_137, %parallel_loop3A_138, %parallel_loop3A_139], %parallel_loop3A_136 {strides = array<i32>} : memref<2x128x128xf32, #tpu.memory_space<vmem>>, vector<16xf32>,
        %parallel_loop3A_141 = arith.constant 1 : i32
        %parallel_loop3A_142 = vector.broadcast %parallel_loop3A_141 : i32 to vector<16xi32>
        %parallel_loop3A_143 = arith.addi %parallel_loop3A_119, %parallel_loop3A_142 : vector<16xi32>
        %parallel_loop3A_144 = arith.constant 0 : i32
        %parallel_loop3A_145 = arith.constant 0 : i32
        %parallel_loop3A_146 = tpu.memref_slice %arg6[%rem3A_77, %parallel_loop3A_144, %parallel_loop3A_145] : memref<2x8x128xi32, #tpu.memory_space<vmem>> -> memref<1x8x128xi32, #tpu.memory_space<vmem>>
        %parallel_loop3A_147 = tpu.memref_squeeze %parallel_loop3A_146 : memref<1x8x128xi32, #tpu.memory_space<vmem>> -> memref<8x128xi32, #tpu.memory_space<vmem>>
        %parallel_loop3A_148 = tpu.vector_load_idx %parallel_loop3A_147[%parallel_loop3A_116, %parallel_loop3A_143] : memref<8x128xi32, #tpu.memory_space<vmem>>[vector<16xi32>, vector<16xi32>], vector<16xi32>,
        %parallel_loop3A_149 = arith.constant 3 : i32
        %parallel_loop3A_150 = vector.broadcast %parallel_loop3A_149 : i32 to vector<16xi32>
        %parallel_loop3A_151 = arith.shrsi %parallel_loop3A_148, %parallel_loop3A_150 : vector<16xi32>
        %parallel_loop3A_152 = arith.constant 4 : i32
        %parallel_loop3A_153 = vector.broadcast %parallel_loop3A_152 : i32 to vector<16xi32>
        %parallel_loop3A_154 = arith.shli %parallel_loop3A_148, %parallel_loop3A_153 : vector<16xi32>
        %parallel_loop3A_155 = arith.andi %parallel_loop3A_154, %broadcast_in_dim3A_3 : vector<16xi32>
        %parallel_loop3A_156 = arith.addi %parallel_loop3A_155, %iota3A : vector<16xi32>
        %parallel_loop3A_157 = tpu.vector_load_idx %arg5[%parallel_loop3A_151, %parallel_loop3A_156] : memref<128x128xf32, #tpu.memory_space<vmem>>[vector<16xi32>, vector<16xi32>], vector<16xf32>,
        %parallel_loop3A_158 = arith.index_cast %rem3A_77 : i32 to index
        %parallel_loop3A_159 = arith.index_cast %parallel_loop3A_111 : i32 to index
        %parallel_loop3A_160 = arith.constant 16 : index
        %parallel_loop3A_161 = tpu.vector_load %arg7[%parallel_loop3A_158, %parallel_loop3A_159, %parallel_loop3A_160] {strides = array<i32>} : memref<2x128x128xf32, #tpu.memory_space<vmem>>, vector<16xf32>,
        tpu.vector_store %arg7[%parallel_loop3A_158, %parallel_loop3A_159, %parallel_loop3A_160], %parallel_loop3A_157 {strides = array<i32>} : memref<2x128x128xf32, #tpu.memory_space<vmem>>, vector<16xf32>,
        %parallel_loop3A_162 = arith.constant 2 : i32
        %parallel_loop3A_163 = vector.broadcast %parallel_loop3A_162 : i32 to vector<16xi32>
        %parallel_loop3A_164 = arith.addi %parallel_loop3A_119, %parallel_loop3A_163 : vector<16xi32>
        %parallel_loop3A_165 = arith.constant 0 : i32
        %parallel_loop3A_166 = arith.constant 0 : i32
        %parallel_loop3A_167 = tpu.memref_slice %arg6[%rem3A_77, %parallel_loop3A_165, %parallel_loop3A_166] : memref<2x8x128xi32, #tpu.memory_space<vmem>> -> memref<1x8x128xi32, #tpu.memory_space<vmem>>
        %parallel_loop3A_168 = tpu.memref_squeeze %parallel_loop3A_167 : memref<1x8x128xi32, #tpu.memory_space<vmem>> -> memref<8x128xi32, #tpu.memory_space<vmem>>
        %parallel_loop3A_169 = tpu.vector_load_idx %parallel_loop3A_168[%parallel_loop3A_116, %parallel_loop3A_164] : memref<8x128xi32, #tpu.memory_space<vmem>>[vector<16xi32>, vector<16xi32>], vector<16xi32>,
        %parallel_loop3A_170 = arith.constant 3 : i32
        %parallel_loop3A_171 = vector.broadcast %parallel_loop3A_170 : i32 to vector<16xi32>
        %parallel_loop3A_172 = arith.shrsi %parallel_loop3A_169, %parallel_loop3A_171 : vector<16xi32>
        %parallel_loop3A_173 = arith.constant 4 : i32
        %parallel_loop3A_174 = vector.broadcast %parallel_loop3A_173 : i32 to vector<16xi32>
        %parallel_loop3A_175 = arith.shli %parallel_loop3A_169, %parallel_loop3A_174 : vector<16xi32>
        %parallel_loop3A_176 = arith.andi %parallel_loop3A_175, %broadcast_in_dim3A_3 : vector<16xi32>
        %parallel_loop3A_177 = arith.addi %parallel_loop3A_176, %iota3A : vector<16xi32>
        %parallel_loop3A_178 = tpu.vector_load_idx %arg5[%parallel_loop3A_172, %parallel_loop3A_177] : memref<128x128xf32, #tpu.memory_space<vmem>>[vector<16xi32>, vector<16xi32>], vector<16xf32>,
        %parallel_loop3A_179 = arith.index_cast %rem3A_77 : i32 to index
        %parallel_loop3A_180 = arith.index_cast %parallel_loop3A_111 : i32 to index
        %parallel_loop3A_181 = arith.constant 32 : index
        %parallel_loop3A_182 = tpu.vector_load %arg7[%parallel_loop3A_179, %parallel_loop3A_180, %parallel_loop3A_181] {strides = array<i32>} : memref<2x128x128xf32, #tpu.memory_space<vmem>>, vector<16xf32>,
        tpu.vector_store %arg7[%parallel_loop3A_179, %parallel_loop3A_180, %parallel_loop3A_181], %parallel_loop3A_178 {strides = array<i32>} : memref<2x128x128xf32, #tpu.memory_space<vmem>>, vector<16xf32>,
        %parallel_loop3A_183 = arith.constant 3 : i32
        %parallel_loop3A_184 = vector.broadcast %parallel_loop3A_183 : i32 to vector<16xi32>
        %parallel_loop3A_185 = arith.addi %parallel_loop3A_119, %parallel_loop3A_184 : vector<16xi32>
        %parallel_loop3A_186 = arith.constant 0 : i32
        %parallel_loop3A_187 = arith.constant 0 : i32
        %parallel_loop3A_188 = tpu.memref_slice %arg6[%rem3A_77, %parallel_loop3A_186, %parallel_loop3A_187] : memref<2x8x128xi32, #tpu.memory_space<vmem>> -> memref<1x8x128xi32, #tpu.memory_space<vmem>>
        %parallel_loop3A_189 = tpu.memref_squeeze %parallel_loop3A_188 : memref<1x8x128xi32, #tpu.memory_space<vmem>> -> memref<8x128xi32, #tpu.memory_space<vmem>>
        %parallel_loop3A_190 = tpu.vector_load_idx %parallel_loop3A_189[%parallel_loop3A_116, %parallel_loop3A_185] : memref<8x128xi32, #tpu.memory_space<vmem>>[vector<16xi32>, vector<16xi32>], vector<16xi32>,
        %parallel_loop3A_191 = arith.constant 3 : i32
        %parallel_loop3A_192 = vector.broadcast %parallel_loop3A_191 : i32 to vector<16xi32>
        %parallel_loop3A_193 = arith.shrsi %parallel_loop3A_190, %parallel_loop3A_192 : vector<16xi32>
        %parallel_loop3A_194 = arith.constant 4 : i32
        %parallel_loop3A_195 = vector.broadcast %parallel_loop3A_194 : i32 to vector<16xi32>
        %parallel_loop3A_196 = arith.shli %parallel_loop3A_190, %parallel_loop3A_195 : vector<16xi32>
        %parallel_loop3A_197 = arith.andi %parallel_loop3A_196, %broadcast_in_dim3A_3 : vector<16xi32>
        %parallel_loop3A_198 = arith.addi %parallel_loop3A_197, %iota3A : vector<16xi32>
        %parallel_loop3A_199 = tpu.vector_load_idx %arg5[%parallel_loop3A_193, %parallel_loop3A_198] : memref<128x128xf32, #tpu.memory_space<vmem>>[vector<16xi32>, vector<16xi32>], vector<16xf32>,
        %parallel_loop3A_200 = arith.index_cast %rem3A_77 : i32 to index
        %parallel_loop3A_201 = arith.index_cast %parallel_loop3A_111 : i32 to index
        %parallel_loop3A_202 = arith.constant 48 : index
        %parallel_loop3A_203 = tpu.vector_load %arg7[%parallel_loop3A_200, %parallel_loop3A_201, %parallel_loop3A_202] {strides = array<i32>} : memref<2x128x128xf32, #tpu.memory_space<vmem>>, vector<16xf32>,
        tpu.vector_store %arg7[%parallel_loop3A_200, %parallel_loop3A_201, %parallel_loop3A_202], %parallel_loop3A_199 {strides = array<i32>} : memref<2x128x128xf32, #tpu.memory_space<vmem>>, vector<16xf32>,
        %parallel_loop3A_204 = arith.constant 4 : i32
        %parallel_loop3A_205 = vector.broadcast %parallel_loop3A_204 : i32 to vector<16xi32>
        %parallel_loop3A_206 = arith.addi %parallel_loop3A_119, %parallel_loop3A_205 : vector<16xi32>
        %parallel_loop3A_207 = arith.constant 0 : i32
        %parallel_loop3A_208 = arith.constant 0 : i32
        %parallel_loop3A_209 = tpu.memref_slice %arg6[%rem3A_77, %parallel_loop3A_207, %parallel_loop3A_208] : memref<2x8x128xi32, #tpu.memory_space<vmem>> -> memref<1x8x128xi32, #tpu.memory_space<vmem>>
        %parallel_loop3A_210 = tpu.memref_squeeze %parallel_loop3A_209 : memref<1x8x128xi32, #tpu.memory_space<vmem>> -> memref<8x128xi32, #tpu.memory_space<vmem>>
        %parallel_loop3A_211 = tpu.vector_load_idx %parallel_loop3A_210[%parallel_loop3A_116, %parallel_loop3A_206] : memref<8x128xi32, #tpu.memory_space<vmem>>[vector<16xi32>, vector<16xi32>], vector<16xi32>,
        %parallel_loop3A_212 = arith.constant 3 : i32
        %parallel_loop3A_213 = vector.broadcast %parallel_loop3A_212 : i32 to vector<16xi32>
        %parallel_loop3A_214 = arith.shrsi %parallel_loop3A_211, %parallel_loop3A_213 : vector<16xi32>
        %parallel_loop3A_215 = arith.constant 4 : i32
        %parallel_loop3A_216 = vector.broadcast %parallel_loop3A_215 : i32 to vector<16xi32>
        %parallel_loop3A_217 = arith.shli %parallel_loop3A_211, %parallel_loop3A_216 : vector<16xi32>
        %parallel_loop3A_218 = arith.andi %parallel_loop3A_217, %broadcast_in_dim3A_3 : vector<16xi32>
        %parallel_loop3A_219 = arith.addi %parallel_loop3A_218, %iota3A : vector<16xi32>
        %parallel_loop3A_220 = tpu.vector_load_idx %arg5[%parallel_loop3A_214, %parallel_loop3A_219] : memref<128x128xf32, #tpu.memory_space<vmem>>[vector<16xi32>, vector<16xi32>], vector<16xf32>,
        %parallel_loop3A_221 = arith.index_cast %rem3A_77 : i32 to index
        %parallel_loop3A_222 = arith.index_cast %parallel_loop3A_111 : i32 to index
        %parallel_loop3A_223 = arith.constant 64 : index
        %parallel_loop3A_224 = tpu.vector_load %arg7[%parallel_loop3A_221, %parallel_loop3A_222, %parallel_loop3A_223] {strides = array<i32>} : memref<2x128x128xf32, #tpu.memory_space<vmem>>, vector<16xf32>,
        tpu.vector_store %arg7[%parallel_loop3A_221, %parallel_loop3A_222, %parallel_loop3A_223], %parallel_loop3A_220 {strides = array<i32>} : memref<2x128x128xf32, #tpu.memory_space<vmem>>, vector<16xf32>,
        %parallel_loop3A_225 = arith.constant 5 : i32
        %parallel_loop3A_226 = vector.broadcast %parallel_loop3A_225 : i32 to vector<16xi32>
        %parallel_loop3A_227 = arith.addi %parallel_loop3A_119, %parallel_loop3A_226 : vector<16xi32>
        %parallel_loop3A_228 = arith.constant 0 : i32
        %parallel_loop3A_229 = arith.constant 0 : i32
        %parallel_loop3A_230 = tpu.memref_slice %arg6[%rem3A_77, %parallel_loop3A_228, %parallel_loop3A_229] : memref<2x8x128xi32, #tpu.memory_space<vmem>> -> memref<1x8x128xi32, #tpu.memory_space<vmem>>
        %parallel_loop3A_231 = tpu.memref_squeeze %parallel_loop3A_230 : memref<1x8x128xi32, #tpu.memory_space<vmem>> -> memref<8x128xi32, #tpu.memory_space<vmem>>
        %parallel_loop3A_232 = tpu.vector_load_idx %parallel_loop3A_231[%parallel_loop3A_116, %parallel_loop3A_227] : memref<8x128xi32, #tpu.memory_space<vmem>>[vector<16xi32>, vector<16xi32>], vector<16xi32>,
        %parallel_loop3A_233 = arith.constant 3 : i32
        %parallel_loop3A_234 = vector.broadcast %parallel_loop3A_233 : i32 to vector<16xi32>
        %parallel_loop3A_235 = arith.shrsi %parallel_loop3A_232, %parallel_loop3A_234 : vector<16xi32>
        %parallel_loop3A_236 = arith.constant 4 : i32
        %parallel_loop3A_237 = vector.broadcast %parallel_loop3A_236 : i32 to vector<16xi32>
        %parallel_loop3A_238 = arith.shli %parallel_loop3A_232, %parallel_loop3A_237 : vector<16xi32>
        %parallel_loop3A_239 = arith.andi %parallel_loop3A_238, %broadcast_in_dim3A_3 : vector<16xi32>
        %parallel_loop3A_240 = arith.addi %parallel_loop3A_239, %iota3A : vector<16xi32>
        %parallel_loop3A_241 = tpu.vector_load_idx %arg5[%parallel_loop3A_235, %parallel_loop3A_240] : memref<128x128xf32, #tpu.memory_space<vmem>>[vector<16xi32>, vector<16xi32>], vector<16xf32>,
        %parallel_loop3A_242 = arith.index_cast %rem3A_77 : i32 to index
        %parallel_loop3A_243 = arith.index_cast %parallel_loop3A_111 : i32 to index
        %parallel_loop3A_244 = arith.constant 80 : index
        %parallel_loop3A_245 = tpu.vector_load %arg7[%parallel_loop3A_242, %parallel_loop3A_243, %parallel_loop3A_244] {strides = array<i32>} : memref<2x128x128xf32, #tpu.memory_space<vmem>>, vector<16xf32>,
        tpu.vector_store %arg7[%parallel_loop3A_242, %parallel_loop3A_243, %parallel_loop3A_244], %parallel_loop3A_241 {strides = array<i32>} : memref<2x128x128xf32, #tpu.memory_space<vmem>>, vector<16xf32>,
        %parallel_loop3A_246 = arith.constant 6 : i32
        %parallel_loop3A_247 = vector.broadcast %parallel_loop3A_246 : i32 to vector<16xi32>
        %parallel_loop3A_248 = arith.addi %parallel_loop3A_119, %parallel_loop3A_247 : vector<16xi32>
        %parallel_loop3A_249 = arith.constant 0 : i32
        %parallel_loop3A_250 = arith.constant 0 : i32
        %parallel_loop3A_251 = tpu.memref_slice %arg6[%rem3A_77, %parallel_loop3A_249, %parallel_loop3A_250] : memref<2x8x128xi32, #tpu.memory_space<vmem>> -> memref<1x8x128xi32, #tpu.memory_space<vmem>>
        %parallel_loop3A_252 = tpu.memref_squeeze %parallel_loop3A_251 : memref<1x8x128xi32, #tpu.memory_space<vmem>> -> memref<8x128xi32, #tpu.memory_space<vmem>>
        %parallel_loop3A_253 = tpu.vector_load_idx %parallel_loop3A_252[%parallel_loop3A_116, %parallel_loop3A_248] : memref<8x128xi32, #tpu.memory_space<vmem>>[vector<16xi32>, vector<16xi32>], vector<16xi32>,
        %parallel_loop3A_254 = arith.constant 3 : i32
        %parallel_loop3A_255 = vector.broadcast %parallel_loop3A_254 : i32 to vector<16xi32>
        %parallel_loop3A_256 = arith.shrsi %parallel_loop3A_253, %parallel_loop3A_255 : vector<16xi32>
        %parallel_loop3A_257 = arith.constant 4 : i32
        %parallel_loop3A_258 = vector.broadcast %parallel_loop3A_257 : i32 to vector<16xi32>
        %parallel_loop3A_259 = arith.shli %parallel_loop3A_253, %parallel_loop3A_258 : vector<16xi32>
        %parallel_loop3A_260 = arith.andi %parallel_loop3A_259, %broadcast_in_dim3A_3 : vector<16xi32>
        %parallel_loop3A_261 = arith.addi %parallel_loop3A_260, %iota3A : vector<16xi32>
        %parallel_loop3A_262 = tpu.vector_load_idx %arg5[%parallel_loop3A_256, %parallel_loop3A_261] : memref<128x128xf32, #tpu.memory_space<vmem>>[vector<16xi32>, vector<16xi32>], vector<16xf32>,
        %parallel_loop3A_263 = arith.index_cast %rem3A_77 : i32 to index
        %parallel_loop3A_264 = arith.index_cast %parallel_loop3A_111 : i32 to index
        %parallel_loop3A_265 = arith.constant 96 : index
        %parallel_loop3A_266 = tpu.vector_load %arg7[%parallel_loop3A_263, %parallel_loop3A_264, %parallel_loop3A_265] {strides = array<i32>} : memref<2x128x128xf32, #tpu.memory_space<vmem>>, vector<16xf32>,
        tpu.vector_store %arg7[%parallel_loop3A_263, %parallel_loop3A_264, %parallel_loop3A_265], %parallel_loop3A_262 {strides = array<i32>} : memref<2x128x128xf32, #tpu.memory_space<vmem>>, vector<16xf32>,
        %parallel_loop3A_267 = arith.constant 7 : i32
        %parallel_loop3A_268 = vector.broadcast %parallel_loop3A_267 : i32 to vector<16xi32>
        %parallel_loop3A_269 = arith.addi %parallel_loop3A_119, %parallel_loop3A_268 : vector<16xi32>
        %parallel_loop3A_270 = arith.constant 0 : i32
        %parallel_loop3A_271 = arith.constant 0 : i32
        %parallel_loop3A_272 = tpu.memref_slice %arg6[%rem3A_77, %parallel_loop3A_270, %parallel_loop3A_271] : memref<2x8x128xi32, #tpu.memory_space<vmem>> -> memref<1x8x128xi32, #tpu.memory_space<vmem>>
        %parallel_loop3A_273 = tpu.memref_squeeze %parallel_loop3A_272 : memref<1x8x128xi32, #tpu.memory_space<vmem>> -> memref<8x128xi32, #tpu.memory_space<vmem>>
        %parallel_loop3A_274 = tpu.vector_load_idx %parallel_loop3A_273[%parallel_loop3A_116, %parallel_loop3A_269] : memref<8x128xi32, #tpu.memory_space<vmem>>[vector<16xi32>, vector<16xi32>], vector<16xi32>,
        %parallel_loop3A_275 = arith.constant 3 : i32
        %parallel_loop3A_276 = vector.broadcast %parallel_loop3A_275 : i32 to vector<16xi32>
        %parallel_loop3A_277 = arith.shrsi %parallel_loop3A_274, %parallel_loop3A_276 : vector<16xi32>
        %parallel_loop3A_278 = arith.constant 4 : i32
        %parallel_loop3A_279 = vector.broadcast %parallel_loop3A_278 : i32 to vector<16xi32>
        %parallel_loop3A_280 = arith.shli %parallel_loop3A_274, %parallel_loop3A_279 : vector<16xi32>
        %parallel_loop3A_281 = arith.andi %parallel_loop3A_280, %broadcast_in_dim3A_3 : vector<16xi32>
        %parallel_loop3A_282 = arith.addi %parallel_loop3A_281, %iota3A : vector<16xi32>
        %parallel_loop3A_283 = tpu.vector_load_idx %arg5[%parallel_loop3A_277, %parallel_loop3A_282] : memref<128x128xf32, #tpu.memory_space<vmem>>[vector<16xi32>, vector<16xi32>], vector<16xf32>,
        %parallel_loop3A_284 = arith.index_cast %rem3A_77 : i32 to index
        %parallel_loop3A_285 = arith.index_cast %parallel_loop3A_111 : i32 to index
        %parallel_loop3A_286 = arith.constant 112 : index
        %parallel_loop3A_287 = tpu.vector_load %arg7[%parallel_loop3A_284, %parallel_loop3A_285, %parallel_loop3A_286] {strides = array<i32>} : memref<2x128x128xf32, #tpu.memory_space<vmem>>, vector<16xf32>,
        tpu.vector_store %arg7[%parallel_loop3A_284, %parallel_loop3A_285, %parallel_loop3A_286], %parallel_loop3A_283 {strides = array<i32>} : memref<2x128x128xf32, #tpu.memory_space<vmem>>, vector<16xf32>,
      } {sc.loop_unroll_factor = 4 : i64, sc.parallel_access}
      %dma_start3A_88 = arith.constant 0 : i32
      %dma_start3A_89 = arith.constant 0 : i32
      %dma_start3A_90 = tpu.memref_slice %arg7[%rem3A_77, %dma_start3A_88, %dma_start3A_89] : memref<2x128x128xf32, #tpu.memory_space<vmem>> -> memref<1x128x128xf32, #tpu.memory_space<vmem>>
      %dma_start3A_91 = tpu.memref_squeeze %dma_start3A_90 : memref<1x128x128xf32, #tpu.memory_space<vmem>> -> memref<128x128xf32, #tpu.memory_space<vmem>>
      %dma_start3A_92 = arith.constant 0 : i32
      %dma_start3A_93 = arith.constant 0 : i32
      %dma_start3A_94 = tpu.memref_slice %arg4[%add3A_76, %dma_start3A_92, %dma_start3A_93] : memref<1024x128x128xf32, #tpu.memory_space<hbm>> -> memref<1x128x128xf32, #tpu.memory_space<hbm>>
      %dma_start3A_95 = tpu.memref_squeeze %dma_start3A_94 : memref<1x128x128xf32, #tpu.memory_space<hbm>> -> memref<128x128xf32, #tpu.memory_space<hbm>>
      %dma_start3A_96 = arith.constant 0 : i32
      %dma_start3A_97 = arith.constant 0 : i32
      %dma_start3A_98 = tpu.memref_slice %arg4[%add3A_76, %dma_start3A_96, %dma_start3A_97] : memref<1024x128x128xf32, #tpu.memory_space<hbm>> -> memref<1x128x128xf32, #tpu.memory_space<hbm>>
      %dma_start3A_99 = tpu.memref_squeeze %dma_start3A_98 : memref<1x128x128xf32, #tpu.memory_space<hbm>> -> memref<128x128xf32, #tpu.memory_space<hbm>>
      %dma_start3A_100 = arith.constant 0 : i32
      %dma_start3A_101 = arith.constant 0 : i32
      %dma_start3A_102 = tpu.memref_slice %arg7[%rem3A_77, %dma_start3A_100, %dma_start3A_101] : memref<2x128x128xf32, #tpu.memory_space<vmem>> -> memref<1x128x128xf32, #tpu.memory_space<vmem>>
      %dma_start3A_103 = tpu.memref_squeeze %dma_start3A_102 : memref<1x128x128xf32, #tpu.memory_space<vmem>> -> memref<128x128xf32, #tpu.memory_space<vmem>>
      tpu.enqueue_dma source(%dma_start3A_103 : memref<128x128xf32, #tpu.memory_space<vmem>>) target(%dma_start3A_99 : memref<128x128xf32, #tpu.memory_space<hbm>>) target_semaphore(%arg8 : memref<!tpu.dma_semaphore, #tpu.memory_space<semaphore_mem>>)
      %add3A_104 = arith.constant 1 : i32
      %add3A_105 = arith.addi %scan3A_75, %add3A_104 : i32
      %lt3A_106 = arith.constant 32 : i32
      %lt3A_107 = arith.cmpi slt, %add3A_105, %lt3A_106 : i32
      %convert_element_type3A_108 = arith.extui %lt3A_107 : i1 to i32
      %cond3A_109 = arith.constant 0 : i32
      %cond3A_110 = arith.cmpi ne, %convert_element_type3A_108, %cond3A_109 : i32
      scf.if %cond3A_110 {
        %sub3A = arith.constant 1 : i32
        %sub3A_111 = arith.subi %sub3A, %rem3A_77 : i32
        %dma_wait3A_112 = arith.constant 0 : i32
        %dma_wait3A_113 = arith.constant 0 : i32
        %dma_wait3A_114 = tpu.memref_slice %arg6[%sub3A_111, %dma_wait3A_112, %dma_wait3A_113] : memref<2x8x128xi32, #tpu.memory_space<vmem>> -> memref<1x8x128xi32, #tpu.memory_space<vmem>>
        %dma_wait3A_115 = tpu.memref_squeeze %dma_wait3A_114 : memref<1x8x128xi32, #tpu.memory_space<vmem>> -> memref<8x128xi32, #tpu.memory_space<vmem>>
        %dma_wait3A_116 = arith.constant 0 : i32
        %dma_wait3A_117 = arith.constant 0 : i32
        %dma_wait3A_118 = tpu.memref_slice %arg3[%add3A_76, %dma_wait3A_116, %dma_wait3A_117] : memref<1024x8x128xi32, #tpu.memory_space<hbm>> -> memref<1x8x128xi32, #tpu.memory_space<hbm>>
        %dma_wait3A_119 = tpu.memref_squeeze %dma_wait3A_118 : memref<1x8x128xi32, #tpu.memory_space<hbm>> -> memref<8x128xi32, #tpu.memory_space<hbm>>
        %dma_wait3A_120 = arith.constant 0 : i32
        %dma_wait3A_121 = arith.constant 0 : i32
        %dma_wait3A_122 = tpu.memref_slice %arg6[%sub3A_111, %dma_wait3A_120, %dma_wait3A_121] : memref<2x8x128xi32, #tpu.memory_space<vmem>> -> memref<1x8x128xi32, #tpu.memory_space<vmem>>
        %dma_wait3A_123 = tpu.memref_squeeze %dma_wait3A_122 : memref<1x8x128xi32, #tpu.memory_space<vmem>> -> memref<8x128xi32, #tpu.memory_space<vmem>>
        %dma_wait3A_124 = arith.constant 0 : i32
        %dma_wait3A_125 = arith.constant 0 : i32
        %dma_wait3A_126 = tpu.memref_slice %arg3[%add3A_76, %dma_wait3A_124, %dma_wait3A_125] : memref<1024x8x128xi32, #tpu.memory_space<hbm>> -> memref<1x8x128xi32, #tpu.memory_space<hbm>>
        %dma_wait3A_127 = tpu.memref_squeeze %dma_wait3A_126 : memref<1x8x128xi32, #tpu.memory_space<hbm>> -> memref<8x128xi32, #tpu.memory_space<hbm>>
        tpu.wait_dma2 semaphore(%arg9 : memref<!tpu.dma_semaphore, #tpu.memory_space<semaphore_mem>>) src(%dma_wait3A_127 : memref<8x128xi32, #tpu.memory_space<hbm>>) dst(%dma_wait3A_123 : memref<8x128xi32, #tpu.memory_space<vmem>>)
      } else {
      }
    }
    %scan3A_40 = arith.constant 32 : i32
    %dma_wait3A_41 = arith.constant 0 : i32
    %dma_wait3A_42 = arith.constant 0 : i32
    %dma_wait3A_43 = arith.constant 0 : i32
    %dma_wait3A_44 = tpu.memref_slice %arg7[%dma_wait3A_41, %dma_wait3A_42, %dma_wait3A_43] : memref<2x128x128xf32, #tpu.memory_space<vmem>> -> memref<1x128x128xf32, #tpu.memory_space<vmem>>
    %dma_wait3A_45 = tpu.memref_squeeze %dma_wait3A_44 : memref<1x128x128xf32, #tpu.memory_space<vmem>> -> memref<128x128xf32, #tpu.memory_space<vmem>>
    %dma_wait3A_46 = arith.constant 0 : i32
    %dma_wait3A_47 = arith.constant 0 : i32
    %dma_wait3A_48 = tpu.memref_slice %arg4[%mul3A_2, %dma_wait3A_46, %dma_wait3A_47] : memref<1024x128x128xf32, #tpu.memory_space<hbm>> -> memref<1x128x128xf32, #tpu.memory_space<hbm>>
    %dma_wait3A_49 = tpu.memref_squeeze %dma_wait3A_48 : memref<1x128x128xf32, #tpu.memory_space<hbm>> -> memref<128x128xf32, #tpu.memory_space<hbm>>
    %dma_wait3A_50 = arith.constant 0 : i32
    %dma_wait3A_51 = arith.constant 0 : i32
    %dma_wait3A_52 = tpu.memref_slice %arg4[%mul3A_2, %dma_wait3A_50, %dma_wait3A_51] : memref<1024x128x128xf32, #tpu.memory_space<hbm>> -> memref<1x128x128xf32, #tpu.memory_space<hbm>>
    %dma_wait3A_53 = tpu.memref_squeeze %dma_wait3A_52 : memref<1x128x128xf32, #tpu.memory_space<hbm>> -> memref<128x128xf32, #tpu.memory_space<hbm>>
    %dma_wait3A_54 = arith.constant 0 : i32
    %dma_wait3A_55 = arith.constant 0 : i32
    %dma_wait3A_56 = tpu.memref_slice %arg7[%dma_wait3A_41, %dma_wait3A_54, %dma_wait3A_55] : memref<2x128x128xf32, #tpu.memory_space<vmem>> -> memref<1x128x128xf32, #tpu.memory_space<vmem>>
    %dma_wait3A_57 = tpu.memref_squeeze %dma_wait3A_56 : memref<1x128x128xf32, #tpu.memory_space<vmem>> -> memref<128x128xf32, #tpu.memory_space<vmem>>
    tpu.wait_dma2 semaphore(%arg8 : memref<!tpu.dma_semaphore, #tpu.memory_space<semaphore_mem>>) src(%dma_wait3A_57 : memref<128x128xf32, #tpu.memory_space<vmem>>) dst(%dma_wait3A_53 : memref<128x128xf32, #tpu.memory_space<hbm>>)
    %dma_wait3A_58 = arith.constant 0 : i32
    %dma_wait3A_59 = arith.constant 0 : i32
    %dma_wait3A_60 = arith.constant 0 : i32
    %dma_wait3A_61 = tpu.memref_slice %arg7[%dma_wait3A_58, %dma_wait3A_59, %dma_wait3A_60] : memref<2x128x128xf32, #tpu.memory_space<vmem>> -> memref<1x128x128xf32, #tpu.memory_space<vmem>>
    %dma_wait3A_62 = tpu.memref_squeeze %dma_wait3A_61 : memref<1x128x128xf32, #tpu.memory_space<vmem>> -> memref<128x128xf32, #tpu.memory_space<vmem>>
    %dma_wait3A_63 = arith.constant 0 : i32
    %dma_wait3A_64 = arith.constant 0 : i32
    %dma_wait3A_65 = tpu.memref_slice %arg4[%mul3A_2, %dma_wait3A_63, %dma_wait3A_64] : memref<1024x128x128xf32, #tpu.memory_space<hbm>> -> memref<1x128x128xf32, #tpu.memory_space<hbm>>
    %dma_wait3A_66 = tpu.memref_squeeze %dma_wait3A_65 : memref<1x128x128xf32, #tpu.memory_space<hbm>> -> memref<128x128xf32, #tpu.memory_space<hbm>>
    %dma_wait3A_67 = arith.constant 0 : i32
    %dma_wait3A_68 = arith.constant 0 : i32
    %dma_wait3A_69 = tpu.memref_slice %arg4[%mul3A_2, %dma_wait3A_67, %dma_wait3A_68] : memref<1024x128x128xf32, #tpu.memory_space<hbm>> -> memref<1x128x128xf32, #tpu.memory_space<hbm>>
    %dma_wait3A_70 = tpu.memref_squeeze %dma_wait3A_69 : memref<1x128x128xf32, #tpu.memory_space<hbm>> -> memref<128x128xf32, #tpu.memory_space<hbm>>
    %dma_wait3A_71 = arith.constant 0 : i32
    %dma_wait3A_72 = arith.constant 0 : i32
    %dma_wait3A_73 = tpu.memref_slice %arg7[%dma_wait3A_58, %dma_wait3A_71, %dma_wait3A_72] : memref<2x128x128xf32, #tpu.memory_space<vmem>> -> memref<1x128x128xf32, #tpu.memory_space<vmem>>
    %dma_wait3A_74 = tpu.memref_squeeze %dma_wait3A_73 : memref<1x128x128xf32, #tpu.memory_space<vmem>> -> memref<128x128xf32, #tpu.memory_space<vmem>>
    tpu.wait_dma2 semaphore(%arg8 : memref<!tpu.dma_semaphore, #tpu.memory_space<semaphore_mem>>) src(%dma_wait3A_74 : memref<128x128xf32, #tpu.memory_space<vmem>>) dst(%dma_wait3A_70 : memref<128x128xf32, #tpu.memory_space<hbm>>)
    return
  }
}

module attributes {stable_mosaic.version = 14 : i64} {
  func.func @_mlp_body(%arg0: i32, %arg1: i32, %arg2: memref<512x16x128xf32, #tpu.memory_space<vmem>>, %arg3: memref<128x1x16x256xf32, #tpu.memory_space<vmem>>, %arg4: memref<128x1x16x256xf32, #tpu.memory_space<vmem>>, %arg5: memref<1x256xf32, #tpu.memory_space<vmem>>, %arg6: memref<256x256xf32, #tpu.memory_space<vmem>>, %arg7: memref<1x256xf32, #tpu.memory_space<vmem>>, %arg8: memref<256x4xf32, #tpu.memory_space<vmem>>, %arg9: memref<1x4xf32, #tpu.memory_space<vmem>>, %arg10: memref<512x4xf32, #tpu.memory_space<vmem>>, %arg11: memref<1024x256xf32, #tpu.memory_space<vmem>>) attributes {dimension_semantics = [#tpu.dimension_semantics<arbitrary>, #tpu.dimension_semantics<arbitrary>], iteration_bounds = array<i64: 8, 2>, scalar_prefetch = 0 : i64, scratch_operands = 1 : i64, tpu.core_type = #tpu.core_type<tc>, window_params = [{transform_indices = @transform_0, window_bounds = array<i64: 512, 16, 128>}, {transform_indices = @transform_1, window_bounds = array<i64: 128, 1, 16, 256>}, {transform_indices = @transform_2, window_bounds = array<i64: 128, 1, 16, 256>}, {pipeline_mode = #tpu.pipeline_mode<synchronous>, transform_indices = @transform_3, window_bounds = array<i64: 1, 256>}, {pipeline_mode = #tpu.pipeline_mode<synchronous>, transform_indices = @transform_4, window_bounds = array<i64: 256, 256>}, {pipeline_mode = #tpu.pipeline_mode<synchronous>, transform_indices = @transform_5, window_bounds = array<i64: 1, 256>}, {pipeline_mode = #tpu.pipeline_mode<synchronous>, transform_indices = @transform_6, window_bounds = array<i64: 256, 4>}, {pipeline_mode = #tpu.pipeline_mode<synchronous>, transform_indices = @transform_7, window_bounds = array<i64: 1, 4>}, {transform_indices = @transform_8, window_bounds = array<i64: 512, 4>}]} {
    %get3A = arith.constant 0 : index
    %get3A_0 = arith.constant 0 : index
    %get3A_1 = arith.constant 0 : index
    %get3A_2 = vector.load %arg2[%get3A, %get3A_0, %get3A_1] : memref<512x16x128xf32, #tpu.memory_space<vmem>>, vector<512x16x128xf32>
    %reshape3A = vector.shape_cast %get3A_2 : vector<512x16x128xf32> to vector<512x2048xf32>
    %bitcast_convert_type3A = tpu.bitcast %reshape3A : vector<512x2048xf32> -> vector<512x2048xi32>
    %shift_left3A = arith.constant 16 : i32
    %shift_left3A_3 = vector.broadcast %shift_left3A : i32 to vector<512x2048xi32>
    %shift_left3A_4 = arith.shli %bitcast_convert_type3A, %shift_left3A_3 : vector<512x2048xi32>
    %bitcast_convert_type3A_5 = tpu.bitcast %shift_left3A_4 : vector<512x2048xi32> -> vector<512x2048xf32>
    %and3A = arith.constant -65536 : i32
    %and3A_6 = vector.broadcast %and3A : i32 to vector<512x2048xi32>
    %and3A_7 = arith.andi %bitcast_convert_type3A, %and3A_6 : vector<512x2048xi32>
    %bitcast_convert_type3A_8 = tpu.bitcast %and3A_7 : vector<512x2048xi32> -> vector<512x2048xf32>
    %get3A_9 = arith.constant 0 : index
    %get3A_10 = arith.constant 0 : index
    %get3A_11 = arith.constant 0 : index
    %get3A_12 = arith.constant 0 : index
    %get3A_13 = vector.load %arg3[%get3A_9, %get3A_10, %get3A_11, %get3A_12] : memref<128x1x16x256xf32, #tpu.memory_space<vmem>>, vector<128x1x16x256xf32>
    %reshape3A_14 = vector.shape_cast %get3A_13 : vector<128x1x16x256xf32> to vector<2048x256xf32>
    %get3A_15 = arith.constant 0 : index
    %get3A_16 = arith.constant 0 : index
    %get3A_17 = arith.constant 0 : index
    %get3A_18 = arith.constant 0 : index
    %get3A_19 = vector.load %arg4[%get3A_15, %get3A_16, %get3A_17, %get3A_18] : memref<128x1x16x256xf32, #tpu.memory_space<vmem>>, vector<128x1x16x256xf32>
    %reshape3A_20 = vector.shape_cast %get3A_19 : vector<128x1x16x256xf32> to vector<2048x256xf32>
    %dot_general3A = arith.constant dense<0.000000e+00> : vector<512x256xf32>
    %dot_general3A_21 = tpu.matmul %bitcast_convert_type3A_5, %reshape3A_14, %dot_general3A {dimension_numbers = #tpu.dot_dimension_numbers<[1], [0], [0], [1], [0, 0, 1, 1], [], []>, transpose_lhs_hint = false} : vector<512x2048xf32>, vector<2048x256xf32>, vector<512x256xf32> -> vector<512x256xf32>
    %dot_general3A_22 = arith.constant dense<0.000000e+00> : vector<512x256xf32>
    %dot_general3A_23 = tpu.matmul %bitcast_convert_type3A_8, %reshape3A_20, %dot_general3A_22 {dimension_numbers = #tpu.dot_dimension_numbers<[1], [0], [0], [1], [0, 0, 1, 1], [], []>, transpose_lhs_hint = false} : vector<512x2048xf32>, vector<2048x256xf32>, vector<512x256xf32> -> vector<512x256xf32>
    %add3A = arith.addf %dot_general3A_21, %dot_general3A_23 : vector<512x256xf32>
    %mul3A = arith.constant 512 : i32
    %mul3A_24 = arith.muli %arg1, %mul3A : i32
    %eq3A = arith.constant 0 : i32
    %eq3A_25 = arith.cmpi eq, %arg0, %eq3A : i32
    %convert_element_type3A = arith.extui %eq3A_25 : i1 to i32
    %cond3A = arith.constant 0 : i32
    %cond3A_26 = arith.cmpi ne, %convert_element_type3A, %cond3A : i32
    scf.if %cond3A_26 {
      %swap3A = arith.index_cast %mul3A_24 : i32 to index
      %swap3A_36 = arith.constant 0 : index
      %swap3A_37 = vector.load %arg11[%swap3A, %swap3A_36] : memref<1024x256xf32, #tpu.memory_space<vmem>>, vector<512x256xf32>
      tpu.vector_store %arg11[%swap3A, %swap3A_36], %add3A {strides = array<i32>} : memref<1024x256xf32, #tpu.memory_space<vmem>>, vector<512x256xf32>,
    } else {
    }
    %gt3A = arith.constant 0 : i32
    %gt3A_27 = arith.cmpi sgt, %arg0, %gt3A : i32
    %convert_element_type3A_28 = arith.extui %gt3A_27 : i1 to i32
    %cond3A_29 = arith.constant 0 : i32
    %cond3A_30 = arith.cmpi ne, %convert_element_type3A_28, %cond3A_29 : i32
    scf.if %cond3A_30 {
      %get3A_36 = arith.index_cast %mul3A_24 : i32 to index
      %get3A_37 = arith.constant 0 : index
      %get3A_38 = vector.load %arg11[%get3A_36, %get3A_37] : memref<1024x256xf32, #tpu.memory_space<vmem>>, vector<512x256xf32>
      %add3A_39 = arith.addf %get3A_38, %add3A : vector<512x256xf32>
      %swap3A = arith.index_cast %mul3A_24 : i32 to index
      %swap3A_40 = arith.constant 0 : index
      %swap3A_41 = vector.load %arg11[%swap3A, %swap3A_40] : memref<1024x256xf32, #tpu.memory_space<vmem>>, vector<512x256xf32>
      tpu.vector_store %arg11[%swap3A, %swap3A_40], %add3A_39 {strides = array<i32>} : memref<1024x256xf32, #tpu.memory_space<vmem>>, vector<512x256xf32>,
    } else {
    }
    %eq3A_31 = arith.constant 7 : i32
    %eq3A_32 = arith.cmpi eq, %arg0, %eq3A_31 : i32
    %convert_element_type3A_33 = arith.extui %eq3A_32 : i1 to i32
    %cond3A_34 = arith.constant 0 : i32
    %cond3A_35 = arith.cmpi ne, %convert_element_type3A_33, %cond3A_34 : i32
    scf.if %cond3A_35 {
      %get3A_36 = arith.index_cast %mul3A_24 : i32 to index
      %get3A_37 = arith.constant 0 : index
      %get3A_38 = vector.load %arg11[%get3A_36, %get3A_37] : memref<1024x256xf32, #tpu.memory_space<vmem>>, vector<512x256xf32>
      %get3A_39 = arith.constant 0 : index
      %get3A_40 = arith.constant 0 : index
      %get3A_41 = vector.load %arg5[%get3A_39, %get3A_40] : memref<1x256xf32, #tpu.memory_space<vmem>>, vector<1x256xf32>
      %add3A_42 = vector.broadcast %get3A_41 : vector<1x256xf32> to vector<512x256xf32>
      %add3A_43 = arith.addf %get3A_38, %add3A_42 : vector<512x256xf32>
      %max3A = arith.constant 0.000000e+00 : f32
      %max3A_44 = vector.broadcast %max3A : f32 to vector<512x256xf32>
      %max3A_45 = arith.maximumf %add3A_43, %max3A_44 : vector<512x256xf32>
      %get3A_46 = arith.constant 0 : index
      %get3A_47 = arith.constant 0 : index
      %get3A_48 = vector.load %arg6[%get3A_46, %get3A_47] : memref<256x256xf32, #tpu.memory_space<vmem>>, vector<256x256xf32>
      %dot_general3A_49 = arith.constant dense<0.000000e+00> : vector<512x256xf32>
      %dot_general3A_50 = tpu.matmul %max3A_45, %get3A_48, %dot_general3A_49 {dimension_numbers = #tpu.dot_dimension_numbers<[1], [0], [0], [1], [0, 0, 1, 1], [], []>, transpose_lhs_hint = false} : vector<512x256xf32>, vector<256x256xf32>, vector<512x256xf32> -> vector<512x256xf32>
      %get3A_51 = arith.constant 0 : index
      %get3A_52 = arith.constant 0 : index
      %get3A_53 = vector.load %arg7[%get3A_51, %get3A_52] : memref<1x256xf32, #tpu.memory_space<vmem>>, vector<1x256xf32>
      %add3A_54 = vector.broadcast %get3A_53 : vector<1x256xf32> to vector<512x256xf32>
      %add3A_55 = arith.addf %dot_general3A_50, %add3A_54 : vector<512x256xf32>
      %max3A_56 = arith.constant 0.000000e+00 : f32
      %max3A_57 = vector.broadcast %max3A_56 : f32 to vector<512x256xf32>
      %max3A_58 = arith.maximumf %add3A_55, %max3A_57 : vector<512x256xf32>
      %get3A_59 = arith.constant 0 : index
      %get3A_60 = arith.constant 0 : index
      %get3A_61 = vector.load %arg8[%get3A_59, %get3A_60] : memref<256x4xf32, #tpu.memory_space<vmem>>, vector<256x4xf32>
      %dot_general3A_62 = arith.constant dense<0.000000e+00> : vector<512x4xf32>
      %dot_general3A_63 = tpu.matmul %max3A_58, %get3A_61, %dot_general3A_62 {dimension_numbers = #tpu.dot_dimension_numbers<[1], [0], [0], [1], [0, 0, 1, 1], [], []>, transpose_lhs_hint = false} : vector<512x256xf32>, vector<256x4xf32>, vector<512x4xf32> -> vector<512x4xf32>
      %get3A_64 = arith.constant 0 : index
      %get3A_65 = arith.constant 0 : index
      %get3A_66 = vector.load %arg9[%get3A_64, %get3A_65] : memref<1x4xf32, #tpu.memory_space<vmem>>, vector<1x4xf32>
      %add3A_67 = vector.broadcast %get3A_66 : vector<1x4xf32> to vector<512x4xf32>
      %add3A_68 = arith.addf %dot_general3A_63, %add3A_67 : vector<512x4xf32>
      %swap3A = arith.constant 0 : index
      %swap3A_69 = arith.constant 0 : index
      %swap3A_70 = vector.load %arg10[%swap3A, %swap3A_69] : memref<512x4xf32, #tpu.memory_space<vmem>>, vector<512x4xf32>
      tpu.vector_store %arg10[%swap3A, %swap3A_69], %add3A_68 {strides = array<i32>} : memref<512x4xf32, #tpu.memory_space<vmem>>, vector<512x4xf32>,
    } else {
    }
    return
  }
  func.func @transform_0(%arg0: i32, %arg1: i32) -> (i32, i32, i32) {
    %c0_i32 = arith.constant 0 : i32
    %c0_i32_0 = arith.constant 0 : i32
    return %arg1, %arg0, %c0_i32 : i32, i32, i32
  }
  func.func @transform_1(%arg0: i32, %arg1: i32) -> (i32, i32, i32, i32) {
    %c0_i32 = arith.constant 0 : i32
    %c0_i32_0 = arith.constant 0 : i32
    %c0_i32_1 = arith.constant 0 : i32
    %c0_i32_2 = arith.constant 0 : i32
    return %arg0, %c0_i32, %c0_i32_0, %c0_i32_1 : i32, i32, i32, i32
  }
  func.func @transform_2(%arg0: i32, %arg1: i32) -> (i32, i32, i32, i32) {
    %c1_i32 = arith.constant 1 : i32
    %c0_i32 = arith.constant 0 : i32
    %c0_i32_0 = arith.constant 0 : i32
    %c0_i32_1 = arith.constant 0 : i32
    return %arg0, %c1_i32, %c0_i32, %c0_i32_0 : i32, i32, i32, i32
  }
  func.func @transform_3(%arg0: i32, %arg1: i32) -> (i32, i32) {
    %c0_i32 = arith.constant 0 : i32
    %c0_i32_0 = arith.constant 0 : i32
    %c0_i32_1 = arith.constant 0 : i32
    return %c0_i32, %c0_i32_0 : i32, i32
  }
  func.func @transform_4(%arg0: i32, %arg1: i32) -> (i32, i32) {
    %c0_i32 = arith.constant 0 : i32
    %c0_i32_0 = arith.constant 0 : i32
    %c0_i32_1 = arith.constant 0 : i32
    return %c0_i32, %c0_i32_0 : i32, i32
  }
  func.func @transform_5(%arg0: i32, %arg1: i32) -> (i32, i32) {
    %c0_i32 = arith.constant 0 : i32
    %c0_i32_0 = arith.constant 0 : i32
    %c0_i32_1 = arith.constant 0 : i32
    return %c0_i32, %c0_i32_0 : i32, i32
  }
  func.func @transform_6(%arg0: i32, %arg1: i32) -> (i32, i32) {
    %c0_i32 = arith.constant 0 : i32
    %c0_i32_0 = arith.constant 0 : i32
    %c0_i32_1 = arith.constant 0 : i32
    return %c0_i32, %c0_i32_0 : i32, i32
  }
  func.func @transform_7(%arg0: i32, %arg1: i32) -> (i32, i32) {
    %c0_i32 = arith.constant 0 : i32
    %c0_i32_0 = arith.constant 0 : i32
    %c0_i32_1 = arith.constant 0 : i32
    return %c0_i32, %c0_i32_0 : i32, i32
  }
  func.func @transform_8(%arg0: i32, %arg1: i32) -> (i32, i32) {
    %c0_i32 = arith.constant 0 : i32
    %c0_i32_0 = arith.constant 0 : i32
    return %arg1, %c0_i32 : i32, i32
  }
}

</mosaic_0001>

<sc_bundles>
// kernel: kernel.10.cloned.1.call-start
scs
__scs_entry_jumppad:
0x0: {  	(pc) =	sbr.rel $0x88, $3  }
0x1: {  	(tag) =	ssettag $0x0;
	lr =	simm.s32 $0x1  }
0x2: {  	[smem:$0x3F99] =	sst lr;
	_ =	strace $0xD0000000  }
0x3: {  	_ = 	snop  }
0x4: {  	_ = 	snop  }
0x5: {  	_ = 	snop  }
0x6: {  	_ = 	snop  }
0x7: {  	_ = 	snop  }
__scs_overlays_trampoline_lowered:
0x8: {  	[smem:$0x3FA8] =	sst s0  }
0x9: {  	[smem:$0x3FA9] =	sst s1  }
0xa: {  	[smem:$0x3FAA] =	sst s2  }
0xb: {  	[smem:$0x3FAB] =	sst s3  }
0xc: {  	[smem:$0x3FAC] =	sst s4  }
0xd: {  	[smem:$0x3FAD] =	sst s5  }
0xe: {  	[smem:$0x3FAE] =	sst s6  }
0xf: {  	[smem:$0x3FAF] =	sst s7  }
0x10: {  	[smem:$0x3FB0] =	sst s8  }
0x11: {  	[smem:$0x3FB1] =	sst s9;
	s0 =	simm.s32 @!p0 $0x0  }
0x12: {  	s1 =	sld [smem:$0x3F97];
	s0 =	simm.s32 @p0 $0x1  }
0x13: {  	[smem:$0x3FB2] =	sst s0;
	s0 =	simm.s32 @!p1 $0x0  }
0x14: {  	s2 =	sld [smem:$0x3F96];
	s0 =	simm.s32 @p1 $0x1  }
0x15: {  	[smem:$0x3FB3] =	sst s0;
	s0 =	simm.s32 @!p2 $0x0  }
0x16: {  	s3 =	sld [smem:$0x3FDB];
	s0 =	simm.s32 @p2 $0x1  }
0x17: {  	s4 =	simm.s32 $0x1BF5;
	[smem:$0x3FB5] =	sst s0  }
0x18: {  	s0 =	sld [smem:$0x3F98];
	_ =	swait.ge [sflag:s4], $0x0  }
0x19: {  	s7 =	sld [smem:$0x3F99]  }
0x1a: {  	s8 =	sadd.s32 $0xFFFFE003, lr  }
0x1b: {  	s9 =	sadd.s32 $0xFFFFFEF7, lr;
	s5 =	simm.s32 $0xFFFFFFFF;
	p2 =	slt.u32 s8, $0xFFFFF086  }
0x1c: {  	p1 =	slt.u32 s9, $0xF7A;
	s5 =	simm.s32 @!p2 $0x0  }
0x1d: {  	s5 =	simm.s32 @p1 $0x1;
	p0 =	seq.s32 s7, s2  }
0x1e: {  	s7 =	smul.u32 @!p0 $0xF7A, s2;
	p2 =	seq.s32 @!p0 s5, $0x0  }
0x1f: {  	s9 =	smul.u32 $0xF7A, s1;
	s8 =	simm.s32 @!p0 $0x1BF5;
	p2 =	por !p2, p0  }
0x20: {  	[sflag:s8] =	ssyncset.s32 @!p0 $0xFFFFF086;
	s6 =	sadd.s32 @!p0 s3, s7;
	s7 =	simm.s32 @!p0 $0x108  }
0x21: {  	s3 =	sadd.s32 s3, s9;
	s6 =	sadd.s32 @!p0 $0x88, s6;
	s7 =	simm.s32 @p2 $0x1082  }
0x22: {  	[simem:s7], [sflag:s8] =	dma.local @!p0 [hbm:s6], $0xF7A  }
0x23: {  	s9 =	sor.u32 $0xD0000000, s2;
	s6 =	simm.s32 $0x108;
	_ =	swait.ge @!p0 [sflag:s8], $0x0  }
0x24: {  	s3 =	sadd.s32 $0x88, s3;
	s6 =	simm.s32 @!p1 $0x1082;
	[sflag:s4] =	ssyncset.s32 $0xFFFFF086  }
0x25: {  	[simem:s6], [sflag:s4] =	dma.local [hbm:s3], $0xF7A  }
0x26: {  	[smem:$0x3F99] =	sst s1;
	(tag) =	ssettag s2;
	_ =	strace s9  }
0x27: {  	s1 =	sld [smem:$0x3FA9]  }
0x28: {  	s2 =	sld [smem:$0x3FAA]  }
0x29: {  	s4 =	sld [smem:$0x3FAC]  }
0x2a: {  	p0 =	seq.s32 s5, $0x0;
	s5 =	sld [smem:$0x3FAD]  }
0x2b: {  	s6 =	sld [smem:$0x3FAE]  }
0x2c: {  	s7 =	sld [smem:$0x3FAF]  }
0x2d: {  	s3 =	simm.s32 $0x108;
	s8 =	sld [smem:$0x3FB0]  }
0x2e: {  	s3 =	simm.s32 @!p0 $0x1082;
	s9 =	sld [smem:$0x3FB1]  }
0x2f: {  	lr =	sadd.s32 s0, s3;
	s0 =	sld [smem:$0x3FA8]  }
0x30: {  	s3 =	sld [smem:$0x3FAB]  }
0x31: {  	[smem:$0x3FB4] =	sst s10  }
0x32: {  	s10 =	sld [smem:$0x3FB2];
	_ =	sdelay $0x3  }
0x33: {  	p0 =	seq.s32 s10, $0x1;
	s10 =	sld [smem:$0x3FB4];
	_ =	sdelay $0x3  }
0x34: {  	[smem:$0x3FB4] =	sst s10  }
0x35: {  	s10 =	sld [smem:$0x3FB3];
	_ =	sdelay $0x3  }
0x36: {  	p1 =	seq.s32 s10, $0x1;
	s10 =	sld [smem:$0x3FB4];
	_ =	sdelay $0x3  }
0x37: {  	[smem:$0x3FB4] =	sst s10  }
0x38: {  	s10 =	sld [smem:$0x3FB5]  }
0x39: {  	_ = 	snop;
	(pc) =	sbr.ind lr, $3  }
0x3a: {  	_ = 	snop  }
0x3b: {  	_ = 	snop  }
0x3c: {  	p2 =	seq.s32 s10, $0x1;
	s10 =	sld [smem:$0x3FB4]  }
0x3d: {  	_ =	shalt  }
0x3e: {  	_ =	shalt  }
0x3f: {  	_ =	shalt  }
0x40: {  	_ =	shalt  }
0x41: {  	_ =	shalt  }
0x42: {  	_ =	shalt  }
0x43: {  	_ =	shalt  }
0x44: {  	_ =	shalt  }
0x45: {  	_ =	shalt  }
0x46: {  	_ =	shalt  }
0x47: {  	_ =	shalt  }
0x48: {  	_ =	shalt  }
0x49: {  	_ =	shalt  }
0x4a: {  	_ =	shalt  }
0x4b: {  	_ =	shalt  }
0x4c: {  	_ =	shalt  }
0x4d: {  	_ =	shalt  }
0x4e: {  	_ =	shalt  }
0x4f: {  	_ =	shalt  }
0x50: {  	_ =	shalt  }
0x51: {  	_ =	shalt  }
0x52: {  	_ =	shalt  }
0x53: {  	_ =	shalt  }
0x54: {  	_ =	shalt  }
0x55: {  	_ =	shalt  }
0x56: {  	_ =	shalt  }
0x57: {  	_ =	shalt  }
0x58: {  	_ =	shalt  }
0x59: {  	_ =	shalt  }
0x5a: {  	_ =	shalt  }
0x5b: {  	_ =	shalt  }
0x5c: {  	_ =	shalt  }
0x5d: {  	_ =	shalt  }
0x5e: {  	_ =	shalt  }
0x5f: {  	_ =	shalt  }
0x60: {  	_ =	shalt  }
0x61: {  	_ =	shalt  }
0x62: {  	_ =	shalt  }
0x63: {  	_ =	shalt  }
0x64: {  	_ =	shalt  }
0x65: {  	_ =	shalt  }
0x66: {  	_ =	shalt  }
0x67: {  	_ =	shalt  }
0x68: {  	_ =	shalt  }
0x69: {  	_ =	shalt  }
0x6a: {  	_ =	shalt  }
0x6b: {  	_ =	shalt  }
0x6c: {  	_ =	shalt  }
0x6d: {  	_ =	shalt  }
0x6e: {  	_ =	shalt  }
0x6f: {  	_ =	shalt  }
0x70: {  	_ =	shalt  }
0x71: {  	_ =	shalt  }
0x72: {  	_ =	shalt  }
0x73: {  	_ =	shalt  }
0x74: {  	_ =	shalt  }
0x75: {  	_ =	shalt  }
0x76: {  	_ =	shalt  }
0x77: {  	_ =	shalt  }
0x78: {  	_ =	shalt  }
0x79: {  	_ =	shalt  }
0x7a: {  	_ =	shalt  }
0x7b: {  	_ =	shalt  }
0x7c: {  	_ =	shalt  }
0x7d: {  	_ =	shalt  }
0x7e: {  	_ =	shalt  }
0x7f: {  	_ =	shalt  }
0x80: {  	_ =	shalt  }
0x81: {  	_ =	shalt  }
0x82: {  	_ =	shalt  }
0x83: {  	_ =	shalt  }
0x84: {  	_ =	shalt  }
0x85: {  	_ =	shalt  }
0x86: {  	_ =	shalt  }
0x87: {  	_ =	shalt  }
.Lfunc_end0:
.L_simem_size_0:
called_computation_lowered:
.L_overlay_start_0:
0x88: {  	s2 =	sld [smem:$0x3FD9]  }
0x89: {  	s3 =	sld [smem:$0x3FFE];
	_ =	sdelay $0x1  }
0x8a: {  	s1 =	srdreg.scid  }
0x8b: {  	s0 =	sand.u32 $0x1, s1  }
0x8c: {  	s17 =	sshll.u32 s0, $0xA;
	s2 =	sadd.s32 s3, s2  }
0x8d: {  	s2 =	sadd.s32 s2, s17  }
0x8e: {  	[smem:$0x3FC0] =	sst s2  }
0x8f: {  	_ = 	snop  }
0x90: {  	s18 =	sld [smem:$0x3FD0];
	(tm) =	ssettm $0x1  }
0x91: {  	s19 =	sld [smem:$0x3FFB];
	_ =	sdelay $0x3  }
0x92: {  	_ =	strace s19  }
0x93: {  	s2 =	sld [smem:$0x3FFC];
	_ =	sdelay $0x3  }
0x94: {  	_ =	strace s2  }
0x95: {  	s2 =	sld [smem:$0x3FFD];
	_ =	sdelay $0x3  }
0x96: {  	_ =	strace s2  }
0x97: {  	_ =	strace $0x8FFFFFFF  }
0x98: {  	s20 =	sld [smem:$0x3FDB];
	_ =	sdelay $0x1  }
0x99: {  	s4 =	simm.s32 $_scs_section_size  }
0x9a: {  	s5 =	simm.s32 $_size__tile_overlayer_lowered;
	s6 =	simm.s32 $_tile_overlayer_lowered  }
0x9b: {  	s7 =	simm.s32 $0x1BFF;
	s21 =	sshll.u32 s6, $0x1;
	s4 =	sadd.s32 s4, s20  }
0x9c: {  	s22 =	simm.s32 $0x0;
	s5 =	sshll.u32 s5, $0x1;
	s6 =	sadd.s32 s21, s4  }
0x9d: {  	[timem:s22], [sflag:s7] =	dma.local [hbm:s6], s5  }
0x9e: {  	_ =	swait.ge [sflag:s7], s5  }
0x9f: {  	s5 =	ssub.s32 $0x0, s5;
	[sflag:s7] =	ssyncset.done $0x0  }
0xa0: {  	[sflag:s7] =	ssyncadd.s32 s5;
	_ =	sdelay $0x1  }
0xa1: {  	s23 =	simm.s32 $0x1B8B  }
0xa2: {  	_ =	swait.ge [sflag:s23], $0x1  }
0xa3: {  	[sflag:s23] =	ssyncset.done $0x0  }
0xa4: {  	[sflag:s23] =	ssyncadd.s32 $0xFFFFFFFF  }
0xa5: {  	s5 =	sld [smem:$0x0]  }
0xa6: {  	s6 =	sand.u32 $0xFFFFFFFE, s1  }
0xa7: {  	p0 =	sne.s32 s1, s6  }
0xa8: {  	s6 =	sshll.u32 @p0 s6, $0xE  }
0xa9: {  	s6 =	sadd.s32 @p0 $0x11B8D, s6;
	s7 =	sshll.u32 @p0 s5, $0x11  }
0xaa: {  	s6 =	sor.u32 @p0 s7, s6  }
0xab: {  	[sflag:s6] =	ssyncadd.remote.s32 @p0 $0x1;
	_ =	sdelay $0x1  }
0xac: {  	s6 =	simm.s32 @p0 $0x1B8D  }
0xad: {  	_ =	swait.eq @p0 [sflag:s6], $0x1  }
0xae: {  	[sflag:s6] =	ssyncadd.s32 @p0 $0xFFFFFFFF  }
0xaf: {  	s7 =	sshll.u32 @!p0 s1, $0xE  }
0xb0: {  	s7 =	sor.u32 @!p0 $0x4000, s7;
	s6 =	simm.s32 @!p0 $0x1B8D  }
0xb1: {  	s5 =	sshll.u32 @!p0 s5, $0x11;
	s7 =	sadd.s32 @!p0 $0x11B8D, s7;
	_ =	swait.eq @!p0 [sflag:s6], $0x1  }
0xb2: {  	s5 =	sor.u32 @!p0 s5, s7;
	[sflag:s6] =	ssyncadd.s32 @!p0 $0xFFFFFFFF  }
0xb3: {  	s25 =	simm.s32 $0x1B8E;
	s24 =	sld [smem:$0x3FFE];
	[sflag:s5] =	ssyncadd.remote.s32 @!p0 $0x1  }
0xb4: {  	s26 =	simm.s32 $execute0_lowered;
	[smem:$0x3FD2] =	sst s25  }
0xb5: {  	s6 =	sshll.u32 s26, $0x1;
	_ =	strace $0x8000004F;
	[dreg:$0x1] =	wrdreg $0xFFFFFFFF  }
0xb6: {  	s28 =	simm.s32 $_size_execute0_lowered;
	s4 =	sadd.s32 s4, s6;
	[dreg:$0x0] =	wrdreg $0x0  }
0xb7: {  	s6 =	sshll.u32 s28, $0x1;
	[dreg:$0x2] =	wrdreg s4  }
0xb8: {  	[dreg:$0x3] =	wrdreg s6  }
0xb9: {  	[dreg:$0x4] =	wrdreg $0xC0  }
0xba: {  	_ =	task [dreg:s22], $0x5FFFF  }
0xbb: {  	[dreg:$0x1] =	wrdreg $0xFFFFFFFF  }
0xbc: {  	[dreg:$0x0] =	wrdreg $0x60  }
0xbd: {  	[dreg:$0x2] =	wrdreg s18  }
0xbe: {  	[dreg:$0x3] =	wrdreg s24  }
0xbf: {  	[dreg:$0x4] =	wrdreg $0x9  }
0xc0: {  	_ =	task.clear_ibuf [dreg:s22], $0x5FFFF;
	_ =	strace $0x9000004F  }
0xc1: {  	s29 =	simm.s32 $0x9;
	_ =	strace $0x80000051  }
0xc2: {  	_ =	swait.ge [sflag:s29], $0x1  }
0xc3: {  	[sflag:s29] =	ssyncadd.s32 $0xFFFFFFFF  }
0xc4: {  	_ =	strace $0x90000051  }
0xc5: {  	_ =	sfence  }
0xc6: {  	s30 =	sld [smem:$0x0];
	_ =	sdelay $0x2  }
0xc7: {  	s31 =	sshll.u32 s1, $0xD;
	s1 =	sshrl.u32 s1, $0x2  }
0xc8: {  	s4 =	sand.u32 $0x4000, s31;
	s1 =	sadd.s32 s1, s30  }
0xc9: {  	s0 =	sor.u32 s4, s0;
	s1 =	sshll.u32 s1, $0x11  }
0xca: {  	s0 =	sor.u32 s1, s0  }
0xcb: {  	s0 =	sadd.s32 $0x8F2B, s0  }
0xcc: {  	[sflag:s0] =	ssyncadd.remote.s32 $0x1  }
0xcd: {  	_ =	sfence.sel $0xFFFF  }
0xce: {  	[dreg:$0x0] =	wrdreg $0xFFFFFFFF;
	(pc) =	sbr.abs _section_cstart, $3  }
0xcf: {  	[dreg:$0x1] =	wrdreg $0xFFFFFFFF  }
0xd0: {  	_ =	task.clear_ibuf [dreg:s22], $0x2FFFF;
	_ =	strace $0x9FFFFFFF  }
0xd1: {  	(tm) =	ssettm $0x7FFFFFFF  }
tec
execute0_lowered:
.L_overlay_start_1:
0x0: {  	(tag) =	ssettag $0x1  }
0x1: {  	s2 =	rddreg [dreg:$0x0]  }
0x2: {  	s7 =	rddreg [dreg:$0x1];
	s3 =	srdreg.scid  }
0x3: {  	s0 =	rddreg [dreg:$0x2];
	s1 =	stileid.u32  }
0x4: {  	s10 =	simm.s32 $0x4000;
	s11 =	simm.s32 $0x2;
	s12 =	simm.s32 $0x1  }
0x5: {  	s13 =	simm.s32 $0x0;
	s5 =	sand.u32 $0x1, s3;
	s3 =	simm.s32 $0x0  }
0x6: {  	s4 =	sshll.u32 s1, $0x6;
	s6 =	sshll.u32 s5, $0x5;
	[smem:$0x7FF] =	sst s3  }
0x7: {  	s8 =	ssub.s32 $0x2, s5;
	s5 =	sadd.s32 $0x681C00, s7;
	s4 =	sor.u32 s6, s4  }
0x8: {  	_ =	strace $0x80000050;
	s9 =	sshrl.u32 s8, $0x1;
	s6 =	sshll.u32 s4, $0x7  }
0x9: {  	s8 =	ssub.s32 s8, s9;
	s9 =	simm.s32 $0x3;
	s6 =	sadd.s32 s6, s7  }
0xa: {  	v0 =	vlaneseq.u32;
	s7 =	sadd.s32 $0x661C80, s7;
	s8 =	smax.u32 s8, $0x1;
	s6 =	sadd.s32 $0x661C00, s6  }
.LBB2_1:
0xb: {  	[tilespmem:s3], [sflag:$0x3] =	stream.linear.gather [hbm4b:s2+s3], $0x4000, $0x38;
	[tilespmem:$0xC800] =	vst v63  }
0xc: {  	_ =	swait.ge [sflag:s9], $0x4000  }
0xd: {  	[sflag:s9] =	ssyncset.done $0x0  }
0xe: {  	[sflag:s9] =	ssyncadd.s32 $0xFFFFC000  }
0xf: {  	[tilespmem:s10], [sflag:$0x2] =	stream.linear.gather [hbm4b:s6+s3], $0x400, $0x38;
	[tilespmem:$0xC800] =	vst v63  }
0x10: {  	_ =	swait.ge [sflag:s11], $0x400  }
0x11: {  	[sflag:s11] =	ssyncset.done $0x0  }
0x12: {  	p0 =	por $0x0, $0x0;
	s14 =	simm.s32 $0x0;
	[sflag:s11] =	ssyncadd.s32 $0xFFFFFC00  }
.LBB2_2:
0x13: {  	s15 =	sor.u32 s4, s14  }
0x14: {  	s20 =	sand.u32 $0x1, s14;
	p1 =	seq.s32 s14, $0x1F;
	s19 =	simm.s32 $0x0  }
0x15: {  	s21 =	simm.s32 $0x18;
	s16 =	sshll.u32 @!p1 s15, $0x7;
	s17 =	sshll.u32 @!p1 s20, $0xA  }
0x16: {  	s18 =	simm.s32 @!p1 $0x0;
	s17 =	sxor.u32 @!p1 $0x4400, s17;
	s16 =	sadd.s32 @!p1 s16, s7  }
0x17: {  	[tilespmem:s17], [sflag:$0x2] =	stream.linear.gather @!p1 [hbm4b:s16+s18], $0x400, $0x38;
	[tilespmem:$0xC800] =	vst v63  }
0x18: {  	s22 =	simm.s32 $0x0;
	s16 =	sand.u32 $0xFFFFFF80, s19;
	s17 =	sand.u32 $0x78, s21  }
0x19: {  	s19 =	simm.s32 $0x8;
	s18 =	sand.u32 $0x60, s22;
	s17 =	sor.u32 s16, s17  }
0x1a: {  	p2 =	slt.u32 @!p1 s14, $0x2;
	s19 =	sand.u32 $0x68, s19;
	s18 =	sor.u32 s18, s16;
	v9 =	vmov s17  }
0x1b: {  	s23 =	simm.s32 $0x10;
	p2 =	por p1, !p2;
	s19 =	sor.u32 s16, s19;
	v7 =	vmov s18  }
0x1c: {  	_ =	swait.ge @p2 [sflag:s12], $0x4000;
	s17 =	sand.u32 $0x70, s23;
	v6 =	vmov s19  }
0x1d: {  	s24 =	sshll.u32 s20, $0xA;
	[sflag:s12] =	ssyncset.done @p2 $0x0;
	s17 =	sor.u32 s16, s17  }
0x1e: {  	[sflag:s12] =	ssyncadd.s32 @p2 $0xFFFFC000;
	s16 =	sor.u32 $0x4000, s24;
	v2 =	vmov s17  }
0x1f: {  	v1 =	vld.idx.msk [tilespmem:v9+s16+$0x0], $0xffff  }
0x20: {  	v3 =	vld.idx.msk [tilespmem:v7+s16+$0x0], $0xffff  }
0x21: {  	v4 =	vld.idx.msk [tilespmem:v6+s16+$0x0], $0xffff;
	_ =	sdelay $0x1  }
0x22: {  	v5 =	vld.idx.msk [tilespmem:v2+s16+$0x0], $0xffff  }
0x23: {  	v1 =	vshll.u32 v1, $0x4  }
0x24: {  	v3 =	vshll.u32 v3, $0x4;
	v1 =	vor.u32 v0, v1  }
0x25: {  	v4 =	vshll.u32 v4, $0x4;
	v3 =	vor.u32 v0, v3  }
0x26: {  	v4 =	vor.u32 v0, v4  }
0x27: {  	v5 =	vshll.u32 v5, $0x4  }
0x28: {  	v5 =	vor.u32 v0, v5  }
0x29: {  	v1 =	vld.idx.msk [tilespmem:v1+s3+$0x0], $0xffff  }
0x2a: {  	v8 =	vor.u32 $0x1, v9;
	s17 =	simm.s32 $0x1;
	v3 =	vld.idx.msk [tilespmem:v3+s3+$0x0], $0xffff  }
0x2b: {  	v10 =	vor.u32 $0x1, v7;
	s17 =	simm.s32 @!p0 $0x0;
	v4 =	vld.idx.msk [tilespmem:v4+s3+$0x0], $0xffff  }
0x2c: {  	v11 =	vor.u32 $0x1, v6;
	s17 =	sshll.u32 s17, $0xE  }
0x2d: {  	s17 =	sadd.s32 $0x4900, s17;
	v5 =	vld.idx.msk [tilespmem:v5+s3+$0x0], $0xffff  }
0x2e: {  	v12 =	vor.u32 $0x1, v2;
	[tilespmem:s17+$0x80] =	vst v1  }
0x2f: {  	[tilespmem:s17+$0xFFFFFF00] =	vst v3;
	v1 =	vld.idx.msk [tilespmem:v8+s16+$0x0], $0xffff  }
0x30: {  	v3 =	vld.idx.msk [tilespmem:v10+s16+$0x0], $0xffff;
	[tilespmem:s17+$0xFFFFFF80] =	vst v4  }
0x31: {  	v4 =	vld.idx.msk [tilespmem:v11+s16+$0x0], $0xffff  }
0x32: {  	[tilespmem:s17+$0x0] =	vst v5  }
0x33: {  	v5 =	vld.idx.msk [tilespmem:v12+s16+$0x0], $0xffff  }
0x34: {  	v1 =	vshll.u32 v1, $0x4  }
0x35: {  	v3 =	vshll.u32 v3, $0x4;
	v1 =	vor.u32 v0, v1  }
0x36: {  	v3 =	vor.u32 v0, v3;
	v4 =	vshll.u32 v4, $0x4  }
0x37: {  	v4 =	vor.u32 v0, v4  }
0x38: {  	v5 =	vshll.u32 v5, $0x4  }
0x39: {  	v5 =	vor.u32 v0, v5  }
0x3a: {  	v1 =	vld.idx.msk [tilespmem:v1+s3+$0x0], $0xffff  }
0x3b: {  	v8 =	vor.u32 $0x2, v9;
	v3 =	vld.idx.msk [tilespmem:v3+s3+$0x0], $0xffff  }
0x3c: {  	v10 =	vor.u32 $0x2, v7;
	v4 =	vld.idx.msk [tilespmem:v4+s3+$0x0], $0xffff  }
0x3d: {  	v11 =	vor.u32 $0x2, v6  }
0x3e: {  	v5 =	vld.idx.msk [tilespmem:v5+s3+$0x0], $0xffff  }
0x3f: {  	v12 =	vor.u32 $0x2, v2;
	[tilespmem:s17+$0x90] =	vst v1  }
0x40: {  	[tilespmem:s17+$0xFFFFFF10] =	vst v3;
	v1 =	vld.idx.msk [tilespmem:v8+s16+$0x0], $0xffff  }
0x41: {  	v3 =	vld.idx.msk [tilespmem:v10+s16+$0x0], $0xffff;
	[tilespmem:s17+$0xFFFFFF90] =	vst v4  }
0x42: {  	v4 =	vld.idx.msk [tilespmem:v11+s16+$0x0], $0xffff  }
0x43: {  	[tilespmem:s17+$0x10] =	vst v5  }
0x44: {  	v5 =	vld.idx.msk [tilespmem:v12+s16+$0x0], $0xffff  }
0x45: {  	v1 =	vshll.u32 v1, $0x4  }
0x46: {  	v3 =	vshll.u32 v3, $0x4;
	v1 =	vor.u32 v0, v1  }
0x47: {  	v3 =	vor.u32 v0, v3;
	v4 =	vshll.u32 v4, $0x4  }
0x48: {  	v4 =	vor.u32 v0, v4  }
0x49: {  	v5 =	vshll.u32 v5, $0x4  }
0x4a: {  	v5 =	vor.u32 v0, v5  }
0x4b: {  	v1 =	vld.idx.msk [tilespmem:v1+s3+$0x0], $0xffff  }
0x4c: {  	s25 =	simm.s32 $0x20;
	s21 =	simm.s32 $0x20;
	v8 =	vor.u32 $0x3, v9;
	v3 =	vld.idx.msk [tilespmem:v3+s3+$0x0], $0xffff  }
0x4d: {  	s21 =	sand.u32 $0x60, s21;
	s18 =	sand.u32 $0xFFFFFF80, s25;
	v10 =	vor.u32 $0x3, v7;
	v4 =	vld.idx.msk [tilespmem:v4+s3+$0x0], $0xffff  }
0x4e: {  	s26 =	simm.s32 $0x38;
	s21 =	sor.u32 s21, s18;
	v11 =	vor.u32 $0x3, v6  }
0x4f: {  	s19 =	sand.u32 $0x78, s26;
	v12 =	vld.idx.msk [tilespmem:v5+s3+$0x0], $0xffff;
	v5 =	vmov s21  }
0x50: {  	s22 =	simm.s32 $0x28;
	s19 =	sor.u32 s18, s19;
	v13 =	vor.u32 $0x3, v2;
	[tilespmem:s17+$0xA0] =	vst v1  }
0x51: {  	s22 =	sand.u32 $0x68, s22;
	[tilespmem:s17+$0xFFFFFF20] =	vst v3;
	v1 =	vld.idx.msk [tilespmem:v8+s16+$0x0], $0xffff;
	v8 =	vmov s19  }
0x52: {  	s28 =	simm.s32 $0x30;
	s22 =	sor.u32 s18, s22;
	v10 =	vld.idx.msk [tilespmem:v10+s16+$0x0], $0xffff;
	[tilespmem:s17+$0xFFFFFFA0] =	vst v4  }
0x53: {  	v3 =	vmov s22;
	s19 =	sand.u32 $0x70, s28;
	v11 =	vld.idx.msk [tilespmem:v11+s16+$0x0], $0xffff  }
0x54: {  	s18 =	sor.u32 s18, s19;
	[tilespmem:s17+$0x20] =	vst v12;
	v14 =	vld.idx.msk [tilespmem:v5+s16+$0x0], $0xffff  }
0x55: {  	v4 =	vmov s18;
	v12 =	vld.idx.msk [tilespmem:v13+s16+$0x0], $0xffff  }
0x56: {  	v1 =	vshll.u32 v1, $0x4;
	v13 =	vld.idx.msk [tilespmem:v8+s16+$0x0], $0xffff  }
0x57: {  	v10 =	vshll.u32 v10, $0x4;
	v1 =	vor.u32 v0, v1  }
0x58: {  	v15 =	vld.idx.msk [tilespmem:v3+s16+$0x0], $0xffff;
	v10 =	vor.u32 v0, v10;
	v11 =	vshll.u32 v11, $0x4  }
0x59: {  	v14 =	vshll.u32 v14, $0x4;
	v11 =	vor.u32 v0, v11  }
0x5a: {  	v16 =	vld.idx.msk [tilespmem:v4+s16+$0x0], $0xffff;
	v12 =	vshll.u32 v12, $0x4;
	v14 =	vor.u32 v0, v14  }
0x5b: {  	v12 =	vor.u32 v0, v12;
	v13 =	vshll.u32 v13, $0x4  }
0x5c: {  	v1 =	vld.idx.msk [tilespmem:v1+s3+$0x0], $0xffff;
	v13 =	vor.u32 v0, v13  }
0x5d: {  	v17 =	vor.u32 $0x4, v9;
	v15 =	vshll.u32 v15, $0x4;
	v10 =	vld.idx.msk [tilespmem:v10+s3+$0x0], $0xffff  }
0x5e: {  	v15 =	vor.u32 v0, v15;
	v11 =	vld.idx.msk [tilespmem:v11+s3+$0x0], $0xffff  }
0x5f: {  	v18 =	vor.u32 $0x4, v7;
	v16 =	vshll.u32 v16, $0x4;
	v14 =	vld.idx.msk [tilespmem:v14+s3+$0x0], $0xffff  }
0x60: {  	v12 =	vld.idx.msk [tilespmem:v12+s3+$0x0], $0xffff;
	v16 =	vor.u32 v0, v16  }
0x61: {  	v19 =	vor.u32 $0x4, v6;
	v13 =	vld.idx.msk [tilespmem:v13+s3+$0x0], $0xffff;
	[tilespmem:s17+$0xB0] =	vst v1  }
0x62: {  	v1 =	vld.idx.msk [tilespmem:v17+s16+$0x0], $0xffff;
	v17 =	vor.u32 $0x1, v8  }
0x63: {  	v20 =	vor.u32 $0x1, v5;
	v15 =	vld.idx.msk [tilespmem:v15+s3+$0x0], $0xffff;
	[tilespmem:s17+$0xFFFFFF30] =	vst v10  }
0x64: {  	s18 =	sadd.s32 $0x200, s17;
	v18 =	vld.idx.msk [tilespmem:v18+s16+$0x0], $0xffff;
	[tilespmem:s17+$0xFFFFFFB0] =	vst v11  }
0x65: {  	v21 =	vor.u32 $0x1, v3;
	[tilespmem:s18+$0xFFFFFF00] =	vst v14;
	v10 =	vld.idx.msk [tilespmem:v16+s3+$0x0], $0xffff  }
0x66: {  	v16 =	vor.u32 $0x1, v4;
	v14 =	vld.idx.msk [tilespmem:v19+s16+$0x0], $0xffff;
	[tilespmem:s18+$0x80] =	vst v13  }
0x67: {  	v13 =	vor.u32 $0x4, v2;
	v11 =	vld.idx.msk [tilespmem:v17+s16+$0x0], $0xffff;
	v1 =	vshll.u32 v1, $0x4  }
0x68: {  	[tilespmem:s17+$0x30] =	vst v12;
	v17 =	vld.idx.msk [tilespmem:v20+s16+$0x0], $0xffff;
	v1 =	vor.u32 v0, v1  }
0x69: {  	[tilespmem:s18+$0xFFFFFF80] =	vst v15  }
0x6a: {  	v15 =	vld.idx.msk [tilespmem:v21+s16+$0x0], $0xffff;
	v12 =	vshll.u32 v18, $0x4;
	[tilespmem:s18+$0x0] =	vst v10  }
0x6b: {  	v12 =	vor.u32 v0, v12;
	v14 =	vshll.u32 v14, $0x4;
	v10 =	vld.idx.msk [tilespmem:v16+s16+$0x0], $0xffff  }
0x6c: {  	v14 =	vor.u32 v0, v14;
	v13 =	vld.idx.msk [tilespmem:v13+s16+$0x0], $0xffff;
	v11 =	vshll.u32 v11, $0x4  }
0x6d: {  	v16 =	vshll.u32 v17, $0x4;
	v1 =	vld.idx.msk [tilespmem:v1+s3+$0x0], $0xffff;
	v11 =	vor.u32 v0, v11  }
0x6e: {  	v16 =	vor.u32 v0, v16  }
0x6f: {  	v15 =	vshll.u32 v15, $0x4;
	v17 =	vor.u32 $0x5, v9  }
0x70: {  	v15 =	vor.u32 v0, v15;
	v12 =	vld.idx.msk [tilespmem:v12+s3+$0x0], $0xffff;
	v10 =	vshll.u32 v10, $0x4  }
0x71: {  	v14 =	vld.idx.msk [tilespmem:v14+s3+$0x0], $0xffff;
	v10 =	vor.u32 v0, v10;
	v13 =	vshll.u32 v13, $0x4  }
0x72: {  	v11 =	vld.idx.msk [tilespmem:v11+s3+$0x0], $0xffff;
	[tilespmem:s17+$0xC0] =	vst v1;
	v1 =	vor.u32 v0, v13  }
0x73: {  	v18 =	vor.u32 $0x5, v7;
	v16 =	vld.idx.msk [tilespmem:v16+s3+$0x0], $0xffff  }
0x74: {  	v13 =	vld.idx.msk [tilespmem:v17+s16+$0x0], $0xffff;
	v17 =	vor.u32 $0x2, v8  }
0x75: {  	v19 =	vor.u32 $0x2, v5;
	v15 =	vld.idx.msk [tilespmem:v15+s3+$0x0], $0xffff  }
0x76: {  	[tilespmem:s17+$0xFFFFFF40] =	vst v12;
	v10 =	vld.idx.msk [tilespmem:v10+s3+$0x0], $0xffff  }
0x77: {  	v20 =	vor.u32 $0x2, v3;
	[tilespmem:s18+$0x90] =	vst v11;
	v1 =	vld.idx.msk [tilespmem:v1+s3+$0x0], $0xffff  }
0x78: {  	v21 =	vor.u32 $0x2, v4;
	[tilespmem:s18+$0xFFFFFF10] =	vst v16;
	v16 =	vld.idx.msk [tilespmem:v18+s16+$0x0], $0xffff  }
0x79: {  	v11 =	vor.u32 $0x5, v6;
	v12 =	vld.idx.msk [tilespmem:v17+s16+$0x0], $0xffff  }
0x7a: {  	v13 =	vshll.u32 v13, $0x4;
	v17 =	vld.idx.msk [tilespmem:v19+s16+$0x0], $0xffff  }
0x7b: {  	[tilespmem:s18+$0xFFFFFF90] =	vst v15;
	v13 =	vor.u32 v0, v13  }
0x7c: {  	v15 =	vor.u32 $0x5, v2;
	v18 =	vld.idx.msk [tilespmem:v20+s16+$0x0], $0xffff;
	[tilespmem:s18+$0x10] =	vst v10  }
0x7d: {  	[tilespmem:s17+$0xFFFFFFC0] =	vst v14;
	v10 =	vld.idx.msk [tilespmem:v21+s16+$0x0], $0xffff;
	v16 =	vshll.u32 v16, $0x4  }
0x7e: {  	v11 =	vld.idx.msk [tilespmem:v11+s16+$0x0], $0xffff;
	v12 =	vshll.u32 v12, $0x4;
	v16 =	vor.u32 v0, v16  }
0x7f: {  	[tilespmem:s17+$0x40] =	vst v1;
	v1 =	vshll.u32 v17, $0x4;
	v12 =	vor.u32 v0, v12  }
0x80: {  	v13 =	vld.idx.msk [tilespmem:v13+s3+$0x0], $0xffff;
	v1 =	vor.u32 v0, v1  }
0x81: {  	v14 =	vor.u32 $0x6, v9;
	v15 =	vld.idx.msk [tilespmem:v15+s16+$0x0], $0xffff;
	v17 =	vshll.u32 v18, $0x4  }
0x82: {  	v17 =	vor.u32 v0, v17;
	v10 =	vshll.u32 v10, $0x4  }
0x83: {  	v10 =	vor.u32 v0, v10;
	v11 =	vshll.u32 v11, $0x4;
	v16 =	vld.idx.msk [tilespmem:v16+s3+$0x0], $0xffff  }
0x84: {  	v11 =	vor.u32 v0, v11;
	v12 =	vld.idx.msk [tilespmem:v12+s3+$0x0], $0xffff  }
0x85: {  	v21 =	vor.u32 $0x6, v7;
	[tilespmem:s17+$0xD0] =	vst v13;
	v1 =	vld.idx.msk [tilespmem:v1+s3+$0x0], $0xffff  }
0x86: {  	v13 =	vld.idx.msk [tilespmem:v14+s16+$0x0], $0xffff;
	v14 =	vshll.u32 v15, $0x4;
	v15 =	vor.u32 $0x3, v8  }
0x87: {  	s29 =	simm.s32 $0x40;
	s30 =	simm.s32 $0x58;
	v18 =	vor.u32 $0x3, v5;
	v17 =	vld.idx.msk [tilespmem:v17+s3+$0x0], $0xffff  }
0x88: {  	s31 =	simm.s32 $0x48;
	s23 =	simm.s32 $0x40;
	s24 =	simm.s32 $0x50;
	v19 =	vor.u32 $0x3, v3;
	v10 =	vld.idx.msk [tilespmem:v10+s3+$0x0], $0xffff  }
0x89: {  	s23 =	sand.u32 $0x60, s23;
	s21 =	sand.u32 $0x78, s30;
	s19 =	sand.u32 $0xFFFFFF80, s29;
	v14 =	vor.u32 v0, v14;
	v11 =	vld.idx.msk [tilespmem:v11+s3+$0x0], $0xffff;
	[tilespmem:s17+$0xFFFFFF50] =	vst v16  }
0x8a: {  	s24 =	sand.u32 $0x70, s24;
	s22 =	sand.u32 $0x68, s31;
	s21 =	sor.u32 s19, s21;
	v20 =	vor.u32 $0x3, v4;
	[tilespmem:s18+$0xA0] =	vst v12;
	v16 =	vld.idx.msk [tilespmem:v21+s16+$0x0], $0xffff  }
0x8b: {  	s22 =	sor.u32 s19, s22;
	s23 =	sor.u32 s23, s19;
	s19 =	sor.u32 s19, s24;
	[tilespmem:s18+$0xFFFFFF20] =	vst v1;
	v1 =	vmov s21;
	v15 =	vld.idx.msk [tilespmem:v15+s16+$0x0], $0xffff  }
0x8c: {  	[tilespmem:s18+$0xFFFFFFA0] =	vst v17;
	v12 =	vshll.u32 v13, $0x4;
	v18 =	vld.idx.msk [tilespmem:v18+s16+$0x0], $0xffff;
	v13 =	vmov s19  }
0x8d: {  	v17 =	vld.idx.msk [tilespmem:v19+s16+$0x0], $0xffff;
	v19 =	vor.u32 $0x6, v6  }
0x8e: {  	v22 =	vld.idx.msk [tilespmem:v14+s3+$0x0], $0xffff;
	v23 =	vor.u32 v0, v12;
	[tilespmem:s18+$0x20] =	vst v10  }
0x8f: {  	v12 =	vmov s22;
	v10 =	vld.idx.msk [tilespmem:v20+s16+$0x0], $0xffff  }
0x90: {  	v14 =	vmov s23;
	v21 =	vld.idx.msk [tilespmem:v1+s16+$0x0], $0xffff  }
0x91: {  	v25 =	vor.u32 $0x6, v2;
	[tilespmem:s17+$0xFFFFFFD0] =	vst v11;
	v16 =	vshll.u32 v16, $0x4;
	v11 =	vld.idx.msk [tilespmem:v13+s16+$0x0], $0xffff  }
0x92: {  	v15 =	vshll.u32 v15, $0x4;
	v19 =	vld.idx.msk [tilespmem:v19+s16+$0x0], $0xffff;
	v16 =	vor.u32 v0, v16  }
0x93: {  	v20 =	vld.idx.msk [tilespmem:v23+s3+$0x0], $0xffff;
	v15 =	vor.u32 v0, v15  }
0x94: {  	v9 =	vor.u32 $0x7, v9;
	v18 =	vshll.u32 v18, $0x4;
	v23 =	vld.idx.msk [tilespmem:v12+s16+$0x0], $0xffff  }
0x95: {  	v17 =	vshll.u32 v17, $0x4;
	v24 =	vld.idx.msk [tilespmem:v14+s16+$0x0], $0xffff;
	v18 =	vor.u32 v0, v18;
	[tilespmem:s17+$0x50] =	vst v22  }
0x96: {  	v17 =	vor.u32 v0, v17;
	v10 =	vshll.u32 v10, $0x4;
	v25 =	vld.idx.msk [tilespmem:v25+s16+$0x0], $0xffff  }
0x97: {  	v10 =	vor.u32 v0, v10;
	v11 =	vshll.u32 v11, $0x4;
	v16 =	vld.idx.msk [tilespmem:v16+s3+$0x0], $0xffff  }
0x98: {  	v15 =	vld.idx.msk [tilespmem:v15+s3+$0x0], $0xffff;
	[tilespmem:s17+$0xE0] =	vst v20;
	v20 =	vshll.u32 v21, $0x4;
	v11 =	vor.u32 v0, v11  }
0x99: {  	v9 =	vld.idx.msk [tilespmem:v9+s16+$0x0], $0xffff;
	v20 =	vor.u32 v0, v20  }
0x9a: {  	v18 =	vld.idx.msk [tilespmem:v18+s3+$0x0], $0xffff;
	v21 =	vshll.u32 v24, $0x4;
	v24 =	vor.u32 $0x4, v8  }
0x9b: {  	v23 =	vshll.u32 v23, $0x4;
	v17 =	vld.idx.msk [tilespmem:v17+s3+$0x0], $0xffff;
	v21 =	vor.u32 v0, v21  }
0x9c: {  	v22 =	vor.u32 v0, v23;
	v10 =	vld.idx.msk [tilespmem:v10+s3+$0x0], $0xffff  }
0x9d: {  	v23 =	vor.u32 $0x4, v5;
	v11 =	vld.idx.msk [tilespmem:v11+s3+$0x0], $0xffff  }
0x9e: {  	v29 =	vor.u32 $0x1, v13;
	[tilespmem:s18+$0xB0] =	vst v15;
	v20 =	vld.idx.msk [tilespmem:v20+s3+$0x0], $0xffff;
	v9 =	vshll.u32 v9, $0x4  }
0x9f: {  	v15 =	vld.idx.msk [tilespmem:v24+s16+$0x0], $0xffff;
	v9 =	vor.u32 v0, v9  }
0xa0: {  	v19 =	vshll.u32 v19, $0x4;
	v21 =	vld.idx.msk [tilespmem:v21+s3+$0x0], $0xffff;
	v24 =	vor.u32 $0x1, v1  }
0xa1: {  	s19 =	sadd.s32 $0x200, s18;
	v19 =	vor.u32 v0, v19;
	[tilespmem:s18+$0xFFFFFF30] =	vst v18;
	v22 =	vld.idx.msk [tilespmem:v22+s3+$0x0], $0xffff  }
0xa2: {  	v27 =	vor.u32 $0x1, v14;
	v28 =	vld.idx.msk [tilespmem:v23+s16+$0x0], $0xffff;
	[tilespmem:s19+$0x0] =	vst v11  }
0xa3: {  	v18 =	vor.u32 $0x1, v12;
	v11 =	vld.idx.msk [tilespmem:v29+s16+$0x0], $0xffff  }
0xa4: {  	v26 =	vor.u32 $0x4, v3;
	[tilespmem:s19+$0x80] =	vst v20;
	v23 =	vld.idx.msk [tilespmem:v9+s3+$0x0], $0xffff  }
0xa5: {  	[tilespmem:s18+$0xFFFFFFB0] =	vst v17;
	v15 =	vshll.u32 v15, $0x4;
	v9 =	vor.u32 $0x4, v4;
	v17 =	vld.idx.msk [tilespmem:v24+s16+$0x0], $0xffff  }
0xa6: {  	v19 =	vld.idx.msk [tilespmem:v19+s3+$0x0], $0xffff;
	[tilespmem:s19+$0xFFFFFF00] =	vst v21;
	v15 =	vor.u32 v0, v15  }
0xa7: {  	v7 =	vor.u32 $0x7, v7;
	[tilespmem:s19+$0xFFFFFF80] =	vst v22;
	v22 =	vshll.u32 v25, $0x4;
	v21 =	vld.idx.msk [tilespmem:v27+s16+$0x0], $0xffff  }
0xa8: {  	[tilespmem:s18+$0x30] =	vst v10;
	v18 =	vld.idx.msk [tilespmem:v18+s16+$0x0], $0xffff;
	v10 =	vor.u32 v0, v22;
	v22 =	vshll.u32 v28, $0x4  }
0xa9: {  	v20 =	vld.idx.msk [tilespmem:v26+s16+$0x0], $0xffff;
	v22 =	vor.u32 v0, v22;
	v11 =	vshll.u32 v11, $0x4  }
0xaa: {  	v9 =	vld.idx.msk [tilespmem:v9+s16+$0x0], $0xffff;
	v17 =	vshll.u32 v17, $0x4;
	v11 =	vor.u32 v0, v11  }
0xab: {  	[tilespmem:s17+$0xFFFFFF60] =	vst v16;
	v15 =	vld.idx.msk [tilespmem:v15+s3+$0x0], $0xffff;
	v17 =	vor.u32 v0, v17  }
0xac: {  	[tilespmem:s17+$0xFFFFFFE0] =	vst v19;
	v19 =	vld.idx.msk [tilespmem:v7+s16+$0x0], $0xffff;
	v24 =	vor.u32 $0x5, v8;
	v21 =	vshll.u32 v21, $0x4  }
0xad: {  	v18 =	vshll.u32 v18, $0x4;
	v10 =	vld.idx.msk [tilespmem:v10+s3+$0x0], $0xffff;
	v21 =	vor.u32 v0, v21  }
0xae: {  	v20 =	vshll.u32 v20, $0x4;
	v18 =	vor.u32 v0, v18;
	v22 =	vld.idx.msk [tilespmem:v22+s3+$0x0], $0xffff  }
0xaf: {  	v20 =	vor.u32 v0, v20;
	v9 =	vshll.u32 v9, $0x4;
	v11 =	vld.idx.msk [tilespmem:v11+s3+$0x0], $0xffff  }
0xb0: {  	[tilespmem:s18+$0xC0] =	vst v15;
	v17 =	vld.idx.msk [tilespmem:v17+s3+$0x0], $0xffff;
	v9 =	vor.u32 v0, v9  }
0xb1: {  	v15 =	vld.idx.msk [tilespmem:v24+s16+$0x0], $0xffff;
	v24 =	vor.u32 $0x2, v1  }
0xb2: {  	v25 =	vor.u32 $0x5, v5;
	v21 =	vld.idx.msk [tilespmem:v21+s3+$0x0], $0xffff  }
0xb3: {  	v26 =	vor.u32 $0x2, v14;
	v18 =	vld.idx.msk [tilespmem:v18+s3+$0x0], $0xffff  }
0xb4: {  	v27 =	vor.u32 $0x2, v12;
	v20 =	vld.idx.msk [tilespmem:v20+s3+$0x0], $0xffff  }
0xb5: {  	v28 =	vor.u32 $0x2, v13;
	[tilespmem:s19+$0x90] =	vst v17;
	v9 =	vld.idx.msk [tilespmem:v9+s3+$0x0], $0xffff  }
0xb6: {  	s25 =	simm.s32 $0x60;
	s26 =	simm.s32 $0x78;
	s22 =	simm.s32 $0x60;
	[tilespmem:s18+$0xFFFFFF40] =	vst v22;
	v17 =	vor.u32 $0x5, v3;
	v15 =	vshll.u32 v15, $0x4;
	v22 =	vld.idx.msk [tilespmem:v24+s16+$0x0], $0xffff  }
0xb7: {  	s29 =	sand.u32 $0x78, s26;
	s21 =	sand.u32 $0xFFFFFF80, s25;
	s26 =	sand.u32 $0x60, s22;
	[tilespmem:s19+$0xFFFFFF10] =	vst v21;
	v21 =	vld.idx.msk [tilespmem:v25+s16+$0x0], $0xffff;
	v15 =	vor.u32 v0, v15  }
0xb8: {  	s31 =	sor.u32 s26, s21;
	[tilespmem:s19+$0xFFFFFF90] =	vst v18;
	v24 =	vor.u32 $0x5, v4;
	v25 =	vld.idx.msk [tilespmem:v26+s16+$0x0], $0xffff  }
0xb9: {  	[tilespmem:s19+$0x10] =	vst v11;
	v18 =	vld.idx.msk [tilespmem:v27+s16+$0x0], $0xffff;
	v26 =	vmov s31  }
0xba: {  	v6 =	vor.u32 $0x7, v6;
	[tilespmem:s18+$0xFFFFFFC0] =	vst v20;
	v11 =	vld.idx.msk [tilespmem:v28+s16+$0x0], $0xffff  }
0xbb: {  	v2 =	vor.u32 $0x7, v2;
	v17 =	vld.idx.msk [tilespmem:v17+s16+$0x0], $0xffff;
	v20 =	vshll.u32 v22, $0x4  }
0xbc: {  	[tilespmem:s18+$0x40] =	vst v9;
	v15 =	vld.idx.msk [tilespmem:v15+s3+$0x0], $0xffff;
	v20 =	vor.u32 v0, v20  }
0xbd: {  	v16 =	vld.idx.msk [tilespmem:v24+s16+$0x0], $0xffff;
	v9 =	vshll.u32 v25, $0x4;
	v22 =	vor.u32 $0x6, v8  }
0xbe: {  	v18 =	vshll.u32 v18, $0x4;
	v28 =	vld.idx.msk [tilespmem:v26+s16+$0x0], $0xffff;
	v7 =	vor.u32 v0, v9  }
0xbf: {  	[tilespmem:s17+$0x60] =	vst v10;
	v11 =	vshll.u32 v11, $0x4;
	v9 =	vld.idx.msk [tilespmem:v6+s16+$0x0], $0xffff;
	v10 =	vor.u32 v0, v18  }
0xc0: {  	v18 =	vshll.u32 v21, $0x4;
	v6 =	vld.idx.msk [tilespmem:v2+s16+$0x0], $0xffff;
	v2 =	vor.u32 v0, v11  }
0xc1: {  	v11 =	vor.u32 v0, v18;
	v17 =	vshll.u32 v17, $0x4;
	[tilespmem:s18+$0xD0] =	vst v15;
	v18 =	vld.idx.msk [tilespmem:v20+s3+$0x0], $0xffff  }
0xc2: {  	v15 =	vor.u32 v0, v17;
	v16 =	vshll.u32 v16, $0x4;
	v17 =	vld.idx.msk [tilespmem:v22+s16+$0x0], $0xffff  }
0xc3: {  	v7 =	vld.idx.msk [tilespmem:v7+s3+$0x0], $0xffff;
	v16 =	vor.u32 v0, v16  }
0xc4: {  	v20 =	vor.u32 $0x3, v1;
	v10 =	vld.idx.msk [tilespmem:v10+s3+$0x0], $0xffff  }
0xc5: {  	v21 =	vor.u32 $0x3, v14;
	v22 =	vld.idx.msk [tilespmem:v2+s3+$0x0], $0xffff  }
0xc6: {  	v24 =	vor.u32 $0x3, v12;
	v11 =	vld.idx.msk [tilespmem:v11+s3+$0x0], $0xffff  }
0xc7: {  	s28 =	simm.s32 $0x68;
	v25 =	vor.u32 $0x3, v13;
	v9 =	vshll.u32 v9, $0x4;
	v15 =	vld.idx.msk [tilespmem:v15+s3+$0x0], $0xffff  }
0xc8: {  	s23 =	sand.u32 $0x68, s28;
	v9 =	vor.u32 v0, v9;
	[tilespmem:s19+$0xA0] =	vst v18;
	v16 =	vld.idx.msk [tilespmem:v16+s3+$0x0], $0xffff  }
0xc9: {  	s23 =	sor.u32 s21, s23;
	v18 =	vor.u32 $0x6, v5;
	[tilespmem:s19+$0xFFFFFF20] =	vst v7;
	v20 =	vld.idx.msk [tilespmem:v20+s16+$0x0], $0xffff  }
0xca: {  	s25 =	simm.s32 $0x70;
	v2 =	vshll.u32 v17, $0x4;
	[tilespmem:s19+$0xFFFFFFA0] =	vst v10;
	v7 =	vmov s23;
	v21 =	vld.idx.msk [tilespmem:v21+s16+$0x0], $0xffff  }
0xcb: {  	s24 =	sor.u32 s21, s29;
	s30 =	sand.u32 $0x70, s25;
	[tilespmem:s19+$0x20] =	vst v22;
	v17 =	vor.u32 v0, v2;
	v10 =	vld.idx.msk [tilespmem:v24+s16+$0x0], $0xffff  }
0xcc: {  	s21 =	sor.u32 s21, s30;
	v2 =	vmov s24;
	v22 =	vld.idx.msk [tilespmem:v25+s16+$0x0], $0xffff  }
0xcd: {  	[tilespmem:s18+$0xFFFFFF50] =	vst v11;
	v25 =	vmov s21;
	v35 =	vld.idx.msk [tilespmem:v9+s3+$0x0], $0xffff  }
0xce: {  	v11 =	vld.idx.msk [tilespmem:v18+s16+$0x0], $0xffff;
	v18 =	vor.u32 $0x6, v3  }
0xcf: {  	v29 =	vor.u32 $0x6, v4;
	v27 =	vld.idx.msk [tilespmem:v7+s16+$0x0], $0xffff;
	v20 =	vshll.u32 v20, $0x4  }
0xd0: {  	v17 =	vld.idx.msk [tilespmem:v17+s3+$0x0], $0xffff;
	v20 =	vor.u32 v0, v20  }
0xd1: {  	v8 =	vor.u32 $0x7, v8;
	v24 =	vld.idx.msk [tilespmem:v2+s16+$0x0], $0xffff;
	v21 =	vshll.u32 v21, $0x4  }
0xd2: {  	[tilespmem:s18+$0xFFFFFFD0] =	vst v15;
	v10 =	vshll.u32 v10, $0x4;
	v15 =	vld.idx.msk [tilespmem:v25+s16+$0x0], $0xffff;
	v21 =	vor.u32 v0, v21  }
0xd3: {  	[tilespmem:s18+$0x50] =	vst v16;
	v22 =	vshll.u32 v22, $0x4;
	v10 =	vor.u32 v0, v10;
	v18 =	vld.idx.msk [tilespmem:v18+s16+$0x0], $0xffff  }
0xd4: {  	v19 =	vshll.u32 v19, $0x4;
	v22 =	vor.u32 v0, v22;
	v16 =	vshll.u32 v27, $0x4;
	v27 =	vld.idx.msk [tilespmem:v29+s16+$0x0], $0xffff  }
0xd5: {  	[tilespmem:s18+$0xE0] =	vst v17;
	v17 =	vor.u32 v0, v19;
	v20 =	vld.idx.msk [tilespmem:v20+s3+$0x0], $0xffff  }
0xd6: {  	v19 =	vshll.u32 v24, $0x4;
	v16 =	vor.u32 v0, v16;
	v8 =	vld.idx.msk [tilespmem:v8+s16+$0x0], $0xffff  }
0xd7: {  	v24 =	vshll.u32 v28, $0x4;
	v19 =	vor.u32 v0, v19;
	v21 =	vld.idx.msk [tilespmem:v21+s3+$0x0], $0xffff  }
0xd8: {  	v15 =	vshll.u32 v15, $0x4;
	v10 =	vld.idx.msk [tilespmem:v10+s3+$0x0], $0xffff;
	v24 =	vor.u32 v0, v24  }
0xd9: {  	v22 =	vld.idx.msk [tilespmem:v22+s3+$0x0], $0xffff;
	v15 =	vor.u32 v0, v15  }
0xda: {  	v30 =	vor.u32 $0x4, v1;
	v28 =	vld.idx.msk [tilespmem:v17+s3+$0x0], $0xffff  }
0xdb: {  	v11 =	vshll.u32 v11, $0x4;
	v17 =	vor.u32 $0x4, v14;
	v16 =	vld.idx.msk [tilespmem:v16+s3+$0x0], $0xffff  }
0xdc: {  	v11 =	vor.u32 v0, v11;
	v19 =	vld.idx.msk [tilespmem:v19+s3+$0x0], $0xffff  }
0xdd: {  	v8 =	vshll.u32 v8, $0x4;
	v24 =	vld.idx.msk [tilespmem:v24+s3+$0x0], $0xffff;
	[tilespmem:s19+$0xFFFFFF30] =	vst v21;
	v21 =	vor.u32 $0x1, v7  }
0xde: {  	[tilespmem:s19+$0xB0] =	vst v20;
	v15 =	vld.idx.msk [tilespmem:v15+s3+$0x0], $0xffff;
	v8 =	vor.u32 v0, v8  }
0xdf: {  	v20 =	vld.idx.msk [tilespmem:v30+s16+$0x0], $0xffff;
	v30 =	vor.u32 $0x1, v2  }
0xe0: {  	v31 =	vor.u32 $0x4, v12;
	s21 =	sadd.s32 $0x200, s19;
	v18 =	vshll.u32 v18, $0x4;
	v17 =	vld.idx.msk [tilespmem:v17+s16+$0x0], $0xffff  }
0xe1: {  	v32 =	vor.u32 $0x1, v26;
	[tilespmem:s21+$0xFFFFFF80] =	vst v16;
	v16 =	vor.u32 v0, v18;
	v18 =	vshll.u32 v27, $0x4;
	v27 =	vld.idx.msk [tilespmem:v11+s3+$0x0], $0xffff  }
0xe2: {  	v33 =	vor.u32 $0x1, v25;
	[tilespmem:s19+$0xFFFFFFB0] =	vst v10;
	v21 =	vld.idx.msk [tilespmem:v21+s16+$0x0], $0xffff  }
0xe3: {  	[tilespmem:s21+$0x80] =	vst v19;
	v29 =	vld.idx.msk [tilespmem:v8+s3+$0x0], $0xffff  }
0xe4: {  	[tilespmem:s21+$0x0] =	vst v15;
	v15 =	vor.u32 v0, v18;
	v10 =	vld.idx.msk [tilespmem:v30+s16+$0x0], $0xffff  }
0xe5: {  	[tilespmem:s21+$0xFFFFFF00] =	vst v24;
	v8 =	vor.u32 $0x4, v13;
	v19 =	vshll.u32 v20, $0x4;
	v20 =	vld.idx.msk [tilespmem:v31+s16+$0x0], $0xffff  }
0xe6: {  	v6 =	vshll.u32 v6, $0x4;
	v24 =	vld.idx.msk [tilespmem:v32+s16+$0x0], $0xffff;
	v19 =	vor.u32 v0, v19  }
0xe7: {  	v6 =	vor.u32 v0, v6;
	v18 =	vld.idx.msk [tilespmem:v33+s16+$0x0], $0xffff;
	v17 =	vshll.u32 v17, $0x4  }
0xe8: {  	v16 =	vld.idx.msk [tilespmem:v16+s3+$0x0], $0xffff;
	v17 =	vor.u32 v0, v17  }
0xe9: {  	v36 =	vor.u32 $0x7, v3;
	[tilespmem:s19+$0x30] =	vst v22;
	v21 =	vshll.u32 v21, $0x4;
	v30 =	vld.idx.msk [tilespmem:v15+s3+$0x0], $0xffff  }
0xea: {  	v8 =	vld.idx.msk [tilespmem:v8+s16+$0x0], $0xffff;
	v10 =	vshll.u32 v10, $0x4;
	v15 =	vor.u32 v0, v21  }
0xeb: {  	v19 =	vld.idx.msk [tilespmem:v19+s3+$0x0], $0xffff;
	v10 =	vor.u32 v0, v10  }
0xec: {  	v22 =	vor.u32 $0x5, v1;
	[tilespmem:s18+$0xFFFFFF60] =	vst v27;
	v27 =	vld.idx.msk [tilespmem:v6+s3+$0x0], $0xffff;
	v11 =	vshll.u32 v24, $0x4  }
0xed: {  	v18 =	vshll.u32 v18, $0x4;
	v11 =	vor.u32 v0, v11;
	[tilespmem:s18+$0xFFFFFFE0] =	vst v16;
	v17 =	vld.idx.msk [tilespmem:v17+s3+$0x0], $0xffff  }
0xee: {  	v20 =	vshll.u32 v20, $0x4;
	v18 =	vor.u32 v0, v18;
	v63 =	vld.idx.msk [tilespmem:v36+s16+$0x0], $0xffff  }
0xef: {  	v9 =	vor.u32 v0, v20;
	v8 =	vshll.u32 v8, $0x4;
	v15 =	vld.idx.msk [tilespmem:v15+s3+$0x0], $0xffff  }
0xf0: {  	v10 =	vld.idx.msk [tilespmem:v10+s3+$0x0], $0xffff;
	[tilespmem:s19+$0xC0] =	vst v19;
	v8 =	vor.u32 v0, v8  }
0xf1: {  	v20 =	vor.u32 $0x2, v2;
	v19 =	vld.idx.msk [tilespmem:v22+s16+$0x0], $0xffff  }
0xf2: {  	v21 =	vor.u32 $0x5, v14;
	v11 =	vld.idx.msk [tilespmem:v11+s3+$0x0], $0xffff  }
0xf3: {  	v18 =	vld.idx.msk [tilespmem:v18+s3+$0x0], $0xffff;
	v22 =	vor.u32 $0x2, v26  }
0xf4: {  	v24 =	vor.u32 $0x2, v7;
	v31 =	vld.idx.msk [tilespmem:v9+s3+$0x0], $0xffff  }
0xf5: {  	v58 =	vor.u32 $0x2, v25;
	[tilespmem:s21+$0x90] =	vst v10;
	v8 =	vld.idx.msk [tilespmem:v8+s3+$0x0], $0xffff  }
0xf6: {  	v59 =	vor.u32 $0x7, v5;
	v34 =	vor.u32 $0x5, v12;
	[tilespmem:s19+$0xFFFFFF40] =	vst v17;
	v17 =	vld.idx.msk [tilespmem:v20+s16+$0x0], $0xffff;
	v5 =	vshll.u32 v19, $0x4  }
0xf7: {  	v37 =	vor.u32 $0x7, v4;
	v62 =	vor.u32 $0x6, v1;
	v38 =	vld.idx.msk [tilespmem:v21+s16+$0x0], $0xffff;
	[tilespmem:s21+$0xFFFFFF10] =	vst v11;
	v19 =	vor.u32 v0, v5  }
0xf8: {  	v39 =	vor.u32 $0x5, v13;
	v4 =	vor.u32 $0x7, v12;
	v3 =	vor.u32 $0x7, v13;
	[tilespmem:s21+$0xFFFFFF90] =	vst v15;
	v40 =	vld.idx.msk [tilespmem:v22+s16+$0x0], $0xffff  }
0xf9: {  	v6 =	vor.u32 $0x7, v7;
	v16 =	vor.u32 $0x6, v26;
	v36 =	vor.u32 $0x3, v2;
	v41 =	vld.idx.msk [tilespmem:v24+s16+$0x0], $0xffff;
	[tilespmem:s21+$0x10] =	vst v18  }
0xfa: {  	v9 =	vor.u32 $0x6, v13;
	v13 =	vor.u32 $0x6, v7;
	v10 =	vor.u32 $0x6, v12;
	[tilespmem:s19+$0xFFFFFFC0] =	vst v31;
	v12 =	vld.idx.msk [tilespmem:v58+s16+$0x0], $0xffff  }
0xfb: {  	v21 =	vor.u32 $0x3, v25;
	v15 =	vor.u32 $0x5, v7;
	v60 =	vld.idx.msk [tilespmem:v34+s16+$0x0], $0xffff;
	[tilespmem:s19+$0x40] =	vst v8;
	v8 =	vshll.u32 v17, $0x4  }
0xfc: {  	v11 =	vor.u32 $0x6, v14;
	v24 =	vor.u32 $0x3, v26;
	v31 =	vld.idx.msk [tilespmem:v19+s3+$0x0], $0xffff;
	v61 =	vor.u32 v0, v8  }
0xfd: {  	v18 =	vor.u32 $0x4, v7;
	v20 =	vor.u32 $0x4, v26;
	v8 =	vshll.u32 v40, $0x4  }
0xfe: {  	v5 =	vor.u32 $0x7, v14;
	v39 =	vld.idx.msk [tilespmem:v39+s16+$0x0], $0xffff;
	v43 =	vor.u32 v0, v8;
	v8 =	vshll.u32 v41, $0x4  }
0xff: {  	v42 =	vld.idx.msk [tilespmem:v59+s16+$0x0], $0xffff;
	[tilespmem:s18+$0x60] =	vst v30;
	v14 =	vor.u32 $0x5, v26;
	v44 =	vor.u32 v0, v8;
	v8 =	vshll.u32 v12, $0x4  }
0x100: {  	[tilespmem:s17+$0xF0] =	vst v23;
	v37 =	vld.idx.msk [tilespmem:v37+s16+$0x0], $0xffff;
	v45 =	vor.u32 v0, v8;
	v8 =	vor.u32 $0x7, v26;
	v26 =	vshll.u32 v38, $0x4  }
0x101: {  	v22 =	vor.u32 $0x3, v7;
	v23 =	vshll.u32 v60, $0x4;
	v33 =	vld.idx.msk [tilespmem:v61+s3+$0x0], $0xffff;
	[tilespmem:s19+$0xD0] =	vst v31;
	v31 =	vor.u32 v0, v26  }
0x102: {  	v7 =	vor.u32 $0x7, v25;
	v17 =	vor.u32 $0x5, v25;
	v32 =	vor.u32 v0, v23;
	v30 =	vld.idx.msk [tilespmem:v62+s16+$0x0], $0xffff  }
0x103: {  	[tilespmem:s17+$0xFFFFFF70] =	vst v28;
	v19 =	vor.u32 $0x4, v25;
	v12 =	vor.u32 $0x6, v25;
	v23 =	vshll.u32 v39, $0x4;
	v34 =	vld.idx.msk [tilespmem:v43+s3+$0x0], $0xffff  }
0x104: {  	s20 =	sshll.u32 s20, $0xE;
	[tilespmem:s18+$0xF0] =	vst v29;
	v25 =	vshll.u32 v63, $0x4;
	v28 =	vor.u32 v0, v23;
	v23 =	vshll.u32 v42, $0x4;
	v29 =	vld.idx.msk [tilespmem:v44+s3+$0x0], $0xffff  }
0x105: {  	s14 =	sadd.s32 $0x1, s14;
	s20 =	sadd.s32 $0x4800, s20;
	s23 =	simm.s32 $0xC;
	[tilespmem:s17+$0xFFFFFFF0] =	vst v35;
	v26 =	vor.u32 v0, v23;
	v23 =	vor.u32 v0, v25;
	v25 =	vshll.u32 v37, $0x4;
	v35 =	vld.idx.msk [tilespmem:v45+s3+$0x0], $0xffff  }
.LBB2_3:
0x106: {  	s23 =	sadd.s32 $0x4, s23;
	s22 =	sadd.s32 $0x20, s22;
	v31 =	vld.idx.msk [tilespmem:v31+s3+$0x0], $0xffff;
	v25 =	vor.u32 v0, v25;
	[tilespmem:s17+$0x70] =	vst v27;
	s17 =	smov.u32 s18  }
0x107: {  	s18 =	sshll.u32 s23, $0x3;
	s24 =	sadd.s32 $0x8, s22;
	s25 =	sadd.s32 $0x18, s22;
	[tilespmem:s21+$0xA0] =	vst v33;
	v32 =	vld.idx.msk [tilespmem:v32+s3+$0x0], $0xffff  }
0x108: {  	s26 =	sadd.s32 $0x10, s22;
	v27 =	vshll.u32 v30, $0x4;
	s18 =	sand.u32 $0xFFFFFF80, s18;
	s25 =	sand.u32 $0x78, s25;
	v33 =	vld.idx.msk [tilespmem:v36+s16+$0x0], $0xffff  }
0x109: {  	s24 =	sand.u32 $0x68, s24;
	s26 =	sand.u32 $0x70, s26;
	s25 =	sor.u32 s18, s25;
	[tilespmem:s21+$0xFFFFFF20] =	vst v34;
	v30 =	vld.idx.msk [tilespmem:v28+s3+$0x0], $0xffff;
	v34 =	vor.u32 v0, v27  }
0x10a: {  	s28 =	sand.u32 $0x60, s22;
	s24 =	sor.u32 s18, s24;
	s26 =	sor.u32 s18, s26;
	v36 =	vmov s25;
	v37 =	vld.idx.msk [tilespmem:v24+s16+$0x0], $0xffff;
	[tilespmem:s21+$0xFFFFFFA0] =	vst v29  }
0x10b: {  	p2 =	slt.u32 s23, $0x7C;
	s25 =	sor.u32 s28, s18;
	v38 =	vmov s24;
	v39 =	vmov s26;
	s18 =	smov.u32 s19;
	v40 =	vld.idx.msk [tilespmem:v22+s16+$0x0], $0xffff;
	[tilespmem:s21+$0x20] =	vst v35  }
0x10c: {  	s19 =	smov.u32 s21;
	v35 =	vmov s25;
	v41 =	vor.u32 $0x1, v38;
	v42 =	vor.u32 $0x1, v39;
	v43 =	vld.idx.msk [tilespmem:v21+s16+$0x0], $0xffff;
	[tilespmem:s18+$0xFFFFFF50] =	vst v31  }
0x10d: {  	v27 =	vor.u32 $0x2, v38;
	v44 =	vor.u32 $0x1, v35;
	v28 =	vor.u32 $0x2, v35;
	v45 =	vld.idx.msk [tilespmem:v11+s16+$0x0], $0xffff;
	[tilespmem:s18+$0xFFFFFFD0] =	vst v32;
	v11 =	vmovc v16  }
0x10e: {  	v29 =	vor.u32 $0x2, v39;
	v24 =	vor.u32 $0x3, v35;
	v16 =	vshll.u32 v33, $0x4;
	v32 =	vld.idx.msk [tilespmem:v34+s3+$0x0], $0xffff  }
0x10f: {  	v22 =	vor.u32 $0x3, v38;
	v21 =	vor.u32 $0x3, v39;
	v46 =	vor.u32 v0, v16;
	v33 =	vld.idx.msk [tilespmem:v36+s16+$0x0], $0xffff;
	[tilespmem:s18+$0x50] =	vst v30  }
0x110: {  	v47 =	vor.u32 $0x4, v35;
	v16 =	vshll.u32 v37, $0x4;
	v37 =	vor.u32 $0x7, v1;
	v1 =	vmovc v2;
	v2 =	vmovc v36;
	v48 =	vld.idx.msk [tilespmem:v38+s16+$0x0], $0xffff  }
0x111: {  	v49 =	vor.u32 $0x4, v38;
	v50 =	vor.u32 v0, v16;
	v16 =	vshll.u32 v40, $0x4;
	v36 =	vld.idx.msk [tilespmem:v35+s16+$0x0], $0xffff  }
0x112: {  	v51 =	vor.u32 $0x4, v39;
	v52 =	vor.u32 v0, v16;
	v16 =	vshll.u32 v43, $0x4;
	v40 =	vld.idx.msk [tilespmem:v39+s16+$0x0], $0xffff  }
0x113: {  	v31 =	vor.u32 $0x5, v38;
	v34 =	vor.u32 $0x5, v35;
	v43 =	vor.u32 v0, v16;
	v53 =	vld.idx.msk [tilespmem:v10+s16+$0x0], $0xffff;
	v10 =	vmovc v13  }
0x114: {  	v30 =	vor.u32 $0x5, v39;
	v16 =	vor.u32 $0x6, v35;
	v13 =	vor.u32 $0x6, v38;
	v46 =	vld.idx.msk [tilespmem:v46+s3+$0x0], $0xffff;
	[tilespmem:s18+$0xE0] =	vst v32  }
0x115: {  	v54 =	vor.u32 $0x6, v39;
	v32 =	vshll.u32 v33, $0x4;
	v33 =	vshll.u32 v45, $0x4;
	v37 =	vld.idx.msk [tilespmem:v37+s16+$0x0], $0xffff  }
0x116: {  	v45 =	vshll.u32 v48, $0x4;
	v48 =	vor.u32 v0, v32;
	v55 =	vor.u32 v0, v33;
	v50 =	vld.idx.msk [tilespmem:v50+s3+$0x0], $0xffff  }
0x117: {  	v32 =	vshll.u32 v36, $0x4;
	v36 =	vor.u32 v0, v45;
	v45 =	vld.idx.msk [tilespmem:v52+s3+$0x0], $0xffff;
	v52 =	vor.u32 $0x4, v1  }
0x118: {  	v35 =	vor.u32 $0x7, v35;
	v56 =	vor.u32 v0, v32;
	v33 =	vshll.u32 v40, $0x4;
	v40 =	vld.idx.msk [tilespmem:v43+s3+$0x0], $0xffff  }
0x119: {  	v32 =	vor.u32 $0x7, v38;
	v38 =	vor.u32 v0, v33;
	v43 =	vshll.u32 v53, $0x4;
	v53 =	vld.idx.msk [tilespmem:v9+s16+$0x0], $0xffff;
	v9 =	vmovc v12;
	v12 =	vmovc v54  }
0x11a: {  	v33 =	vor.u32 $0x7, v39;
	v39 =	vor.u32 v0, v43;
	v26 =	vld.idx.msk [tilespmem:v26+s3+$0x0], $0xffff  }
0x11b: {  	v37 =	vshll.u32 v37, $0x4;
	v43 =	vld.idx.msk [tilespmem:v48+s3+$0x0], $0xffff;
	[tilespmem:s21+$0xB0] =	vst v46  }
0x11c: {  	v37 =	vor.u32 v0, v37;
	[tilespmem:s21+$0xFFFFFF30] =	vst v50;
	v46 =	vld.idx.msk [tilespmem:v52+s16+$0x0], $0xffff  }
0x11d: {  	v50 =	vor.u32 $0x1, v2;
	v48 =	vld.idx.msk [tilespmem:v56+s3+$0x0], $0xffff;
	[tilespmem:s21+$0xFFFFFFB0] =	vst v45  }
0x11e: {  	v36 =	vld.idx.msk [tilespmem:v36+s3+$0x0], $0xffff;
	[tilespmem:s21+$0x30] =	vst v40  }
0x11f: {  	v40 =	vshll.u32 v53, $0x4;
	v38 =	vld.idx.msk [tilespmem:v38+s3+$0x0], $0xffff  }
0x120: {  	s21 =	sadd.s32 $0x200, s21;
	v40 =	vor.u32 v0, v40;
	v45 =	vld.idx.msk [tilespmem:v20+s16+$0x0], $0xffff;
	[tilespmem:s17+$0xFFFFFF70] =	vst v26;
	v20 =	vmov v47  }
0x121: {  	[tilespmem:s21+$0x80] =	vst v43;
	v26 =	vld.idx.msk [tilespmem:v37+s3+$0x0], $0xffff  }
0x122: {  	v43 =	vshll.u32 v46, $0x4;
	v37 =	vld.idx.msk [tilespmem:v50+s16+$0x0], $0xffff  }
0x123: {  	v43 =	vor.u32 v0, v43;
	[tilespmem:s21+$0xFFFFFF00] =	vst v48;
	v46 =	vld.idx.msk [tilespmem:v18+s16+$0x0], $0xffff;
	v18 =	vmov v49  }
0x124: {  	v44 =	vld.idx.msk [tilespmem:v44+s16+$0x0], $0xffff;
	[tilespmem:s21+$0xFFFFFF80] =	vst v36  }
0x125: {  	v36 =	vld.idx.msk [tilespmem:v41+s16+$0x0], $0xffff;
	[tilespmem:s21+$0x0] =	vst v38  }
0x126: {  	v41 =	vshll.u32 v45, $0x4;
	v38 =	vld.idx.msk [tilespmem:v42+s16+$0x0], $0xffff  }
0x127: {  	v41 =	vor.u32 v0, v41;
	v42 =	vld.idx.msk [tilespmem:v19+s16+$0x0], $0xffff;
	[tilespmem:s18+$0xF0] =	vst v26;
	v19 =	vmov v51  }
0x128: {  	v26 =	vshll.u32 v37, $0x4;
	v37 =	vld.idx.msk [tilespmem:v43+s3+$0x0], $0xffff  }
0x129: {  	v26 =	vor.u32 v0, v26;
	v43 =	vshll.u32 v46, $0x4;
	v45 =	vld.idx.msk [tilespmem:v55+s3+$0x0], $0xffff  }
0x12a: {  	v46 =	vor.u32 $0x5, v1;
	v44 =	vshll.u32 v44, $0x4;
	v43 =	vor.u32 v0, v43;
	v39 =	vld.idx.msk [tilespmem:v39+s3+$0x0], $0xffff  }
0x12b: {  	v44 =	vor.u32 v0, v44;
	v36 =	vshll.u32 v36, $0x4;
	v40 =	vld.idx.msk [tilespmem:v40+s3+$0x0], $0xffff  }
0x12c: {  	v36 =	vor.u32 v0, v36;
	v38 =	vshll.u32 v38, $0x4;
	v41 =	vld.idx.msk [tilespmem:v41+s3+$0x0], $0xffff  }
0x12d: {  	v38 =	vor.u32 v0, v38;
	v42 =	vshll.u32 v42, $0x4;
	v23 =	vld.idx.msk [tilespmem:v23+s3+$0x0], $0xffff  }
0x12e: {  	v42 =	vor.u32 v0, v42;
	v26 =	vld.idx.msk [tilespmem:v26+s3+$0x0], $0xffff;
	[tilespmem:s19+$0xC0] =	vst v37  }
0x12f: {  	v37 =	vld.idx.msk [tilespmem:v46+s16+$0x0], $0xffff;
	[tilespmem:s18+$0xFFFFFF60] =	vst v45  }
0x130: {  	v45 =	vor.u32 $0x2, v2;
	v44 =	vld.idx.msk [tilespmem:v44+s3+$0x0], $0xffff;
	[tilespmem:s18+$0xFFFFFFE0] =	vst v39  }
0x131: {  	v36 =	vld.idx.msk [tilespmem:v36+s3+$0x0], $0xffff;
	[tilespmem:s18+$0x60] =	vst v40  }
0x132: {  	v38 =	vld.idx.msk [tilespmem:v38+s3+$0x0], $0xffff;
	[tilespmem:s19+$0xFFFFFF40] =	vst v41  }
0x133: {  	v39 =	vld.idx.msk [tilespmem:v43+s3+$0x0], $0xffff;
	[tilespmem:s17+$0xFFFFFFF0] =	vst v23  }
0x134: {  	[tilespmem:s21+$0x90] =	vst v26;
	v23 =	vld.idx.msk [tilespmem:v42+s3+$0x0], $0xffff  }
0x135: {  	v37 =	vshll.u32 v37, $0x4;
	v26 =	vld.idx.msk [tilespmem:v45+s16+$0x0], $0xffff  }
0x136: {  	v37 =	vor.u32 v0, v37;
	[tilespmem:s21+$0xFFFFFF10] =	vst v44;
	v40 =	vld.idx.msk [tilespmem:v14+s16+$0x0], $0xffff;
	v14 =	vmov v34  }
0x137: {  	v28 =	vld.idx.msk [tilespmem:v28+s16+$0x0], $0xffff;
	[tilespmem:s21+$0xFFFFFF90] =	vst v36  }
0x138: {  	v27 =	vld.idx.msk [tilespmem:v27+s16+$0x0], $0xffff;
	[tilespmem:s21+$0x10] =	vst v38  }
0x139: {  	v29 =	vld.idx.msk [tilespmem:v29+s16+$0x0], $0xffff;
	[tilespmem:s19+$0xFFFFFFC0] =	vst v39  }
0x13a: {  	v34 =	vld.idx.msk [tilespmem:v15+s16+$0x0], $0xffff;
	[tilespmem:s19+$0x40] =	vst v23;
	v15 =	vmov v31  }
0x13b: {  	v23 =	vshll.u32 v26, $0x4;
	v26 =	vld.idx.msk [tilespmem:v37+s3+$0x0], $0xffff  }
0x13c: {  	v23 =	vor.u32 v0, v23;
	v31 =	vshll.u32 v40, $0x4;
	v36 =	vld.idx.msk [tilespmem:v17+s16+$0x0], $0xffff;
	v17 =	vmov v30  }
0x13d: {  	v28 =	vshll.u32 v28, $0x4;
	v31 =	vor.u32 v0, v31;
	v30 =	vor.u32 $0x6, v1;
	v37 =	vld.idx.msk [tilespmem:v5+s16+$0x0], $0xffff;
	v5 =	vmovc v8;
	v8 =	vmovc v35  }
0x13e: {  	v28 =	vor.u32 v0, v28;
	v27 =	vshll.u32 v27, $0x4;
	v35 =	vld.idx.msk [tilespmem:v4+s16+$0x0], $0xffff;
	v4 =	vmovc v6;
	v6 =	vmov v32  }
0x13f: {  	v38 =	vor.u32 v0, v27;
	v27 =	vshll.u32 v29, $0x4;
	v39 =	vld.idx.msk [tilespmem:v3+s16+$0x0], $0xffff;
	v3 =	vmovc v7;
	v7 =	vmov v33  }
0x140: {  	v40 =	vor.u32 v0, v27;
	v29 =	vshll.u32 v34, $0x4;
	v27 =	vld.idx.msk [tilespmem:v25+s3+$0x0], $0xffff  }
.Ltmp0:
0x141: {  	v32 =	vor.u32 v0, v29;
	v33 =	vld.idx.msk [tilespmem:v23+s3+$0x0], $0xffff;
	[tilespmem:s19+$0xD0] =	vst v26;
	(pc) =	sbr.rel @p2 .LBB2_3-.Ltmp0, $4  }
0x142: {  	v23 =	vshll.u32 v36, $0x4;
	v30 =	vld.idx.msk [tilespmem:v30+s16+$0x0], $0xffff  }
0x143: {  	v36 =	vor.u32 $0x3, v2;
	v34 =	vld.idx.msk [tilespmem:v28+s3+$0x0], $0xffff;
	v28 =	vor.u32 v0, v23;
	v23 =	vshll.u32 v37, $0x4  }
0x144: {  	v29 =	vld.idx.msk [tilespmem:v38+s3+$0x0], $0xffff;
	v26 =	vor.u32 v0, v23;
	v23 =	vshll.u32 v35, $0x4  }
0x145: {  	v25 =	vshll.u32 v39, $0x4;
	v35 =	vld.idx.msk [tilespmem:v40+s3+$0x0], $0xffff;
	v23 =	vor.u32 v0, v23  }
0x146: {  	_ =	sdelay $0x2  }
0x147: {  	[tilespmem:s21+$0xA0] =	vst v33  }
0x148: {  	v33 =	vld.idx.msk [tilespmem:v36+s16+$0x0], $0xffff;
	_ =	sdelay $0x1  }
0x149: {  	[tilespmem:s21+$0xFFFFFF20] =	vst v34  }
0x14a: {  	v24 =	vld.idx.msk [tilespmem:v24+s16+$0x0], $0xffff;
	[tilespmem:s21+$0xFFFFFFA0] =	vst v29  }
0x14b: {  	v22 =	vld.idx.msk [tilespmem:v22+s16+$0x0], $0xffff;
	[tilespmem:s21+$0x20] =	vst v35  }
0x14c: {  	v21 =	vld.idx.msk [tilespmem:v21+s16+$0x0], $0xffff;
	v46 =	vshll.u32 v33, $0x4  }
0x14d: {  	v29 =	vor.u32 v0, v46;
	_ =	sdelay $0x1  }
0x14e: {  	v24 =	vshll.u32 v24, $0x4  }
0x14f: {  	v24 =	vor.u32 v0, v24;
	v22 =	vshll.u32 v22, $0x4  }
0x150: {  	v22 =	vor.u32 v0, v22;
	v21 =	vshll.u32 v21, $0x4  }
0x151: {  	v21 =	vor.u32 v0, v21;
	v29 =	vld.idx.msk [tilespmem:v29+s3+$0x0], $0xffff  }
0x152: {  	v47 =	vor.u32 $0x4, v2;
	_ =	sdelay $0x1  }
0x153: {  	v24 =	vld.idx.msk [tilespmem:v24+s3+$0x0], $0xffff  }
0x154: {  	v22 =	vld.idx.msk [tilespmem:v22+s3+$0x0], $0xffff  }
0x155: {  	v21 =	vld.idx.msk [tilespmem:v21+s3+$0x0], $0xffff;
	[tilespmem:s21+$0xB0] =	vst v29  }
0x156: {  	v29 =	vld.idx.msk [tilespmem:v47+s16+$0x0], $0xffff;
	_ =	sdelay $0x1  }
0x157: {  	[tilespmem:s21+$0xFFFFFF30] =	vst v24  }
0x158: {  	[tilespmem:s21+$0xFFFFFFB0] =	vst v22;
	v20 =	vld.idx.msk [tilespmem:v20+s16+$0x0], $0xffff  }
0x159: {  	[tilespmem:s21+$0x30] =	vst v21;
	v18 =	vld.idx.msk [tilespmem:v18+s16+$0x0], $0xffff  }
0x15a: {  	v19 =	vld.idx.msk [tilespmem:v19+s16+$0x0], $0xffff;
	v48 =	vshll.u32 v29, $0x4  }
0x15b: {  	v21 =	vor.u32 v0, v48;
	_ =	sdelay $0x1  }
0x15c: {  	v20 =	vshll.u32 v20, $0x4  }
0x15d: {  	v20 =	vor.u32 v0, v20;
	v18 =	vshll.u32 v18, $0x4  }
0x15e: {  	v18 =	vor.u32 v0, v18;
	v19 =	vshll.u32 v19, $0x4  }
0x15f: {  	v19 =	vor.u32 v0, v19;
	v21 =	vld.idx.msk [tilespmem:v21+s3+$0x0], $0xffff  }
0x160: {  	v49 =	vor.u32 $0x5, v2;
	_ =	sdelay $0x1  }
0x161: {  	v20 =	vld.idx.msk [tilespmem:v20+s3+$0x0], $0xffff  }
0x162: {  	v18 =	vld.idx.msk [tilespmem:v18+s3+$0x0], $0xffff  }
0x163: {  	v19 =	vld.idx.msk [tilespmem:v19+s3+$0x0], $0xffff;
	[tilespmem:s21+$0xC0] =	vst v21  }
0x164: {  	v21 =	vld.idx.msk [tilespmem:v49+s16+$0x0], $0xffff;
	_ =	sdelay $0x1  }
0x165: {  	v51 =	vld.idx.msk [tilespmem:v31+s3+$0x0], $0xffff;
	[tilespmem:s21+$0xFFFFFF40] =	vst v20  }
0x166: {  	v14 =	vld.idx.msk [tilespmem:v14+s16+$0x0], $0xffff;
	[tilespmem:s21+$0xFFFFFFC0] =	vst v18  }
0x167: {  	v15 =	vld.idx.msk [tilespmem:v15+s16+$0x0], $0xffff;
	[tilespmem:s21+$0x40] =	vst v19  }
0x168: {  	v17 =	vld.idx.msk [tilespmem:v17+s16+$0x0], $0xffff;
	v50 =	vshll.u32 v21, $0x4  }
0x169: {  	v52 =	vld.idx.msk [tilespmem:v32+s3+$0x0], $0xffff;
	v18 =	vor.u32 v0, v50  }
0x16a: {  	v53 =	vld.idx.msk [tilespmem:v28+s3+$0x0], $0xffff  }
0x16b: {  	v14 =	vshll.u32 v14, $0x4  }
0x16c: {  	[tilespmem:s19+$0xFFFFFF50] =	vst v51;
	v14 =	vor.u32 v0, v14;
	v15 =	vshll.u32 v15, $0x4  }
0x16d: {  	v11 =	vld.idx.msk [tilespmem:v11+s16+$0x0], $0xffff;
	v15 =	vor.u32 v0, v15;
	v17 =	vshll.u32 v17, $0x4  }
0x16e: {  	[tilespmem:s19+$0xFFFFFFD0] =	vst v52;
	v17 =	vor.u32 v0, v17;
	v18 =	vld.idx.msk [tilespmem:v18+s3+$0x0], $0xffff  }
0x16f: {  	v54 =	vor.u32 $0x6, v2;
	[tilespmem:s19+$0x50] =	vst v53;
	v10 =	vld.idx.msk [tilespmem:v10+s16+$0x0], $0xffff  }
0x170: {  	v9 =	vld.idx.msk [tilespmem:v9+s16+$0x0], $0xffff  }
0x171: {  	v14 =	vld.idx.msk [tilespmem:v14+s3+$0x0], $0xffff  }
0x172: {  	v15 =	vld.idx.msk [tilespmem:v15+s3+$0x0], $0xffff  }
0x173: {  	v17 =	vld.idx.msk [tilespmem:v17+s3+$0x0], $0xffff;
	[tilespmem:s21+$0xD0] =	vst v18  }
0x174: {  	v11 =	vshll.u32 v11, $0x4;
	v18 =	vld.idx.msk [tilespmem:v54+s16+$0x0], $0xffff  }
0x175: {  	v55 =	vshll.u32 v30, $0x4;
	v11 =	vor.u32 v0, v11  }
0x176: {  	v20 =	vor.u32 v0, v55;
	[tilespmem:s21+$0xFFFFFF50] =	vst v14  }
0x177: {  	v10 =	vshll.u32 v10, $0x4;
	v14 =	vld.idx.msk [tilespmem:v16+s16+$0x0], $0xffff;
	[tilespmem:s21+$0xFFFFFFD0] =	vst v15  }
0x178: {  	v9 =	vshll.u32 v9, $0x4;
	v10 =	vor.u32 v0, v10;
	[tilespmem:s21+$0x50] =	vst v17;
	v13 =	vld.idx.msk [tilespmem:v13+s16+$0x0], $0xffff  }
0x179: {  	v9 =	vor.u32 v0, v9;
	v12 =	vld.idx.msk [tilespmem:v12+s16+$0x0], $0xffff;
	v57 =	vshll.u32 v18, $0x4  }
0x17a: {  	v11 =	vld.idx.msk [tilespmem:v11+s3+$0x0], $0xffff;
	v15 =	vor.u32 v0, v57  }
0x17b: {  	v56 =	vld.idx.msk [tilespmem:v20+s3+$0x0], $0xffff  }
0x17c: {  	v1 =	vor.u32 $0x7, v1;
	v14 =	vshll.u32 v14, $0x4  }
0x17d: {  	v10 =	vld.idx.msk [tilespmem:v10+s3+$0x0], $0xffff;
	v14 =	vor.u32 v0, v14;
	v13 =	vshll.u32 v13, $0x4  }
0x17e: {  	v9 =	vld.idx.msk [tilespmem:v9+s3+$0x0], $0xffff;
	v13 =	vor.u32 v0, v13;
	v12 =	vshll.u32 v12, $0x4  }
0x17f: {  	[tilespmem:s19+$0xFFFFFF60] =	vst v11;
	v12 =	vor.u32 v0, v12;
	v15 =	vld.idx.msk [tilespmem:v15+s3+$0x0], $0xffff  }
0x180: {  	v2 =	vor.u32 $0x7, v2;
	v5 =	vld.idx.msk [tilespmem:v5+s16+$0x0], $0xffff;
	[tilespmem:s19+$0xE0] =	vst v56  }
0x181: {  	v1 =	vld.idx.msk [tilespmem:v1+s16+$0x0], $0xffff  }
0x182: {  	v58 =	vld.idx.msk [tilespmem:v14+s3+$0x0], $0xffff  }
0x183: {  	v13 =	vld.idx.msk [tilespmem:v13+s3+$0x0], $0xffff  }
0x184: {  	v12 =	vld.idx.msk [tilespmem:v12+s3+$0x0], $0xffff;
	[tilespmem:s21+$0xE0] =	vst v15  }
0x185: {  	[tilespmem:s19+$0x60] =	vst v9;
	v2 =	vld.idx.msk [tilespmem:v2+s16+$0x0], $0xffff  }
0x186: {  	[tilespmem:s19+$0xFFFFFFE0] =	vst v10;
	v3 =	vld.idx.msk [tilespmem:v3+s16+$0x0], $0xffff  }
0x187: {  	v4 =	vld.idx.msk [tilespmem:v4+s16+$0x0], $0xffff;
	v1 =	vshll.u32 v1, $0x4;
	[tilespmem:s21+$0xFFFFFF60] =	vst v58  }
0x188: {  	v1 =	vor.u32 v0, v1;
	[tilespmem:s21+$0xFFFFFFE0] =	vst v13;
	v8 =	vld.idx.msk [tilespmem:v8+s16+$0x0], $0xffff  }
0x189: {  	v59 =	vor.u32 v0, v25;
	v5 =	vshll.u32 v5, $0x4;
	[tilespmem:s21+$0x60] =	vst v12;
	v6 =	vld.idx.msk [tilespmem:v6+s16+$0x0], $0xffff  }
0x18a: {  	v5 =	vor.u32 v0, v5;
	v7 =	vld.idx.msk [tilespmem:v7+s16+$0x0], $0xffff;
	v2 =	vshll.u32 v2, $0x4  }
0x18b: {  	v60 =	vld.idx.msk [tilespmem:v26+s3+$0x0], $0xffff;
	v3 =	vshll.u32 v3, $0x4;
	v2 =	vor.u32 v0, v2  }
0x18c: {  	v61 =	vld.idx.msk [tilespmem:v23+s3+$0x0], $0xffff;
	v4 =	vshll.u32 v4, $0x4;
	v3 =	vor.u32 v0, v3  }
0x18d: {  	v4 =	vor.u32 v0, v4;
	v1 =	vld.idx.msk [tilespmem:v1+s3+$0x0], $0xffff;
	v8 =	vshll.u32 v8, $0x4  }
0x18e: {  	v9 =	vld.idx.msk [tilespmem:v59+s3+$0x0], $0xffff;
	v8 =	vor.u32 v0, v8;
	v6 =	vshll.u32 v6, $0x4  }
0x18f: {  	[tilespmem:s17+$0x70] =	vst v27;
	v5 =	vld.idx.msk [tilespmem:v5+s3+$0x0], $0xffff;
	v6 =	vor.u32 v0, v6;
	v7 =	vshll.u32 v7, $0x4  }
0x190: {  	[tilespmem:s18+$0xFFFFFF70] =	vst v60;
	v7 =	vor.u32 v0, v7;
	v2 =	vld.idx.msk [tilespmem:v2+s3+$0x0], $0xffff  }
0x191: {  	[tilespmem:s18+$0xFFFFFFF0] =	vst v61;
	v3 =	vld.idx.msk [tilespmem:v3+s3+$0x0], $0xffff  }
0x192: {  	[tilespmem:s19+$0xF0] =	vst v1;
	v1 =	vld.idx.msk [tilespmem:v4+s3+$0x0], $0xffff  }
0x193: {  	[tilespmem:s18+$0x70] =	vst v9;
	v62 =	vld.idx.msk [tilespmem:v8+s3+$0x0], $0xffff  }
0x194: {  	[tilespmem:s19+$0xFFFFFF70] =	vst v5;
	v63 =	vld.idx.msk [tilespmem:v6+s3+$0x0], $0xffff  }
0x195: {  	[tilespmem:s21+$0xF0] =	vst v2;
	v2 =	vld.idx.msk [tilespmem:v7+s3+$0x0], $0xffff  }
0x196: {  	[tilespmem:s19+$0x70] =	vst v3  }
0x197: {  	[tilespmem:s19+$0xFFFFFFF0] =	vst v1  }
0x198: {  	[tilespmem:s21+$0xFFFFFF70] =	vst v62  }
0x199: {  	s15 =	sshll.u32 s15, $0xB;
	p2 =	sne.s32 @!p1 s14, $0x20;
	[tilespmem:s21+$0xFFFFFFF0] =	vst v63  }
0x19a: {  	s15 =	sadd.s32 s5, s15;
	p2 =	por p1, !p2;
	[tilespmem:s21+$0x70] =	vst v2  }
0x19b: {  	[hbm4b:s15+s3] =	stream.linear.scatter [tilespmem:s20], [sflag:$0x1], $0x4000, $0x38;
	[tilespmem:$0xC800] =	vst v63  }
.Ltmp1:
0x19c: {  	_ = 	snop;
	(pc) =	sbr.rel @!p2 .LBB2_2-.Ltmp1, $4  }
0x19d: {  	s15 =	simm.s32 @!p1 $0x2  }
0x19e: {  	_ =	swait.ge @!p1 [sflag:s15], $0x400  }
0x19f: {  	[sflag:s15] =	ssyncset.done @!p1 $0x0  }
0x1a0: {  	p0 =	por @!p1 !p0, !p0;
	[sflag:s15] =	ssyncadd.s32 @!p1 $0xFFFFFC00  }
0x1a1: {  	s13 =	sadd.s32 $0x1, s13  }
0x1a2: {  	_ =	swait.ge [sflag:s12], $0x4000;
	p0 =	sne.s32 s13, s8  }
.Ltmp2:
0x1a3: {  	[sflag:s12] =	ssyncset.done $0x0;
	(pc) =	sbr.rel @p0 .LBB2_1-.Ltmp2, $4  }
0x1a4: {  	[sflag:s12] =	ssyncadd.s32 $0xFFFFC000  }
0x1a5: {  	_ =	swait.ge [sflag:s12], $0x4000  }
0x1a6: {  	[sflag:s12] =	ssyncset.done $0x0  }
0x1a7: {  	[sflag:s12] =	ssyncadd.s32 $0xFFFFC000  }
0x1a8: {  	_ =	sfence.sel $0x180000  }
0x1a9: {  	[bflag:$0x0] =	sbarrier.arrive $0xFFFF  }
0x1aa: {  	p0 =	sne.s32 s1, $0x0;
	_ =	strace $0x90000050  }
0x1ab: {  	s0 =	sadd.s32 @!p0 $0x100000, s0;
	[bflag:$0x2] =	sbarrier.arrive $0xFFFF  }
0x1ac: {  	[sflag:s0] =	ssyncadd.tile.s32 @!p0 $0x1;
	_ =	shalt  }
.Lfunc_end2:
_tile_overlayer_lowered:
.L_overlay_start_2:
0x1ad: {  	(tag) =	ssettag $0x2  }
0x1ae: {  	s0 =	rddreg [dreg:$0x0];
	s2 =	stileid.u32  }
0x1af: {  	s1 =	rddreg [dreg:$0x1];
	p0 =	sne.s32 s2, $0x0  }
0x1b0: {  	s3 =	rddreg [dreg:$0x2];
	[bflag:$0x3] =	sbarrier.arrive $0xFFFF;
	s2 =	simm.s32 @!p0 $0x1C03  }
0x1b1: {  	[timem:s3], [sflag:s2] =	dma.local @!p0 [hbm:s0], s1  }
0x1b2: {  	s0 =	simm.s32 @!p0 $0x3  }
0x1b3: {  	_ =	swait.ge @!p0 [sflag:s0], s1  }
0x1b4: {  	s1 =	ssub.s32 @!p0 $0x0, s1;
	[sflag:s0] =	ssyncset.done @!p0 $0x0  }
0x1b5: {  	[sflag:s0] =	ssyncadd.s32 @!p0 s1  }
0x1b6: {  	[bflag:$0x3] =	sbarrier.arrive $0xFFFF  }
0x1b7: {  	_ =	shalt  }

// kernel: kernel.13.cloned.1.call-start
scs
__scs_entry_jumppad:
0x0: {  	(pc) =	sbr.rel $0x88, $3  }
0x1: {  	(tag) =	ssettag $0x0;
	lr =	simm.s32 $0x1  }
0x2: {  	[smem:$0x3F99] =	sst lr;
	_ =	strace $0xD0000000  }
0x3: {  	_ = 	snop  }
0x4: {  	_ = 	snop  }
0x5: {  	_ = 	snop  }
0x6: {  	_ = 	snop  }
0x7: {  	_ = 	snop  }
__scs_overlays_trampoline_lowered:
0x8: {  	[smem:$0x3FA8] =	sst s0  }
0x9: {  	[smem:$0x3FA9] =	sst s1  }
0xa: {  	[smem:$0x3FAA] =	sst s2  }
0xb: {  	[smem:$0x3FAB] =	sst s3  }
0xc: {  	[smem:$0x3FAC] =	sst s4  }
0xd: {  	[smem:$0x3FAD] =	sst s5  }
0xe: {  	[smem:$0x3FAE] =	sst s6  }
0xf: {  	[smem:$0x3FAF] =	sst s7  }
0x10: {  	[smem:$0x3FB0] =	sst s8  }
0x11: {  	[smem:$0x3FB1] =	sst s9;
	s0 =	simm.s32 @!p0 $0x0  }
0x12: {  	s1 =	sld [smem:$0x3F97];
	s0 =	simm.s32 @p0 $0x1  }
0x13: {  	[smem:$0x3FB2] =	sst s0;
	s0 =	simm.s32 @!p1 $0x0  }
0x14: {  	s2 =	sld [smem:$0x3F96];
	s0 =	simm.s32 @p1 $0x1  }
0x15: {  	[smem:$0x3FB3] =	sst s0;
	s0 =	simm.s32 @!p2 $0x0  }
0x16: {  	s3 =	sld [smem:$0x3FDB];
	s0 =	simm.s32 @p2 $0x1  }
0x17: {  	s4 =	simm.s32 $0x1BF5;
	[smem:$0x3FB5] =	sst s0  }
0x18: {  	s0 =	sld [smem:$0x3F98];
	_ =	swait.ge [sflag:s4], $0x0  }
0x19: {  	s7 =	sld [smem:$0x3F99]  }
0x1a: {  	s8 =	sadd.s32 $0xFFFFE003, lr  }
0x1b: {  	s9 =	sadd.s32 $0xFFFFFEF7, lr;
	s5 =	simm.s32 $0xFFFFFFFF;
	p2 =	slt.u32 s8, $0xFFFFF086  }
0x1c: {  	p1 =	slt.u32 s9, $0xF7A;
	s5 =	simm.s32 @!p2 $0x0  }
0x1d: {  	s5 =	simm.s32 @p1 $0x1;
	p0 =	seq.s32 s7, s2  }
0x1e: {  	s7 =	smul.u32 @!p0 $0xF7A, s2;
	p2 =	seq.s32 @!p0 s5, $0x0  }
0x1f: {  	s9 =	smul.u32 $0xF7A, s1;
	s8 =	simm.s32 @!p0 $0x1BF5;
	p2 =	por !p2, p0  }
0x20: {  	[sflag:s8] =	ssyncset.s32 @!p0 $0xFFFFF086;
	s6 =	sadd.s32 @!p0 s3, s7;
	s7 =	simm.s32 @!p0 $0x108  }
0x21: {  	s3 =	sadd.s32 s3, s9;
	s6 =	sadd.s32 @!p0 $0x88, s6;
	s7 =	simm.s32 @p2 $0x1082  }
0x22: {  	[simem:s7], [sflag:s8] =	dma.local @!p0 [hbm:s6], $0xF7A  }
0x23: {  	s9 =	sor.u32 $0xD0000000, s2;
	s6 =	simm.s32 $0x108;
	_ =	swait.ge @!p0 [sflag:s8], $0x0  }
0x24: {  	s3 =	sadd.s32 $0x88, s3;
	s6 =	simm.s32 @!p1 $0x1082;
	[sflag:s4] =	ssyncset.s32 $0xFFFFF086  }
0x25: {  	[simem:s6], [sflag:s4] =	dma.local [hbm:s3], $0xF7A  }
0x26: {  	[smem:$0x3F99] =	sst s1;
	(tag) =	ssettag s2;
	_ =	strace s9  }
0x27: {  	s1 =	sld [smem:$0x3FA9]  }
0x28: {  	s2 =	sld [smem:$0x3FAA]  }
0x29: {  	s4 =	sld [smem:$0x3FAC]  }
0x2a: {  	p0 =	seq.s32 s5, $0x0;
	s5 =	sld [smem:$0x3FAD]  }
0x2b: {  	s6 =	sld [smem:$0x3FAE]  }
0x2c: {  	s7 =	sld [smem:$0x3FAF]  }
0x2d: {  	s3 =	simm.s32 $0x108;
	s8 =	sld [smem:$0x3FB0]  }
0x2e: {  	s3 =	simm.s32 @!p0 $0x1082;
	s9 =	sld [smem:$0x3FB1]  }
0x2f: {  	lr =	sadd.s32 s0, s3;
	s0 =	sld [smem:$0x3FA8]  }
0x30: {  	s3 =	sld [smem:$0x3FAB]  }
0x31: {  	[smem:$0x3FB4] =	sst s10  }
0x32: {  	s10 =	sld [smem:$0x3FB2];
	_ =	sdelay $0x3  }
0x33: {  	p0 =	seq.s32 s10, $0x1;
	s10 =	sld [smem:$0x3FB4];
	_ =	sdelay $0x3  }
0x34: {  	[smem:$0x3FB4] =	sst s10  }
0x35: {  	s10 =	sld [smem:$0x3FB3];
	_ =	sdelay $0x3  }
0x36: {  	p1 =	seq.s32 s10, $0x1;
	s10 =	sld [smem:$0x3FB4];
	_ =	sdelay $0x3  }
0x37: {  	[smem:$0x3FB4] =	sst s10  }
0x38: {  	s10 =	sld [smem:$0x3FB5]  }
0x39: {  	_ = 	snop;
	(pc) =	sbr.ind lr, $3  }
0x3a: {  	_ = 	snop  }
0x3b: {  	_ = 	snop  }
0x3c: {  	p2 =	seq.s32 s10, $0x1;
	s10 =	sld [smem:$0x3FB4]  }
0x3d: {  	_ =	shalt  }
0x3e: {  	_ =	shalt  }
0x3f: {  	_ =	shalt  }
0x40: {  	_ =	shalt  }
0x41: {  	_ =	shalt  }
0x42: {  	_ =	shalt  }
0x43: {  	_ =	shalt  }
0x44: {  	_ =	shalt  }
0x45: {  	_ =	shalt  }
0x46: {  	_ =	shalt  }
0x47: {  	_ =	shalt  }
0x48: {  	_ =	shalt  }
0x49: {  	_ =	shalt  }
0x4a: {  	_ =	shalt  }
0x4b: {  	_ =	shalt  }
0x4c: {  	_ =	shalt  }
0x4d: {  	_ =	shalt  }
0x4e: {  	_ =	shalt  }
0x4f: {  	_ =	shalt  }
0x50: {  	_ =	shalt  }
0x51: {  	_ =	shalt  }
0x52: {  	_ =	shalt  }
0x53: {  	_ =	shalt  }
0x54: {  	_ =	shalt  }
0x55: {  	_ =	shalt  }
0x56: {  	_ =	shalt  }
0x57: {  	_ =	shalt  }
0x58: {  	_ =	shalt  }
0x59: {  	_ =	shalt  }
0x5a: {  	_ =	shalt  }
0x5b: {  	_ =	shalt  }
0x5c: {  	_ =	shalt  }
0x5d: {  	_ =	shalt  }
0x5e: {  	_ =	shalt  }
0x5f: {  	_ =	shalt  }
0x60: {  	_ =	shalt  }
0x61: {  	_ =	shalt  }
0x62: {  	_ =	shalt  }
0x63: {  	_ =	shalt  }
0x64: {  	_ =	shalt  }
0x65: {  	_ =	shalt  }
0x66: {  	_ =	shalt  }
0x67: {  	_ =	shalt  }
0x68: {  	_ =	shalt  }
0x69: {  	_ =	shalt  }
0x6a: {  	_ =	shalt  }
0x6b: {  	_ =	shalt  }
0x6c: {  	_ =	shalt  }
0x6d: {  	_ =	shalt  }
0x6e: {  	_ =	shalt  }
0x6f: {  	_ =	shalt  }
0x70: {  	_ =	shalt  }
0x71: {  	_ =	shalt  }
0x72: {  	_ =	shalt  }
0x73: {  	_ =	shalt  }
0x74: {  	_ =	shalt  }
0x75: {  	_ =	shalt  }
0x76: {  	_ =	shalt  }
0x77: {  	_ =	shalt  }
0x78: {  	_ =	shalt  }
0x79: {  	_ =	shalt  }
0x7a: {  	_ =	shalt  }
0x7b: {  	_ =	shalt  }
0x7c: {  	_ =	shalt  }
0x7d: {  	_ =	shalt  }
0x7e: {  	_ =	shalt  }
0x7f: {  	_ =	shalt  }
0x80: {  	_ =	shalt  }
0x81: {  	_ =	shalt  }
0x82: {  	_ =	shalt  }
0x83: {  	_ =	shalt  }
0x84: {  	_ =	shalt  }
0x85: {  	_ =	shalt  }
0x86: {  	_ =	shalt  }
0x87: {  	_ =	shalt  }
.Lfunc_end0:
.L_simem_size_0:
called_computation.1_lowered:
.L_overlay_start_0:
0x88: {  	s2 =	sld [smem:$0x3FD9]  }
0x89: {  	s3 =	sld [smem:$0x3FFE];
	_ =	sdelay $0x1  }
0x8a: {  	s1 =	srdreg.scid  }
0x8b: {  	s0 =	sand.u32 $0x1, s1  }
0x8c: {  	s17 =	sshll.u32 s0, $0xA;
	s2 =	sadd.s32 s3, s2  }
0x8d: {  	s2 =	sadd.s32 s2, s17  }
0x8e: {  	[smem:$0x3FC0] =	sst s2  }
0x8f: {  	_ = 	snop  }
0x90: {  	s2 =	sld [smem:$0x3FD0];
	(tm) =	ssettm $0x1  }
0x91: {  	s18 =	sld [smem:$0x3FFB];
	_ =	sdelay $0x3  }
0x92: {  	_ =	strace s18  }
0x93: {  	s3 =	sld [smem:$0x3FFC];
	_ =	sdelay $0x3  }
0x94: {  	_ =	strace s3  }
0x95: {  	s3 =	sld [smem:$0x3FFD];
	_ =	sdelay $0x3  }
0x96: {  	_ =	strace s3  }
0x97: {  	_ =	strace $0x8FFFFFFF  }
0x98: {  	s19 =	sld [smem:$0x3FDB];
	_ =	sdelay $0x1  }
0x99: {  	s4 =	simm.s32 $_scs_section_size  }
0x9a: {  	s5 =	simm.s32 $_size__tile_overlayer_lowered;
	s6 =	simm.s32 $_tile_overlayer_lowered  }
0x9b: {  	s22 =	simm.s32 $0x1BFF;
	s21 =	sshll.u32 s6, $0x1;
	s3 =	sadd.s32 s4, s19  }
0x9c: {  	s7 =	simm.s32 $0x0;
	s20 =	sshll.u32 s5, $0x1;
	s5 =	sadd.s32 s21, s3  }
0x9d: {  	[timem:s7], [sflag:s22] =	dma.local [hbm:s5], s20  }
0x9e: {  	_ =	swait.ge [sflag:s22], s20  }
0x9f: {  	s4 =	ssub.s32 $0x0, s20;
	[sflag:s22] =	ssyncset.done $0x0  }
0xa0: {  	[sflag:s22] =	ssyncadd.s32 s4;
	_ =	sdelay $0x1  }
0xa1: {  	s23 =	simm.s32 $0x1B8B  }
0xa2: {  	_ =	swait.ge [sflag:s23], $0x1  }
0xa3: {  	[sflag:s23] =	ssyncset.done $0x0  }
0xa4: {  	s25 =	simm.s32 $0x1B8E;
	s24 =	sld [smem:$0x3FFE];
	[sflag:s23] =	ssyncadd.s32 $0xFFFFFFFF  }
0xa5: {  	s26 =	simm.s32 $execute0_lowered;
	[smem:$0x3FD2] =	sst s25  }
0xa6: {  	s5 =	sshll.u32 s26, $0x1;
	_ =	strace $0x80000046;
	[dreg:$0x1] =	wrdreg $0xFFFFFFFF  }
0xa7: {  	s28 =	simm.s32 $_size_execute0_lowered;
	s3 =	sadd.s32 s3, s5;
	[dreg:$0x0] =	wrdreg $0x0  }
0xa8: {  	s5 =	sshll.u32 s28, $0x1;
	[dreg:$0x2] =	wrdreg s3  }
0xa9: {  	[dreg:$0x3] =	wrdreg s5  }
0xaa: {  	[dreg:$0x4] =	wrdreg $0xC0  }
0xab: {  	_ =	task [dreg:s7], $0x5FFFF  }
0xac: {  	[dreg:$0x1] =	wrdreg $0xFFFFFFFF  }
0xad: {  	[dreg:$0x0] =	wrdreg $0x60  }
0xae: {  	[dreg:$0x2] =	wrdreg s2  }
0xaf: {  	[dreg:$0x3] =	wrdreg s24  }
0xb0: {  	[dreg:$0x4] =	wrdreg $0xA  }
0xb1: {  	_ =	task.clear_ibuf [dreg:s7], $0x5FFFF;
	_ =	strace $0x90000046  }
0xb2: {  	s29 =	simm.s32 $0xA;
	_ =	strace $0x80000048  }
0xb3: {  	_ =	swait.ge [sflag:s29], $0x1  }
0xb4: {  	[sflag:s29] =	ssyncadd.s32 $0xFFFFFFFF  }
0xb5: {  	_ =	strace $0x90000048  }
0xb6: {  	_ =	sfence  }
0xb7: {  	s30 =	sld [smem:$0x0];
	_ =	sdelay $0x2  }
0xb8: {  	s31 =	sshll.u32 s1, $0xD;
	s1 =	sshrl.u32 s1, $0x2  }
0xb9: {  	s3 =	sand.u32 $0x4000, s31;
	s1 =	sadd.s32 s1, s30  }
0xba: {  	s0 =	sor.u32 s3, s0;
	s1 =	sshll.u32 s1, $0x11  }
0xbb: {  	s0 =	sor.u32 s1, s0  }
0xbc: {  	s0 =	sadd.s32 $0x8F2B, s0  }
0xbd: {  	[sflag:s0] =	ssyncadd.remote.s32 $0x1  }
0xbe: {  	_ =	sfence.sel $0xFFFF  }
0xbf: {  	[dreg:$0x0] =	wrdreg $0xFFFFFFFF;
	(pc) =	sbr.abs _section_cstart, $3  }
0xc0: {  	[dreg:$0x1] =	wrdreg $0xFFFFFFFF  }
0xc1: {  	_ =	task.clear_ibuf [dreg:s7], $0x2FFFF;
	_ =	strace $0x9FFFFFFF  }
0xc2: {  	(tm) =	ssettm $0x7FFFFFFF  }
0xc3: {  	_ =	shalt  }
tec
execute0_lowered:
.L_overlay_start_1:
0x0: {  	(tag) =	ssettag $0x1  }
0x1: {  	s2 =	rddreg [dreg:$0x0]  }
0x2: {  	s7 =	rddreg [dreg:$0x1];
	s3 =	srdreg.scid  }
0x3: {  	s0 =	rddreg [dreg:$0x2];
	s1 =	stileid.u32  }
0x4: {  	s10 =	simm.s32 $0x4000;
	s11 =	simm.s32 $0x2;
	s12 =	simm.s32 $0x1  }
0x5: {  	s13 =	simm.s32 $0x0;
	s5 =	sand.u32 $0x1, s3;
	s3 =	simm.s32 $0x0  }
0x6: {  	s4 =	sshll.u32 s1, $0x6;
	s6 =	sshll.u32 s5, $0x5;
	[smem:$0x7FF] =	sst s3  }
0x7: {  	s8 =	ssub.s32 $0x2, s5;
	s5 =	sadd.s32 $0x61C00, s7;
	s4 =	sor.u32 s6, s4  }
0x8: {  	_ =	strace $0x80000047;
	s9 =	sshrl.u32 s8, $0x1;
	s6 =	sshll.u32 s4, $0x7  }
0x9: {  	s8 =	ssub.s32 s8, s9;
	s9 =	simm.s32 $0x3;
	s6 =	sadd.s32 s6, s7  }
0xa: {  	v0 =	vlaneseq.u32;
	s7 =	sadd.s32 $0x1C80, s7;
	s8 =	smax.u32 s8, $0x1;
	s6 =	sadd.s32 $0x1C00, s6  }
.LBB2_1:
0xb: {  	[tilespmem:s3], [sflag:$0x3] =	stream.linear.gather [hbm4b:s2+s3], $0x4000, $0x38;
	[tilespmem:$0xC800] =	vst v63  }
0xc: {  	_ =	swait.ge [sflag:s9], $0x4000  }
0xd: {  	[sflag:s9] =	ssyncset.done $0x0  }
0xe: {  	[sflag:s9] =	ssyncadd.s32 $0xFFFFC000  }
0xf: {  	[tilespmem:s10], [sflag:$0x2] =	stream.linear.gather [hbm4b:s6+s3], $0x400, $0x38;
	[tilespmem:$0xC800] =	vst v63  }
0x10: {  	_ =	swait.ge [sflag:s11], $0x400  }
0x11: {  	[sflag:s11] =	ssyncset.done $0x0  }
0x12: {  	p0 =	por $0x0, $0x0;
	s14 =	simm.s32 $0x0;
	[sflag:s11] =	ssyncadd.s32 $0xFFFFFC00  }
.LBB2_2:
0x13: {  	s15 =	sor.u32 s4, s14  }
0x14: {  	s20 =	sand.u32 $0x1, s14;
	p1 =	seq.s32 s14, $0x1F;
	s19 =	simm.s32 $0x0  }
0x15: {  	s21 =	simm.s32 $0x18;
	s16 =	sshll.u32 @!p1 s15, $0x7;
	s17 =	sshll.u32 @!p1 s20, $0xA  }
0x16: {  	s18 =	simm.s32 @!p1 $0x0;
	s17 =	sxor.u32 @!p1 $0x4400, s17;
	s16 =	sadd.s32 @!p1 s16, s7  }
0x17: {  	[tilespmem:s17], [sflag:$0x2] =	stream.linear.gather @!p1 [hbm4b:s16+s18], $0x400, $0x38;
	[tilespmem:$0xC800] =	vst v63  }
0x18: {  	s22 =	simm.s32 $0x0;
	s16 =	sand.u32 $0xFFFFFF80, s19;
	s17 =	sand.u32 $0x78, s21  }
0x19: {  	s19 =	simm.s32 $0x8;
	s18 =	sand.u32 $0x60, s22;
	s17 =	sor.u32 s16, s17  }
0x1a: {  	p2 =	slt.u32 @!p1 s14, $0x2;
	s19 =	sand.u32 $0x68, s19;
	s18 =	sor.u32 s18, s16;
	v9 =	vmov s17  }
0x1b: {  	s23 =	simm.s32 $0x10;
	p2 =	por p1, !p2;
	s19 =	sor.u32 s16, s19;
	v7 =	vmov s18  }
0x1c: {  	_ =	swait.ge @p2 [sflag:s12], $0x4000;
	s17 =	sand.u32 $0x70, s23;
	v6 =	vmov s19  }
0x1d: {  	s24 =	sshll.u32 s20, $0xA;
	[sflag:s12] =	ssyncset.done @p2 $0x0;
	s17 =	sor.u32 s16, s17  }
0x1e: {  	[sflag:s12] =	ssyncadd.s32 @p2 $0xFFFFC000;
	s16 =	sor.u32 $0x4000, s24;
	v2 =	vmov s17  }
0x1f: {  	v1 =	vld.idx.msk [tilespmem:v9+s16+$0x0], $0xffff  }
0x20: {  	v3 =	vld.idx.msk [tilespmem:v7+s16+$0x0], $0xffff  }
0x21: {  	v4 =	vld.idx.msk [tilespmem:v6+s16+$0x0], $0xffff;
	_ =	sdelay $0x1  }
0x22: {  	v5 =	vld.idx.msk [tilespmem:v2+s16+$0x0], $0xffff  }
0x23: {  	v1 =	vshll.u32 v1, $0x4  }
0x24: {  	v3 =	vshll.u32 v3, $0x4;
	v1 =	vor.u32 v0, v1  }
0x25: {  	v4 =	vshll.u32 v4, $0x4;
	v3 =	vor.u32 v0, v3  }
0x26: {  	v4 =	vor.u32 v0, v4  }
0x27: {  	v5 =	vshll.u32 v5, $0x4  }
0x28: {  	v5 =	vor.u32 v0, v5  }
0x29: {  	v1 =	vld.idx.msk [tilespmem:v1+s3+$0x0], $0xffff  }
0x2a: {  	v8 =	vor.u32 $0x1, v9;
	s17 =	simm.s32 $0x1;
	v3 =	vld.idx.msk [tilespmem:v3+s3+$0x0], $0xffff  }
0x2b: {  	v10 =	vor.u32 $0x1, v7;
	s17 =	simm.s32 @!p0 $0x0;
	v4 =	vld.idx.msk [tilespmem:v4+s3+$0x0], $0xffff  }
0x2c: {  	v11 =	vor.u32 $0x1, v6;
	s17 =	sshll.u32 s17, $0xE  }
0x2d: {  	s17 =	sadd.s32 $0x4900, s17;
	v5 =	vld.idx.msk [tilespmem:v5+s3+$0x0], $0xffff  }
0x2e: {  	v12 =	vor.u32 $0x1, v2;
	[tilespmem:s17+$0x80] =	vst v1  }
0x2f: {  	[tilespmem:s17+$0xFFFFFF00] =	vst v3;
	v1 =	vld.idx.msk [tilespmem:v8+s16+$0x0], $0xffff  }
0x30: {  	v3 =	vld.idx.msk [tilespmem:v10+s16+$0x0], $0xffff;
	[tilespmem:s17+$0xFFFFFF80] =	vst v4  }
0x31: {  	v4 =	vld.idx.msk [tilespmem:v11+s16+$0x0], $0xffff  }
0x32: {  	[tilespmem:s17+$0x0] =	vst v5  }
0x33: {  	v5 =	vld.idx.msk [tilespmem:v12+s16+$0x0], $0xffff  }
0x34: {  	v1 =	vshll.u32 v1, $0x4  }
0x35: {  	v3 =	vshll.u32 v3, $0x4;
	v1 =	vor.u32 v0, v1  }
0x36: {  	v3 =	vor.u32 v0, v3;
	v4 =	vshll.u32 v4, $0x4  }
0x37: {  	v4 =	vor.u32 v0, v4  }
0x38: {  	v5 =	vshll.u32 v5, $0x4  }
0x39: {  	v5 =	vor.u32 v0, v5  }
0x3a: {  	v1 =	vld.idx.msk [tilespmem:v1+s3+$0x0], $0xffff  }
0x3b: {  	v8 =	vor.u32 $0x2, v9;
	v3 =	vld.idx.msk [tilespmem:v3+s3+$0x0], $0xffff  }
0x3c: {  	v10 =	vor.u32 $0x2, v7;
	v4 =	vld.idx.msk [tilespmem:v4+s3+$0x0], $0xffff  }
0x3d: {  	v11 =	vor.u32 $0x2, v6  }
0x3e: {  	v5 =	vld.idx.msk [tilespmem:v5+s3+$0x0], $0xffff  }
0x3f: {  	v12 =	vor.u32 $0x2, v2;
	[tilespmem:s17+$0x90] =	vst v1  }
0x40: {  	[tilespmem:s17+$0xFFFFFF10] =	vst v3;
	v1 =	vld.idx.msk [tilespmem:v8+s16+$0x0], $0xffff  }
0x41: {  	v3 =	vld.idx.msk [tilespmem:v10+s16+$0x0], $0xffff;
	[tilespmem:s17+$0xFFFFFF90] =	vst v4  }
0x42: {  	v4 =	vld.idx.msk [tilespmem:v11+s16+$0x0], $0xffff  }
0x43: {  	[tilespmem:s17+$0x10] =	vst v5  }
0x44: {  	v5 =	vld.idx.msk [tilespmem:v12+s16+$0x0], $0xffff  }
0x45: {  	v1 =	vshll.u32 v1, $0x4  }
0x46: {  	v3 =	vshll.u32 v3, $0x4;
	v1 =	vor.u32 v0, v1  }
0x47: {  	v3 =	vor.u32 v0, v3;
	v4 =	vshll.u32 v4, $0x4  }
0x48: {  	v4 =	vor.u32 v0, v4  }
0x49: {  	v5 =	vshll.u32 v5, $0x4  }
0x4a: {  	v5 =	vor.u32 v0, v5  }
0x4b: {  	v1 =	vld.idx.msk [tilespmem:v1+s3+$0x0], $0xffff  }
0x4c: {  	s25 =	simm.s32 $0x20;
	s21 =	simm.s32 $0x20;
	v8 =	vor.u32 $0x3, v9;
	v3 =	vld.idx.msk [tilespmem:v3+s3+$0x0], $0xffff  }
0x4d: {  	s21 =	sand.u32 $0x60, s21;
	s18 =	sand.u32 $0xFFFFFF80, s25;
	v10 =	vor.u32 $0x3, v7;
	v4 =	vld.idx.msk [tilespmem:v4+s3+$0x0], $0xffff  }
0x4e: {  	s26 =	simm.s32 $0x38;
	s21 =	sor.u32 s21, s18;
	v11 =	vor.u32 $0x3, v6  }
0x4f: {  	s19 =	sand.u32 $0x78, s26;
	v12 =	vld.idx.msk [tilespmem:v5+s3+$0x0], $0xffff;
	v5 =	vmov s21  }
0x50: {  	s22 =	simm.s32 $0x28;
	s19 =	sor.u32 s18, s19;
	v13 =	vor.u32 $0x3, v2;
	[tilespmem:s17+$0xA0] =	vst v1  }
0x51: {  	s22 =	sand.u32 $0x68, s22;
	[tilespmem:s17+$0xFFFFFF20] =	vst v3;
	v1 =	vld.idx.msk [tilespmem:v8+s16+$0x0], $0xffff;
	v8 =	vmov s19  }
0x52: {  	s28 =	simm.s32 $0x30;
	s22 =	sor.u32 s18, s22;
	v10 =	vld.idx.msk [tilespmem:v10+s16+$0x0], $0xffff;
	[tilespmem:s17+$0xFFFFFFA0] =	vst v4  }
0x53: {  	v3 =	vmov s22;
	s19 =	sand.u32 $0x70, s28;
	v11 =	vld.idx.msk [tilespmem:v11+s16+$0x0], $0xffff  }
0x54: {  	s18 =	sor.u32 s18, s19;
	[tilespmem:s17+$0x20] =	vst v12;
	v14 =	vld.idx.msk [tilespmem:v5+s16+$0x0], $0xffff  }
0x55: {  	v4 =	vmov s18;
	v12 =	vld.idx.msk [tilespmem:v13+s16+$0x0], $0xffff  }
0x56: {  	v1 =	vshll.u32 v1, $0x4;
	v13 =	vld.idx.msk [tilespmem:v8+s16+$0x0], $0xffff  }
0x57: {  	v10 =	vshll.u32 v10, $0x4;
	v1 =	vor.u32 v0, v1  }
0x58: {  	v15 =	vld.idx.msk [tilespmem:v3+s16+$0x0], $0xffff;
	v10 =	vor.u32 v0, v10;
	v11 =	vshll.u32 v11, $0x4  }
0x59: {  	v14 =	vshll.u32 v14, $0x4;
	v11 =	vor.u32 v0, v11  }
0x5a: {  	v16 =	vld.idx.msk [tilespmem:v4+s16+$0x0], $0xffff;
	v12 =	vshll.u32 v12, $0x4;
	v14 =	vor.u32 v0, v14  }
0x5b: {  	v12 =	vor.u32 v0, v12;
	v13 =	vshll.u32 v13, $0x4  }
0x5c: {  	v1 =	vld.idx.msk [tilespmem:v1+s3+$0x0], $0xffff;
	v13 =	vor.u32 v0, v13  }
0x5d: {  	v17 =	vor.u32 $0x4, v9;
	v15 =	vshll.u32 v15, $0x4;
	v10 =	vld.idx.msk [tilespmem:v10+s3+$0x0], $0xffff  }
0x5e: {  	v15 =	vor.u32 v0, v15;
	v11 =	vld.idx.msk [tilespmem:v11+s3+$0x0], $0xffff  }
0x5f: {  	v18 =	vor.u32 $0x4, v7;
	v16 =	vshll.u32 v16, $0x4;
	v14 =	vld.idx.msk [tilespmem:v14+s3+$0x0], $0xffff  }
0x60: {  	v12 =	vld.idx.msk [tilespmem:v12+s3+$0x0], $0xffff;
	v16 =	vor.u32 v0, v16  }
0x61: {  	v19 =	vor.u32 $0x4, v6;
	v13 =	vld.idx.msk [tilespmem:v13+s3+$0x0], $0xffff;
	[tilespmem:s17+$0xB0] =	vst v1  }
0x62: {  	v1 =	vld.idx.msk [tilespmem:v17+s16+$0x0], $0xffff;
	v17 =	vor.u32 $0x1, v8  }
0x63: {  	v20 =	vor.u32 $0x1, v5;
	v15 =	vld.idx.msk [tilespmem:v15+s3+$0x0], $0xffff;
	[tilespmem:s17+$0xFFFFFF30] =	vst v10  }
0x64: {  	s18 =	sadd.s32 $0x200, s17;
	v18 =	vld.idx.msk [tilespmem:v18+s16+$0x0], $0xffff;
	[tilespmem:s17+$0xFFFFFFB0] =	vst v11  }
0x65: {  	v21 =	vor.u32 $0x1, v3;
	[tilespmem:s18+$0xFFFFFF00] =	vst v14;
	v10 =	vld.idx.msk [tilespmem:v16+s3+$0x0], $0xffff  }
0x66: {  	v16 =	vor.u32 $0x1, v4;
	v14 =	vld.idx.msk [tilespmem:v19+s16+$0x0], $0xffff;
	[tilespmem:s18+$0x80] =	vst v13  }
0x67: {  	v13 =	vor.u32 $0x4, v2;
	v11 =	vld.idx.msk [tilespmem:v17+s16+$0x0], $0xffff;
	v1 =	vshll.u32 v1, $0x4  }
0x68: {  	[tilespmem:s17+$0x30] =	vst v12;
	v17 =	vld.idx.msk [tilespmem:v20+s16+$0x0], $0xffff;
	v1 =	vor.u32 v0, v1  }
0x69: {  	[tilespmem:s18+$0xFFFFFF80] =	vst v15  }
0x6a: {  	v15 =	vld.idx.msk [tilespmem:v21+s16+$0x0], $0xffff;
	v12 =	vshll.u32 v18, $0x4;
	[tilespmem:s18+$0x0] =	vst v10  }
0x6b: {  	v12 =	vor.u32 v0, v12;
	v14 =	vshll.u32 v14, $0x4;
	v10 =	vld.idx.msk [tilespmem:v16+s16+$0x0], $0xffff  }
0x6c: {  	v14 =	vor.u32 v0, v14;
	v13 =	vld.idx.msk [tilespmem:v13+s16+$0x0], $0xffff;
	v11 =	vshll.u32 v11, $0x4  }
0x6d: {  	v16 =	vshll.u32 v17, $0x4;
	v1 =	vld.idx.msk [tilespmem:v1+s3+$0x0], $0xffff;
	v11 =	vor.u32 v0, v11  }
0x6e: {  	v16 =	vor.u32 v0, v16  }
0x6f: {  	v15 =	vshll.u32 v15, $0x4;
	v17 =	vor.u32 $0x5, v9  }
0x70: {  	v15 =	vor.u32 v0, v15;
	v12 =	vld.idx.msk [tilespmem:v12+s3+$0x0], $0xffff;
	v10 =	vshll.u32 v10, $0x4  }
0x71: {  	v14 =	vld.idx.msk [tilespmem:v14+s3+$0x0], $0xffff;
	v10 =	vor.u32 v0, v10;
	v13 =	vshll.u32 v13, $0x4  }
0x72: {  	v11 =	vld.idx.msk [tilespmem:v11+s3+$0x0], $0xffff;
	[tilespmem:s17+$0xC0] =	vst v1;
	v1 =	vor.u32 v0, v13  }
0x73: {  	v18 =	vor.u32 $0x5, v7;
	v16 =	vld.idx.msk [tilespmem:v16+s3+$0x0], $0xffff  }
0x74: {  	v13 =	vld.idx.msk [tilespmem:v17+s16+$0x0], $0xffff;
	v17 =	vor.u32 $0x2, v8  }
0x75: {  	v19 =	vor.u32 $0x2, v5;
	v15 =	vld.idx.msk [tilespmem:v15+s3+$0x0], $0xffff  }
0x76: {  	[tilespmem:s17+$0xFFFFFF40] =	vst v12;
	v10 =	vld.idx.msk [tilespmem:v10+s3+$0x0], $0xffff  }
0x77: {  	v20 =	vor.u32 $0x2, v3;
	[tilespmem:s18+$0x90] =	vst v11;
	v1 =	vld.idx.msk [tilespmem:v1+s3+$0x0], $0xffff  }
0x78: {  	v21 =	vor.u32 $0x2, v4;
	[tilespmem:s18+$0xFFFFFF10] =	vst v16;
	v16 =	vld.idx.msk [tilespmem:v18+s16+$0x0], $0xffff  }
0x79: {  	v11 =	vor.u32 $0x5, v6;
	v12 =	vld.idx.msk [tilespmem:v17+s16+$0x0], $0xffff  }
0x7a: {  	v13 =	vshll.u32 v13, $0x4;
	v17 =	vld.idx.msk [tilespmem:v19+s16+$0x0], $0xffff  }
0x7b: {  	[tilespmem:s18+$0xFFFFFF90] =	vst v15;
	v13 =	vor.u32 v0, v13  }
0x7c: {  	v15 =	vor.u32 $0x5, v2;
	v18 =	vld.idx.msk [tilespmem:v20+s16+$0x0], $0xffff;
	[tilespmem:s18+$0x10] =	vst v10  }
0x7d: {  	[tilespmem:s17+$0xFFFFFFC0] =	vst v14;
	v10 =	vld.idx.msk [tilespmem:v21+s16+$0x0], $0xffff;
	v16 =	vshll.u32 v16, $0x4  }
0x7e: {  	v11 =	vld.idx.msk [tilespmem:v11+s16+$0x0], $0xffff;
	v12 =	vshll.u32 v12, $0x4;
	v16 =	vor.u32 v0, v16  }
0x7f: {  	[tilespmem:s17+$0x40] =	vst v1;
	v1 =	vshll.u32 v17, $0x4;
	v12 =	vor.u32 v0, v12  }
0x80: {  	v13 =	vld.idx.msk [tilespmem:v13+s3+$0x0], $0xffff;
	v1 =	vor.u32 v0, v1  }
0x81: {  	v14 =	vor.u32 $0x6, v9;
	v15 =	vld.idx.msk [tilespmem:v15+s16+$0x0], $0xffff;
	v17 =	vshll.u32 v18, $0x4  }
0x82: {  	v17 =	vor.u32 v0, v17;
	v10 =	vshll.u32 v10, $0x4  }
0x83: {  	v10 =	vor.u32 v0, v10;
	v11 =	vshll.u32 v11, $0x4;
	v16 =	vld.idx.msk [tilespmem:v16+s3+$0x0], $0xffff  }
0x84: {  	v11 =	vor.u32 v0, v11;
	v12 =	vld.idx.msk [tilespmem:v12+s3+$0x0], $0xffff  }
0x85: {  	v21 =	vor.u32 $0x6, v7;
	[tilespmem:s17+$0xD0] =	vst v13;
	v1 =	vld.idx.msk [tilespmem:v1+s3+$0x0], $0xffff  }
0x86: {  	v13 =	vld.idx.msk [tilespmem:v14+s16+$0x0], $0xffff;
	v14 =	vshll.u32 v15, $0x4;
	v15 =	vor.u32 $0x3, v8  }
0x87: {  	s29 =	simm.s32 $0x40;
	s30 =	simm.s32 $0x58;
	v18 =	vor.u32 $0x3, v5;
	v17 =	vld.idx.msk [tilespmem:v17+s3+$0x0], $0xffff  }
0x88: {  	s31 =	simm.s32 $0x48;
	s23 =	simm.s32 $0x40;
	s24 =	simm.s32 $0x50;
	v19 =	vor.u32 $0x3, v3;
	v10 =	vld.idx.msk [tilespmem:v10+s3+$0x0], $0xffff  }
0x89: {  	s23 =	sand.u32 $0x60, s23;
	s21 =	sand.u32 $0x78, s30;
	s19 =	sand.u32 $0xFFFFFF80, s29;
	v14 =	vor.u32 v0, v14;
	v11 =	vld.idx.msk [tilespmem:v11+s3+$0x0], $0xffff;
	[tilespmem:s17+$0xFFFFFF50] =	vst v16  }
0x8a: {  	s24 =	sand.u32 $0x70, s24;
	s22 =	sand.u32 $0x68, s31;
	s21 =	sor.u32 s19, s21;
	v20 =	vor.u32 $0x3, v4;
	[tilespmem:s18+$0xA0] =	vst v12;
	v16 =	vld.idx.msk [tilespmem:v21+s16+$0x0], $0xffff  }
0x8b: {  	s22 =	sor.u32 s19, s22;
	s23 =	sor.u32 s23, s19;
	s19 =	sor.u32 s19, s24;
	[tilespmem:s18+$0xFFFFFF20] =	vst v1;
	v1 =	vmov s21;
	v15 =	vld.idx.msk [tilespmem:v15+s16+$0x0], $0xffff  }
0x8c: {  	[tilespmem:s18+$0xFFFFFFA0] =	vst v17;
	v12 =	vshll.u32 v13, $0x4;
	v18 =	vld.idx.msk [tilespmem:v18+s16+$0x0], $0xffff;
	v13 =	vmov s19  }
0x8d: {  	v17 =	vld.idx.msk [tilespmem:v19+s16+$0x0], $0xffff;
	v19 =	vor.u32 $0x6, v6  }
0x8e: {  	v22 =	vld.idx.msk [tilespmem:v14+s3+$0x0], $0xffff;
	v23 =	vor.u32 v0, v12;
	[tilespmem:s18+$0x20] =	vst v10  }
0x8f: {  	v12 =	vmov s22;
	v10 =	vld.idx.msk [tilespmem:v20+s16+$0x0], $0xffff  }
0x90: {  	v14 =	vmov s23;
	v21 =	vld.idx.msk [tilespmem:v1+s16+$0x0], $0xffff  }
0x91: {  	v25 =	vor.u32 $0x6, v2;
	[tilespmem:s17+$0xFFFFFFD0] =	vst v11;
	v16 =	vshll.u32 v16, $0x4;
	v11 =	vld.idx.msk [tilespmem:v13+s16+$0x0], $0xffff  }
0x92: {  	v15 =	vshll.u32 v15, $0x4;
	v19 =	vld.idx.msk [tilespmem:v19+s16+$0x0], $0xffff;
	v16 =	vor.u32 v0, v16  }
0x93: {  	v20 =	vld.idx.msk [tilespmem:v23+s3+$0x0], $0xffff;
	v15 =	vor.u32 v0, v15  }
0x94: {  	v9 =	vor.u32 $0x7, v9;
	v18 =	vshll.u32 v18, $0x4;
	v23 =	vld.idx.msk [tilespmem:v12+s16+$0x0], $0xffff  }
0x95: {  	v17 =	vshll.u32 v17, $0x4;
	v24 =	vld.idx.msk [tilespmem:v14+s16+$0x0], $0xffff;
	v18 =	vor.u32 v0, v18;
	[tilespmem:s17+$0x50] =	vst v22  }
0x96: {  	v17 =	vor.u32 v0, v17;
	v10 =	vshll.u32 v10, $0x4;
	v25 =	vld.idx.msk [tilespmem:v25+s16+$0x0], $0xffff  }
0x97: {  	v10 =	vor.u32 v0, v10;
	v11 =	vshll.u32 v11, $0x4;
	v16 =	vld.idx.msk [tilespmem:v16+s3+$0x0], $0xffff  }
0x98: {  	v15 =	vld.idx.msk [tilespmem:v15+s3+$0x0], $0xffff;
	[tilespmem:s17+$0xE0] =	vst v20;
	v20 =	vshll.u32 v21, $0x4;
	v11 =	vor.u32 v0, v11  }
0x99: {  	v9 =	vld.idx.msk [tilespmem:v9+s16+$0x0], $0xffff;
	v20 =	vor.u32 v0, v20  }
0x9a: {  	v18 =	vld.idx.msk [tilespmem:v18+s3+$0x0], $0xffff;
	v21 =	vshll.u32 v24, $0x4;
	v24 =	vor.u32 $0x4, v8  }
0x9b: {  	v23 =	vshll.u32 v23, $0x4;
	v17 =	vld.idx.msk [tilespmem:v17+s3+$0x0], $0xffff;
	v21 =	vor.u32 v0, v21  }
0x9c: {  	v22 =	vor.u32 v0, v23;
	v10 =	vld.idx.msk [tilespmem:v10+s3+$0x0], $0xffff  }
0x9d: {  	v23 =	vor.u32 $0x4, v5;
	v11 =	vld.idx.msk [tilespmem:v11+s3+$0x0], $0xffff  }
0x9e: {  	v29 =	vor.u32 $0x1, v13;
	[tilespmem:s18+$0xB0] =	vst v15;
	v20 =	vld.idx.msk [tilespmem:v20+s3+$0x0], $0xffff;
	v9 =	vshll.u32 v9, $0x4  }
0x9f: {  	v15 =	vld.idx.msk [tilespmem:v24+s16+$0x0], $0xffff;
	v9 =	vor.u32 v0, v9  }
0xa0: {  	v19 =	vshll.u32 v19, $0x4;
	v21 =	vld.idx.msk [tilespmem:v21+s3+$0x0], $0xffff;
	v24 =	vor.u32 $0x1, v1  }
0xa1: {  	s19 =	sadd.s32 $0x200, s18;
	v19 =	vor.u32 v0, v19;
	[tilespmem:s18+$0xFFFFFF30] =	vst v18;
	v22 =	vld.idx.msk [tilespmem:v22+s3+$0x0], $0xffff  }
0xa2: {  	v27 =	vor.u32 $0x1, v14;
	v28 =	vld.idx.msk [tilespmem:v23+s16+$0x0], $0xffff;
	[tilespmem:s19+$0x0] =	vst v11  }
0xa3: {  	v18 =	vor.u32 $0x1, v12;
	v11 =	vld.idx.msk [tilespmem:v29+s16+$0x0], $0xffff  }
0xa4: {  	v26 =	vor.u32 $0x4, v3;
	[tilespmem:s19+$0x80] =	vst v20;
	v23 =	vld.idx.msk [tilespmem:v9+s3+$0x0], $0xffff  }
0xa5: {  	[tilespmem:s18+$0xFFFFFFB0] =	vst v17;
	v15 =	vshll.u32 v15, $0x4;
	v9 =	vor.u32 $0x4, v4;
	v17 =	vld.idx.msk [tilespmem:v24+s16+$0x0], $0xffff  }
0xa6: {  	v19 =	vld.idx.msk [tilespmem:v19+s3+$0x0], $0xffff;
	[tilespmem:s19+$0xFFFFFF00] =	vst v21;
	v15 =	vor.u32 v0, v15  }
0xa7: {  	v7 =	vor.u32 $0x7, v7;
	[tilespmem:s19+$0xFFFFFF80] =	vst v22;
	v22 =	vshll.u32 v25, $0x4;
	v21 =	vld.idx.msk [tilespmem:v27+s16+$0x0], $0xffff  }
0xa8: {  	[tilespmem:s18+$0x30] =	vst v10;
	v18 =	vld.idx.msk [tilespmem:v18+s16+$0x0], $0xffff;
	v10 =	vor.u32 v0, v22;
	v22 =	vshll.u32 v28, $0x4  }
0xa9: {  	v20 =	vld.idx.msk [tilespmem:v26+s16+$0x0], $0xffff;
	v22 =	vor.u32 v0, v22;
	v11 =	vshll.u32 v11, $0x4  }
0xaa: {  	v9 =	vld.idx.msk [tilespmem:v9+s16+$0x0], $0xffff;
	v17 =	vshll.u32 v17, $0x4;
	v11 =	vor.u32 v0, v11  }
0xab: {  	[tilespmem:s17+$0xFFFFFF60] =	vst v16;
	v15 =	vld.idx.msk [tilespmem:v15+s3+$0x0], $0xffff;
	v17 =	vor.u32 v0, v17  }
0xac: {  	[tilespmem:s17+$0xFFFFFFE0] =	vst v19;
	v19 =	vld.idx.msk [tilespmem:v7+s16+$0x0], $0xffff;
	v24 =	vor.u32 $0x5, v8;
	v21 =	vshll.u32 v21, $0x4  }
0xad: {  	v18 =	vshll.u32 v18, $0x4;
	v10 =	vld.idx.msk [tilespmem:v10+s3+$0x0], $0xffff;
	v21 =	vor.u32 v0, v21  }
0xae: {  	v20 =	vshll.u32 v20, $0x4;
	v18 =	vor.u32 v0, v18;
	v22 =	vld.idx.msk [tilespmem:v22+s3+$0x0], $0xffff  }
0xaf: {  	v20 =	vor.u32 v0, v20;
	v9 =	vshll.u32 v9, $0x4;
	v11 =	vld.idx.msk [tilespmem:v11+s3+$0x0], $0xffff  }
0xb0: {  	[tilespmem:s18+$0xC0] =	vst v15;
	v17 =	vld.idx.msk [tilespmem:v17+s3+$0x0], $0xffff;
	v9 =	vor.u32 v0, v9  }
0xb1: {  	v15 =	vld.idx.msk [tilespmem:v24+s16+$0x0], $0xffff;
	v24 =	vor.u32 $0x2, v1  }
0xb2: {  	v25 =	vor.u32 $0x5, v5;
	v21 =	vld.idx.msk [tilespmem:v21+s3+$0x0], $0xffff  }
0xb3: {  	v26 =	vor.u32 $0x2, v14;
	v18 =	vld.idx.msk [tilespmem:v18+s3+$0x0], $0xffff  }
0xb4: {  	v27 =	vor.u32 $0x2, v12;
	v20 =	vld.idx.msk [tilespmem:v20+s3+$0x0], $0xffff  }
0xb5: {  	v28 =	vor.u32 $0x2, v13;
	[tilespmem:s19+$0x90] =	vst v17;
	v9 =	vld.idx.msk [tilespmem:v9+s3+$0x0], $0xffff  }
0xb6: {  	s25 =	simm.s32 $0x60;
	s26 =	simm.s32 $0x78;
	s22 =	simm.s32 $0x60;
	[tilespmem:s18+$0xFFFFFF40] =	vst v22;
	v17 =	vor.u32 $0x5, v3;
	v15 =	vshll.u32 v15, $0x4;
	v22 =	vld.idx.msk [tilespmem:v24+s16+$0x0], $0xffff  }
0xb7: {  	s29 =	sand.u32 $0x78, s26;
	s21 =	sand.u32 $0xFFFFFF80, s25;
	s26 =	sand.u32 $0x60, s22;
	[tilespmem:s19+$0xFFFFFF10] =	vst v21;
	v21 =	vld.idx.msk [tilespmem:v25+s16+$0x0], $0xffff;
	v15 =	vor.u32 v0, v15  }
0xb8: {  	s31 =	sor.u32 s26, s21;
	[tilespmem:s19+$0xFFFFFF90] =	vst v18;
	v24 =	vor.u32 $0x5, v4;
	v25 =	vld.idx.msk [tilespmem:v26+s16+$0x0], $0xffff  }
0xb9: {  	[tilespmem:s19+$0x10] =	vst v11;
	v18 =	vld.idx.msk [tilespmem:v27+s16+$0x0], $0xffff;
	v26 =	vmov s31  }
0xba: {  	v6 =	vor.u32 $0x7, v6;
	[tilespmem:s18+$0xFFFFFFC0] =	vst v20;
	v11 =	vld.idx.msk [tilespmem:v28+s16+$0x0], $0xffff  }
0xbb: {  	v2 =	vor.u32 $0x7, v2;
	v17 =	vld.idx.msk [tilespmem:v17+s16+$0x0], $0xffff;
	v20 =	vshll.u32 v22, $0x4  }
0xbc: {  	[tilespmem:s18+$0x40] =	vst v9;
	v15 =	vld.idx.msk [tilespmem:v15+s3+$0x0], $0xffff;
	v20 =	vor.u32 v0, v20  }
0xbd: {  	v16 =	vld.idx.msk [tilespmem:v24+s16+$0x0], $0xffff;
	v9 =	vshll.u32 v25, $0x4;
	v22 =	vor.u32 $0x6, v8  }
0xbe: {  	v18 =	vshll.u32 v18, $0x4;
	v28 =	vld.idx.msk [tilespmem:v26+s16+$0x0], $0xffff;
	v7 =	vor.u32 v0, v9  }
0xbf: {  	[tilespmem:s17+$0x60] =	vst v10;
	v11 =	vshll.u32 v11, $0x4;
	v9 =	vld.idx.msk [tilespmem:v6+s16+$0x0], $0xffff;
	v10 =	vor.u32 v0, v18  }
0xc0: {  	v18 =	vshll.u32 v21, $0x4;
	v6 =	vld.idx.msk [tilespmem:v2+s16+$0x0], $0xffff;
	v2 =	vor.u32 v0, v11  }
0xc1: {  	v11 =	vor.u32 v0, v18;
	v17 =	vshll.u32 v17, $0x4;
	[tilespmem:s18+$0xD0] =	vst v15;
	v18 =	vld.idx.msk [tilespmem:v20+s3+$0x0], $0xffff  }
0xc2: {  	v15 =	vor.u32 v0, v17;
	v16 =	vshll.u32 v16, $0x4;
	v17 =	vld.idx.msk [tilespmem:v22+s16+$0x0], $0xffff  }
0xc3: {  	v7 =	vld.idx.msk [tilespmem:v7+s3+$0x0], $0xffff;
	v16 =	vor.u32 v0, v16  }
0xc4: {  	v20 =	vor.u32 $0x3, v1;
	v10 =	vld.idx.msk [tilespmem:v10+s3+$0x0], $0xffff  }
0xc5: {  	v21 =	vor.u32 $0x3, v14;
	v22 =	vld.idx.msk [tilespmem:v2+s3+$0x0], $0xffff  }
0xc6: {  	v24 =	vor.u32 $0x3, v12;
	v11 =	vld.idx.msk [tilespmem:v11+s3+$0x0], $0xffff  }
0xc7: {  	s28 =	simm.s32 $0x68;
	v25 =	vor.u32 $0x3, v13;
	v9 =	vshll.u32 v9, $0x4;
	v15 =	vld.idx.msk [tilespmem:v15+s3+$0x0], $0xffff  }
0xc8: {  	s23 =	sand.u32 $0x68, s28;
	v9 =	vor.u32 v0, v9;
	[tilespmem:s19+$0xA0] =	vst v18;
	v16 =	vld.idx.msk [tilespmem:v16+s3+$0x0], $0xffff  }
0xc9: {  	s23 =	sor.u32 s21, s23;
	v18 =	vor.u32 $0x6, v5;
	[tilespmem:s19+$0xFFFFFF20] =	vst v7;
	v20 =	vld.idx.msk [tilespmem:v20+s16+$0x0], $0xffff  }
0xca: {  	s25 =	simm.s32 $0x70;
	v2 =	vshll.u32 v17, $0x4;
	[tilespmem:s19+$0xFFFFFFA0] =	vst v10;
	v7 =	vmov s23;
	v21 =	vld.idx.msk [tilespmem:v21+s16+$0x0], $0xffff  }
0xcb: {  	s24 =	sor.u32 s21, s29;
	s30 =	sand.u32 $0x70, s25;
	[tilespmem:s19+$0x20] =	vst v22;
	v17 =	vor.u32 v0, v2;
	v10 =	vld.idx.msk [tilespmem:v24+s16+$0x0], $0xffff  }
0xcc: {  	s21 =	sor.u32 s21, s30;
	v2 =	vmov s24;
	v22 =	vld.idx.msk [tilespmem:v25+s16+$0x0], $0xffff  }
0xcd: {  	[tilespmem:s18+$0xFFFFFF50] =	vst v11;
	v25 =	vmov s21;
	v35 =	vld.idx.msk [tilespmem:v9+s3+$0x0], $0xffff  }
0xce: {  	v11 =	vld.idx.msk [tilespmem:v18+s16+$0x0], $0xffff;
	v18 =	vor.u32 $0x6, v3  }
0xcf: {  	v29 =	vor.u32 $0x6, v4;
	v27 =	vld.idx.msk [tilespmem:v7+s16+$0x0], $0xffff;
	v20 =	vshll.u32 v20, $0x4  }
0xd0: {  	v17 =	vld.idx.msk [tilespmem:v17+s3+$0x0], $0xffff;
	v20 =	vor.u32 v0, v20  }
0xd1: {  	v8 =	vor.u32 $0x7, v8;
	v24 =	vld.idx.msk [tilespmem:v2+s16+$0x0], $0xffff;
	v21 =	vshll.u32 v21, $0x4  }
0xd2: {  	[tilespmem:s18+$0xFFFFFFD0] =	vst v15;
	v10 =	vshll.u32 v10, $0x4;
	v15 =	vld.idx.msk [tilespmem:v25+s16+$0x0], $0xffff;
	v21 =	vor.u32 v0, v21  }
0xd3: {  	[tilespmem:s18+$0x50] =	vst v16;
	v22 =	vshll.u32 v22, $0x4;
	v10 =	vor.u32 v0, v10;
	v18 =	vld.idx.msk [tilespmem:v18+s16+$0x0], $0xffff  }
0xd4: {  	v19 =	vshll.u32 v19, $0x4;
	v22 =	vor.u32 v0, v22;
	v16 =	vshll.u32 v27, $0x4;
	v27 =	vld.idx.msk [tilespmem:v29+s16+$0x0], $0xffff  }
0xd5: {  	[tilespmem:s18+$0xE0] =	vst v17;
	v17 =	vor.u32 v0, v19;
	v20 =	vld.idx.msk [tilespmem:v20+s3+$0x0], $0xffff  }
0xd6: {  	v19 =	vshll.u32 v24, $0x4;
	v16 =	vor.u32 v0, v16;
	v8 =	vld.idx.msk [tilespmem:v8+s16+$0x0], $0xffff  }
0xd7: {  	v24 =	vshll.u32 v28, $0x4;
	v19 =	vor.u32 v0, v19;
	v21 =	vld.idx.msk [tilespmem:v21+s3+$0x0], $0xffff  }
0xd8: {  	v15 =	vshll.u32 v15, $0x4;
	v10 =	vld.idx.msk [tilespmem:v10+s3+$0x0], $0xffff;
	v24 =	vor.u32 v0, v24  }
0xd9: {  	v22 =	vld.idx.msk [tilespmem:v22+s3+$0x0], $0xffff;
	v15 =	vor.u32 v0, v15  }
0xda: {  	v30 =	vor.u32 $0x4, v1;
	v28 =	vld.idx.msk [tilespmem:v17+s3+$0x0], $0xffff  }
0xdb: {  	v11 =	vshll.u32 v11, $0x4;
	v17 =	vor.u32 $0x4, v14;
	v16 =	vld.idx.msk [tilespmem:v16+s3+$0x0], $0xffff  }
0xdc: {  	v11 =	vor.u32 v0, v11;
	v19 =	vld.idx.msk [tilespmem:v19+s3+$0x0], $0xffff  }
0xdd: {  	v8 =	vshll.u32 v8, $0x4;
	v24 =	vld.idx.msk [tilespmem:v24+s3+$0x0], $0xffff;
	[tilespmem:s19+$0xFFFFFF30] =	vst v21;
	v21 =	vor.u32 $0x1, v7  }
0xde: {  	[tilespmem:s19+$0xB0] =	vst v20;
	v15 =	vld.idx.msk [tilespmem:v15+s3+$0x0], $0xffff;
	v8 =	vor.u32 v0, v8  }
0xdf: {  	v20 =	vld.idx.msk [tilespmem:v30+s16+$0x0], $0xffff;
	v30 =	vor.u32 $0x1, v2  }
0xe0: {  	v31 =	vor.u32 $0x4, v12;
	s21 =	sadd.s32 $0x200, s19;
	v18 =	vshll.u32 v18, $0x4;
	v17 =	vld.idx.msk [tilespmem:v17+s16+$0x0], $0xffff  }
0xe1: {  	v32 =	vor.u32 $0x1, v26;
	[tilespmem:s21+$0xFFFFFF80] =	vst v16;
	v16 =	vor.u32 v0, v18;
	v18 =	vshll.u32 v27, $0x4;
	v27 =	vld.idx.msk [tilespmem:v11+s3+$0x0], $0xffff  }
0xe2: {  	v33 =	vor.u32 $0x1, v25;
	[tilespmem:s19+$0xFFFFFFB0] =	vst v10;
	v21 =	vld.idx.msk [tilespmem:v21+s16+$0x0], $0xffff  }
0xe3: {  	[tilespmem:s21+$0x80] =	vst v19;
	v29 =	vld.idx.msk [tilespmem:v8+s3+$0x0], $0xffff  }
0xe4: {  	[tilespmem:s21+$0x0] =	vst v15;
	v15 =	vor.u32 v0, v18;
	v10 =	vld.idx.msk [tilespmem:v30+s16+$0x0], $0xffff  }
0xe5: {  	[tilespmem:s21+$0xFFFFFF00] =	vst v24;
	v8 =	vor.u32 $0x4, v13;
	v19 =	vshll.u32 v20, $0x4;
	v20 =	vld.idx.msk [tilespmem:v31+s16+$0x0], $0xffff  }
0xe6: {  	v6 =	vshll.u32 v6, $0x4;
	v24 =	vld.idx.msk [tilespmem:v32+s16+$0x0], $0xffff;
	v19 =	vor.u32 v0, v19  }
0xe7: {  	v6 =	vor.u32 v0, v6;
	v18 =	vld.idx.msk [tilespmem:v33+s16+$0x0], $0xffff;
	v17 =	vshll.u32 v17, $0x4  }
0xe8: {  	v16 =	vld.idx.msk [tilespmem:v16+s3+$0x0], $0xffff;
	v17 =	vor.u32 v0, v17  }
0xe9: {  	v36 =	vor.u32 $0x7, v3;
	[tilespmem:s19+$0x30] =	vst v22;
	v21 =	vshll.u32 v21, $0x4;
	v30 =	vld.idx.msk [tilespmem:v15+s3+$0x0], $0xffff  }
0xea: {  	v8 =	vld.idx.msk [tilespmem:v8+s16+$0x0], $0xffff;
	v10 =	vshll.u32 v10, $0x4;
	v15 =	vor.u32 v0, v21  }
0xeb: {  	v19 =	vld.idx.msk [tilespmem:v19+s3+$0x0], $0xffff;
	v10 =	vor.u32 v0, v10  }
0xec: {  	v22 =	vor.u32 $0x5, v1;
	[tilespmem:s18+$0xFFFFFF60] =	vst v27;
	v27 =	vld.idx.msk [tilespmem:v6+s3+$0x0], $0xffff;
	v11 =	vshll.u32 v24, $0x4  }
0xed: {  	v18 =	vshll.u32 v18, $0x4;
	v11 =	vor.u32 v0, v11;
	[tilespmem:s18+$0xFFFFFFE0] =	vst v16;
	v17 =	vld.idx.msk [tilespmem:v17+s3+$0x0], $0xffff  }
0xee: {  	v20 =	vshll.u32 v20, $0x4;
	v18 =	vor.u32 v0, v18;
	v63 =	vld.idx.msk [tilespmem:v36+s16+$0x0], $0xffff  }
0xef: {  	v9 =	vor.u32 v0, v20;
	v8 =	vshll.u32 v8, $0x4;
	v15 =	vld.idx.msk [tilespmem:v15+s3+$0x0], $0xffff  }
0xf0: {  	v10 =	vld.idx.msk [tilespmem:v10+s3+$0x0], $0xffff;
	[tilespmem:s19+$0xC0] =	vst v19;
	v8 =	vor.u32 v0, v8  }
0xf1: {  	v20 =	vor.u32 $0x2, v2;
	v19 =	vld.idx.msk [tilespmem:v22+s16+$0x0], $0xffff  }
0xf2: {  	v21 =	vor.u32 $0x5, v14;
	v11 =	vld.idx.msk [tilespmem:v11+s3+$0x0], $0xffff  }
0xf3: {  	v18 =	vld.idx.msk [tilespmem:v18+s3+$0x0], $0xffff;
	v22 =	vor.u32 $0x2, v26  }
0xf4: {  	v24 =	vor.u32 $0x2, v7;
	v31 =	vld.idx.msk [tilespmem:v9+s3+$0x0], $0xffff  }
0xf5: {  	v58 =	vor.u32 $0x2, v25;
	[tilespmem:s21+$0x90] =	vst v10;
	v8 =	vld.idx.msk [tilespmem:v8+s3+$0x0], $0xffff  }
0xf6: {  	v59 =	vor.u32 $0x7, v5;
	v34 =	vor.u32 $0x5, v12;
	[tilespmem:s19+$0xFFFFFF40] =	vst v17;
	v17 =	vld.idx.msk [tilespmem:v20+s16+$0x0], $0xffff;
	v5 =	vshll.u32 v19, $0x4  }
0xf7: {  	v37 =	vor.u32 $0x7, v4;
	v62 =	vor.u32 $0x6, v1;
	v38 =	vld.idx.msk [tilespmem:v21+s16+$0x0], $0xffff;
	[tilespmem:s21+$0xFFFFFF10] =	vst v11;
	v19 =	vor.u32 v0, v5  }
0xf8: {  	v39 =	vor.u32 $0x5, v13;
	v4 =	vor.u32 $0x7, v12;
	v3 =	vor.u32 $0x7, v13;
	[tilespmem:s21+$0xFFFFFF90] =	vst v15;
	v40 =	vld.idx.msk [tilespmem:v22+s16+$0x0], $0xffff  }
0xf9: {  	v6 =	vor.u32 $0x7, v7;
	v16 =	vor.u32 $0x6, v26;
	v36 =	vor.u32 $0x3, v2;
	v41 =	vld.idx.msk [tilespmem:v24+s16+$0x0], $0xffff;
	[tilespmem:s21+$0x10] =	vst v18  }
0xfa: {  	v9 =	vor.u32 $0x6, v13;
	v13 =	vor.u32 $0x6, v7;
	v10 =	vor.u32 $0x6, v12;
	[tilespmem:s19+$0xFFFFFFC0] =	vst v31;
	v12 =	vld.idx.msk [tilespmem:v58+s16+$0x0], $0xffff  }
0xfb: {  	v21 =	vor.u32 $0x3, v25;
	v15 =	vor.u32 $0x5, v7;
	v60 =	vld.idx.msk [tilespmem:v34+s16+$0x0], $0xffff;
	[tilespmem:s19+$0x40] =	vst v8;
	v8 =	vshll.u32 v17, $0x4  }
0xfc: {  	v11 =	vor.u32 $0x6, v14;
	v24 =	vor.u32 $0x3, v26;
	v31 =	vld.idx.msk [tilespmem:v19+s3+$0x0], $0xffff;
	v61 =	vor.u32 v0, v8  }
0xfd: {  	v18 =	vor.u32 $0x4, v7;
	v20 =	vor.u32 $0x4, v26;
	v8 =	vshll.u32 v40, $0x4  }
0xfe: {  	v5 =	vor.u32 $0x7, v14;
	v39 =	vld.idx.msk [tilespmem:v39+s16+$0x0], $0xffff;
	v43 =	vor.u32 v0, v8;
	v8 =	vshll.u32 v41, $0x4  }
0xff: {  	v42 =	vld.idx.msk [tilespmem:v59+s16+$0x0], $0xffff;
	[tilespmem:s18+$0x60] =	vst v30;
	v14 =	vor.u32 $0x5, v26;
	v44 =	vor.u32 v0, v8;
	v8 =	vshll.u32 v12, $0x4  }
0x100: {  	[tilespmem:s17+$0xF0] =	vst v23;
	v37 =	vld.idx.msk [tilespmem:v37+s16+$0x0], $0xffff;
	v45 =	vor.u32 v0, v8;
	v8 =	vor.u32 $0x7, v26;
	v26 =	vshll.u32 v38, $0x4  }
0x101: {  	v22 =	vor.u32 $0x3, v7;
	v23 =	vshll.u32 v60, $0x4;
	v33 =	vld.idx.msk [tilespmem:v61+s3+$0x0], $0xffff;
	[tilespmem:s19+$0xD0] =	vst v31;
	v31 =	vor.u32 v0, v26  }
0x102: {  	v7 =	vor.u32 $0x7, v25;
	v17 =	vor.u32 $0x5, v25;
	v32 =	vor.u32 v0, v23;
	v30 =	vld.idx.msk [tilespmem:v62+s16+$0x0], $0xffff  }
0x103: {  	[tilespmem:s17+$0xFFFFFF70] =	vst v28;
	v19 =	vor.u32 $0x4, v25;
	v12 =	vor.u32 $0x6, v25;
	v23 =	vshll.u32 v39, $0x4;
	v34 =	vld.idx.msk [tilespmem:v43+s3+$0x0], $0xffff  }
0x104: {  	s20 =	sshll.u32 s20, $0xE;
	[tilespmem:s18+$0xF0] =	vst v29;
	v25 =	vshll.u32 v63, $0x4;
	v28 =	vor.u32 v0, v23;
	v23 =	vshll.u32 v42, $0x4;
	v29 =	vld.idx.msk [tilespmem:v44+s3+$0x0], $0xffff  }
0x105: {  	s14 =	sadd.s32 $0x1, s14;
	s20 =	sadd.s32 $0x4800, s20;
	s23 =	simm.s32 $0xC;
	[tilespmem:s17+$0xFFFFFFF0] =	vst v35;
	v26 =	vor.u32 v0, v23;
	v23 =	vor.u32 v0, v25;
	v25 =	vshll.u32 v37, $0x4;
	v35 =	vld.idx.msk [tilespmem:v45+s3+$0x0], $0xffff  }
.LBB2_3:
0x106: {  	s23 =	sadd.s32 $0x4, s23;
	s22 =	sadd.s32 $0x20, s22;
	v31 =	vld.idx.msk [tilespmem:v31+s3+$0x0], $0xffff;
	v25 =	vor.u32 v0, v25;
	[tilespmem:s17+$0x70] =	vst v27;
	s17 =	smov.u32 s18  }
0x107: {  	s18 =	sshll.u32 s23, $0x3;
	s24 =	sadd.s32 $0x8, s22;
	s25 =	sadd.s32 $0x18, s22;
	[tilespmem:s21+$0xA0] =	vst v33;
	v32 =	vld.idx.msk [tilespmem:v32+s3+$0x0], $0xffff  }
0x108: {  	s26 =	sadd.s32 $0x10, s22;
	v27 =	vshll.u32 v30, $0x4;
	s18 =	sand.u32 $0xFFFFFF80, s18;
	s25 =	sand.u32 $0x78, s25;
	v33 =	vld.idx.msk [tilespmem:v36+s16+$0x0], $0xffff  }
0x109: {  	s24 =	sand.u32 $0x68, s24;
	s26 =	sand.u32 $0x70, s26;
	s25 =	sor.u32 s18, s25;
	[tilespmem:s21+$0xFFFFFF20] =	vst v34;
	v30 =	vld.idx.msk [tilespmem:v28+s3+$0x0], $0xffff;
	v34 =	vor.u32 v0, v27  }
0x10a: {  	s28 =	sand.u32 $0x60, s22;
	s24 =	sor.u32 s18, s24;
	s26 =	sor.u32 s18, s26;
	v36 =	vmov s25;
	v37 =	vld.idx.msk [tilespmem:v24+s16+$0x0], $0xffff;
	[tilespmem:s21+$0xFFFFFFA0] =	vst v29  }
0x10b: {  	p2 =	slt.u32 s23, $0x7C;
	s25 =	sor.u32 s28, s18;
	v38 =	vmov s24;
	v39 =	vmov s26;
	s18 =	smov.u32 s19;
	v40 =	vld.idx.msk [tilespmem:v22+s16+$0x0], $0xffff;
	[tilespmem:s21+$0x20] =	vst v35  }
0x10c: {  	s19 =	smov.u32 s21;
	v35 =	vmov s25;
	v41 =	vor.u32 $0x1, v38;
	v42 =	vor.u32 $0x1, v39;
	v43 =	vld.idx.msk [tilespmem:v21+s16+$0x0], $0xffff;
	[tilespmem:s18+$0xFFFFFF50] =	vst v31  }
0x10d: {  	v27 =	vor.u32 $0x2, v38;
	v44 =	vor.u32 $0x1, v35;
	v28 =	vor.u32 $0x2, v35;
	v45 =	vld.idx.msk [tilespmem:v11+s16+$0x0], $0xffff;
	[tilespmem:s18+$0xFFFFFFD0] =	vst v32;
	v11 =	vmovc v16  }
0x10e: {  	v29 =	vor.u32 $0x2, v39;
	v24 =	vor.u32 $0x3, v35;
	v16 =	vshll.u32 v33, $0x4;
	v32 =	vld.idx.msk [tilespmem:v34+s3+$0x0], $0xffff  }
0x10f: {  	v22 =	vor.u32 $0x3, v38;
	v21 =	vor.u32 $0x3, v39;
	v46 =	vor.u32 v0, v16;
	v33 =	vld.idx.msk [tilespmem:v36+s16+$0x0], $0xffff;
	[tilespmem:s18+$0x50] =	vst v30  }
0x110: {  	v47 =	vor.u32 $0x4, v35;
	v16 =	vshll.u32 v37, $0x4;
	v37 =	vor.u32 $0x7, v1;
	v1 =	vmovc v2;
	v2 =	vmovc v36;
	v48 =	vld.idx.msk [tilespmem:v38+s16+$0x0], $0xffff  }
0x111: {  	v49 =	vor.u32 $0x4, v38;
	v50 =	vor.u32 v0, v16;
	v16 =	vshll.u32 v40, $0x4;
	v36 =	vld.idx.msk [tilespmem:v35+s16+$0x0], $0xffff  }
0x112: {  	v51 =	vor.u32 $0x4, v39;
	v52 =	vor.u32 v0, v16;
	v16 =	vshll.u32 v43, $0x4;
	v40 =	vld.idx.msk [tilespmem:v39+s16+$0x0], $0xffff  }
0x113: {  	v31 =	vor.u32 $0x5, v38;
	v34 =	vor.u32 $0x5, v35;
	v43 =	vor.u32 v0, v16;
	v53 =	vld.idx.msk [tilespmem:v10+s16+$0x0], $0xffff;
	v10 =	vmovc v13  }
0x114: {  	v30 =	vor.u32 $0x5, v39;
	v16 =	vor.u32 $0x6, v35;
	v13 =	vor.u32 $0x6, v38;
	v46 =	vld.idx.msk [tilespmem:v46+s3+$0x0], $0xffff;
	[tilespmem:s18+$0xE0] =	vst v32  }
0x115: {  	v54 =	vor.u32 $0x6, v39;
	v32 =	vshll.u32 v33, $0x4;
	v33 =	vshll.u32 v45, $0x4;
	v37 =	vld.idx.msk [tilespmem:v37+s16+$0x0], $0xffff  }
0x116: {  	v45 =	vshll.u32 v48, $0x4;
	v48 =	vor.u32 v0, v32;
	v55 =	vor.u32 v0, v33;
	v50 =	vld.idx.msk [tilespmem:v50+s3+$0x0], $0xffff  }
0x117: {  	v32 =	vshll.u32 v36, $0x4;
	v36 =	vor.u32 v0, v45;
	v45 =	vld.idx.msk [tilespmem:v52+s3+$0x0], $0xffff;
	v52 =	vor.u32 $0x4, v1  }
0x118: {  	v35 =	vor.u32 $0x7, v35;
	v56 =	vor.u32 v0, v32;
	v33 =	vshll.u32 v40, $0x4;
	v40 =	vld.idx.msk [tilespmem:v43+s3+$0x0], $0xffff  }
0x119: {  	v32 =	vor.u32 $0x7, v38;
	v38 =	vor.u32 v0, v33;
	v43 =	vshll.u32 v53, $0x4;
	v53 =	vld.idx.msk [tilespmem:v9+s16+$0x0], $0xffff;
	v9 =	vmovc v12;
	v12 =	vmovc v54  }
0x11a: {  	v33 =	vor.u32 $0x7, v39;
	v39 =	vor.u32 v0, v43;
	v26 =	vld.idx.msk [tilespmem:v26+s3+$0x0], $0xffff  }
0x11b: {  	v37 =	vshll.u32 v37, $0x4;
	v43 =	vld.idx.msk [tilespmem:v48+s3+$0x0], $0xffff;
	[tilespmem:s21+$0xB0] =	vst v46  }
0x11c: {  	v37 =	vor.u32 v0, v37;
	[tilespmem:s21+$0xFFFFFF30] =	vst v50;
	v46 =	vld.idx.msk [tilespmem:v52+s16+$0x0], $0xffff  }
0x11d: {  	v50 =	vor.u32 $0x1, v2;
	v48 =	vld.idx.msk [tilespmem:v56+s3+$0x0], $0xffff;
	[tilespmem:s21+$0xFFFFFFB0] =	vst v45  }
0x11e: {  	v36 =	vld.idx.msk [tilespmem:v36+s3+$0x0], $0xffff;
	[tilespmem:s21+$0x30] =	vst v40  }
0x11f: {  	v40 =	vshll.u32 v53, $0x4;
	v38 =	vld.idx.msk [tilespmem:v38+s3+$0x0], $0xffff  }
0x120: {  	s21 =	sadd.s32 $0x200, s21;
	v40 =	vor.u32 v0, v40;
	v45 =	vld.idx.msk [tilespmem:v20+s16+$0x0], $0xffff;
	[tilespmem:s17+$0xFFFFFF70] =	vst v26;
	v20 =	vmov v47  }
0x121: {  	[tilespmem:s21+$0x80] =	vst v43;
	v26 =	vld.idx.msk [tilespmem:v37+s3+$0x0], $0xffff  }
0x122: {  	v43 =	vshll.u32 v46, $0x4;
	v37 =	vld.idx.msk [tilespmem:v50+s16+$0x0], $0xffff  }
0x123: {  	v43 =	vor.u32 v0, v43;
	[tilespmem:s21+$0xFFFFFF00] =	vst v48;
	v46 =	vld.idx.msk [tilespmem:v18+s16+$0x0], $0xffff;
	v18 =	vmov v49  }
0x124: {  	v44 =	vld.idx.msk [tilespmem:v44+s16+$0x0], $0xffff;
	[tilespmem:s21+$0xFFFFFF80] =	vst v36  }
0x125: {  	v36 =	vld.idx.msk [tilespmem:v41+s16+$0x0], $0xffff;
	[tilespmem:s21+$0x0] =	vst v38  }
0x126: {  	v41 =	vshll.u32 v45, $0x4;
	v38 =	vld.idx.msk [tilespmem:v42+s16+$0x0], $0xffff  }
0x127: {  	v41 =	vor.u32 v0, v41;
	v42 =	vld.idx.msk [tilespmem:v19+s16+$0x0], $0xffff;
	[tilespmem:s18+$0xF0] =	vst v26;
	v19 =	vmov v51  }
0x128: {  	v26 =	vshll.u32 v37, $0x4;
	v37 =	vld.idx.msk [tilespmem:v43+s3+$0x0], $0xffff  }
0x129: {  	v26 =	vor.u32 v0, v26;
	v43 =	vshll.u32 v46, $0x4;
	v45 =	vld.idx.msk [tilespmem:v55+s3+$0x0], $0xffff  }
0x12a: {  	v46 =	vor.u32 $0x5, v1;
	v44 =	vshll.u32 v44, $0x4;
	v43 =	vor.u32 v0, v43;
	v39 =	vld.idx.msk [tilespmem:v39+s3+$0x0], $0xffff  }
0x12b: {  	v44 =	vor.u32 v0, v44;
	v36 =	vshll.u32 v36, $0x4;
	v40 =	vld.idx.msk [tilespmem:v40+s3+$0x0], $0xffff  }
0x12c: {  	v36 =	vor.u32 v0, v36;
	v38 =	vshll.u32 v38, $0x4;
	v41 =	vld.idx.msk [tilespmem:v41+s3+$0x0], $0xffff  }
0x12d: {  	v38 =	vor.u32 v0, v38;
	v42 =	vshll.u32 v42, $0x4;
	v23 =	vld.idx.msk [tilespmem:v23+s3+$0x0], $0xffff  }
0x12e: {  	v42 =	vor.u32 v0, v42;
	v26 =	vld.idx.msk [tilespmem:v26+s3+$0x0], $0xffff;
	[tilespmem:s19+$0xC0] =	vst v37  }
0x12f: {  	v37 =	vld.idx.msk [tilespmem:v46+s16+$0x0], $0xffff;
	[tilespmem:s18+$0xFFFFFF60] =	vst v45  }
0x130: {  	v45 =	vor.u32 $0x2, v2;
	v44 =	vld.idx.msk [tilespmem:v44+s3+$0x0], $0xffff;
	[tilespmem:s18+$0xFFFFFFE0] =	vst v39  }
0x131: {  	v36 =	vld.idx.msk [tilespmem:v36+s3+$0x0], $0xffff;
	[tilespmem:s18+$0x60] =	vst v40  }
0x132: {  	v38 =	vld.idx.msk [tilespmem:v38+s3+$0x0], $0xffff;
	[tilespmem:s19+$0xFFFFFF40] =	vst v41  }
0x133: {  	v39 =	vld.idx.msk [tilespmem:v43+s3+$0x0], $0xffff;
	[tilespmem:s17+$0xFFFFFFF0] =	vst v23  }
0x134: {  	[tilespmem:s21+$0x90] =	vst v26;
	v23 =	vld.idx.msk [tilespmem:v42+s3+$0x0], $0xffff  }
0x135: {  	v37 =	vshll.u32 v37, $0x4;
	v26 =	vld.idx.msk [tilespmem:v45+s16+$0x0], $0xffff  }
0x136: {  	v37 =	vor.u32 v0, v37;
	[tilespmem:s21+$0xFFFFFF10] =	vst v44;
	v40 =	vld.idx.msk [tilespmem:v14+s16+$0x0], $0xffff;
	v14 =	vmov v34  }
0x137: {  	v28 =	vld.idx.msk [tilespmem:v28+s16+$0x0], $0xffff;
	[tilespmem:s21+$0xFFFFFF90] =	vst v36  }
0x138: {  	v27 =	vld.idx.msk [tilespmem:v27+s16+$0x0], $0xffff;
	[tilespmem:s21+$0x10] =	vst v38  }
0x139: {  	v29 =	vld.idx.msk [tilespmem:v29+s16+$0x0], $0xffff;
	[tilespmem:s19+$0xFFFFFFC0] =	vst v39  }
0x13a: {  	v34 =	vld.idx.msk [tilespmem:v15+s16+$0x0], $0xffff;
	[tilespmem:s19+$0x40] =	vst v23;
	v15 =	vmov v31  }
0x13b: {  	v23 =	vshll.u32 v26, $0x4;
	v26 =	vld.idx.msk [tilespmem:v37+s3+$0x0], $0xffff  }
0x13c: {  	v23 =	vor.u32 v0, v23;
	v31 =	vshll.u32 v40, $0x4;
	v36 =	vld.idx.msk [tilespmem:v17+s16+$0x0], $0xffff;
	v17 =	vmov v30  }
0x13d: {  	v28 =	vshll.u32 v28, $0x4;
	v31 =	vor.u32 v0, v31;
	v30 =	vor.u32 $0x6, v1;
	v37 =	vld.idx.msk [tilespmem:v5+s16+$0x0], $0xffff;
	v5 =	vmovc v8;
	v8 =	vmovc v35  }
0x13e: {  	v28 =	vor.u32 v0, v28;
	v27 =	vshll.u32 v27, $0x4;
	v35 =	vld.idx.msk [tilespmem:v4+s16+$0x0], $0xffff;
	v4 =	vmovc v6;
	v6 =	vmov v32  }
0x13f: {  	v38 =	vor.u32 v0, v27;
	v27 =	vshll.u32 v29, $0x4;
	v39 =	vld.idx.msk [tilespmem:v3+s16+$0x0], $0xffff;
	v3 =	vmovc v7;
	v7 =	vmov v33  }
0x140: {  	v40 =	vor.u32 v0, v27;
	v29 =	vshll.u32 v34, $0x4;
	v27 =	vld.idx.msk [tilespmem:v25+s3+$0x0], $0xffff  }
.Ltmp0:
0x141: {  	v32 =	vor.u32 v0, v29;
	v33 =	vld.idx.msk [tilespmem:v23+s3+$0x0], $0xffff;
	[tilespmem:s19+$0xD0] =	vst v26;
	(pc) =	sbr.rel @p2 .LBB2_3-.Ltmp0, $4  }
0x142: {  	v23 =	vshll.u32 v36, $0x4;
	v30 =	vld.idx.msk [tilespmem:v30+s16+$0x0], $0xffff  }
0x143: {  	v36 =	vor.u32 $0x3, v2;
	v34 =	vld.idx.msk [tilespmem:v28+s3+$0x0], $0xffff;
	v28 =	vor.u32 v0, v23;
	v23 =	vshll.u32 v37, $0x4  }
0x144: {  	v29 =	vld.idx.msk [tilespmem:v38+s3+$0x0], $0xffff;
	v26 =	vor.u32 v0, v23;
	v23 =	vshll.u32 v35, $0x4  }
0x145: {  	v25 =	vshll.u32 v39, $0x4;
	v35 =	vld.idx.msk [tilespmem:v40+s3+$0x0], $0xffff;
	v23 =	vor.u32 v0, v23  }
0x146: {  	_ =	sdelay $0x2  }
0x147: {  	[tilespmem:s21+$0xA0] =	vst v33  }
0x148: {  	v33 =	vld.idx.msk [tilespmem:v36+s16+$0x0], $0xffff;
	_ =	sdelay $0x1  }
0x149: {  	[tilespmem:s21+$0xFFFFFF20] =	vst v34  }
0x14a: {  	v24 =	vld.idx.msk [tilespmem:v24+s16+$0x0], $0xffff;
	[tilespmem:s21+$0xFFFFFFA0] =	vst v29  }
0x14b: {  	v22 =	vld.idx.msk [tilespmem:v22+s16+$0x0], $0xffff;
	[tilespmem:s21+$0x20] =	vst v35  }
0x14c: {  	v21 =	vld.idx.msk [tilespmem:v21+s16+$0x0], $0xffff;
	v46 =	vshll.u32 v33, $0x4  }
0x14d: {  	v29 =	vor.u32 v0, v46;
	_ =	sdelay $0x1  }
0x14e: {  	v24 =	vshll.u32 v24, $0x4  }
0x14f: {  	v24 =	vor.u32 v0, v24;
	v22 =	vshll.u32 v22, $0x4  }
0x150: {  	v22 =	vor.u32 v0, v22;
	v21 =	vshll.u32 v21, $0x4  }
0x151: {  	v21 =	vor.u32 v0, v21;
	v29 =	vld.idx.msk [tilespmem:v29+s3+$0x0], $0xffff  }
0x152: {  	v47 =	vor.u32 $0x4, v2;
	_ =	sdelay $0x1  }
0x153: {  	v24 =	vld.idx.msk [tilespmem:v24+s3+$0x0], $0xffff  }
0x154: {  	v22 =	vld.idx.msk [tilespmem:v22+s3+$0x0], $0xffff  }
0x155: {  	v21 =	vld.idx.msk [tilespmem:v21+s3+$0x0], $0xffff;
	[tilespmem:s21+$0xB0] =	vst v29  }
0x156: {  	v29 =	vld.idx.msk [tilespmem:v47+s16+$0x0], $0xffff;
	_ =	sdelay $0x1  }
0x157: {  	[tilespmem:s21+$0xFFFFFF30] =	vst v24  }
0x158: {  	[tilespmem:s21+$0xFFFFFFB0] =	vst v22;
	v20 =	vld.idx.msk [tilespmem:v20+s16+$0x0], $0xffff  }
0x159: {  	[tilespmem:s21+$0x30] =	vst v21;
	v18 =	vld.idx.msk [tilespmem:v18+s16+$0x0], $0xffff  }
0x15a: {  	v19 =	vld.idx.msk [tilespmem:v19+s16+$0x0], $0xffff;
	v48 =	vshll.u32 v29, $0x4  }
0x15b: {  	v21 =	vor.u32 v0, v48;
	_ =	sdelay $0x1  }
0x15c: {  	v20 =	vshll.u32 v20, $0x4  }
0x15d: {  	v20 =	vor.u32 v0, v20;
	v18 =	vshll.u32 v18, $0x4  }
0x15e: {  	v18 =	vor.u32 v0, v18;
	v19 =	vshll.u32 v19, $0x4  }
0x15f: {  	v19 =	vor.u32 v0, v19;
	v21 =	vld.idx.msk [tilespmem:v21+s3+$0x0], $0xffff  }
0x160: {  	v49 =	vor.u32 $0x5, v2;
	_ =	sdelay $0x1  }
0x161: {  	v20 =	vld.idx.msk [tilespmem:v20+s3+$0x0], $0xffff  }
0x162: {  	v18 =	vld.idx.msk [tilespmem:v18+s3+$0x0], $0xffff  }
0x163: {  	v19 =	vld.idx.msk [tilespmem:v19+s3+$0x0], $0xffff;
	[tilespmem:s21+$0xC0] =	vst v21  }
0x164: {  	v21 =	vld.idx.msk [tilespmem:v49+s16+$0x0], $0xffff;
	_ =	sdelay $0x1  }
0x165: {  	v51 =	vld.idx.msk [tilespmem:v31+s3+$0x0], $0xffff;
	[tilespmem:s21+$0xFFFFFF40] =	vst v20  }
0x166: {  	v14 =	vld.idx.msk [tilespmem:v14+s16+$0x0], $0xffff;
	[tilespmem:s21+$0xFFFFFFC0] =	vst v18  }
0x167: {  	v15 =	vld.idx.msk [tilespmem:v15+s16+$0x0], $0xffff;
	[tilespmem:s21+$0x40] =	vst v19  }
0x168: {  	v17 =	vld.idx.msk [tilespmem:v17+s16+$0x0], $0xffff;
	v50 =	vshll.u32 v21, $0x4  }
0x169: {  	v52 =	vld.idx.msk [tilespmem:v32+s3+$0x0], $0xffff;
	v18 =	vor.u32 v0, v50  }
0x16a: {  	v53 =	vld.idx.msk [tilespmem:v28+s3+$0x0], $0xffff  }
0x16b: {  	v14 =	vshll.u32 v14, $0x4  }
0x16c: {  	[tilespmem:s19+$0xFFFFFF50] =	vst v51;
	v14 =	vor.u32 v0, v14;
	v15 =	vshll.u32 v15, $0x4  }
0x16d: {  	v11 =	vld.idx.msk [tilespmem:v11+s16+$0x0], $0xffff;
	v15 =	vor.u32 v0, v15;
	v17 =	vshll.u32 v17, $0x4  }
0x16e: {  	[tilespmem:s19+$0xFFFFFFD0] =	vst v52;
	v17 =	vor.u32 v0, v17;
	v18 =	vld.idx.msk [tilespmem:v18+s3+$0x0], $0xffff  }
0x16f: {  	v54 =	vor.u32 $0x6, v2;
	[tilespmem:s19+$0x50] =	vst v53;
	v10 =	vld.idx.msk [tilespmem:v10+s16+$0x0], $0xffff  }
0x170: {  	v9 =	vld.idx.msk [tilespmem:v9+s16+$0x0], $0xffff  }
0x171: {  	v14 =	vld.idx.msk [tilespmem:v14+s3+$0x0], $0xffff  }
0x172: {  	v15 =	vld.idx.msk [tilespmem:v15+s3+$0x0], $0xffff  }
0x173: {  	v17 =	vld.idx.msk [tilespmem:v17+s3+$0x0], $0xffff;
	[tilespmem:s21+$0xD0] =	vst v18  }
0x174: {  	v11 =	vshll.u32 v11, $0x4;
	v18 =	vld.idx.msk [tilespmem:v54+s16+$0x0], $0xffff  }
0x175: {  	v55 =	vshll.u32 v30, $0x4;
	v11 =	vor.u32 v0, v11  }
0x176: {  	v20 =	vor.u32 v0, v55;
	[tilespmem:s21+$0xFFFFFF50] =	vst v14  }
0x177: {  	v10 =	vshll.u32 v10, $0x4;
	v14 =	vld.idx.msk [tilespmem:v16+s16+$0x0], $0xffff;
	[tilespmem:s21+$0xFFFFFFD0] =	vst v15  }
0x178: {  	v9 =	vshll.u32 v9, $0x4;
	v10 =	vor.u32 v0, v10;
	[tilespmem:s21+$0x50] =	vst v17;
	v13 =	vld.idx.msk [tilespmem:v13+s16+$0x0], $0xffff  }
0x179: {  	v9 =	vor.u32 v0, v9;
	v12 =	vld.idx.msk [tilespmem:v12+s16+$0x0], $0xffff;
	v57 =	vshll.u32 v18, $0x4  }
0x17a: {  	v11 =	vld.idx.msk [tilespmem:v11+s3+$0x0], $0xffff;
	v15 =	vor.u32 v0, v57  }
0x17b: {  	v56 =	vld.idx.msk [tilespmem:v20+s3+$0x0], $0xffff  }
0x17c: {  	v1 =	vor.u32 $0x7, v1;
	v14 =	vshll.u32 v14, $0x4  }
0x17d: {  	v10 =	vld.idx.msk [tilespmem:v10+s3+$0x0], $0xffff;
	v14 =	vor.u32 v0, v14;
	v13 =	vshll.u32 v13, $0x4  }
0x17e: {  	v9 =	vld.idx.msk [tilespmem:v9+s3+$0x0], $0xffff;
	v13 =	vor.u32 v0, v13;
	v12 =	vshll.u32 v12, $0x4  }
0x17f: {  	[tilespmem:s19+$0xFFFFFF60] =	vst v11;
	v12 =	vor.u32 v0, v12;
	v15 =	vld.idx.msk [tilespmem:v15+s3+$0x0], $0xffff  }
0x180: {  	v2 =	vor.u32 $0x7, v2;
	v5 =	vld.idx.msk [tilespmem:v5+s16+$0x0], $0xffff;
	[tilespmem:s19+$0xE0] =	vst v56  }
0x181: {  	v1 =	vld.idx.msk [tilespmem:v1+s16+$0x0], $0xffff  }
0x182: {  	v58 =	vld.idx.msk [tilespmem:v14+s3+$0x0], $0xffff  }
0x183: {  	v13 =	vld.idx.msk [tilespmem:v13+s3+$0x0], $0xffff  }
0x184: {  	v12 =	vld.idx.msk [tilespmem:v12+s3+$0x0], $0xffff;
	[tilespmem:s21+$0xE0] =	vst v15  }
0x185: {  	[tilespmem:s19+$0x60] =	vst v9;
	v2 =	vld.idx.msk [tilespmem:v2+s16+$0x0], $0xffff  }
0x186: {  	[tilespmem:s19+$0xFFFFFFE0] =	vst v10;
	v3 =	vld.idx.msk [tilespmem:v3+s16+$0x0], $0xffff  }
0x187: {  	v4 =	vld.idx.msk [tilespmem:v4+s16+$0x0], $0xffff;
	v1 =	vshll.u32 v1, $0x4;
	[tilespmem:s21+$0xFFFFFF60] =	vst v58  }
0x188: {  	v1 =	vor.u32 v0, v1;
	[tilespmem:s21+$0xFFFFFFE0] =	vst v13;
	v8 =	vld.idx.msk [tilespmem:v8+s16+$0x0], $0xffff  }
0x189: {  	v59 =	vor.u32 v0, v25;
	v5 =	vshll.u32 v5, $0x4;
	[tilespmem:s21+$0x60] =	vst v12;
	v6 =	vld.idx.msk [tilespmem:v6+s16+$0x0], $0xffff  }
0x18a: {  	v5 =	vor.u32 v0, v5;
	v7 =	vld.idx.msk [tilespmem:v7+s16+$0x0], $0xffff;
	v2 =	vshll.u32 v2, $0x4  }
0x18b: {  	v60 =	vld.idx.msk [tilespmem:v26+s3+$0x0], $0xffff;
	v3 =	vshll.u32 v3, $0x4;
	v2 =	vor.u32 v0, v2  }
0x18c: {  	v61 =	vld.idx.msk [tilespmem:v23+s3+$0x0], $0xffff;
	v4 =	vshll.u32 v4, $0x4;
	v3 =	vor.u32 v0, v3  }
0x18d: {  	v4 =	vor.u32 v0, v4;
	v1 =	vld.idx.msk [tilespmem:v1+s3+$0x0], $0xffff;
	v8 =	vshll.u32 v8, $0x4  }
0x18e: {  	v9 =	vld.idx.msk [tilespmem:v59+s3+$0x0], $0xffff;
	v8 =	vor.u32 v0, v8;
	v6 =	vshll.u32 v6, $0x4  }
0x18f: {  	[tilespmem:s17+$0x70] =	vst v27;
	v5 =	vld.idx.msk [tilespmem:v5+s3+$0x0], $0xffff;
	v6 =	vor.u32 v0, v6;
	v7 =	vshll.u32 v7, $0x4  }
0x190: {  	[tilespmem:s18+$0xFFFFFF70] =	vst v60;
	v7 =	vor.u32 v0, v7;
	v2 =	vld.idx.msk [tilespmem:v2+s3+$0x0], $0xffff  }
0x191: {  	[tilespmem:s18+$0xFFFFFFF0] =	vst v61;
	v3 =	vld.idx.msk [tilespmem:v3+s3+$0x0], $0xffff  }
0x192: {  	[tilespmem:s19+$0xF0] =	vst v1;
	v1 =	vld.idx.msk [tilespmem:v4+s3+$0x0], $0xffff  }
0x193: {  	[tilespmem:s18+$0x70] =	vst v9;
	v62 =	vld.idx.msk [tilespmem:v8+s3+$0x0], $0xffff  }
0x194: {  	[tilespmem:s19+$0xFFFFFF70] =	vst v5;
	v63 =	vld.idx.msk [tilespmem:v6+s3+$0x0], $0xffff  }
0x195: {  	[tilespmem:s21+$0xF0] =	vst v2;
	v2 =	vld.idx.msk [tilespmem:v7+s3+$0x0], $0xffff  }
0x196: {  	[tilespmem:s19+$0x70] =	vst v3  }
0x197: {  	[tilespmem:s19+$0xFFFFFFF0] =	vst v1  }
0x198: {  	[tilespmem:s21+$0xFFFFFF70] =	vst v62  }
0x199: {  	s15 =	sshll.u32 s15, $0xB;
	p2 =	sne.s32 @!p1 s14, $0x20;
	[tilespmem:s21+$0xFFFFFFF0] =	vst v63  }
0x19a: {  	s15 =	sadd.s32 s5, s15;
	p2 =	por p1, !p2;
	[tilespmem:s21+$0x70] =	vst v2  }
0x19b: {  	[hbm4b:s15+s3] =	stream.linear.scatter [tilespmem:s20], [sflag:$0x1], $0x4000, $0x38;
	[tilespmem:$0xC800] =	vst v63  }
.Ltmp1:
0x19c: {  	_ = 	snop;
	(pc) =	sbr.rel @!p2 .LBB2_2-.Ltmp1, $4  }
0x19d: {  	s15 =	simm.s32 @!p1 $0x2  }
0x19e: {  	_ =	swait.ge @!p1 [sflag:s15], $0x400  }
0x19f: {  	[sflag:s15] =	ssyncset.done @!p1 $0x0  }
0x1a0: {  	p0 =	por @!p1 !p0, !p0;
	[sflag:s15] =	ssyncadd.s32 @!p1 $0xFFFFFC00  }
0x1a1: {  	s13 =	sadd.s32 $0x1, s13  }
0x1a2: {  	_ =	swait.ge [sflag:s12], $0x4000;
	p0 =	sne.s32 s13, s8  }
.Ltmp2:
0x1a3: {  	[sflag:s12] =	ssyncset.done $0x0;
	(pc) =	sbr.rel @p0 .LBB2_1-.Ltmp2, $4  }
0x1a4: {  	[sflag:s12] =	ssyncadd.s32 $0xFFFFC000  }
0x1a5: {  	_ =	swait.ge [sflag:s12], $0x4000  }
0x1a6: {  	[sflag:s12] =	ssyncset.done $0x0  }
0x1a7: {  	[sflag:s12] =	ssyncadd.s32 $0xFFFFC000  }
0x1a8: {  	_ =	sfence.sel $0x180000  }
0x1a9: {  	[bflag:$0x0] =	sbarrier.arrive $0xFFFF  }
0x1aa: {  	p0 =	sne.s32 s1, $0x0;
	_ =	strace $0x90000047  }
0x1ab: {  	s0 =	sadd.s32 @!p0 $0x100000, s0;
	[bflag:$0x2] =	sbarrier.arrive $0xFFFF  }
0x1ac: {  	[sflag:s0] =	ssyncadd.tile.s32 @!p0 $0x1;
	_ =	shalt  }
.Lfunc_end2:
_tile_overlayer_lowered:
.L_overlay_start_2:
0x1ad: {  	(tag) =	ssettag $0x2  }
0x1ae: {  	s0 =	rddreg [dreg:$0x0];
	s2 =	stileid.u32  }
0x1af: {  	s1 =	rddreg [dreg:$0x1];
	p0 =	sne.s32 s2, $0x0  }
0x1b0: {  	s3 =	rddreg [dreg:$0x2];
	[bflag:$0x3] =	sbarrier.arrive $0xFFFF;
	s2 =	simm.s32 @!p0 $0x1C03  }
0x1b1: {  	[timem:s3], [sflag:s2] =	dma.local @!p0 [hbm:s0], s1  }
0x1b2: {  	s0 =	simm.s32 @!p0 $0x3  }
0x1b3: {  	_ =	swait.ge @!p0 [sflag:s0], s1  }
0x1b4: {  	s1 =	ssub.s32 @!p0 $0x0, s1;
	[sflag:s0] =	ssyncset.done @!p0 $0x0  }
0x1b5: {  	[sflag:s0] =	ssyncadd.s32 @!p0 s1  }
0x1b6: {  	[bflag:$0x3] =	sbarrier.arrive $0xFFFF  }
0x1b7: {  	_ =	shalt  }

// kernel: kernel.16.cloned.1.call-start
scs
__scs_entry_jumppad:
0x0: {  	(pc) =	sbr.rel $0x88, $3  }
0x1: {  	(tag) =	ssettag $0x0;
	lr =	simm.s32 $0x1  }
0x2: {  	[smem:$0x3F99] =	sst lr;
	_ =	strace $0xD0000000  }
0x3: {  	_ = 	snop  }
0x4: {  	_ = 	snop  }
0x5: {  	_ = 	snop  }
0x6: {  	_ = 	snop  }
0x7: {  	_ = 	snop  }
__scs_overlays_trampoline_lowered:
0x8: {  	[smem:$0x3FA8] =	sst s0  }
0x9: {  	[smem:$0x3FA9] =	sst s1  }
0xa: {  	[smem:$0x3FAA] =	sst s2  }
0xb: {  	[smem:$0x3FAB] =	sst s3  }
0xc: {  	[smem:$0x3FAC] =	sst s4  }
0xd: {  	[smem:$0x3FAD] =	sst s5  }
0xe: {  	[smem:$0x3FAE] =	sst s6  }
0xf: {  	[smem:$0x3FAF] =	sst s7  }
0x10: {  	[smem:$0x3FB0] =	sst s8  }
0x11: {  	[smem:$0x3FB1] =	sst s9;
	s0 =	simm.s32 @!p0 $0x0  }
0x12: {  	s1 =	sld [smem:$0x3F97];
	s0 =	simm.s32 @p0 $0x1  }
0x13: {  	[smem:$0x3FB2] =	sst s0;
	s0 =	simm.s32 @!p1 $0x0  }
0x14: {  	s2 =	sld [smem:$0x3F96];
	s0 =	simm.s32 @p1 $0x1  }
0x15: {  	[smem:$0x3FB3] =	sst s0;
	s0 =	simm.s32 @!p2 $0x0  }
0x16: {  	s3 =	sld [smem:$0x3FDB];
	s0 =	simm.s32 @p2 $0x1  }
0x17: {  	s4 =	simm.s32 $0x1BF5;
	[smem:$0x3FB5] =	sst s0  }
0x18: {  	s0 =	sld [smem:$0x3F98];
	_ =	swait.ge [sflag:s4], $0x0  }
0x19: {  	s7 =	sld [smem:$0x3F99]  }
0x1a: {  	s8 =	sadd.s32 $0xFFFFE003, lr  }
0x1b: {  	s9 =	sadd.s32 $0xFFFFFEF7, lr;
	s5 =	simm.s32 $0xFFFFFFFF;
	p2 =	slt.u32 s8, $0xFFFFF086  }
0x1c: {  	p1 =	slt.u32 s9, $0xF7A;
	s5 =	simm.s32 @!p2 $0x0  }
0x1d: {  	s5 =	simm.s32 @p1 $0x1;
	p0 =	seq.s32 s7, s2  }
0x1e: {  	s7 =	smul.u32 @!p0 $0xF7A, s2;
	p2 =	seq.s32 @!p0 s5, $0x0  }
0x1f: {  	s9 =	smul.u32 $0xF7A, s1;
	s8 =	simm.s32 @!p0 $0x1BF5;
	p2 =	por !p2, p0  }
0x20: {  	[sflag:s8] =	ssyncset.s32 @!p0 $0xFFFFF086;
	s6 =	sadd.s32 @!p0 s3, s7;
	s7 =	simm.s32 @!p0 $0x108  }
0x21: {  	s3 =	sadd.s32 s3, s9;
	s6 =	sadd.s32 @!p0 $0x88, s6;
	s7 =	simm.s32 @p2 $0x1082  }
0x22: {  	[simem:s7], [sflag:s8] =	dma.local @!p0 [hbm:s6], $0xF7A  }
0x23: {  	s9 =	sor.u32 $0xD0000000, s2;
	s6 =	simm.s32 $0x108;
	_ =	swait.ge @!p0 [sflag:s8], $0x0  }
0x24: {  	s3 =	sadd.s32 $0x88, s3;
	s6 =	simm.s32 @!p1 $0x1082;
	[sflag:s4] =	ssyncset.s32 $0xFFFFF086  }
0x25: {  	[simem:s6], [sflag:s4] =	dma.local [hbm:s3], $0xF7A  }
0x26: {  	[smem:$0x3F99] =	sst s1;
	(tag) =	ssettag s2;
	_ =	strace s9  }
0x27: {  	s1 =	sld [smem:$0x3FA9]  }
0x28: {  	s2 =	sld [smem:$0x3FAA]  }
0x29: {  	s4 =	sld [smem:$0x3FAC]  }
0x2a: {  	p0 =	seq.s32 s5, $0x0;
	s5 =	sld [smem:$0x3FAD]  }
0x2b: {  	s6 =	sld [smem:$0x3FAE]  }
0x2c: {  	s7 =	sld [smem:$0x3FAF]  }
0x2d: {  	s3 =	simm.s32 $0x108;
	s8 =	sld [smem:$0x3FB0]  }
0x2e: {  	s3 =	simm.s32 @!p0 $0x1082;
	s9 =	sld [smem:$0x3FB1]  }
0x2f: {  	lr =	sadd.s32 s0, s3;
	s0 =	sld [smem:$0x3FA8]  }
0x30: {  	s3 =	sld [smem:$0x3FAB]  }
0x31: {  	[smem:$0x3FB4] =	sst s10  }
0x32: {  	s10 =	sld [smem:$0x3FB2];
	_ =	sdelay $0x3  }
0x33: {  	p0 =	seq.s32 s10, $0x1;
	s10 =	sld [smem:$0x3FB4];
	_ =	sdelay $0x3  }
0x34: {  	[smem:$0x3FB4] =	sst s10  }
0x35: {  	s10 =	sld [smem:$0x3FB3];
	_ =	sdelay $0x3  }
0x36: {  	p1 =	seq.s32 s10, $0x1;
	s10 =	sld [smem:$0x3FB4];
	_ =	sdelay $0x3  }
0x37: {  	[smem:$0x3FB4] =	sst s10  }
0x38: {  	s10 =	sld [smem:$0x3FB5]  }
0x39: {  	_ = 	snop;
	(pc) =	sbr.ind lr, $3  }
0x3a: {  	_ = 	snop  }
0x3b: {  	_ = 	snop  }
0x3c: {  	p2 =	seq.s32 s10, $0x1;
	s10 =	sld [smem:$0x3FB4]  }
0x3d: {  	_ =	shalt  }
0x3e: {  	_ =	shalt  }
0x3f: {  	_ =	shalt  }
0x40: {  	_ =	shalt  }
0x41: {  	_ =	shalt  }
0x42: {  	_ =	shalt  }
0x43: {  	_ =	shalt  }
0x44: {  	_ =	shalt  }
0x45: {  	_ =	shalt  }
0x46: {  	_ =	shalt  }
0x47: {  	_ =	shalt  }
0x48: {  	_ =	shalt  }
0x49: {  	_ =	shalt  }
0x4a: {  	_ =	shalt  }
0x4b: {  	_ =	shalt  }
0x4c: {  	_ =	shalt  }
0x4d: {  	_ =	shalt  }
0x4e: {  	_ =	shalt  }
0x4f: {  	_ =	shalt  }
0x50: {  	_ =	shalt  }
0x51: {  	_ =	shalt  }
0x52: {  	_ =	shalt  }
0x53: {  	_ =	shalt  }
0x54: {  	_ =	shalt  }
0x55: {  	_ =	shalt  }
0x56: {  	_ =	shalt  }
0x57: {  	_ =	shalt  }
0x58: {  	_ =	shalt  }
0x59: {  	_ =	shalt  }
0x5a: {  	_ =	shalt  }
0x5b: {  	_ =	shalt  }
0x5c: {  	_ =	shalt  }
0x5d: {  	_ =	shalt  }
0x5e: {  	_ =	shalt  }
0x5f: {  	_ =	shalt  }
0x60: {  	_ =	shalt  }
0x61: {  	_ =	shalt  }
0x62: {  	_ =	shalt  }
0x63: {  	_ =	shalt  }
0x64: {  	_ =	shalt  }
0x65: {  	_ =	shalt  }
0x66: {  	_ =	shalt  }
0x67: {  	_ =	shalt  }
0x68: {  	_ =	shalt  }
0x69: {  	_ =	shalt  }
0x6a: {  	_ =	shalt  }
0x6b: {  	_ =	shalt  }
0x6c: {  	_ =	shalt  }
0x6d: {  	_ =	shalt  }
0x6e: {  	_ =	shalt  }
0x6f: {  	_ =	shalt  }
0x70: {  	_ =	shalt  }
0x71: {  	_ =	shalt  }
0x72: {  	_ =	shalt  }
0x73: {  	_ =	shalt  }
0x74: {  	_ =	shalt  }
0x75: {  	_ =	shalt  }
0x76: {  	_ =	shalt  }
0x77: {  	_ =	shalt  }
0x78: {  	_ =	shalt  }
0x79: {  	_ =	shalt  }
0x7a: {  	_ =	shalt  }
0x7b: {  	_ =	shalt  }
0x7c: {  	_ =	shalt  }
0x7d: {  	_ =	shalt  }
0x7e: {  	_ =	shalt  }
0x7f: {  	_ =	shalt  }
0x80: {  	_ =	shalt  }
0x81: {  	_ =	shalt  }
0x82: {  	_ =	shalt  }
0x83: {  	_ =	shalt  }
0x84: {  	_ =	shalt  }
0x85: {  	_ =	shalt  }
0x86: {  	_ =	shalt  }
0x87: {  	_ =	shalt  }
.Lfunc_end0:
.L_simem_size_0:
called_computation.2_lowered:
.L_overlay_start_0:
0x88: {  	s2 =	sld [smem:$0x3FD9]  }
0x89: {  	s3 =	sld [smem:$0x3FFE];
	_ =	sdelay $0x1  }
0x8a: {  	s1 =	srdreg.scid  }
0x8b: {  	s0 =	sand.u32 $0x1, s1  }
0x8c: {  	s17 =	sshll.u32 s0, $0xA;
	s2 =	sadd.s32 s3, s2  }
0x8d: {  	s2 =	sadd.s32 s2, s17  }
0x8e: {  	[smem:$0x3FC0] =	sst s2  }
0x8f: {  	_ = 	snop  }
0x90: {  	s18 =	sld [smem:$0x3FD0];
	(tm) =	ssettm $0x1  }
0x91: {  	s19 =	sld [smem:$0x3FFB];
	_ =	sdelay $0x3  }
0x92: {  	_ =	strace s19  }
0x93: {  	s2 =	sld [smem:$0x3FFC];
	_ =	sdelay $0x3  }
0x94: {  	_ =	strace s2  }
0x95: {  	s2 =	sld [smem:$0x3FFD];
	_ =	sdelay $0x3  }
0x96: {  	_ =	strace s2  }
0x97: {  	_ =	strace $0x8FFFFFFF  }
0x98: {  	s20 =	sld [smem:$0x3FDB];
	_ =	sdelay $0x1  }
0x99: {  	s4 =	simm.s32 $_scs_section_size  }
0x9a: {  	s5 =	simm.s32 $_size__tile_overlayer_lowered;
	s6 =	simm.s32 $_tile_overlayer_lowered  }
0x9b: {  	s7 =	simm.s32 $0x1BFF;
	s21 =	sshll.u32 s6, $0x1;
	s4 =	sadd.s32 s4, s20  }
0x9c: {  	s22 =	simm.s32 $0x0;
	s5 =	sshll.u32 s5, $0x1;
	s6 =	sadd.s32 s21, s4  }
0x9d: {  	[timem:s22], [sflag:s7] =	dma.local [hbm:s6], s5  }
0x9e: {  	_ =	swait.ge [sflag:s7], s5  }
0x9f: {  	s5 =	ssub.s32 $0x0, s5;
	[sflag:s7] =	ssyncset.done $0x0  }
0xa0: {  	[sflag:s7] =	ssyncadd.s32 s5;
	_ =	sdelay $0x1  }
0xa1: {  	s23 =	simm.s32 $0x1B8B  }
0xa2: {  	_ =	swait.ge [sflag:s23], $0x1  }
0xa3: {  	[sflag:s23] =	ssyncset.done $0x0  }
0xa4: {  	[sflag:s23] =	ssyncadd.s32 $0xFFFFFFFF  }
0xa5: {  	s5 =	sld [smem:$0x0]  }
0xa6: {  	s6 =	sand.u32 $0xFFFFFFFE, s1  }
0xa7: {  	p0 =	sne.s32 s1, s6  }
0xa8: {  	s6 =	sshll.u32 @p0 s6, $0xE  }
0xa9: {  	s6 =	sadd.s32 @p0 $0x11B8D, s6;
	s7 =	sshll.u32 @p0 s5, $0x11  }
0xaa: {  	s6 =	sor.u32 @p0 s7, s6  }
0xab: {  	[sflag:s6] =	ssyncadd.remote.s32 @p0 $0x1;
	_ =	sdelay $0x1  }
0xac: {  	s6 =	simm.s32 @p0 $0x1B8D  }
0xad: {  	_ =	swait.eq @p0 [sflag:s6], $0x1  }
0xae: {  	[sflag:s6] =	ssyncadd.s32 @p0 $0xFFFFFFFF  }
0xaf: {  	s7 =	sshll.u32 @!p0 s1, $0xE  }
0xb0: {  	s7 =	sor.u32 @!p0 $0x4000, s7;
	s6 =	simm.s32 @!p0 $0x1B8D  }
0xb1: {  	s5 =	sshll.u32 @!p0 s5, $0x11;
	s7 =	sadd.s32 @!p0 $0x11B8D, s7;
	_ =	swait.eq @!p0 [sflag:s6], $0x1  }
0xb2: {  	s5 =	sor.u32 @!p0 s5, s7;
	[sflag:s6] =	ssyncadd.s32 @!p0 $0xFFFFFFFF  }
0xb3: {  	s25 =	simm.s32 $0x1B8E;
	s24 =	sld [smem:$0x3FFE];
	[sflag:s5] =	ssyncadd.remote.s32 @!p0 $0x1  }
0xb4: {  	s26 =	simm.s32 $execute0_lowered;
	[smem:$0x3FD2] =	sst s25  }
0xb5: {  	s6 =	sshll.u32 s26, $0x1;
	_ =	strace $0x80000049;
	[dreg:$0x1] =	wrdreg $0xFFFFFFFF  }
0xb6: {  	s28 =	simm.s32 $_size_execute0_lowered;
	s4 =	sadd.s32 s4, s6;
	[dreg:$0x0] =	wrdreg $0x0  }
0xb7: {  	s6 =	sshll.u32 s28, $0x1;
	[dreg:$0x2] =	wrdreg s4  }
0xb8: {  	[dreg:$0x3] =	wrdreg s6  }
0xb9: {  	[dreg:$0x4] =	wrdreg $0xC0  }
0xba: {  	_ =	task [dreg:s22], $0x5FFFF  }
0xbb: {  	[dreg:$0x1] =	wrdreg $0xFFFFFFFF  }
0xbc: {  	[dreg:$0x0] =	wrdreg $0x60  }
0xbd: {  	[dreg:$0x2] =	wrdreg s18  }
0xbe: {  	[dreg:$0x3] =	wrdreg s24  }
0xbf: {  	[dreg:$0x4] =	wrdreg $0xB  }
0xc0: {  	_ =	task.clear_ibuf [dreg:s22], $0x5FFFF;
	_ =	strace $0x90000049  }
0xc1: {  	s29 =	simm.s32 $0xB;
	_ =	strace $0x8000004B  }
0xc2: {  	_ =	swait.ge [sflag:s29], $0x1  }
0xc3: {  	[sflag:s29] =	ssyncadd.s32 $0xFFFFFFFF  }
0xc4: {  	_ =	strace $0x9000004B  }
0xc5: {  	_ =	sfence  }
0xc6: {  	s30 =	sld [smem:$0x0];
	_ =	sdelay $0x2  }
0xc7: {  	s31 =	sshll.u32 s1, $0xD;
	s1 =	sshrl.u32 s1, $0x2  }
0xc8: {  	s4 =	sand.u32 $0x4000, s31;
	s1 =	sadd.s32 s1, s30  }
0xc9: {  	s0 =	sor.u32 s4, s0;
	s1 =	sshll.u32 s1, $0x11  }
0xca: {  	s0 =	sor.u32 s1, s0  }
0xcb: {  	s0 =	sadd.s32 $0x8F2B, s0  }
0xcc: {  	[sflag:s0] =	ssyncadd.remote.s32 $0x1  }
0xcd: {  	_ =	sfence.sel $0xFFFF  }
0xce: {  	[dreg:$0x0] =	wrdreg $0xFFFFFFFF;
	(pc) =	sbr.abs _section_cstart, $3  }
0xcf: {  	[dreg:$0x1] =	wrdreg $0xFFFFFFFF  }
0xd0: {  	_ =	task.clear_ibuf [dreg:s22], $0x2FFFF;
	_ =	strace $0x9FFFFFFF  }
0xd1: {  	(tm) =	ssettm $0x7FFFFFFF  }
tec
execute0_lowered:
.L_overlay_start_1:
0x0: {  	(tag) =	ssettag $0x1  }
0x1: {  	s2 =	rddreg [dreg:$0x0]  }
0x2: {  	s7 =	rddreg [dreg:$0x1];
	s3 =	srdreg.scid  }
0x3: {  	s0 =	rddreg [dreg:$0x2];
	s1 =	stileid.u32  }
0x4: {  	s10 =	simm.s32 $0x4000;
	s11 =	simm.s32 $0x2;
	s12 =	simm.s32 $0x1  }
0x5: {  	s13 =	simm.s32 $0x0;
	s5 =	sand.u32 $0x1, s3;
	s3 =	simm.s32 $0x0  }
0x6: {  	s4 =	sshll.u32 s1, $0x6;
	s6 =	sshll.u32 s5, $0x5;
	[smem:$0x7FF] =	sst s3  }
0x7: {  	s8 =	ssub.s32 $0x2, s5;
	s5 =	sadd.s32 $0x261C00, s7;
	s4 =	sor.u32 s6, s4  }
0x8: {  	_ =	strace $0x8000004A;
	s9 =	sshrl.u32 s8, $0x1;
	s6 =	sshll.u32 s4, $0x7  }
0x9: {  	s8 =	ssub.s32 s8, s9;
	s9 =	simm.s32 $0x3;
	s6 =	sadd.s32 s6, s7  }
0xa: {  	v0 =	vlaneseq.u32;
	s7 =	sadd.s32 $0x21C80, s7;
	s8 =	smax.u32 s8, $0x1;
	s6 =	sadd.s32 $0x21C00, s6  }
.LBB2_1:
0xb: {  	[tilespmem:s3], [sflag:$0x3] =	stream.linear.gather [hbm4b:s2+s3], $0x4000, $0x38;
	[tilespmem:$0xC800] =	vst v63  }
0xc: {  	_ =	swait.ge [sflag:s9], $0x4000  }
0xd: {  	[sflag:s9] =	ssyncset.done $0x0  }
0xe: {  	[sflag:s9] =	ssyncadd.s32 $0xFFFFC000  }
0xf: {  	[tilespmem:s10], [sflag:$0x2] =	stream.linear.gather [hbm4b:s6+s3], $0x400, $0x38;
	[tilespmem:$0xC800] =	vst v63  }
0x10: {  	_ =	swait.ge [sflag:s11], $0x400  }
0x11: {  	[sflag:s11] =	ssyncset.done $0x0  }
0x12: {  	p0 =	por $0x0, $0x0;
	s14 =	simm.s32 $0x0;
	[sflag:s11] =	ssyncadd.s32 $0xFFFFFC00  }
.LBB2_2:
0x13: {  	s15 =	sor.u32 s4, s14  }
0x14: {  	s20 =	sand.u32 $0x1, s14;
	p1 =	seq.s32 s14, $0x1F;
	s19 =	simm.s32 $0x0  }
0x15: {  	s21 =	simm.s32 $0x18;
	s16 =	sshll.u32 @!p1 s15, $0x7;
	s17 =	sshll.u32 @!p1 s20, $0xA  }
0x16: {  	s18 =	simm.s32 @!p1 $0x0;
	s17 =	sxor.u32 @!p1 $0x4400, s17;
	s16 =	sadd.s32 @!p1 s16, s7  }
0x17: {  	[tilespmem:s17], [sflag:$0x2] =	stream.linear.gather @!p1 [hbm4b:s16+s18], $0x400, $0x38;
	[tilespmem:$0xC800] =	vst v63  }
0x18: {  	s22 =	simm.s32 $0x0;
	s16 =	sand.u32 $0xFFFFFF80, s19;
	s17 =	sand.u32 $0x78, s21  }
0x19: {  	s19 =	simm.s32 $0x8;
	s18 =	sand.u32 $0x60, s22;
	s17 =	sor.u32 s16, s17  }
0x1a: {  	p2 =	slt.u32 @!p1 s14, $0x2;
	s19 =	sand.u32 $0x68, s19;
	s18 =	sor.u32 s18, s16;
	v9 =	vmov s17  }
0x1b: {  	s23 =	simm.s32 $0x10;
	p2 =	por p1, !p2;
	s19 =	sor.u32 s16, s19;
	v7 =	vmov s18  }
0x1c: {  	_ =	swait.ge @p2 [sflag:s12], $0x4000;
	s17 =	sand.u32 $0x70, s23;
	v6 =	vmov s19  }
0x1d: {  	s24 =	sshll.u32 s20, $0xA;
	[sflag:s12] =	ssyncset.done @p2 $0x0;
	s17 =	sor.u32 s16, s17  }
0x1e: {  	[sflag:s12] =	ssyncadd.s32 @p2 $0xFFFFC000;
	s16 =	sor.u32 $0x4000, s24;
	v2 =	vmov s17  }
0x1f: {  	v1 =	vld.idx.msk [tilespmem:v9+s16+$0x0], $0xffff  }
0x20: {  	v3 =	vld.idx.msk [tilespmem:v7+s16+$0x0], $0xffff  }
0x21: {  	v4 =	vld.idx.msk [tilespmem:v6+s16+$0x0], $0xffff;
	_ =	sdelay $0x1  }
0x22: {  	v5 =	vld.idx.msk [tilespmem:v2+s16+$0x0], $0xffff  }
0x23: {  	v1 =	vshll.u32 v1, $0x4  }
0x24: {  	v3 =	vshll.u32 v3, $0x4;
	v1 =	vor.u32 v0, v1  }
0x25: {  	v4 =	vshll.u32 v4, $0x4;
	v3 =	vor.u32 v0, v3  }
0x26: {  	v4 =	vor.u32 v0, v4  }
0x27: {  	v5 =	vshll.u32 v5, $0x4  }
0x28: {  	v5 =	vor.u32 v0, v5  }
0x29: {  	v1 =	vld.idx.msk [tilespmem:v1+s3+$0x0], $0xffff  }
0x2a: {  	v8 =	vor.u32 $0x1, v9;
	s17 =	simm.s32 $0x1;
	v3 =	vld.idx.msk [tilespmem:v3+s3+$0x0], $0xffff  }
0x2b: {  	v10 =	vor.u32 $0x1, v7;
	s17 =	simm.s32 @!p0 $0x0;
	v4 =	vld.idx.msk [tilespmem:v4+s3+$0x0], $0xffff  }
0x2c: {  	v11 =	vor.u32 $0x1, v6;
	s17 =	sshll.u32 s17, $0xE  }
0x2d: {  	s17 =	sadd.s32 $0x4900, s17;
	v5 =	vld.idx.msk [tilespmem:v5+s3+$0x0], $0xffff  }
0x2e: {  	v12 =	vor.u32 $0x1, v2;
	[tilespmem:s17+$0x80] =	vst v1  }
0x2f: {  	[tilespmem:s17+$0xFFFFFF00] =	vst v3;
	v1 =	vld.idx.msk [tilespmem:v8+s16+$0x0], $0xffff  }
0x30: {  	v3 =	vld.idx.msk [tilespmem:v10+s16+$0x0], $0xffff;
	[tilespmem:s17+$0xFFFFFF80] =	vst v4  }
0x31: {  	v4 =	vld.idx.msk [tilespmem:v11+s16+$0x0], $0xffff  }
0x32: {  	[tilespmem:s17+$0x0] =	vst v5  }
0x33: {  	v5 =	vld.idx.msk [tilespmem:v12+s16+$0x0], $0xffff  }
0x34: {  	v1 =	vshll.u32 v1, $0x4  }
0x35: {  	v3 =	vshll.u32 v3, $0x4;
	v1 =	vor.u32 v0, v1  }
0x36: {  	v3 =	vor.u32 v0, v3;
	v4 =	vshll.u32 v4, $0x4  }
0x37: {  	v4 =	vor.u32 v0, v4  }
0x38: {  	v5 =	vshll.u32 v5, $0x4  }
0x39: {  	v5 =	vor.u32 v0, v5  }
0x3a: {  	v1 =	vld.idx.msk [tilespmem:v1+s3+$0x0], $0xffff  }
0x3b: {  	v8 =	vor.u32 $0x2, v9;
	v3 =	vld.idx.msk [tilespmem:v3+s3+$0x0], $0xffff  }
0x3c: {  	v10 =	vor.u32 $0x2, v7;
	v4 =	vld.idx.msk [tilespmem:v4+s3+$0x0], $0xffff  }
0x3d: {  	v11 =	vor.u32 $0x2, v6  }
0x3e: {  	v5 =	vld.idx.msk [tilespmem:v5+s3+$0x0], $0xffff  }
0x3f: {  	v12 =	vor.u32 $0x2, v2;
	[tilespmem:s17+$0x90] =	vst v1  }
0x40: {  	[tilespmem:s17+$0xFFFFFF10] =	vst v3;
	v1 =	vld.idx.msk [tilespmem:v8+s16+$0x0], $0xffff  }
0x41: {  	v3 =	vld.idx.msk [tilespmem:v10+s16+$0x0], $0xffff;
	[tilespmem:s17+$0xFFFFFF90] =	vst v4  }
0x42: {  	v4 =	vld.idx.msk [tilespmem:v11+s16+$0x0], $0xffff  }
0x43: {  	[tilespmem:s17+$0x10] =	vst v5  }
0x44: {  	v5 =	vld.idx.msk [tilespmem:v12+s16+$0x0], $0xffff  }
0x45: {  	v1 =	vshll.u32 v1, $0x4  }
0x46: {  	v3 =	vshll.u32 v3, $0x4;
	v1 =	vor.u32 v0, v1  }
0x47: {  	v3 =	vor.u32 v0, v3;
	v4 =	vshll.u32 v4, $0x4  }
0x48: {  	v4 =	vor.u32 v0, v4  }
0x49: {  	v5 =	vshll.u32 v5, $0x4  }
0x4a: {  	v5 =	vor.u32 v0, v5  }
0x4b: {  	v1 =	vld.idx.msk [tilespmem:v1+s3+$0x0], $0xffff  }
0x4c: {  	s25 =	simm.s32 $0x20;
	s21 =	simm.s32 $0x20;
	v8 =	vor.u32 $0x3, v9;
	v3 =	vld.idx.msk [tilespmem:v3+s3+$0x0], $0xffff  }
0x4d: {  	s21 =	sand.u32 $0x60, s21;
	s18 =	sand.u32 $0xFFFFFF80, s25;
	v10 =	vor.u32 $0x3, v7;
	v4 =	vld.idx.msk [tilespmem:v4+s3+$0x0], $0xffff  }
0x4e: {  	s26 =	simm.s32 $0x38;
	s21 =	sor.u32 s21, s18;
	v11 =	vor.u32 $0x3, v6  }
0x4f: {  	s19 =	sand.u32 $0x78, s26;
	v12 =	vld.idx.msk [tilespmem:v5+s3+$0x0], $0xffff;
	v5 =	vmov s21  }
0x50: {  	s22 =	simm.s32 $0x28;
	s19 =	sor.u32 s18, s19;
	v13 =	vor.u32 $0x3, v2;
	[tilespmem:s17+$0xA0] =	vst v1  }
0x51: {  	s22 =	sand.u32 $0x68, s22;
	[tilespmem:s17+$0xFFFFFF20] =	vst v3;
	v1 =	vld.idx.msk [tilespmem:v8+s16+$0x0], $0xffff;
	v8 =	vmov s19  }
0x52: {  	s28 =	simm.s32 $0x30;
	s22 =	sor.u32 s18, s22;
	v10 =	vld.idx.msk [tilespmem:v10+s16+$0x0], $0xffff;
	[tilespmem:s17+$0xFFFFFFA0] =	vst v4  }
0x53: {  	v3 =	vmov s22;
	s19 =	sand.u32 $0x70, s28;
	v11 =	vld.idx.msk [tilespmem:v11+s16+$0x0], $0xffff  }
0x54: {  	s18 =	sor.u32 s18, s19;
	[tilespmem:s17+$0x20] =	vst v12;
	v14 =	vld.idx.msk [tilespmem:v5+s16+$0x0], $0xffff  }
0x55: {  	v4 =	vmov s18;
	v12 =	vld.idx.msk [tilespmem:v13+s16+$0x0], $0xffff  }
0x56: {  	v1 =	vshll.u32 v1, $0x4;
	v13 =	vld.idx.msk [tilespmem:v8+s16+$0x0], $0xffff  }
0x57: {  	v10 =	vshll.u32 v10, $0x4;
	v1 =	vor.u32 v0, v1  }
0x58: {  	v15 =	vld.idx.msk [tilespmem:v3+s16+$0x0], $0xffff;
	v10 =	vor.u32 v0, v10;
	v11 =	vshll.u32 v11, $0x4  }
0x59: {  	v14 =	vshll.u32 v14, $0x4;
	v11 =	vor.u32 v0, v11  }
0x5a: {  	v16 =	vld.idx.msk [tilespmem:v4+s16+$0x0], $0xffff;
	v12 =	vshll.u32 v12, $0x4;
	v14 =	vor.u32 v0, v14  }
0x5b: {  	v12 =	vor.u32 v0, v12;
	v13 =	vshll.u32 v13, $0x4  }
0x5c: {  	v1 =	vld.idx.msk [tilespmem:v1+s3+$0x0], $0xffff;
	v13 =	vor.u32 v0, v13  }
0x5d: {  	v17 =	vor.u32 $0x4, v9;
	v15 =	vshll.u32 v15, $0x4;
	v10 =	vld.idx.msk [tilespmem:v10+s3+$0x0], $0xffff  }
0x5e: {  	v15 =	vor.u32 v0, v15;
	v11 =	vld.idx.msk [tilespmem:v11+s3+$0x0], $0xffff  }
0x5f: {  	v18 =	vor.u32 $0x4, v7;
	v16 =	vshll.u32 v16, $0x4;
	v14 =	vld.idx.msk [tilespmem:v14+s3+$0x0], $0xffff  }
0x60: {  	v12 =	vld.idx.msk [tilespmem:v12+s3+$0x0], $0xffff;
	v16 =	vor.u32 v0, v16  }
0x61: {  	v19 =	vor.u32 $0x4, v6;
	v13 =	vld.idx.msk [tilespmem:v13+s3+$0x0], $0xffff;
	[tilespmem:s17+$0xB0] =	vst v1  }
0x62: {  	v1 =	vld.idx.msk [tilespmem:v17+s16+$0x0], $0xffff;
	v17 =	vor.u32 $0x1, v8  }
0x63: {  	v20 =	vor.u32 $0x1, v5;
	v15 =	vld.idx.msk [tilespmem:v15+s3+$0x0], $0xffff;
	[tilespmem:s17+$0xFFFFFF30] =	vst v10  }
0x64: {  	s18 =	sadd.s32 $0x200, s17;
	v18 =	vld.idx.msk [tilespmem:v18+s16+$0x0], $0xffff;
	[tilespmem:s17+$0xFFFFFFB0] =	vst v11  }
0x65: {  	v21 =	vor.u32 $0x1, v3;
	[tilespmem:s18+$0xFFFFFF00] =	vst v14;
	v10 =	vld.idx.msk [tilespmem:v16+s3+$0x0], $0xffff  }
0x66: {  	v16 =	vor.u32 $0x1, v4;
	v14 =	vld.idx.msk [tilespmem:v19+s16+$0x0], $0xffff;
	[tilespmem:s18+$0x80] =	vst v13  }
0x67: {  	v13 =	vor.u32 $0x4, v2;
	v11 =	vld.idx.msk [tilespmem:v17+s16+$0x0], $0xffff;
	v1 =	vshll.u32 v1, $0x4  }
0x68: {  	[tilespmem:s17+$0x30] =	vst v12;
	v17 =	vld.idx.msk [tilespmem:v20+s16+$0x0], $0xffff;
	v1 =	vor.u32 v0, v1  }
0x69: {  	[tilespmem:s18+$0xFFFFFF80] =	vst v15  }
0x6a: {  	v15 =	vld.idx.msk [tilespmem:v21+s16+$0x0], $0xffff;
	v12 =	vshll.u32 v18, $0x4;
	[tilespmem:s18+$0x0] =	vst v10  }
0x6b: {  	v12 =	vor.u32 v0, v12;
	v14 =	vshll.u32 v14, $0x4;
	v10 =	vld.idx.msk [tilespmem:v16+s16+$0x0], $0xffff  }
0x6c: {  	v14 =	vor.u32 v0, v14;
	v13 =	vld.idx.msk [tilespmem:v13+s16+$0x0], $0xffff;
	v11 =	vshll.u32 v11, $0x4  }
0x6d: {  	v16 =	vshll.u32 v17, $0x4;
	v1 =	vld.idx.msk [tilespmem:v1+s3+$0x0], $0xffff;
	v11 =	vor.u32 v0, v11  }
0x6e: {  	v16 =	vor.u32 v0, v16  }
0x6f: {  	v15 =	vshll.u32 v15, $0x4;
	v17 =	vor.u32 $0x5, v9  }
0x70: {  	v15 =	vor.u32 v0, v15;
	v12 =	vld.idx.msk [tilespmem:v12+s3+$0x0], $0xffff;
	v10 =	vshll.u32 v10, $0x4  }
0x71: {  	v14 =	vld.idx.msk [tilespmem:v14+s3+$0x0], $0xffff;
	v10 =	vor.u32 v0, v10;
	v13 =	vshll.u32 v13, $0x4  }
0x72: {  	v11 =	vld.idx.msk [tilespmem:v11+s3+$0x0], $0xffff;
	[tilespmem:s17+$0xC0] =	vst v1;
	v1 =	vor.u32 v0, v13  }
0x73: {  	v18 =	vor.u32 $0x5, v7;
	v16 =	vld.idx.msk [tilespmem:v16+s3+$0x0], $0xffff  }
0x74: {  	v13 =	vld.idx.msk [tilespmem:v17+s16+$0x0], $0xffff;
	v17 =	vor.u32 $0x2, v8  }
0x75: {  	v19 =	vor.u32 $0x2, v5;
	v15 =	vld.idx.msk [tilespmem:v15+s3+$0x0], $0xffff  }
0x76: {  	[tilespmem:s17+$0xFFFFFF40] =	vst v12;
	v10 =	vld.idx.msk [tilespmem:v10+s3+$0x0], $0xffff  }
0x77: {  	v20 =	vor.u32 $0x2, v3;
	[tilespmem:s18+$0x90] =	vst v11;
	v1 =	vld.idx.msk [tilespmem:v1+s3+$0x0], $0xffff  }
0x78: {  	v21 =	vor.u32 $0x2, v4;
	[tilespmem:s18+$0xFFFFFF10] =	vst v16;
	v16 =	vld.idx.msk [tilespmem:v18+s16+$0x0], $0xffff  }
0x79: {  	v11 =	vor.u32 $0x5, v6;
	v12 =	vld.idx.msk [tilespmem:v17+s16+$0x0], $0xffff  }
0x7a: {  	v13 =	vshll.u32 v13, $0x4;
	v17 =	vld.idx.msk [tilespmem:v19+s16+$0x0], $0xffff  }
0x7b: {  	[tilespmem:s18+$0xFFFFFF90] =	vst v15;
	v13 =	vor.u32 v0, v13  }
0x7c: {  	v15 =	vor.u32 $0x5, v2;
	v18 =	vld.idx.msk [tilespmem:v20+s16+$0x0], $0xffff;
	[tilespmem:s18+$0x10] =	vst v10  }
0x7d: {  	[tilespmem:s17+$0xFFFFFFC0] =	vst v14;
	v10 =	vld.idx.msk [tilespmem:v21+s16+$0x0], $0xffff;
	v16 =	vshll.u32 v16, $0x4  }
0x7e: {  	v11 =	vld.idx.msk [tilespmem:v11+s16+$0x0], $0xffff;
	v12 =	vshll.u32 v12, $0x4;
	v16 =	vor.u32 v0, v16  }
0x7f: {  	[tilespmem:s17+$0x40] =	vst v1;
	v1 =	vshll.u32 v17, $0x4;
	v12 =	vor.u32 v0, v12  }
0x80: {  	v13 =	vld.idx.msk [tilespmem:v13+s3+$0x0], $0xffff;
	v1 =	vor.u32 v0, v1  }
0x81: {  	v14 =	vor.u32 $0x6, v9;
	v15 =	vld.idx.msk [tilespmem:v15+s16+$0x0], $0xffff;
	v17 =	vshll.u32 v18, $0x4  }
0x82: {  	v17 =	vor.u32 v0, v17;
	v10 =	vshll.u32 v10, $0x4  }
0x83: {  	v10 =	vor.u32 v0, v10;
	v11 =	vshll.u32 v11, $0x4;
	v16 =	vld.idx.msk [tilespmem:v16+s3+$0x0], $0xffff  }
0x84: {  	v11 =	vor.u32 v0, v11;
	v12 =	vld.idx.msk [tilespmem:v12+s3+$0x0], $0xffff  }
0x85: {  	v21 =	vor.u32 $0x6, v7;
	[tilespmem:s17+$0xD0] =	vst v13;
	v1 =	vld.idx.msk [tilespmem:v1+s3+$0x0], $0xffff  }
0x86: {  	v13 =	vld.idx.msk [tilespmem:v14+s16+$0x0], $0xffff;
	v14 =	vshll.u32 v15, $0x4;
	v15 =	vor.u32 $0x3, v8  }
0x87: {  	s29 =	simm.s32 $0x40;
	s30 =	simm.s32 $0x58;
	v18 =	vor.u32 $0x3, v5;
	v17 =	vld.idx.msk [tilespmem:v17+s3+$0x0], $0xffff  }
0x88: {  	s31 =	simm.s32 $0x48;
	s23 =	simm.s32 $0x40;
	s24 =	simm.s32 $0x50;
	v19 =	vor.u32 $0x3, v3;
	v10 =	vld.idx.msk [tilespmem:v10+s3+$0x0], $0xffff  }
0x89: {  	s23 =	sand.u32 $0x60, s23;
	s21 =	sand.u32 $0x78, s30;
	s19 =	sand.u32 $0xFFFFFF80, s29;
	v14 =	vor.u32 v0, v14;
	v11 =	vld.idx.msk [tilespmem:v11+s3+$0x0], $0xffff;
	[tilespmem:s17+$0xFFFFFF50] =	vst v16  }
0x8a: {  	s24 =	sand.u32 $0x70, s24;
	s22 =	sand.u32 $0x68, s31;
	s21 =	sor.u32 s19, s21;
	v20 =	vor.u32 $0x3, v4;
	[tilespmem:s18+$0xA0] =	vst v12;
	v16 =	vld.idx.msk [tilespmem:v21+s16+$0x0], $0xffff  }
0x8b: {  	s22 =	sor.u32 s19, s22;
	s23 =	sor.u32 s23, s19;
	s19 =	sor.u32 s19, s24;
	[tilespmem:s18+$0xFFFFFF20] =	vst v1;
	v1 =	vmov s21;
	v15 =	vld.idx.msk [tilespmem:v15+s16+$0x0], $0xffff  }
0x8c: {  	[tilespmem:s18+$0xFFFFFFA0] =	vst v17;
	v12 =	vshll.u32 v13, $0x4;
	v18 =	vld.idx.msk [tilespmem:v18+s16+$0x0], $0xffff;
	v13 =	vmov s19  }
0x8d: {  	v17 =	vld.idx.msk [tilespmem:v19+s16+$0x0], $0xffff;
	v19 =	vor.u32 $0x6, v6  }
0x8e: {  	v22 =	vld.idx.msk [tilespmem:v14+s3+$0x0], $0xffff;
	v23 =	vor.u32 v0, v12;
	[tilespmem:s18+$0x20] =	vst v10  }
0x8f: {  	v12 =	vmov s22;
	v10 =	vld.idx.msk [tilespmem:v20+s16+$0x0], $0xffff  }
0x90: {  	v14 =	vmov s23;
	v21 =	vld.idx.msk [tilespmem:v1+s16+$0x0], $0xffff  }
0x91: {  	v25 =	vor.u32 $0x6, v2;
	[tilespmem:s17+$0xFFFFFFD0] =	vst v11;
	v16 =	vshll.u32 v16, $0x4;
	v11 =	vld.idx.msk [tilespmem:v13+s16+$0x0], $0xffff  }
0x92: {  	v15 =	vshll.u32 v15, $0x4;
	v19 =	vld.idx.msk [tilespmem:v19+s16+$0x0], $0xffff;
	v16 =	vor.u32 v0, v16  }
0x93: {  	v20 =	vld.idx.msk [tilespmem:v23+s3+$0x0], $0xffff;
	v15 =	vor.u32 v0, v15  }
0x94: {  	v9 =	vor.u32 $0x7, v9;
	v18 =	vshll.u32 v18, $0x4;
	v23 =	vld.idx.msk [tilespmem:v12+s16+$0x0], $0xffff  }
0x95: {  	v17 =	vshll.u32 v17, $0x4;
	v24 =	vld.idx.msk [tilespmem:v14+s16+$0x0], $0xffff;
	v18 =	vor.u32 v0, v18;
	[tilespmem:s17+$0x50] =	vst v22  }
0x96: {  	v17 =	vor.u32 v0, v17;
	v10 =	vshll.u32 v10, $0x4;
	v25 =	vld.idx.msk [tilespmem:v25+s16+$0x0], $0xffff  }
0x97: {  	v10 =	vor.u32 v0, v10;
	v11 =	vshll.u32 v11, $0x4;
	v16 =	vld.idx.msk [tilespmem:v16+s3+$0x0], $0xffff  }
0x98: {  	v15 =	vld.idx.msk [tilespmem:v15+s3+$0x0], $0xffff;
	[tilespmem:s17+$0xE0] =	vst v20;
	v20 =	vshll.u32 v21, $0x4;
	v11 =	vor.u32 v0, v11  }
0x99: {  	v9 =	vld.idx.msk [tilespmem:v9+s16+$0x0], $0xffff;
	v20 =	vor.u32 v0, v20  }
0x9a: {  	v18 =	vld.idx.msk [tilespmem:v18+s3+$0x0], $0xffff;
	v21 =	vshll.u32 v24, $0x4;
	v24 =	vor.u32 $0x4, v8  }
0x9b: {  	v23 =	vshll.u32 v23, $0x4;
	v17 =	vld.idx.msk [tilespmem:v17+s3+$0x0], $0xffff;
	v21 =	vor.u32 v0, v21  }
0x9c: {  	v22 =	vor.u32 v0, v23;
	v10 =	vld.idx.msk [tilespmem:v10+s3+$0x0], $0xffff  }
0x9d: {  	v23 =	vor.u32 $0x4, v5;
	v11 =	vld.idx.msk [tilespmem:v11+s3+$0x0], $0xffff  }
0x9e: {  	v29 =	vor.u32 $0x1, v13;
	[tilespmem:s18+$0xB0] =	vst v15;
	v20 =	vld.idx.msk [tilespmem:v20+s3+$0x0], $0xffff;
	v9 =	vshll.u32 v9, $0x4  }
0x9f: {  	v15 =	vld.idx.msk [tilespmem:v24+s16+$0x0], $0xffff;
	v9 =	vor.u32 v0, v9  }
0xa0: {  	v19 =	vshll.u32 v19, $0x4;
	v21 =	vld.idx.msk [tilespmem:v21+s3+$0x0], $0xffff;
	v24 =	vor.u32 $0x1, v1  }
0xa1: {  	s19 =	sadd.s32 $0x200, s18;
	v19 =	vor.u32 v0, v19;
	[tilespmem:s18+$0xFFFFFF30] =	vst v18;
	v22 =	vld.idx.msk [tilespmem:v22+s3+$0x0], $0xffff  }
0xa2: {  	v27 =	vor.u32 $0x1, v14;
	v28 =	vld.idx.msk [tilespmem:v23+s16+$0x0], $0xffff;
	[tilespmem:s19+$0x0] =	vst v11  }
0xa3: {  	v18 =	vor.u32 $0x1, v12;
	v11 =	vld.idx.msk [tilespmem:v29+s16+$0x0], $0xffff  }
0xa4: {  	v26 =	vor.u32 $0x4, v3;
	[tilespmem:s19+$0x80] =	vst v20;
	v23 =	vld.idx.msk [tilespmem:v9+s3+$0x0], $0xffff  }
0xa5: {  	[tilespmem:s18+$0xFFFFFFB0] =	vst v17;
	v15 =	vshll.u32 v15, $0x4;
	v9 =	vor.u32 $0x4, v4;
	v17 =	vld.idx.msk [tilespmem:v24+s16+$0x0], $0xffff  }
0xa6: {  	v19 =	vld.idx.msk [tilespmem:v19+s3+$0x0], $0xffff;
	[tilespmem:s19+$0xFFFFFF00] =	vst v21;
	v15 =	vor.u32 v0, v15  }
0xa7: {  	v7 =	vor.u32 $0x7, v7;
	[tilespmem:s19+$0xFFFFFF80] =	vst v22;
	v22 =	vshll.u32 v25, $0x4;
	v21 =	vld.idx.msk [tilespmem:v27+s16+$0x0], $0xffff  }
0xa8: {  	[tilespmem:s18+$0x30] =	vst v10;
	v18 =	vld.idx.msk [tilespmem:v18+s16+$0x0], $0xffff;
	v10 =	vor.u32 v0, v22;
	v22 =	vshll.u32 v28, $0x4  }
0xa9: {  	v20 =	vld.idx.msk [tilespmem:v26+s16+$0x0], $0xffff;
	v22 =	vor.u32 v0, v22;
	v11 =	vshll.u32 v11, $0x4  }
0xaa: {  	v9 =	vld.idx.msk [tilespmem:v9+s16+$0x0], $0xffff;
	v17 =	vshll.u32 v17, $0x4;
	v11 =	vor.u32 v0, v11  }
0xab: {  	[tilespmem:s17+$0xFFFFFF60] =	vst v16;
	v15 =	vld.idx.msk [tilespmem:v15+s3+$0x0], $0xffff;
	v17 =	vor.u32 v0, v17  }
0xac: {  	[tilespmem:s17+$0xFFFFFFE0] =	vst v19;
	v19 =	vld.idx.msk [tilespmem:v7+s16+$0x0], $0xffff;
	v24 =	vor.u32 $0x5, v8;
	v21 =	vshll.u32 v21, $0x4  }
0xad: {  	v18 =	vshll.u32 v18, $0x4;
	v10 =	vld.idx.msk [tilespmem:v10+s3+$0x0], $0xffff;
	v21 =	vor.u32 v0, v21  }
0xae: {  	v20 =	vshll.u32 v20, $0x4;
	v18 =	vor.u32 v0, v18;
	v22 =	vld.idx.msk [tilespmem:v22+s3+$0x0], $0xffff  }
0xaf: {  	v20 =	vor.u32 v0, v20;
	v9 =	vshll.u32 v9, $0x4;
	v11 =	vld.idx.msk [tilespmem:v11+s3+$0x0], $0xffff  }
0xb0: {  	[tilespmem:s18+$0xC0] =	vst v15;
	v17 =	vld.idx.msk [tilespmem:v17+s3+$0x0], $0xffff;
	v9 =	vor.u32 v0, v9  }
0xb1: {  	v15 =	vld.idx.msk [tilespmem:v24+s16+$0x0], $0xffff;
	v24 =	vor.u32 $0x2, v1  }
0xb2: {  	v25 =	vor.u32 $0x5, v5;
	v21 =	vld.idx.msk [tilespmem:v21+s3+$0x0], $0xffff  }
0xb3: {  	v26 =	vor.u32 $0x2, v14;
	v18 =	vld.idx.msk [tilespmem:v18+s3+$0x0], $0xffff  }
0xb4: {  	v27 =	vor.u32 $0x2, v12;
	v20 =	vld.idx.msk [tilespmem:v20+s3+$0x0], $0xffff  }
0xb5: {  	v28 =	vor.u32 $0x2, v13;
	[tilespmem:s19+$0x90] =	vst v17;
	v9 =	vld.idx.msk [tilespmem:v9+s3+$0x0], $0xffff  }
0xb6: {  	s25 =	simm.s32 $0x60;
	s26 =	simm.s32 $0x78;
	s22 =	simm.s32 $0x60;
	[tilespmem:s18+$0xFFFFFF40] =	vst v22;
	v17 =	vor.u32 $0x5, v3;
	v15 =	vshll.u32 v15, $0x4;
	v22 =	vld.idx.msk [tilespmem:v24+s16+$0x0], $0xffff  }
0xb7: {  	s29 =	sand.u32 $0x78, s26;
	s21 =	sand.u32 $0xFFFFFF80, s25;
	s26 =	sand.u32 $0x60, s22;
	[tilespmem:s19+$0xFFFFFF10] =	vst v21;
	v21 =	vld.idx.msk [tilespmem:v25+s16+$0x0], $0xffff;
	v15 =	vor.u32 v0, v15  }
0xb8: {  	s31 =	sor.u32 s26, s21;
	[tilespmem:s19+$0xFFFFFF90] =	vst v18;
	v24 =	vor.u32 $0x5, v4;
	v25 =	vld.idx.msk [tilespmem:v26+s16+$0x0], $0xffff  }
0xb9: {  	[tilespmem:s19+$0x10] =	vst v11;
	v18 =	vld.idx.msk [tilespmem:v27+s16+$0x0], $0xffff;
	v26 =	vmov s31  }
0xba: {  	v6 =	vor.u32 $0x7, v6;
	[tilespmem:s18+$0xFFFFFFC0] =	vst v20;
	v11 =	vld.idx.msk [tilespmem:v28+s16+$0x0], $0xffff  }
0xbb: {  	v2 =	vor.u32 $0x7, v2;
	v17 =	vld.idx.msk [tilespmem:v17+s16+$0x0], $0xffff;
	v20 =	vshll.u32 v22, $0x4  }
0xbc: {  	[tilespmem:s18+$0x40] =	vst v9;
	v15 =	vld.idx.msk [tilespmem:v15+s3+$0x0], $0xffff;
	v20 =	vor.u32 v0, v20  }
0xbd: {  	v16 =	vld.idx.msk [tilespmem:v24+s16+$0x0], $0xffff;
	v9 =	vshll.u32 v25, $0x4;
	v22 =	vor.u32 $0x6, v8  }
0xbe: {  	v18 =	vshll.u32 v18, $0x4;
	v28 =	vld.idx.msk [tilespmem:v26+s16+$0x0], $0xffff;
	v7 =	vor.u32 v0, v9  }
0xbf: {  	[tilespmem:s17+$0x60] =	vst v10;
	v11 =	vshll.u32 v11, $0x4;
	v9 =	vld.idx.msk [tilespmem:v6+s16+$0x0], $0xffff;
	v10 =	vor.u32 v0, v18  }
0xc0: {  	v18 =	vshll.u32 v21, $0x4;
	v6 =	vld.idx.msk [tilespmem:v2+s16+$0x0], $0xffff;
	v2 =	vor.u32 v0, v11  }
0xc1: {  	v11 =	vor.u32 v0, v18;
	v17 =	vshll.u32 v17, $0x4;
	[tilespmem:s18+$0xD0] =	vst v15;
	v18 =	vld.idx.msk [tilespmem:v20+s3+$0x0], $0xffff  }
0xc2: {  	v15 =	vor.u32 v0, v17;
	v16 =	vshll.u32 v16, $0x4;
	v17 =	vld.idx.msk [tilespmem:v22+s16+$0x0], $0xffff  }
0xc3: {  	v7 =	vld.idx.msk [tilespmem:v7+s3+$0x0], $0xffff;
	v16 =	vor.u32 v0, v16  }
0xc4: {  	v20 =	vor.u32 $0x3, v1;
	v10 =	vld.idx.msk [tilespmem:v10+s3+$0x0], $0xffff  }
0xc5: {  	v21 =	vor.u32 $0x3, v14;
	v22 =	vld.idx.msk [tilespmem:v2+s3+$0x0], $0xffff  }
0xc6: {  	v24 =	vor.u32 $0x3, v12;
	v11 =	vld.idx.msk [tilespmem:v11+s3+$0x0], $0xffff  }
0xc7: {  	s28 =	simm.s32 $0x68;
	v25 =	vor.u32 $0x3, v13;
	v9 =	vshll.u32 v9, $0x4;
	v15 =	vld.idx.msk [tilespmem:v15+s3+$0x0], $0xffff  }
0xc8: {  	s23 =	sand.u32 $0x68, s28;
	v9 =	vor.u32 v0, v9;
	[tilespmem:s19+$0xA0] =	vst v18;
	v16 =	vld.idx.msk [tilespmem:v16+s3+$0x0], $0xffff  }
0xc9: {  	s23 =	sor.u32 s21, s23;
	v18 =	vor.u32 $0x6, v5;
	[tilespmem:s19+$0xFFFFFF20] =	vst v7;
	v20 =	vld.idx.msk [tilespmem:v20+s16+$0x0], $0xffff  }
0xca: {  	s25 =	simm.s32 $0x70;
	v2 =	vshll.u32 v17, $0x4;
	[tilespmem:s19+$0xFFFFFFA0] =	vst v10;
	v7 =	vmov s23;
	v21 =	vld.idx.msk [tilespmem:v21+s16+$0x0], $0xffff  }
0xcb: {  	s24 =	sor.u32 s21, s29;
	s30 =	sand.u32 $0x70, s25;
	[tilespmem:s19+$0x20] =	vst v22;
	v17 =	vor.u32 v0, v2;
	v10 =	vld.idx.msk [tilespmem:v24+s16+$0x0], $0xffff  }
0xcc: {  	s21 =	sor.u32 s21, s30;
	v2 =	vmov s24;
	v22 =	vld.idx.msk [tilespmem:v25+s16+$0x0], $0xffff  }
0xcd: {  	[tilespmem:s18+$0xFFFFFF50] =	vst v11;
	v25 =	vmov s21;
	v35 =	vld.idx.msk [tilespmem:v9+s3+$0x0], $0xffff  }
0xce: {  	v11 =	vld.idx.msk [tilespmem:v18+s16+$0x0], $0xffff;
	v18 =	vor.u32 $0x6, v3  }
0xcf: {  	v29 =	vor.u32 $0x6, v4;
	v27 =	vld.idx.msk [tilespmem:v7+s16+$0x0], $0xffff;
	v20 =	vshll.u32 v20, $0x4  }
0xd0: {  	v17 =	vld.idx.msk [tilespmem:v17+s3+$0x0], $0xffff;
	v20 =	vor.u32 v0, v20  }
0xd1: {  	v8 =	vor.u32 $0x7, v8;
	v24 =	vld.idx.msk [tilespmem:v2+s16+$0x0], $0xffff;
	v21 =	vshll.u32 v21, $0x4  }
0xd2: {  	[tilespmem:s18+$0xFFFFFFD0] =	vst v15;
	v10 =	vshll.u32 v10, $0x4;
	v15 =	vld.idx.msk [tilespmem:v25+s16+$0x0], $0xffff;
	v21 =	vor.u32 v0, v21  }
0xd3: {  	[tilespmem:s18+$0x50] =	vst v16;
	v22 =	vshll.u32 v22, $0x4;
	v10 =	vor.u32 v0, v10;
	v18 =	vld.idx.msk [tilespmem:v18+s16+$0x0], $0xffff  }
0xd4: {  	v19 =	vshll.u32 v19, $0x4;
	v22 =	vor.u32 v0, v22;
	v16 =	vshll.u32 v27, $0x4;
	v27 =	vld.idx.msk [tilespmem:v29+s16+$0x0], $0xffff  }
0xd5: {  	[tilespmem:s18+$0xE0] =	vst v17;
	v17 =	vor.u32 v0, v19;
	v20 =	vld.idx.msk [tilespmem:v20+s3+$0x0], $0xffff  }
0xd6: {  	v19 =	vshll.u32 v24, $0x4;
	v16 =	vor.u32 v0, v16;
	v8 =	vld.idx.msk [tilespmem:v8+s16+$0x0], $0xffff  }
0xd7: {  	v24 =	vshll.u32 v28, $0x4;
	v19 =	vor.u32 v0, v19;
	v21 =	vld.idx.msk [tilespmem:v21+s3+$0x0], $0xffff  }
0xd8: {  	v15 =	vshll.u32 v15, $0x4;
	v10 =	vld.idx.msk [tilespmem:v10+s3+$0x0], $0xffff;
	v24 =	vor.u32 v0, v24  }
0xd9: {  	v22 =	vld.idx.msk [tilespmem:v22+s3+$0x0], $0xffff;
	v15 =	vor.u32 v0, v15  }
0xda: {  	v30 =	vor.u32 $0x4, v1;
	v28 =	vld.idx.msk [tilespmem:v17+s3+$0x0], $0xffff  }
0xdb: {  	v11 =	vshll.u32 v11, $0x4;
	v17 =	vor.u32 $0x4, v14;
	v16 =	vld.idx.msk [tilespmem:v16+s3+$0x0], $0xffff  }
0xdc: {  	v11 =	vor.u32 v0, v11;
	v19 =	vld.idx.msk [tilespmem:v19+s3+$0x0], $0xffff  }
0xdd: {  	v8 =	vshll.u32 v8, $0x4;
	v24 =	vld.idx.msk [tilespmem:v24+s3+$0x0], $0xffff;
	[tilespmem:s19+$0xFFFFFF30] =	vst v21;
	v21 =	vor.u32 $0x1, v7  }
0xde: {  	[tilespmem:s19+$0xB0] =	vst v20;
	v15 =	vld.idx.msk [tilespmem:v15+s3+$0x0], $0xffff;
	v8 =	vor.u32 v0, v8  }
0xdf: {  	v20 =	vld.idx.msk [tilespmem:v30+s16+$0x0], $0xffff;
	v30 =	vor.u32 $0x1, v2  }
0xe0: {  	v31 =	vor.u32 $0x4, v12;
	s21 =	sadd.s32 $0x200, s19;
	v18 =	vshll.u32 v18, $0x4;
	v17 =	vld.idx.msk [tilespmem:v17+s16+$0x0], $0xffff  }
0xe1: {  	v32 =	vor.u32 $0x1, v26;
	[tilespmem:s21+$0xFFFFFF80] =	vst v16;
	v16 =	vor.u32 v0, v18;
	v18 =	vshll.u32 v27, $0x4;
	v27 =	vld.idx.msk [tilespmem:v11+s3+$0x0], $0xffff  }
0xe2: {  	v33 =	vor.u32 $0x1, v25;
	[tilespmem:s19+$0xFFFFFFB0] =	vst v10;
	v21 =	vld.idx.msk [tilespmem:v21+s16+$0x0], $0xffff  }
0xe3: {  	[tilespmem:s21+$0x80] =	vst v19;
	v29 =	vld.idx.msk [tilespmem:v8+s3+$0x0], $0xffff  }
0xe4: {  	[tilespmem:s21+$0x0] =	vst v15;
	v15 =	vor.u32 v0, v18;
	v10 =	vld.idx.msk [tilespmem:v30+s16+$0x0], $0xffff  }
0xe5: {  	[tilespmem:s21+$0xFFFFFF00] =	vst v24;
	v8 =	vor.u32 $0x4, v13;
	v19 =	vshll.u32 v20, $0x4;
	v20 =	vld.idx.msk [tilespmem:v31+s16+$0x0], $0xffff  }
0xe6: {  	v6 =	vshll.u32 v6, $0x4;
	v24 =	vld.idx.msk [tilespmem:v32+s16+$0x0], $0xffff;
	v19 =	vor.u32 v0, v19  }
0xe7: {  	v6 =	vor.u32 v0, v6;
	v18 =	vld.idx.msk [tilespmem:v33+s16+$0x0], $0xffff;
	v17 =	vshll.u32 v17, $0x4  }
0xe8: {  	v16 =	vld.idx.msk [tilespmem:v16+s3+$0x0], $0xffff;
	v17 =	vor.u32 v0, v17  }
0xe9: {  	v36 =	vor.u32 $0x7, v3;
	[tilespmem:s19+$0x30] =	vst v22;
	v21 =	vshll.u32 v21, $0x4;
	v30 =	vld.idx.msk [tilespmem:v15+s3+$0x0], $0xffff  }
0xea: {  	v8 =	vld.idx.msk [tilespmem:v8+s16+$0x0], $0xffff;
	v10 =	vshll.u32 v10, $0x4;
	v15 =	vor.u32 v0, v21  }
0xeb: {  	v19 =	vld.idx.msk [tilespmem:v19+s3+$0x0], $0xffff;
	v10 =	vor.u32 v0, v10  }
0xec: {  	v22 =	vor.u32 $0x5, v1;
	[tilespmem:s18+$0xFFFFFF60] =	vst v27;
	v27 =	vld.idx.msk [tilespmem:v6+s3+$0x0], $0xffff;
	v11 =	vshll.u32 v24, $0x4  }
0xed: {  	v18 =	vshll.u32 v18, $0x4;
	v11 =	vor.u32 v0, v11;
	[tilespmem:s18+$0xFFFFFFE0] =	vst v16;
	v17 =	vld.idx.msk [tilespmem:v17+s3+$0x0], $0xffff  }
0xee: {  	v20 =	vshll.u32 v20, $0x4;
	v18 =	vor.u32 v0, v18;
	v63 =	vld.idx.msk [tilespmem:v36+s16+$0x0], $0xffff  }
0xef: {  	v9 =	vor.u32 v0, v20;
	v8 =	vshll.u32 v8, $0x4;
	v15 =	vld.idx.msk [tilespmem:v15+s3+$0x0], $0xffff  }
0xf0: {  	v10 =	vld.idx.msk [tilespmem:v10+s3+$0x0], $0xffff;
	[tilespmem:s19+$0xC0] =	vst v19;
	v8 =	vor.u32 v0, v8  }
0xf1: {  	v20 =	vor.u32 $0x2, v2;
	v19 =	vld.idx.msk [tilespmem:v22+s16+$0x0], $0xffff  }
0xf2: {  	v21 =	vor.u32 $0x5, v14;
	v11 =	vld.idx.msk [tilespmem:v11+s3+$0x0], $0xffff  }
0xf3: {  	v18 =	vld.idx.msk [tilespmem:v18+s3+$0x0], $0xffff;
	v22 =	vor.u32 $0x2, v26  }
0xf4: {  	v24 =	vor.u32 $0x2, v7;
	v31 =	vld.idx.msk [tilespmem:v9+s3+$0x0], $0xffff  }
0xf5: {  	v58 =	vor.u32 $0x2, v25;
	[tilespmem:s21+$0x90] =	vst v10;
	v8 =	vld.idx.msk [tilespmem:v8+s3+$0x0], $0xffff  }
0xf6: {  	v59 =	vor.u32 $0x7, v5;
	v34 =	vor.u32 $0x5, v12;
	[tilespmem:s19+$0xFFFFFF40] =	vst v17;
	v17 =	vld.idx.msk [tilespmem:v20+s16+$0x0], $0xffff;
	v5 =	vshll.u32 v19, $0x4  }
0xf7: {  	v37 =	vor.u32 $0x7, v4;
	v62 =	vor.u32 $0x6, v1;
	v38 =	vld.idx.msk [tilespmem:v21+s16+$0x0], $0xffff;
	[tilespmem:s21+$0xFFFFFF10] =	vst v11;
	v19 =	vor.u32 v0, v5  }
0xf8: {  	v39 =	vor.u32 $0x5, v13;
	v4 =	vor.u32 $0x7, v12;
	v3 =	vor.u32 $0x7, v13;
	[tilespmem:s21+$0xFFFFFF90] =	vst v15;
	v40 =	vld.idx.msk [tilespmem:v22+s16+$0x0], $0xffff  }
0xf9: {  	v6 =	vor.u32 $0x7, v7;
	v16 =	vor.u32 $0x6, v26;
	v36 =	vor.u32 $0x3, v2;
	v41 =	vld.idx.msk [tilespmem:v24+s16+$0x0], $0xffff;
	[tilespmem:s21+$0x10] =	vst v18  }
0xfa: {  	v9 =	vor.u32 $0x6, v13;
	v13 =	vor.u32 $0x6, v7;
	v10 =	vor.u32 $0x6, v12;
	[tilespmem:s19+$0xFFFFFFC0] =	vst v31;
	v12 =	vld.idx.msk [tilespmem:v58+s16+$0x0], $0xffff  }
0xfb: {  	v21 =	vor.u32 $0x3, v25;
	v15 =	vor.u32 $0x5, v7;
	v60 =	vld.idx.msk [tilespmem:v34+s16+$0x0], $0xffff;
	[tilespmem:s19+$0x40] =	vst v8;
	v8 =	vshll.u32 v17, $0x4  }
0xfc: {  	v11 =	vor.u32 $0x6, v14;
	v24 =	vor.u32 $0x3, v26;
	v31 =	vld.idx.msk [tilespmem:v19+s3+$0x0], $0xffff;
	v61 =	vor.u32 v0, v8  }
0xfd: {  	v18 =	vor.u32 $0x4, v7;
	v20 =	vor.u32 $0x4, v26;
	v8 =	vshll.u32 v40, $0x4  }
0xfe: {  	v5 =	vor.u32 $0x7, v14;
	v39 =	vld.idx.msk [tilespmem:v39+s16+$0x0], $0xffff;
	v43 =	vor.u32 v0, v8;
	v8 =	vshll.u32 v41, $0x4  }
0xff: {  	v42 =	vld.idx.msk [tilespmem:v59+s16+$0x0], $0xffff;
	[tilespmem:s18+$0x60] =	vst v30;
	v14 =	vor.u32 $0x5, v26;
	v44 =	vor.u32 v0, v8;
	v8 =	vshll.u32 v12, $0x4  }
0x100: {  	[tilespmem:s17+$0xF0] =	vst v23;
	v37 =	vld.idx.msk [tilespmem:v37+s16+$0x0], $0xffff;
	v45 =	vor.u32 v0, v8;
	v8 =	vor.u32 $0x7, v26;
	v26 =	vshll.u32 v38, $0x4  }
0x101: {  	v22 =	vor.u32 $0x3, v7;
	v23 =	vshll.u32 v60, $0x4;
	v33 =	vld.idx.msk [tilespmem:v61+s3+$0x0], $0xffff;
	[tilespmem:s19+$0xD0] =	vst v31;
	v31 =	vor.u32 v0, v26  }
0x102: {  	v7 =	vor.u32 $0x7, v25;
	v17 =	vor.u32 $0x5, v25;
	v32 =	vor.u32 v0, v23;
	v30 =	vld.idx.msk [tilespmem:v62+s16+$0x0], $0xffff  }
0x103: {  	[tilespmem:s17+$0xFFFFFF70] =	vst v28;
	v19 =	vor.u32 $0x4, v25;
	v12 =	vor.u32 $0x6, v25;
	v23 =	vshll.u32 v39, $0x4;
	v34 =	vld.idx.msk [tilespmem:v43+s3+$0x0], $0xffff  }
0x104: {  	s20 =	sshll.u32 s20, $0xE;
	[tilespmem:s18+$0xF0] =	vst v29;
	v25 =	vshll.u32 v63, $0x4;
	v28 =	vor.u32 v0, v23;
	v23 =	vshll.u32 v42, $0x4;
	v29 =	vld.idx.msk [tilespmem:v44+s3+$0x0], $0xffff  }
0x105: {  	s14 =	sadd.s32 $0x1, s14;
	s20 =	sadd.s32 $0x4800, s20;
	s23 =	simm.s32 $0xC;
	[tilespmem:s17+$0xFFFFFFF0] =	vst v35;
	v26 =	vor.u32 v0, v23;
	v23 =	vor.u32 v0, v25;
	v25 =	vshll.u32 v37, $0x4;
	v35 =	vld.idx.msk [tilespmem:v45+s3+$0x0], $0xffff  }
.LBB2_3:
0x106: {  	s23 =	sadd.s32 $0x4, s23;
	s22 =	sadd.s32 $0x20, s22;
	v31 =	vld.idx.msk [tilespmem:v31+s3+$0x0], $0xffff;
	v25 =	vor.u32 v0, v25;
	[tilespmem:s17+$0x70] =	vst v27;
	s17 =	smov.u32 s18  }
0x107: {  	s18 =	sshll.u32 s23, $0x3;
	s24 =	sadd.s32 $0x8, s22;
	s25 =	sadd.s32 $0x18, s22;
	[tilespmem:s21+$0xA0] =	vst v33;
	v32 =	vld.idx.msk [tilespmem:v32+s3+$0x0], $0xffff  }
0x108: {  	s26 =	sadd.s32 $0x10, s22;
	v27 =	vshll.u32 v30, $0x4;
	s18 =	sand.u32 $0xFFFFFF80, s18;
	s25 =	sand.u32 $0x78, s25;
	v33 =	vld.idx.msk [tilespmem:v36+s16+$0x0], $0xffff  }
0x109: {  	s24 =	sand.u32 $0x68, s24;
	s26 =	sand.u32 $0x70, s26;
	s25 =	sor.u32 s18, s25;
	[tilespmem:s21+$0xFFFFFF20] =	vst v34;
	v30 =	vld.idx.msk [tilespmem:v28+s3+$0x0], $0xffff;
	v34 =	vor.u32 v0, v27  }
0x10a: {  	s28 =	sand.u32 $0x60, s22;
	s24 =	sor.u32 s18, s24;
	s26 =	sor.u32 s18, s26;
	v36 =	vmov s25;
	v37 =	vld.idx.msk [tilespmem:v24+s16+$0x0], $0xffff;
	[tilespmem:s21+$0xFFFFFFA0] =	vst v29  }
0x10b: {  	p2 =	slt.u32 s23, $0x7C;
	s25 =	sor.u32 s28, s18;
	v38 =	vmov s24;
	v39 =	vmov s26;
	s18 =	smov.u32 s19;
	v40 =	vld.idx.msk [tilespmem:v22+s16+$0x0], $0xffff;
	[tilespmem:s21+$0x20] =	vst v35  }
0x10c: {  	s19 =	smov.u32 s21;
	v35 =	vmov s25;
	v41 =	vor.u32 $0x1, v38;
	v42 =	vor.u32 $0x1, v39;
	v43 =	vld.idx.msk [tilespmem:v21+s16+$0x0], $0xffff;
	[tilespmem:s18+$0xFFFFFF50] =	vst v31  }
0x10d: {  	v27 =	vor.u32 $0x2, v38;
	v44 =	vor.u32 $0x1, v35;
	v28 =	vor.u32 $0x2, v35;
	v45 =	vld.idx.msk [tilespmem:v11+s16+$0x0], $0xffff;
	[tilespmem:s18+$0xFFFFFFD0] =	vst v32;
	v11 =	vmovc v16  }
0x10e: {  	v29 =	vor.u32 $0x2, v39;
	v24 =	vor.u32 $0x3, v35;
	v16 =	vshll.u32 v33, $0x4;
	v32 =	vld.idx.msk [tilespmem:v34+s3+$0x0], $0xffff  }
0x10f: {  	v22 =	vor.u32 $0x3, v38;
	v21 =	vor.u32 $0x3, v39;
	v46 =	vor.u32 v0, v16;
	v33 =	vld.idx.msk [tilespmem:v36+s16+$0x0], $0xffff;
	[tilespmem:s18+$0x50] =	vst v30  }
0x110: {  	v47 =	vor.u32 $0x4, v35;
	v16 =	vshll.u32 v37, $0x4;
	v37 =	vor.u32 $0x7, v1;
	v1 =	vmovc v2;
	v2 =	vmovc v36;
	v48 =	vld.idx.msk [tilespmem:v38+s16+$0x0], $0xffff  }
0x111: {  	v49 =	vor.u32 $0x4, v38;
	v50 =	vor.u32 v0, v16;
	v16 =	vshll.u32 v40, $0x4;
	v36 =	vld.idx.msk [tilespmem:v35+s16+$0x0], $0xffff  }
0x112: {  	v51 =	vor.u32 $0x4, v39;
	v52 =	vor.u32 v0, v16;
	v16 =	vshll.u32 v43, $0x4;
	v40 =	vld.idx.msk [tilespmem:v39+s16+$0x0], $0xffff  }
0x113: {  	v31 =	vor.u32 $0x5, v38;
	v34 =	vor.u32 $0x5, v35;
	v43 =	vor.u32 v0, v16;
	v53 =	vld.idx.msk [tilespmem:v10+s16+$0x0], $0xffff;
	v10 =	vmovc v13  }
0x114: {  	v30 =	vor.u32 $0x5, v39;
	v16 =	vor.u32 $0x6, v35;
	v13 =	vor.u32 $0x6, v38;
	v46 =	vld.idx.msk [tilespmem:v46+s3+$0x0], $0xffff;
	[tilespmem:s18+$0xE0] =	vst v32  }
0x115: {  	v54 =	vor.u32 $0x6, v39;
	v32 =	vshll.u32 v33, $0x4;
	v33 =	vshll.u32 v45, $0x4;
	v37 =	vld.idx.msk [tilespmem:v37+s16+$0x0], $0xffff  }
0x116: {  	v45 =	vshll.u32 v48, $0x4;
	v48 =	vor.u32 v0, v32;
	v55 =	vor.u32 v0, v33;
	v50 =	vld.idx.msk [tilespmem:v50+s3+$0x0], $0xffff  }
0x117: {  	v32 =	vshll.u32 v36, $0x4;
	v36 =	vor.u32 v0, v45;
	v45 =	vld.idx.msk [tilespmem:v52+s3+$0x0], $0xffff;
	v52 =	vor.u32 $0x4, v1  }
0x118: {  	v35 =	vor.u32 $0x7, v35;
	v56 =	vor.u32 v0, v32;
	v33 =	vshll.u32 v40, $0x4;
	v40 =	vld.idx.msk [tilespmem:v43+s3+$0x0], $0xffff  }
0x119: {  	v32 =	vor.u32 $0x7, v38;
	v38 =	vor.u32 v0, v33;
	v43 =	vshll.u32 v53, $0x4;
	v53 =	vld.idx.msk [tilespmem:v9+s16+$0x0], $0xffff;
	v9 =	vmovc v12;
	v12 =	vmovc v54  }
0x11a: {  	v33 =	vor.u32 $0x7, v39;
	v39 =	vor.u32 v0, v43;
	v26 =	vld.idx.msk [tilespmem:v26+s3+$0x0], $0xffff  }
0x11b: {  	v37 =	vshll.u32 v37, $0x4;
	v43 =	vld.idx.msk [tilespmem:v48+s3+$0x0], $0xffff;
	[tilespmem:s21+$0xB0] =	vst v46  }
0x11c: {  	v37 =	vor.u32 v0, v37;
	[tilespmem:s21+$0xFFFFFF30] =	vst v50;
	v46 =	vld.idx.msk [tilespmem:v52+s16+$0x0], $0xffff  }
0x11d: {  	v50 =	vor.u32 $0x1, v2;
	v48 =	vld.idx.msk [tilespmem:v56+s3+$0x0], $0xffff;
	[tilespmem:s21+$0xFFFFFFB0] =	vst v45  }
0x11e: {  	v36 =	vld.idx.msk [tilespmem:v36+s3+$0x0], $0xffff;
	[tilespmem:s21+$0x30] =	vst v40  }
0x11f: {  	v40 =	vshll.u32 v53, $0x4;
	v38 =	vld.idx.msk [tilespmem:v38+s3+$0x0], $0xffff  }
0x120: {  	s21 =	sadd.s32 $0x200, s21;
	v40 =	vor.u32 v0, v40;
	v45 =	vld.idx.msk [tilespmem:v20+s16+$0x0], $0xffff;
	[tilespmem:s17+$0xFFFFFF70] =	vst v26;
	v20 =	vmov v47  }
0x121: {  	[tilespmem:s21+$0x80] =	vst v43;
	v26 =	vld.idx.msk [tilespmem:v37+s3+$0x0], $0xffff  }
0x122: {  	v43 =	vshll.u32 v46, $0x4;
	v37 =	vld.idx.msk [tilespmem:v50+s16+$0x0], $0xffff  }
0x123: {  	v43 =	vor.u32 v0, v43;
	[tilespmem:s21+$0xFFFFFF00] =	vst v48;
	v46 =	vld.idx.msk [tilespmem:v18+s16+$0x0], $0xffff;
	v18 =	vmov v49  }
0x124: {  	v44 =	vld.idx.msk [tilespmem:v44+s16+$0x0], $0xffff;
	[tilespmem:s21+$0xFFFFFF80] =	vst v36  }
0x125: {  	v36 =	vld.idx.msk [tilespmem:v41+s16+$0x0], $0xffff;
	[tilespmem:s21+$0x0] =	vst v38  }
0x126: {  	v41 =	vshll.u32 v45, $0x4;
	v38 =	vld.idx.msk [tilespmem:v42+s16+$0x0], $0xffff  }
0x127: {  	v41 =	vor.u32 v0, v41;
	v42 =	vld.idx.msk [tilespmem:v19+s16+$0x0], $0xffff;
	[tilespmem:s18+$0xF0] =	vst v26;
	v19 =	vmov v51  }
0x128: {  	v26 =	vshll.u32 v37, $0x4;
	v37 =	vld.idx.msk [tilespmem:v43+s3+$0x0], $0xffff  }
0x129: {  	v26 =	vor.u32 v0, v26;
	v43 =	vshll.u32 v46, $0x4;
	v45 =	vld.idx.msk [tilespmem:v55+s3+$0x0], $0xffff  }
0x12a: {  	v46 =	vor.u32 $0x5, v1;
	v44 =	vshll.u32 v44, $0x4;
	v43 =	vor.u32 v0, v43;
	v39 =	vld.idx.msk [tilespmem:v39+s3+$0x0], $0xffff  }
0x12b: {  	v44 =	vor.u32 v0, v44;
	v36 =	vshll.u32 v36, $0x4;
	v40 =	vld.idx.msk [tilespmem:v40+s3+$0x0], $0xffff  }
0x12c: {  	v36 =	vor.u32 v0, v36;
	v38 =	vshll.u32 v38, $0x4;
	v41 =	vld.idx.msk [tilespmem:v41+s3+$0x0], $0xffff  }
0x12d: {  	v38 =	vor.u32 v0, v38;
	v42 =	vshll.u32 v42, $0x4;
	v23 =	vld.idx.msk [tilespmem:v23+s3+$0x0], $0xffff  }
0x12e: {  	v42 =	vor.u32 v0, v42;
	v26 =	vld.idx.msk [tilespmem:v26+s3+$0x0], $0xffff;
	[tilespmem:s19+$0xC0] =	vst v37  }
0x12f: {  	v37 =	vld.idx.msk [tilespmem:v46+s16+$0x0], $0xffff;
	[tilespmem:s18+$0xFFFFFF60] =	vst v45  }
0x130: {  	v45 =	vor.u32 $0x2, v2;
	v44 =	vld.idx.msk [tilespmem:v44+s3+$0x0], $0xffff;
	[tilespmem:s18+$0xFFFFFFE0] =	vst v39  }
0x131: {  	v36 =	vld.idx.msk [tilespmem:v36+s3+$0x0], $0xffff;
	[tilespmem:s18+$0x60] =	vst v40  }
0x132: {  	v38 =	vld.idx.msk [tilespmem:v38+s3+$0x0], $0xffff;
	[tilespmem:s19+$0xFFFFFF40] =	vst v41  }
0x133: {  	v39 =	vld.idx.msk [tilespmem:v43+s3+$0x0], $0xffff;
	[tilespmem:s17+$0xFFFFFFF0] =	vst v23  }
0x134: {  	[tilespmem:s21+$0x90] =	vst v26;
	v23 =	vld.idx.msk [tilespmem:v42+s3+$0x0], $0xffff  }
0x135: {  	v37 =	vshll.u32 v37, $0x4;
	v26 =	vld.idx.msk [tilespmem:v45+s16+$0x0], $0xffff  }
0x136: {  	v37 =	vor.u32 v0, v37;
	[tilespmem:s21+$0xFFFFFF10] =	vst v44;
	v40 =	vld.idx.msk [tilespmem:v14+s16+$0x0], $0xffff;
	v14 =	vmov v34  }
0x137: {  	v28 =	vld.idx.msk [tilespmem:v28+s16+$0x0], $0xffff;
	[tilespmem:s21+$0xFFFFFF90] =	vst v36  }
0x138: {  	v27 =	vld.idx.msk [tilespmem:v27+s16+$0x0], $0xffff;
	[tilespmem:s21+$0x10] =	vst v38  }
0x139: {  	v29 =	vld.idx.msk [tilespmem:v29+s16+$0x0], $0xffff;
	[tilespmem:s19+$0xFFFFFFC0] =	vst v39  }
0x13a: {  	v34 =	vld.idx.msk [tilespmem:v15+s16+$0x0], $0xffff;
	[tilespmem:s19+$0x40] =	vst v23;
	v15 =	vmov v31  }
0x13b: {  	v23 =	vshll.u32 v26, $0x4;
	v26 =	vld.idx.msk [tilespmem:v37+s3+$0x0], $0xffff  }
0x13c: {  	v23 =	vor.u32 v0, v23;
	v31 =	vshll.u32 v40, $0x4;
	v36 =	vld.idx.msk [tilespmem:v17+s16+$0x0], $0xffff;
	v17 =	vmov v30  }
0x13d: {  	v28 =	vshll.u32 v28, $0x4;
	v31 =	vor.u32 v0, v31;
	v30 =	vor.u32 $0x6, v1;
	v37 =	vld.idx.msk [tilespmem:v5+s16+$0x0], $0xffff;
	v5 =	vmovc v8;
	v8 =	vmovc v35  }
0x13e: {  	v28 =	vor.u32 v0, v28;
	v27 =	vshll.u32 v27, $0x4;
	v35 =	vld.idx.msk [tilespmem:v4+s16+$0x0], $0xffff;
	v4 =	vmovc v6;
	v6 =	vmov v32  }
0x13f: {  	v38 =	vor.u32 v0, v27;
	v27 =	vshll.u32 v29, $0x4;
	v39 =	vld.idx.msk [tilespmem:v3+s16+$0x0], $0xffff;
	v3 =	vmovc v7;
	v7 =	vmov v33  }
0x140: {  	v40 =	vor.u32 v0, v27;
	v29 =	vshll.u32 v34, $0x4;
	v27 =	vld.idx.msk [tilespmem:v25+s3+$0x0], $0xffff  }
.Ltmp0:
0x141: {  	v32 =	vor.u32 v0, v29;
	v33 =	vld.idx.msk [tilespmem:v23+s3+$0x0], $0xffff;
	[tilespmem:s19+$0xD0] =	vst v26;
	(pc) =	sbr.rel @p2 .LBB2_3-.Ltmp0, $4  }
0x142: {  	v23 =	vshll.u32 v36, $0x4;
	v30 =	vld.idx.msk [tilespmem:v30+s16+$0x0], $0xffff  }
0x143: {  	v36 =	vor.u32 $0x3, v2;
	v34 =	vld.idx.msk [tilespmem:v28+s3+$0x0], $0xffff;
	v28 =	vor.u32 v0, v23;
	v23 =	vshll.u32 v37, $0x4  }
0x144: {  	v29 =	vld.idx.msk [tilespmem:v38+s3+$0x0], $0xffff;
	v26 =	vor.u32 v0, v23;
	v23 =	vshll.u32 v35, $0x4  }
0x145: {  	v25 =	vshll.u32 v39, $0x4;
	v35 =	vld.idx.msk [tilespmem:v40+s3+$0x0], $0xffff;
	v23 =	vor.u32 v0, v23  }
0x146: {  	_ =	sdelay $0x2  }
0x147: {  	[tilespmem:s21+$0xA0] =	vst v33  }
0x148: {  	v33 =	vld.idx.msk [tilespmem:v36+s16+$0x0], $0xffff;
	_ =	sdelay $0x1  }
0x149: {  	[tilespmem:s21+$0xFFFFFF20] =	vst v34  }
0x14a: {  	v24 =	vld.idx.msk [tilespmem:v24+s16+$0x0], $0xffff;
	[tilespmem:s21+$0xFFFFFFA0] =	vst v29  }
0x14b: {  	v22 =	vld.idx.msk [tilespmem:v22+s16+$0x0], $0xffff;
	[tilespmem:s21+$0x20] =	vst v35  }
0x14c: {  	v21 =	vld.idx.msk [tilespmem:v21+s16+$0x0], $0xffff;
	v46 =	vshll.u32 v33, $0x4  }
0x14d: {  	v29 =	vor.u32 v0, v46;
	_ =	sdelay $0x1  }
0x14e: {  	v24 =	vshll.u32 v24, $0x4  }
0x14f: {  	v24 =	vor.u32 v0, v24;
	v22 =	vshll.u32 v22, $0x4  }
0x150: {  	v22 =	vor.u32 v0, v22;
	v21 =	vshll.u32 v21, $0x4  }
0x151: {  	v21 =	vor.u32 v0, v21;
	v29 =	vld.idx.msk [tilespmem:v29+s3+$0x0], $0xffff  }
0x152: {  	v47 =	vor.u32 $0x4, v2;
	_ =	sdelay $0x1  }
0x153: {  	v24 =	vld.idx.msk [tilespmem:v24+s3+$0x0], $0xffff  }
0x154: {  	v22 =	vld.idx.msk [tilespmem:v22+s3+$0x0], $0xffff  }
0x155: {  	v21 =	vld.idx.msk [tilespmem:v21+s3+$0x0], $0xffff;
	[tilespmem:s21+$0xB0] =	vst v29  }
0x156: {  	v29 =	vld.idx.msk [tilespmem:v47+s16+$0x0], $0xffff;
	_ =	sdelay $0x1  }
0x157: {  	[tilespmem:s21+$0xFFFFFF30] =	vst v24  }
0x158: {  	[tilespmem:s21+$0xFFFFFFB0] =	vst v22;
	v20 =	vld.idx.msk [tilespmem:v20+s16+$0x0], $0xffff  }
0x159: {  	[tilespmem:s21+$0x30] =	vst v21;
	v18 =	vld.idx.msk [tilespmem:v18+s16+$0x0], $0xffff  }
0x15a: {  	v19 =	vld.idx.msk [tilespmem:v19+s16+$0x0], $0xffff;
	v48 =	vshll.u32 v29, $0x4  }
0x15b: {  	v21 =	vor.u32 v0, v48;
	_ =	sdelay $0x1  }
0x15c: {  	v20 =	vshll.u32 v20, $0x4  }
0x15d: {  	v20 =	vor.u32 v0, v20;
	v18 =	vshll.u32 v18, $0x4  }
0x15e: {  	v18 =	vor.u32 v0, v18;
	v19 =	vshll.u32 v19, $0x4  }
0x15f: {  	v19 =	vor.u32 v0, v19;
	v21 =	vld.idx.msk [tilespmem:v21+s3+$0x0], $0xffff  }
0x160: {  	v49 =	vor.u32 $0x5, v2;
	_ =	sdelay $0x1  }
0x161: {  	v20 =	vld.idx.msk [tilespmem:v20+s3+$0x0], $0xffff  }
0x162: {  	v18 =	vld.idx.msk [tilespmem:v18+s3+$0x0], $0xffff  }
0x163: {  	v19 =	vld.idx.msk [tilespmem:v19+s3+$0x0], $0xffff;
	[tilespmem:s21+$0xC0] =	vst v21  }
0x164: {  	v21 =	vld.idx.msk [tilespmem:v49+s16+$0x0], $0xffff;
	_ =	sdelay $0x1  }
0x165: {  	v51 =	vld.idx.msk [tilespmem:v31+s3+$0x0], $0xffff;
	[tilespmem:s21+$0xFFFFFF40] =	vst v20  }
0x166: {  	v14 =	vld.idx.msk [tilespmem:v14+s16+$0x0], $0xffff;
	[tilespmem:s21+$0xFFFFFFC0] =	vst v18  }
0x167: {  	v15 =	vld.idx.msk [tilespmem:v15+s16+$0x0], $0xffff;
	[tilespmem:s21+$0x40] =	vst v19  }
0x168: {  	v17 =	vld.idx.msk [tilespmem:v17+s16+$0x0], $0xffff;
	v50 =	vshll.u32 v21, $0x4  }
0x169: {  	v52 =	vld.idx.msk [tilespmem:v32+s3+$0x0], $0xffff;
	v18 =	vor.u32 v0, v50  }
0x16a: {  	v53 =	vld.idx.msk [tilespmem:v28+s3+$0x0], $0xffff  }
0x16b: {  	v14 =	vshll.u32 v14, $0x4  }
0x16c: {  	[tilespmem:s19+$0xFFFFFF50] =	vst v51;
	v14 =	vor.u32 v0, v14;
	v15 =	vshll.u32 v15, $0x4  }
0x16d: {  	v11 =	vld.idx.msk [tilespmem:v11+s16+$0x0], $0xffff;
	v15 =	vor.u32 v0, v15;
	v17 =	vshll.u32 v17, $0x4  }
0x16e: {  	[tilespmem:s19+$0xFFFFFFD0] =	vst v52;
	v17 =	vor.u32 v0, v17;
	v18 =	vld.idx.msk [tilespmem:v18+s3+$0x0], $0xffff  }
0x16f: {  	v54 =	vor.u32 $0x6, v2;
	[tilespmem:s19+$0x50] =	vst v53;
	v10 =	vld.idx.msk [tilespmem:v10+s16+$0x0], $0xffff  }
0x170: {  	v9 =	vld.idx.msk [tilespmem:v9+s16+$0x0], $0xffff  }
0x171: {  	v14 =	vld.idx.msk [tilespmem:v14+s3+$0x0], $0xffff  }
0x172: {  	v15 =	vld.idx.msk [tilespmem:v15+s3+$0x0], $0xffff  }
0x173: {  	v17 =	vld.idx.msk [tilespmem:v17+s3+$0x0], $0xffff;
	[tilespmem:s21+$0xD0] =	vst v18  }
0x174: {  	v11 =	vshll.u32 v11, $0x4;
	v18 =	vld.idx.msk [tilespmem:v54+s16+$0x0], $0xffff  }
0x175: {  	v55 =	vshll.u32 v30, $0x4;
	v11 =	vor.u32 v0, v11  }
0x176: {  	v20 =	vor.u32 v0, v55;
	[tilespmem:s21+$0xFFFFFF50] =	vst v14  }
0x177: {  	v10 =	vshll.u32 v10, $0x4;
	v14 =	vld.idx.msk [tilespmem:v16+s16+$0x0], $0xffff;
	[tilespmem:s21+$0xFFFFFFD0] =	vst v15  }
0x178: {  	v9 =	vshll.u32 v9, $0x4;
	v10 =	vor.u32 v0, v10;
	[tilespmem:s21+$0x50] =	vst v17;
	v13 =	vld.idx.msk [tilespmem:v13+s16+$0x0], $0xffff  }
0x179: {  	v9 =	vor.u32 v0, v9;
	v12 =	vld.idx.msk [tilespmem:v12+s16+$0x0], $0xffff;
	v57 =	vshll.u32 v18, $0x4  }
0x17a: {  	v11 =	vld.idx.msk [tilespmem:v11+s3+$0x0], $0xffff;
	v15 =	vor.u32 v0, v57  }
0x17b: {  	v56 =	vld.idx.msk [tilespmem:v20+s3+$0x0], $0xffff  }
0x17c: {  	v1 =	vor.u32 $0x7, v1;
	v14 =	vshll.u32 v14, $0x4  }
0x17d: {  	v10 =	vld.idx.msk [tilespmem:v10+s3+$0x0], $0xffff;
	v14 =	vor.u32 v0, v14;
	v13 =	vshll.u32 v13, $0x4  }
0x17e: {  	v9 =	vld.idx.msk [tilespmem:v9+s3+$0x0], $0xffff;
	v13 =	vor.u32 v0, v13;
	v12 =	vshll.u32 v12, $0x4  }
0x17f: {  	[tilespmem:s19+$0xFFFFFF60] =	vst v11;
	v12 =	vor.u32 v0, v12;
	v15 =	vld.idx.msk [tilespmem:v15+s3+$0x0], $0xffff  }
0x180: {  	v2 =	vor.u32 $0x7, v2;
	v5 =	vld.idx.msk [tilespmem:v5+s16+$0x0], $0xffff;
	[tilespmem:s19+$0xE0] =	vst v56  }
0x181: {  	v1 =	vld.idx.msk [tilespmem:v1+s16+$0x0], $0xffff  }
0x182: {  	v58 =	vld.idx.msk [tilespmem:v14+s3+$0x0], $0xffff  }
0x183: {  	v13 =	vld.idx.msk [tilespmem:v13+s3+$0x0], $0xffff  }
0x184: {  	v12 =	vld.idx.msk [tilespmem:v12+s3+$0x0], $0xffff;
	[tilespmem:s21+$0xE0] =	vst v15  }
0x185: {  	[tilespmem:s19+$0x60] =	vst v9;
	v2 =	vld.idx.msk [tilespmem:v2+s16+$0x0], $0xffff  }
0x186: {  	[tilespmem:s19+$0xFFFFFFE0] =	vst v10;
	v3 =	vld.idx.msk [tilespmem:v3+s16+$0x0], $0xffff  }
0x187: {  	v4 =	vld.idx.msk [tilespmem:v4+s16+$0x0], $0xffff;
	v1 =	vshll.u32 v1, $0x4;
	[tilespmem:s21+$0xFFFFFF60] =	vst v58  }
0x188: {  	v1 =	vor.u32 v0, v1;
	[tilespmem:s21+$0xFFFFFFE0] =	vst v13;
	v8 =	vld.idx.msk [tilespmem:v8+s16+$0x0], $0xffff  }
0x189: {  	v59 =	vor.u32 v0, v25;
	v5 =	vshll.u32 v5, $0x4;
	[tilespmem:s21+$0x60] =	vst v12;
	v6 =	vld.idx.msk [tilespmem:v6+s16+$0x0], $0xffff  }
0x18a: {  	v5 =	vor.u32 v0, v5;
	v7 =	vld.idx.msk [tilespmem:v7+s16+$0x0], $0xffff;
	v2 =	vshll.u32 v2, $0x4  }
0x18b: {  	v60 =	vld.idx.msk [tilespmem:v26+s3+$0x0], $0xffff;
	v3 =	vshll.u32 v3, $0x4;
	v2 =	vor.u32 v0, v2  }
0x18c: {  	v61 =	vld.idx.msk [tilespmem:v23+s3+$0x0], $0xffff;
	v4 =	vshll.u32 v4, $0x4;
	v3 =	vor.u32 v0, v3  }
0x18d: {  	v4 =	vor.u32 v0, v4;
	v1 =	vld.idx.msk [tilespmem:v1+s3+$0x0], $0xffff;
	v8 =	vshll.u32 v8, $0x4  }
0x18e: {  	v9 =	vld.idx.msk [tilespmem:v59+s3+$0x0], $0xffff;
	v8 =	vor.u32 v0, v8;
	v6 =	vshll.u32 v6, $0x4  }
0x18f: {  	[tilespmem:s17+$0x70] =	vst v27;
	v5 =	vld.idx.msk [tilespmem:v5+s3+$0x0], $0xffff;
	v6 =	vor.u32 v0, v6;
	v7 =	vshll.u32 v7, $0x4  }
0x190: {  	[tilespmem:s18+$0xFFFFFF70] =	vst v60;
	v7 =	vor.u32 v0, v7;
	v2 =	vld.idx.msk [tilespmem:v2+s3+$0x0], $0xffff  }
0x191: {  	[tilespmem:s18+$0xFFFFFFF0] =	vst v61;
	v3 =	vld.idx.msk [tilespmem:v3+s3+$0x0], $0xffff  }
0x192: {  	[tilespmem:s19+$0xF0] =	vst v1;
	v1 =	vld.idx.msk [tilespmem:v4+s3+$0x0], $0xffff  }
0x193: {  	[tilespmem:s18+$0x70] =	vst v9;
	v62 =	vld.idx.msk [tilespmem:v8+s3+$0x0], $0xffff  }
0x194: {  	[tilespmem:s19+$0xFFFFFF70] =	vst v5;
	v63 =	vld.idx.msk [tilespmem:v6+s3+$0x0], $0xffff  }
0x195: {  	[tilespmem:s21+$0xF0] =	vst v2;
	v2 =	vld.idx.msk [tilespmem:v7+s3+$0x0], $0xffff  }
0x196: {  	[tilespmem:s19+$0x70] =	vst v3  }
0x197: {  	[tilespmem:s19+$0xFFFFFFF0] =	vst v1  }
0x198: {  	[tilespmem:s21+$0xFFFFFF70] =	vst v62  }
0x199: {  	s15 =	sshll.u32 s15, $0xB;
	p2 =	sne.s32 @!p1 s14, $0x20;
	[tilespmem:s21+$0xFFFFFFF0] =	vst v63  }
0x19a: {  	s15 =	sadd.s32 s5, s15;
	p2 =	por p1, !p2;
	[tilespmem:s21+$0x70] =	vst v2  }
0x19b: {  	[hbm4b:s15+s3] =	stream.linear.scatter [tilespmem:s20], [sflag:$0x1], $0x4000, $0x38;
	[tilespmem:$0xC800] =	vst v63  }
.Ltmp1:
0x19c: {  	_ = 	snop;
	(pc) =	sbr.rel @!p2 .LBB2_2-.Ltmp1, $4  }
0x19d: {  	s15 =	simm.s32 @!p1 $0x2  }
0x19e: {  	_ =	swait.ge @!p1 [sflag:s15], $0x400  }
0x19f: {  	[sflag:s15] =	ssyncset.done @!p1 $0x0  }
0x1a0: {  	p0 =	por @!p1 !p0, !p0;
	[sflag:s15] =	ssyncadd.s32 @!p1 $0xFFFFFC00  }
0x1a1: {  	s13 =	sadd.s32 $0x1, s13  }
0x1a2: {  	_ =	swait.ge [sflag:s12], $0x4000;
	p0 =	sne.s32 s13, s8  }
.Ltmp2:
0x1a3: {  	[sflag:s12] =	ssyncset.done $0x0;
	(pc) =	sbr.rel @p0 .LBB2_1-.Ltmp2, $4  }
0x1a4: {  	[sflag:s12] =	ssyncadd.s32 $0xFFFFC000  }
0x1a5: {  	_ =	swait.ge [sflag:s12], $0x4000  }
0x1a6: {  	[sflag:s12] =	ssyncset.done $0x0  }
0x1a7: {  	[sflag:s12] =	ssyncadd.s32 $0xFFFFC000  }
0x1a8: {  	_ =	sfence.sel $0x180000  }
0x1a9: {  	[bflag:$0x0] =	sbarrier.arrive $0xFFFF  }
0x1aa: {  	p0 =	sne.s32 s1, $0x0;
	_ =	strace $0x9000004A  }
0x1ab: {  	s0 =	sadd.s32 @!p0 $0x100000, s0;
	[bflag:$0x2] =	sbarrier.arrive $0xFFFF  }
0x1ac: {  	[sflag:s0] =	ssyncadd.tile.s32 @!p0 $0x1;
	_ =	shalt  }
.Lfunc_end2:
_tile_overlayer_lowered:
.L_overlay_start_2:
0x1ad: {  	(tag) =	ssettag $0x2  }
0x1ae: {  	s0 =	rddreg [dreg:$0x0];
	s2 =	stileid.u32  }
0x1af: {  	s1 =	rddreg [dreg:$0x1];
	p0 =	sne.s32 s2, $0x0  }
0x1b0: {  	s3 =	rddreg [dreg:$0x2];
	[bflag:$0x3] =	sbarrier.arrive $0xFFFF;
	s2 =	simm.s32 @!p0 $0x1C03  }
0x1b1: {  	[timem:s3], [sflag:s2] =	dma.local @!p0 [hbm:s0], s1  }
0x1b2: {  	s0 =	simm.s32 @!p0 $0x3  }
0x1b3: {  	_ =	swait.ge @!p0 [sflag:s0], s1  }
0x1b4: {  	s1 =	ssub.s32 @!p0 $0x0, s1;
	[sflag:s0] =	ssyncset.done @!p0 $0x0  }
0x1b5: {  	[sflag:s0] =	ssyncadd.s32 @!p0 s1  }
0x1b6: {  	[bflag:$0x3] =	sbarrier.arrive $0xFFFF  }
0x1b7: {  	_ =	shalt  }

// kernel: kernel.19.cloned.1.call-start
scs
__scs_entry_jumppad:
0x0: {  	(pc) =	sbr.rel $0x88, $3  }
0x1: {  	(tag) =	ssettag $0x0;
	lr =	simm.s32 $0x1  }
0x2: {  	[smem:$0x3F99] =	sst lr;
	_ =	strace $0xD0000000  }
0x3: {  	_ = 	snop  }
0x4: {  	_ = 	snop  }
0x5: {  	_ = 	snop  }
0x6: {  	_ = 	snop  }
0x7: {  	_ = 	snop  }
__scs_overlays_trampoline_lowered:
0x8: {  	[smem:$0x3FA8] =	sst s0  }
0x9: {  	[smem:$0x3FA9] =	sst s1  }
0xa: {  	[smem:$0x3FAA] =	sst s2  }
0xb: {  	[smem:$0x3FAB] =	sst s3  }
0xc: {  	[smem:$0x3FAC] =	sst s4  }
0xd: {  	[smem:$0x3FAD] =	sst s5  }
0xe: {  	[smem:$0x3FAE] =	sst s6  }
0xf: {  	[smem:$0x3FAF] =	sst s7  }
0x10: {  	[smem:$0x3FB0] =	sst s8  }
0x11: {  	[smem:$0x3FB1] =	sst s9;
	s0 =	simm.s32 @!p0 $0x0  }
0x12: {  	s1 =	sld [smem:$0x3F97];
	s0 =	simm.s32 @p0 $0x1  }
0x13: {  	[smem:$0x3FB2] =	sst s0;
	s0 =	simm.s32 @!p1 $0x0  }
0x14: {  	s2 =	sld [smem:$0x3F96];
	s0 =	simm.s32 @p1 $0x1  }
0x15: {  	[smem:$0x3FB3] =	sst s0;
	s0 =	simm.s32 @!p2 $0x0  }
0x16: {  	s3 =	sld [smem:$0x3FDB];
	s0 =	simm.s32 @p2 $0x1  }
0x17: {  	s4 =	simm.s32 $0x1BF5;
	[smem:$0x3FB5] =	sst s0  }
0x18: {  	s0 =	sld [smem:$0x3F98];
	_ =	swait.ge [sflag:s4], $0x0  }
0x19: {  	s7 =	sld [smem:$0x3F99]  }
0x1a: {  	s8 =	sadd.s32 $0xFFFFE003, lr  }
0x1b: {  	s9 =	sadd.s32 $0xFFFFFEF7, lr;
	s5 =	simm.s32 $0xFFFFFFFF;
	p2 =	slt.u32 s8, $0xFFFFF086  }
0x1c: {  	p1 =	slt.u32 s9, $0xF7A;
	s5 =	simm.s32 @!p2 $0x0  }
0x1d: {  	s5 =	simm.s32 @p1 $0x1;
	p0 =	seq.s32 s7, s2  }
0x1e: {  	s7 =	smul.u32 @!p0 $0xF7A, s2;
	p2 =	seq.s32 @!p0 s5, $0x0  }
0x1f: {  	s9 =	smul.u32 $0xF7A, s1;
	s8 =	simm.s32 @!p0 $0x1BF5;
	p2 =	por !p2, p0  }
0x20: {  	[sflag:s8] =	ssyncset.s32 @!p0 $0xFFFFF086;
	s6 =	sadd.s32 @!p0 s3, s7;
	s7 =	simm.s32 @!p0 $0x108  }
0x21: {  	s3 =	sadd.s32 s3, s9;
	s6 =	sadd.s32 @!p0 $0x88, s6;
	s7 =	simm.s32 @p2 $0x1082  }
0x22: {  	[simem:s7], [sflag:s8] =	dma.local @!p0 [hbm:s6], $0xF7A  }
0x23: {  	s9 =	sor.u32 $0xD0000000, s2;
	s6 =	simm.s32 $0x108;
	_ =	swait.ge @!p0 [sflag:s8], $0x0  }
0x24: {  	s3 =	sadd.s32 $0x88, s3;
	s6 =	simm.s32 @!p1 $0x1082;
	[sflag:s4] =	ssyncset.s32 $0xFFFFF086  }
0x25: {  	[simem:s6], [sflag:s4] =	dma.local [hbm:s3], $0xF7A  }
0x26: {  	[smem:$0x3F99] =	sst s1;
	(tag) =	ssettag s2;
	_ =	strace s9  }
0x27: {  	s1 =	sld [smem:$0x3FA9]  }
0x28: {  	s2 =	sld [smem:$0x3FAA]  }
0x29: {  	s4 =	sld [smem:$0x3FAC]  }
0x2a: {  	p0 =	seq.s32 s5, $0x0;
	s5 =	sld [smem:$0x3FAD]  }
0x2b: {  	s6 =	sld [smem:$0x3FAE]  }
0x2c: {  	s7 =	sld [smem:$0x3FAF]  }
0x2d: {  	s3 =	simm.s32 $0x108;
	s8 =	sld [smem:$0x3FB0]  }
0x2e: {  	s3 =	simm.s32 @!p0 $0x1082;
	s9 =	sld [smem:$0x3FB1]  }
0x2f: {  	lr =	sadd.s32 s0, s3;
	s0 =	sld [smem:$0x3FA8]  }
0x30: {  	s3 =	sld [smem:$0x3FAB]  }
0x31: {  	[smem:$0x3FB4] =	sst s10  }
0x32: {  	s10 =	sld [smem:$0x3FB2];
	_ =	sdelay $0x3  }
0x33: {  	p0 =	seq.s32 s10, $0x1;
	s10 =	sld [smem:$0x3FB4];
	_ =	sdelay $0x3  }
0x34: {  	[smem:$0x3FB4] =	sst s10  }
0x35: {  	s10 =	sld [smem:$0x3FB3];
	_ =	sdelay $0x3  }
0x36: {  	p1 =	seq.s32 s10, $0x1;
	s10 =	sld [smem:$0x3FB4];
	_ =	sdelay $0x3  }
0x37: {  	[smem:$0x3FB4] =	sst s10  }
0x38: {  	s10 =	sld [smem:$0x3FB5]  }
0x39: {  	_ = 	snop;
	(pc) =	sbr.ind lr, $3  }
0x3a: {  	_ = 	snop  }
0x3b: {  	_ = 	snop  }
0x3c: {  	p2 =	seq.s32 s10, $0x1;
	s10 =	sld [smem:$0x3FB4]  }
0x3d: {  	_ =	shalt  }
0x3e: {  	_ =	shalt  }
0x3f: {  	_ =	shalt  }
0x40: {  	_ =	shalt  }
0x41: {  	_ =	shalt  }
0x42: {  	_ =	shalt  }
0x43: {  	_ =	shalt  }
0x44: {  	_ =	shalt  }
0x45: {  	_ =	shalt  }
0x46: {  	_ =	shalt  }
0x47: {  	_ =	shalt  }
0x48: {  	_ =	shalt  }
0x49: {  	_ =	shalt  }
0x4a: {  	_ =	shalt  }
0x4b: {  	_ =	shalt  }
0x4c: {  	_ =	shalt  }
0x4d: {  	_ =	shalt  }
0x4e: {  	_ =	shalt  }
0x4f: {  	_ =	shalt  }
0x50: {  	_ =	shalt  }
0x51: {  	_ =	shalt  }
0x52: {  	_ =	shalt  }
0x53: {  	_ =	shalt  }
0x54: {  	_ =	shalt  }
0x55: {  	_ =	shalt  }
0x56: {  	_ =	shalt  }
0x57: {  	_ =	shalt  }
0x58: {  	_ =	shalt  }
0x59: {  	_ =	shalt  }
0x5a: {  	_ =	shalt  }
0x5b: {  	_ =	shalt  }
0x5c: {  	_ =	shalt  }
0x5d: {  	_ =	shalt  }
0x5e: {  	_ =	shalt  }
0x5f: {  	_ =	shalt  }
0x60: {  	_ =	shalt  }
0x61: {  	_ =	shalt  }
0x62: {  	_ =	shalt  }
0x63: {  	_ =	shalt  }
0x64: {  	_ =	shalt  }
0x65: {  	_ =	shalt  }
0x66: {  	_ =	shalt  }
0x67: {  	_ =	shalt  }
0x68: {  	_ =	shalt  }
0x69: {  	_ =	shalt  }
0x6a: {  	_ =	shalt  }
0x6b: {  	_ =	shalt  }
0x6c: {  	_ =	shalt  }
0x6d: {  	_ =	shalt  }
0x6e: {  	_ =	shalt  }
0x6f: {  	_ =	shalt  }
0x70: {  	_ =	shalt  }
0x71: {  	_ =	shalt  }
0x72: {  	_ =	shalt  }
0x73: {  	_ =	shalt  }
0x74: {  	_ =	shalt  }
0x75: {  	_ =	shalt  }
0x76: {  	_ =	shalt  }
0x77: {  	_ =	shalt  }
0x78: {  	_ =	shalt  }
0x79: {  	_ =	shalt  }
0x7a: {  	_ =	shalt  }
0x7b: {  	_ =	shalt  }
0x7c: {  	_ =	shalt  }
0x7d: {  	_ =	shalt  }
0x7e: {  	_ =	shalt  }
0x7f: {  	_ =	shalt  }
0x80: {  	_ =	shalt  }
0x81: {  	_ =	shalt  }
0x82: {  	_ =	shalt  }
0x83: {  	_ =	shalt  }
0x84: {  	_ =	shalt  }
0x85: {  	_ =	shalt  }
0x86: {  	_ =	shalt  }
0x87: {  	_ =	shalt  }
.Lfunc_end0:
.L_simem_size_0:
called_computation.3_lowered:
.L_overlay_start_0:
0x88: {  	s2 =	sld [smem:$0x3FD9]  }
0x89: {  	s3 =	sld [smem:$0x3FFE];
	_ =	sdelay $0x1  }
0x8a: {  	s1 =	srdreg.scid  }
0x8b: {  	s0 =	sand.u32 $0x1, s1  }
0x8c: {  	s17 =	sshll.u32 s0, $0xA;
	s2 =	sadd.s32 s3, s2  }
0x8d: {  	s2 =	sadd.s32 s2, s17  }
0x8e: {  	[smem:$0x3FC0] =	sst s2  }
0x8f: {  	_ = 	snop  }
0x90: {  	s18 =	sld [smem:$0x3FD0];
	(tm) =	ssettm $0x1  }
0x91: {  	s19 =	sld [smem:$0x3FFB];
	_ =	sdelay $0x3  }
0x92: {  	_ =	strace s19  }
0x93: {  	s2 =	sld [smem:$0x3FFC];
	_ =	sdelay $0x3  }
0x94: {  	_ =	strace s2  }
0x95: {  	s2 =	sld [smem:$0x3FFD];
	_ =	sdelay $0x3  }
0x96: {  	_ =	strace s2  }
0x97: {  	_ =	strace $0x8FFFFFFF  }
0x98: {  	s20 =	sld [smem:$0x3FDB];
	_ =	sdelay $0x1  }
0x99: {  	s4 =	simm.s32 $_scs_section_size  }
0x9a: {  	s5 =	simm.s32 $_size__tile_overlayer_lowered;
	s6 =	simm.s32 $_tile_overlayer_lowered  }
0x9b: {  	s7 =	simm.s32 $0x1BFF;
	s21 =	sshll.u32 s6, $0x1;
	s4 =	sadd.s32 s4, s20  }
0x9c: {  	s22 =	simm.s32 $0x0;
	s5 =	sshll.u32 s5, $0x1;
	s6 =	sadd.s32 s21, s4  }
0x9d: {  	[timem:s22], [sflag:s7] =	dma.local [hbm:s6], s5  }
0x9e: {  	_ =	swait.ge [sflag:s7], s5  }
0x9f: {  	s5 =	ssub.s32 $0x0, s5;
	[sflag:s7] =	ssyncset.done $0x0  }
0xa0: {  	[sflag:s7] =	ssyncadd.s32 s5;
	_ =	sdelay $0x1  }
0xa1: {  	s23 =	simm.s32 $0x1B8B  }
0xa2: {  	_ =	swait.ge [sflag:s23], $0x1  }
0xa3: {  	[sflag:s23] =	ssyncset.done $0x0  }
0xa4: {  	[sflag:s23] =	ssyncadd.s32 $0xFFFFFFFF  }
0xa5: {  	s5 =	sld [smem:$0x0]  }
0xa6: {  	s6 =	sand.u32 $0xFFFFFFFE, s1  }
0xa7: {  	p0 =	sne.s32 s1, s6  }
0xa8: {  	s6 =	sshll.u32 @p0 s6, $0xE  }
0xa9: {  	s6 =	sadd.s32 @p0 $0x11B8D, s6;
	s7 =	sshll.u32 @p0 s5, $0x11  }
0xaa: {  	s6 =	sor.u32 @p0 s7, s6  }
0xab: {  	[sflag:s6] =	ssyncadd.remote.s32 @p0 $0x1;
	_ =	sdelay $0x1  }
0xac: {  	s6 =	simm.s32 @p0 $0x1B8D  }
0xad: {  	_ =	swait.eq @p0 [sflag:s6], $0x1  }
0xae: {  	[sflag:s6] =	ssyncadd.s32 @p0 $0xFFFFFFFF  }
0xaf: {  	s7 =	sshll.u32 @!p0 s1, $0xE  }
0xb0: {  	s7 =	sor.u32 @!p0 $0x4000, s7;
	s6 =	simm.s32 @!p0 $0x1B8D  }
0xb1: {  	s5 =	sshll.u32 @!p0 s5, $0x11;
	s7 =	sadd.s32 @!p0 $0x11B8D, s7;
	_ =	swait.eq @!p0 [sflag:s6], $0x1  }
0xb2: {  	s5 =	sor.u32 @!p0 s5, s7;
	[sflag:s6] =	ssyncadd.s32 @!p0 $0xFFFFFFFF  }
0xb3: {  	s25 =	simm.s32 $0x1B8E;
	s24 =	sld [smem:$0x3FFE];
	[sflag:s5] =	ssyncadd.remote.s32 @!p0 $0x1  }
0xb4: {  	s26 =	simm.s32 $execute0_lowered;
	[smem:$0x3FD2] =	sst s25  }
0xb5: {  	s6 =	sshll.u32 s26, $0x1;
	_ =	strace $0x8000004C;
	[dreg:$0x1] =	wrdreg $0xFFFFFFFF  }
0xb6: {  	s28 =	simm.s32 $_size_execute0_lowered;
	s4 =	sadd.s32 s4, s6;
	[dreg:$0x0] =	wrdreg $0x0  }
0xb7: {  	s6 =	sshll.u32 s28, $0x1;
	[dreg:$0x2] =	wrdreg s4  }
0xb8: {  	[dreg:$0x3] =	wrdreg s6  }
0xb9: {  	[dreg:$0x4] =	wrdreg $0xC0  }
0xba: {  	_ =	task [dreg:s22], $0x5FFFF  }
0xbb: {  	[dreg:$0x1] =	wrdreg $0xFFFFFFFF  }
0xbc: {  	[dreg:$0x0] =	wrdreg $0x60  }
0xbd: {  	[dreg:$0x2] =	wrdreg s18  }
0xbe: {  	[dreg:$0x3] =	wrdreg s24  }
0xbf: {  	[dreg:$0x4] =	wrdreg $0xC  }
0xc0: {  	_ =	task.clear_ibuf [dreg:s22], $0x5FFFF;
	_ =	strace $0x9000004C  }
0xc1: {  	s29 =	simm.s32 $0xC;
	_ =	strace $0x8000004E  }
0xc2: {  	_ =	swait.ge [sflag:s29], $0x1  }
0xc3: {  	[sflag:s29] =	ssyncadd.s32 $0xFFFFFFFF  }
0xc4: {  	_ =	strace $0x9000004E  }
0xc5: {  	_ =	sfence  }
0xc6: {  	s30 =	sld [smem:$0x0];
	_ =	sdelay $0x2  }
0xc7: {  	s31 =	sshll.u32 s1, $0xD;
	s1 =	sshrl.u32 s1, $0x2  }
0xc8: {  	s4 =	sand.u32 $0x4000, s31;
	s1 =	sadd.s32 s1, s30  }
0xc9: {  	s0 =	sor.u32 s4, s0;
	s1 =	sshll.u32 s1, $0x11  }
0xca: {  	s0 =	sor.u32 s1, s0  }
0xcb: {  	s0 =	sadd.s32 $0x8F2B, s0  }
0xcc: {  	[sflag:s0] =	ssyncadd.remote.s32 $0x1  }
0xcd: {  	_ =	sfence.sel $0xFFFF  }
0xce: {  	[dreg:$0x0] =	wrdreg $0xFFFFFFFF;
	(pc) =	sbr.abs _section_cstart, $3  }
0xcf: {  	[dreg:$0x1] =	wrdreg $0xFFFFFFFF  }
0xd0: {  	_ =	task.clear_ibuf [dreg:s22], $0x2FFFF;
	_ =	strace $0x9FFFFFFF  }
0xd1: {  	(tm) =	ssettm $0x7FFFFFFF  }
tec
execute0_lowered:
.L_overlay_start_1:
0x0: {  	(tag) =	ssettag $0x1  }
0x1: {  	s2 =	rddreg [dreg:$0x0]  }
0x2: {  	s7 =	rddreg [dreg:$0x1];
	s3 =	srdreg.scid  }
0x3: {  	s0 =	rddreg [dreg:$0x2];
	s1 =	stileid.u32  }
0x4: {  	s10 =	simm.s32 $0x4000;
	s11 =	simm.s32 $0x2;
	s12 =	simm.s32 $0x1  }
0x5: {  	s13 =	simm.s32 $0x0;
	s5 =	sand.u32 $0x1, s3;
	s3 =	simm.s32 $0x0  }
0x6: {  	s4 =	sshll.u32 s1, $0x6;
	s6 =	sshll.u32 s5, $0x5;
	[smem:$0x7FF] =	sst s3  }
0x7: {  	s8 =	ssub.s32 $0x2, s5;
	s5 =	sadd.s32 $0x461C00, s7;
	s4 =	sor.u32 s6, s4  }
0x8: {  	_ =	strace $0x8000004D;
	s9 =	sshrl.u32 s8, $0x1;
	s6 =	sshll.u32 s4, $0x7  }
0x9: {  	s8 =	ssub.s32 s8, s9;
	s9 =	simm.s32 $0x3;
	s6 =	sadd.s32 s6, s7  }
0xa: {  	v0 =	vlaneseq.u32;
	s7 =	sadd.s32 $0x41C80, s7;
	s8 =	smax.u32 s8, $0x1;
	s6 =	sadd.s32 $0x41C00, s6  }
.LBB2_1:
0xb: {  	[tilespmem:s3], [sflag:$0x3] =	stream.linear.gather [hbm4b:s2+s3], $0x4000, $0x38;
	[tilespmem:$0xC800] =	vst v63  }
0xc: {  	_ =	swait.ge [sflag:s9], $0x4000  }
0xd: {  	[sflag:s9] =	ssyncset.done $0x0  }
0xe: {  	[sflag:s9] =	ssyncadd.s32 $0xFFFFC000  }
0xf: {  	[tilespmem:s10], [sflag:$0x2] =	stream.linear.gather [hbm4b:s6+s3], $0x400, $0x38;
	[tilespmem:$0xC800] =	vst v63  }
0x10: {  	_ =	swait.ge [sflag:s11], $0x400  }
0x11: {  	[sflag:s11] =	ssyncset.done $0x0  }
0x12: {  	p0 =	por $0x0, $0x0;
	s14 =	simm.s32 $0x0;
	[sflag:s11] =	ssyncadd.s32 $0xFFFFFC00  }
.LBB2_2:
0x13: {  	s15 =	sor.u32 s4, s14  }
0x14: {  	s20 =	sand.u32 $0x1, s14;
	p1 =	seq.s32 s14, $0x1F;
	s19 =	simm.s32 $0x0  }
0x15: {  	s21 =	simm.s32 $0x18;
	s16 =	sshll.u32 @!p1 s15, $0x7;
	s17 =	sshll.u32 @!p1 s20, $0xA  }
0x16: {  	s18 =	simm.s32 @!p1 $0x0;
	s17 =	sxor.u32 @!p1 $0x4400, s17;
	s16 =	sadd.s32 @!p1 s16, s7  }
0x17: {  	[tilespmem:s17], [sflag:$0x2] =	stream.linear.gather @!p1 [hbm4b:s16+s18], $0x400, $0x38;
	[tilespmem:$0xC800] =	vst v63  }
0x18: {  	s22 =	simm.s32 $0x0;
	s16 =	sand.u32 $0xFFFFFF80, s19;
	s17 =	sand.u32 $0x78, s21  }
0x19: {  	s19 =	simm.s32 $0x8;
	s18 =	sand.u32 $0x60, s22;
	s17 =	sor.u32 s16, s17  }
0x1a: {  	p2 =	slt.u32 @!p1 s14, $0x2;
	s19 =	sand.u32 $0x68, s19;
	s18 =	sor.u32 s18, s16;
	v9 =	vmov s17  }
0x1b: {  	s23 =	simm.s32 $0x10;
	p2 =	por p1, !p2;
	s19 =	sor.u32 s16, s19;
	v7 =	vmov s18  }
0x1c: {  	_ =	swait.ge @p2 [sflag:s12], $0x4000;
	s17 =	sand.u32 $0x70, s23;
	v6 =	vmov s19  }
0x1d: {  	s24 =	sshll.u32 s20, $0xA;
	[sflag:s12] =	ssyncset.done @p2 $0x0;
	s17 =	sor.u32 s16, s17  }
0x1e: {  	[sflag:s12] =	ssyncadd.s32 @p2 $0xFFFFC000;
	s16 =	sor.u32 $0x4000, s24;
	v2 =	vmov s17  }
0x1f: {  	v1 =	vld.idx.msk [tilespmem:v9+s16+$0x0], $0xffff  }
0x20: {  	v3 =	vld.idx.msk [tilespmem:v7+s16+$0x0], $0xffff  }
0x21: {  	v4 =	vld.idx.msk [tilespmem:v6+s16+$0x0], $0xffff;
	_ =	sdelay $0x1  }
0x22: {  	v5 =	vld.idx.msk [tilespmem:v2+s16+$0x0], $0xffff  }
0x23: {  	v1 =	vshll.u32 v1, $0x4  }
0x24: {  	v3 =	vshll.u32 v3, $0x4;
	v1 =	vor.u32 v0, v1  }
0x25: {  	v4 =	vshll.u32 v4, $0x4;
	v3 =	vor.u32 v0, v3  }
0x26: {  	v4 =	vor.u32 v0, v4  }
0x27: {  	v5 =	vshll.u32 v5, $0x4  }
0x28: {  	v5 =	vor.u32 v0, v5  }
0x29: {  	v1 =	vld.idx.msk [tilespmem:v1+s3+$0x0], $0xffff  }
0x2a: {  	v8 =	vor.u32 $0x1, v9;
	s17 =	simm.s32 $0x1;
	v3 =	vld.idx.msk [tilespmem:v3+s3+$0x0], $0xffff  }
0x2b: {  	v10 =	vor.u32 $0x1, v7;
	s17 =	simm.s32 @!p0 $0x0;
	v4 =	vld.idx.msk [tilespmem:v4+s3+$0x0], $0xffff  }
0x2c: {  	v11 =	vor.u32 $0x1, v6;
	s17 =	sshll.u32 s17, $0xE  }
0x2d: {  	s17 =	sadd.s32 $0x4900, s17;
	v5 =	vld.idx.msk [tilespmem:v5+s3+$0x0], $0xffff  }
0x2e: {  	v12 =	vor.u32 $0x1, v2;
	[tilespmem:s17+$0x80] =	vst v1  }
0x2f: {  	[tilespmem:s17+$0xFFFFFF00] =	vst v3;
	v1 =	vld.idx.msk [tilespmem:v8+s16+$0x0], $0xffff  }
0x30: {  	v3 =	vld.idx.msk [tilespmem:v10+s16+$0x0], $0xffff;
	[tilespmem:s17+$0xFFFFFF80] =	vst v4  }
0x31: {  	v4 =	vld.idx.msk [tilespmem:v11+s16+$0x0], $0xffff  }
0x32: {  	[tilespmem:s17+$0x0] =	vst v5  }
0x33: {  	v5 =	vld.idx.msk [tilespmem:v12+s16+$0x0], $0xffff  }
0x34: {  	v1 =	vshll.u32 v1, $0x4  }
0x35: {  	v3 =	vshll.u32 v3, $0x4;
	v1 =	vor.u32 v0, v1  }
0x36: {  	v3 =	vor.u32 v0, v3;
	v4 =	vshll.u32 v4, $0x4  }
0x37: {  	v4 =	vor.u32 v0, v4  }
0x38: {  	v5 =	vshll.u32 v5, $0x4  }
0x39: {  	v5 =	vor.u32 v0, v5  }
0x3a: {  	v1 =	vld.idx.msk [tilespmem:v1+s3+$0x0], $0xffff  }
0x3b: {  	v8 =	vor.u32 $0x2, v9;
	v3 =	vld.idx.msk [tilespmem:v3+s3+$0x0], $0xffff  }
0x3c: {  	v10 =	vor.u32 $0x2, v7;
	v4 =	vld.idx.msk [tilespmem:v4+s3+$0x0], $0xffff  }
0x3d: {  	v11 =	vor.u32 $0x2, v6  }
0x3e: {  	v5 =	vld.idx.msk [tilespmem:v5+s3+$0x0], $0xffff  }
0x3f: {  	v12 =	vor.u32 $0x2, v2;
	[tilespmem:s17+$0x90] =	vst v1  }
0x40: {  	[tilespmem:s17+$0xFFFFFF10] =	vst v3;
	v1 =	vld.idx.msk [tilespmem:v8+s16+$0x0], $0xffff  }
0x41: {  	v3 =	vld.idx.msk [tilespmem:v10+s16+$0x0], $0xffff;
	[tilespmem:s17+$0xFFFFFF90] =	vst v4  }
0x42: {  	v4 =	vld.idx.msk [tilespmem:v11+s16+$0x0], $0xffff  }
0x43: {  	[tilespmem:s17+$0x10] =	vst v5  }
0x44: {  	v5 =	vld.idx.msk [tilespmem:v12+s16+$0x0], $0xffff  }
0x45: {  	v1 =	vshll.u32 v1, $0x4  }
0x46: {  	v3 =	vshll.u32 v3, $0x4;
	v1 =	vor.u32 v0, v1  }
0x47: {  	v3 =	vor.u32 v0, v3;
	v4 =	vshll.u32 v4, $0x4  }
0x48: {  	v4 =	vor.u32 v0, v4  }
0x49: {  	v5 =	vshll.u32 v5, $0x4  }
0x4a: {  	v5 =	vor.u32 v0, v5  }
0x4b: {  	v1 =	vld.idx.msk [tilespmem:v1+s3+$0x0], $0xffff  }
0x4c: {  	s25 =	simm.s32 $0x20;
	s21 =	simm.s32 $0x20;
	v8 =	vor.u32 $0x3, v9;
	v3 =	vld.idx.msk [tilespmem:v3+s3+$0x0], $0xffff  }
0x4d: {  	s21 =	sand.u32 $0x60, s21;
	s18 =	sand.u32 $0xFFFFFF80, s25;
	v10 =	vor.u32 $0x3, v7;
	v4 =	vld.idx.msk [tilespmem:v4+s3+$0x0], $0xffff  }
0x4e: {  	s26 =	simm.s32 $0x38;
	s21 =	sor.u32 s21, s18;
	v11 =	vor.u32 $0x3, v6  }
0x4f: {  	s19 =	sand.u32 $0x78, s26;
	v12 =	vld.idx.msk [tilespmem:v5+s3+$0x0], $0xffff;
	v5 =	vmov s21  }
0x50: {  	s22 =	simm.s32 $0x28;
	s19 =	sor.u32 s18, s19;
	v13 =	vor.u32 $0x3, v2;
	[tilespmem:s17+$0xA0] =	vst v1  }
0x51: {  	s22 =	sand.u32 $0x68, s22;
	[tilespmem:s17+$0xFFFFFF20] =	vst v3;
	v1 =	vld.idx.msk [tilespmem:v8+s16+$0x0], $0xffff;
	v8 =	vmov s19  }
0x52: {  	s28 =	simm.s32 $0x30;
	s22 =	sor.u32 s18, s22;
	v10 =	vld.idx.msk [tilespmem:v10+s16+$0x0], $0xffff;
	[tilespmem:s17+$0xFFFFFFA0] =	vst v4  }
0x53: {  	v3 =	vmov s22;
	s19 =	sand.u32 $0x70, s28;
	v11 =	vld.idx.msk [tilespmem:v11+s16+$0x0], $0xffff  }
0x54: {  	s18 =	sor.u32 s18, s19;
	[tilespmem:s17+$0x20] =	vst v12;
	v14 =	vld.idx.msk [tilespmem:v5+s16+$0x0], $0xffff  }
0x55: {  	v4 =	vmov s18;
	v12 =	vld.idx.msk [tilespmem:v13+s16+$0x0], $0xffff  }
0x56: {  	v1 =	vshll.u32 v1, $0x4;
	v13 =	vld.idx.msk [tilespmem:v8+s16+$0x0], $0xffff  }
0x57: {  	v10 =	vshll.u32 v10, $0x4;
	v1 =	vor.u32 v0, v1  }
0x58: {  	v15 =	vld.idx.msk [tilespmem:v3+s16+$0x0], $0xffff;
	v10 =	vor.u32 v0, v10;
	v11 =	vshll.u32 v11, $0x4  }
0x59: {  	v14 =	vshll.u32 v14, $0x4;
	v11 =	vor.u32 v0, v11  }
0x5a: {  	v16 =	vld.idx.msk [tilespmem:v4+s16+$0x0], $0xffff;
	v12 =	vshll.u32 v12, $0x4;
	v14 =	vor.u32 v0, v14  }
0x5b: {  	v12 =	vor.u32 v0, v12;
	v13 =	vshll.u32 v13, $0x4  }
0x5c: {  	v1 =	vld.idx.msk [tilespmem:v1+s3+$0x0], $0xffff;
	v13 =	vor.u32 v0, v13  }
0x5d: {  	v17 =	vor.u32 $0x4, v9;
	v15 =	vshll.u32 v15, $0x4;
	v10 =	vld.idx.msk [tilespmem:v10+s3+$0x0], $0xffff  }
0x5e: {  	v15 =	vor.u32 v0, v15;
	v11 =	vld.idx.msk [tilespmem:v11+s3+$0x0], $0xffff  }
0x5f: {  	v18 =	vor.u32 $0x4, v7;
	v16 =	vshll.u32 v16, $0x4;
	v14 =	vld.idx.msk [tilespmem:v14+s3+$0x0], $0xffff  }
0x60: {  	v12 =	vld.idx.msk [tilespmem:v12+s3+$0x0], $0xffff;
	v16 =	vor.u32 v0, v16  }
0x61: {  	v19 =	vor.u32 $0x4, v6;
	v13 =	vld.idx.msk [tilespmem:v13+s3+$0x0], $0xffff;
	[tilespmem:s17+$0xB0] =	vst v1  }
0x62: {  	v1 =	vld.idx.msk [tilespmem:v17+s16+$0x0], $0xffff;
	v17 =	vor.u32 $0x1, v8  }
0x63: {  	v20 =	vor.u32 $0x1, v5;
	v15 =	vld.idx.msk [tilespmem:v15+s3+$0x0], $0xffff;
	[tilespmem:s17+$0xFFFFFF30] =	vst v10  }
0x64: {  	s18 =	sadd.s32 $0x200, s17;
	v18 =	vld.idx.msk [tilespmem:v18+s16+$0x0], $0xffff;
	[tilespmem:s17+$0xFFFFFFB0] =	vst v11  }
0x65: {  	v21 =	vor.u32 $0x1, v3;
	[tilespmem:s18+$0xFFFFFF00] =	vst v14;
	v10 =	vld.idx.msk [tilespmem:v16+s3+$0x0], $0xffff  }
0x66: {  	v16 =	vor.u32 $0x1, v4;
	v14 =	vld.idx.msk [tilespmem:v19+s16+$0x0], $0xffff;
	[tilespmem:s18+$0x80] =	vst v13  }
0x67: {  	v13 =	vor.u32 $0x4, v2;
	v11 =	vld.idx.msk [tilespmem:v17+s16+$0x0], $0xffff;
	v1 =	vshll.u32 v1, $0x4  }
0x68: {  	[tilespmem:s17+$0x30] =	vst v12;
	v17 =	vld.idx.msk [tilespmem:v20+s16+$0x0], $0xffff;
	v1 =	vor.u32 v0, v1  }
0x69: {  	[tilespmem:s18+$0xFFFFFF80] =	vst v15  }
0x6a: {  	v15 =	vld.idx.msk [tilespmem:v21+s16+$0x0], $0xffff;
	v12 =	vshll.u32 v18, $0x4;
	[tilespmem:s18+$0x0] =	vst v10  }
0x6b: {  	v12 =	vor.u32 v0, v12;
	v14 =	vshll.u32 v14, $0x4;
	v10 =	vld.idx.msk [tilespmem:v16+s16+$0x0], $0xffff  }
0x6c: {  	v14 =	vor.u32 v0, v14;
	v13 =	vld.idx.msk [tilespmem:v13+s16+$0x0], $0xffff;
	v11 =	vshll.u32 v11, $0x4  }
0x6d: {  	v16 =	vshll.u32 v17, $0x4;
	v1 =	vld.idx.msk [tilespmem:v1+s3+$0x0], $0xffff;
	v11 =	vor.u32 v0, v11  }
0x6e: {  	v16 =	vor.u32 v0, v16  }
0x6f: {  	v15 =	vshll.u32 v15, $0x4;
	v17 =	vor.u32 $0x5, v9  }
0x70: {  	v15 =	vor.u32 v0, v15;
	v12 =	vld.idx.msk [tilespmem:v12+s3+$0x0], $0xffff;
	v10 =	vshll.u32 v10, $0x4  }
0x71: {  	v14 =	vld.idx.msk [tilespmem:v14+s3+$0x0], $0xffff;
	v10 =	vor.u32 v0, v10;
	v13 =	vshll.u32 v13, $0x4  }
0x72: {  	v11 =	vld.idx.msk [tilespmem:v11+s3+$0x0], $0xffff;
	[tilespmem:s17+$0xC0] =	vst v1;
	v1 =	vor.u32 v0, v13  }
0x73: {  	v18 =	vor.u32 $0x5, v7;
	v16 =	vld.idx.msk [tilespmem:v16+s3+$0x0], $0xffff  }
0x74: {  	v13 =	vld.idx.msk [tilespmem:v17+s16+$0x0], $0xffff;
	v17 =	vor.u32 $0x2, v8  }
0x75: {  	v19 =	vor.u32 $0x2, v5;
	v15 =	vld.idx.msk [tilespmem:v15+s3+$0x0], $0xffff  }
0x76: {  	[tilespmem:s17+$0xFFFFFF40] =	vst v12;
	v10 =	vld.idx.msk [tilespmem:v10+s3+$0x0], $0xffff  }
0x77: {  	v20 =	vor.u32 $0x2, v3;
	[tilespmem:s18+$0x90] =	vst v11;
	v1 =	vld.idx.msk [tilespmem:v1+s3+$0x0], $0xffff  }
0x78: {  	v21 =	vor.u32 $0x2, v4;
	[tilespmem:s18+$0xFFFFFF10] =	vst v16;
	v16 =	vld.idx.msk [tilespmem:v18+s16+$0x0], $0xffff  }
0x79: {  	v11 =	vor.u32 $0x5, v6;
	v12 =	vld.idx.msk [tilespmem:v17+s16+$0x0], $0xffff  }
0x7a: {  	v13 =	vshll.u32 v13, $0x4;
	v17 =	vld.idx.msk [tilespmem:v19+s16+$0x0], $0xffff  }
0x7b: {  	[tilespmem:s18+$0xFFFFFF90] =	vst v15;
	v13 =	vor.u32 v0, v13  }
0x7c: {  	v15 =	vor.u32 $0x5, v2;
	v18 =	vld.idx.msk [tilespmem:v20+s16+$0x0], $0xffff;
	[tilespmem:s18+$0x10] =	vst v10  }
0x7d: {  	[tilespmem:s17+$0xFFFFFFC0] =	vst v14;
	v10 =	vld.idx.msk [tilespmem:v21+s16+$0x0], $0xffff;
	v16 =	vshll.u32 v16, $0x4  }
0x7e: {  	v11 =	vld.idx.msk [tilespmem:v11+s16+$0x0], $0xffff;
	v12 =	vshll.u32 v12, $0x4;
	v16 =	vor.u32 v0, v16  }
0x7f: {  	[tilespmem:s17+$0x40] =	vst v1;
	v1 =	vshll.u32 v17, $0x4;
	v12 =	vor.u32 v0, v12  }
0x80: {  	v13 =	vld.idx.msk [tilespmem:v13+s3+$0x0], $0xffff;
	v1 =	vor.u32 v0, v1  }
0x81: {  	v14 =	vor.u32 $0x6, v9;
	v15 =	vld.idx.msk [tilespmem:v15+s16+$0x0], $0xffff;
	v17 =	vshll.u32 v18, $0x4  }
0x82: {  	v17 =	vor.u32 v0, v17;
	v10 =	vshll.u32 v10, $0x4  }
0x83: {  	v10 =	vor.u32 v0, v10;
	v11 =	vshll.u32 v11, $0x4;
	v16 =	vld.idx.msk [tilespmem:v16+s3+$0x0], $0xffff  }
0x84: {  	v11 =	vor.u32 v0, v11;
	v12 =	vld.idx.msk [tilespmem:v12+s3+$0x0], $0xffff  }
0x85: {  	v21 =	vor.u32 $0x6, v7;
	[tilespmem:s17+$0xD0] =	vst v13;
	v1 =	vld.idx.msk [tilespmem:v1+s3+$0x0], $0xffff  }
0x86: {  	v13 =	vld.idx.msk [tilespmem:v14+s16+$0x0], $0xffff;
	v14 =	vshll.u32 v15, $0x4;
	v15 =	vor.u32 $0x3, v8  }
0x87: {  	s29 =	simm.s32 $0x40;
	s30 =	simm.s32 $0x58;
	v18 =	vor.u32 $0x3, v5;
	v17 =	vld.idx.msk [tilespmem:v17+s3+$0x0], $0xffff  }
0x88: {  	s31 =	simm.s32 $0x48;
	s23 =	simm.s32 $0x40;
	s24 =	simm.s32 $0x50;
	v19 =	vor.u32 $0x3, v3;
	v10 =	vld.idx.msk [tilespmem:v10+s3+$0x0], $0xffff  }
0x89: {  	s23 =	sand.u32 $0x60, s23;
	s21 =	sand.u32 $0x78, s30;
	s19 =	sand.u32 $0xFFFFFF80, s29;
	v14 =	vor.u32 v0, v14;
	v11 =	vld.idx.msk [tilespmem:v11+s3+$0x0], $0xffff;
	[tilespmem:s17+$0xFFFFFF50] =	vst v16  }
0x8a: {  	s24 =	sand.u32 $0x70, s24;
	s22 =	sand.u32 $0x68, s31;
	s21 =	sor.u32 s19, s21;
	v20 =	vor.u32 $0x3, v4;
	[tilespmem:s18+$0xA0] =	vst v12;
	v16 =	vld.idx.msk [tilespmem:v21+s16+$0x0], $0xffff  }
0x8b: {  	s22 =	sor.u32 s19, s22;
	s23 =	sor.u32 s23, s19;
	s19 =	sor.u32 s19, s24;
	[tilespmem:s18+$0xFFFFFF20] =	vst v1;
	v1 =	vmov s21;
	v15 =	vld.idx.msk [tilespmem:v15+s16+$0x0], $0xffff  }
0x8c: {  	[tilespmem:s18+$0xFFFFFFA0] =	vst v17;
	v12 =	vshll.u32 v13, $0x4;
	v18 =	vld.idx.msk [tilespmem:v18+s16+$0x0], $0xffff;
	v13 =	vmov s19  }
0x8d: {  	v17 =	vld.idx.msk [tilespmem:v19+s16+$0x0], $0xffff;
	v19 =	vor.u32 $0x6, v6  }
0x8e: {  	v22 =	vld.idx.msk [tilespmem:v14+s3+$0x0], $0xffff;
	v23 =	vor.u32 v0, v12;
	[tilespmem:s18+$0x20] =	vst v10  }
0x8f: {  	v12 =	vmov s22;
	v10 =	vld.idx.msk [tilespmem:v20+s16+$0x0], $0xffff  }
0x90: {  	v14 =	vmov s23;
	v21 =	vld.idx.msk [tilespmem:v1+s16+$0x0], $0xffff  }
0x91: {  	v25 =	vor.u32 $0x6, v2;
	[tilespmem:s17+$0xFFFFFFD0] =	vst v11;
	v16 =	vshll.u32 v16, $0x4;
	v11 =	vld.idx.msk [tilespmem:v13+s16+$0x0], $0xffff  }
0x92: {  	v15 =	vshll.u32 v15, $0x4;
	v19 =	vld.idx.msk [tilespmem:v19+s16+$0x0], $0xffff;
	v16 =	vor.u32 v0, v16  }
0x93: {  	v20 =	vld.idx.msk [tilespmem:v23+s3+$0x0], $0xffff;
	v15 =	vor.u32 v0, v15  }
0x94: {  	v9 =	vor.u32 $0x7, v9;
	v18 =	vshll.u32 v18, $0x4;
	v23 =	vld.idx.msk [tilespmem:v12+s16+$0x0], $0xffff  }
0x95: {  	v17 =	vshll.u32 v17, $0x4;
	v24 =	vld.idx.msk [tilespmem:v14+s16+$0x0], $0xffff;
	v18 =	vor.u32 v0, v18;
	[tilespmem:s17+$0x50] =	vst v22  }
0x96: {  	v17 =	vor.u32 v0, v17;
	v10 =	vshll.u32 v10, $0x4;
	v25 =	vld.idx.msk [tilespmem:v25+s16+$0x0], $0xffff  }
0x97: {  	v10 =	vor.u32 v0, v10;
	v11 =	vshll.u32 v11, $0x4;
	v16 =	vld.idx.msk [tilespmem:v16+s3+$0x0], $0xffff  }
0x98: {  	v15 =	vld.idx.msk [tilespmem:v15+s3+$0x0], $0xffff;
	[tilespmem:s17+$0xE0] =	vst v20;
	v20 =	vshll.u32 v21, $0x4;
	v11 =	vor.u32 v0, v11  }
0x99: {  	v9 =	vld.idx.msk [tilespmem:v9+s16+$0x0], $0xffff;
	v20 =	vor.u32 v0, v20  }
0x9a: {  	v18 =	vld.idx.msk [tilespmem:v18+s3+$0x0], $0xffff;
	v21 =	vshll.u32 v24, $0x4;
	v24 =	vor.u32 $0x4, v8  }
0x9b: {  	v23 =	vshll.u32 v23, $0x4;
	v17 =	vld.idx.msk [tilespmem:v17+s3+$0x0], $0xffff;
	v21 =	vor.u32 v0, v21  }
0x9c: {  	v22 =	vor.u32 v0, v23;
	v10 =	vld.idx.msk [tilespmem:v10+s3+$0x0], $0xffff  }
0x9d: {  	v23 =	vor.u32 $0x4, v5;
	v11 =	vld.idx.msk [tilespmem:v11+s3+$0x0], $0xffff  }
0x9e: {  	v29 =	vor.u32 $0x1, v13;
	[tilespmem:s18+$0xB0] =	vst v15;
	v20 =	vld.idx.msk [tilespmem:v20+s3+$0x0], $0xffff;
	v9 =	vshll.u32 v9, $0x4  }
0x9f: {  	v15 =	vld.idx.msk [tilespmem:v24+s16+$0x0], $0xffff;
	v9 =	vor.u32 v0, v9  }
0xa0: {  	v19 =	vshll.u32 v19, $0x4;
	v21 =	vld.idx.msk [tilespmem:v21+s3+$0x0], $0xffff;
	v24 =	vor.u32 $0x1, v1  }
0xa1: {  	s19 =	sadd.s32 $0x200, s18;
	v19 =	vor.u32 v0, v19;
	[tilespmem:s18+$0xFFFFFF30] =	vst v18;
	v22 =	vld.idx.msk [tilespmem:v22+s3+$0x0], $0xffff  }
0xa2: {  	v27 =	vor.u32 $0x1, v14;
	v28 =	vld.idx.msk [tilespmem:v23+s16+$0x0], $0xffff;
	[tilespmem:s19+$0x0] =	vst v11  }
0xa3: {  	v18 =	vor.u32 $0x1, v12;
	v11 =	vld.idx.msk [tilespmem:v29+s16+$0x0], $0xffff  }
0xa4: {  	v26 =	vor.u32 $0x4, v3;
	[tilespmem:s19+$0x80] =	vst v20;
	v23 =	vld.idx.msk [tilespmem:v9+s3+$0x0], $0xffff  }
0xa5: {  	[tilespmem:s18+$0xFFFFFFB0] =	vst v17;
	v15 =	vshll.u32 v15, $0x4;
	v9 =	vor.u32 $0x4, v4;
	v17 =	vld.idx.msk [tilespmem:v24+s16+$0x0], $0xffff  }
0xa6: {  	v19 =	vld.idx.msk [tilespmem:v19+s3+$0x0], $0xffff;
	[tilespmem:s19+$0xFFFFFF00] =	vst v21;
	v15 =	vor.u32 v0, v15  }
0xa7: {  	v7 =	vor.u32 $0x7, v7;
	[tilespmem:s19+$0xFFFFFF80] =	vst v22;
	v22 =	vshll.u32 v25, $0x4;
	v21 =	vld.idx.msk [tilespmem:v27+s16+$0x0], $0xffff  }
0xa8: {  	[tilespmem:s18+$0x30] =	vst v10;
	v18 =	vld.idx.msk [tilespmem:v18+s16+$0x0], $0xffff;
	v10 =	vor.u32 v0, v22;
	v22 =	vshll.u32 v28, $0x4  }
0xa9: {  	v20 =	vld.idx.msk [tilespmem:v26+s16+$0x0], $0xffff;
	v22 =	vor.u32 v0, v22;
	v11 =	vshll.u32 v11, $0x4  }
0xaa: {  	v9 =	vld.idx.msk [tilespmem:v9+s16+$0x0], $0xffff;
	v17 =	vshll.u32 v17, $0x4;
	v11 =	vor.u32 v0, v11  }
0xab: {  	[tilespmem:s17+$0xFFFFFF60] =	vst v16;
	v15 =	vld.idx.msk [tilespmem:v15+s3+$0x0], $0xffff;
	v17 =	vor.u32 v0, v17  }
0xac: {  	[tilespmem:s17+$0xFFFFFFE0] =	vst v19;
	v19 =	vld.idx.msk [tilespmem:v7+s16+$0x0], $0xffff;
	v24 =	vor.u32 $0x5, v8;
	v21 =	vshll.u32 v21, $0x4  }
0xad: {  	v18 =	vshll.u32 v18, $0x4;
	v10 =	vld.idx.msk [tilespmem:v10+s3+$0x0], $0xffff;
	v21 =	vor.u32 v0, v21  }
0xae: {  	v20 =	vshll.u32 v20, $0x4;
	v18 =	vor.u32 v0, v18;
	v22 =	vld.idx.msk [tilespmem:v22+s3+$0x0], $0xffff  }
0xaf: {  	v20 =	vor.u32 v0, v20;
	v9 =	vshll.u32 v9, $0x4;
	v11 =	vld.idx.msk [tilespmem:v11+s3+$0x0], $0xffff  }
0xb0: {  	[tilespmem:s18+$0xC0] =	vst v15;
	v17 =	vld.idx.msk [tilespmem:v17+s3+$0x0], $0xffff;
	v9 =	vor.u32 v0, v9  }
0xb1: {  	v15 =	vld.idx.msk [tilespmem:v24+s16+$0x0], $0xffff;
	v24 =	vor.u32 $0x2, v1  }
0xb2: {  	v25 =	vor.u32 $0x5, v5;
	v21 =	vld.idx.msk [tilespmem:v21+s3+$0x0], $0xffff  }
0xb3: {  	v26 =	vor.u32 $0x2, v14;
	v18 =	vld.idx.msk [tilespmem:v18+s3+$0x0], $0xffff  }
0xb4: {  	v27 =	vor.u32 $0x2, v12;
	v20 =	vld.idx.msk [tilespmem:v20+s3+$0x0], $0xffff  }
0xb5: {  	v28 =	vor.u32 $0x2, v13;
	[tilespmem:s19+$0x90] =	vst v17;
	v9 =	vld.idx.msk [tilespmem:v9+s3+$0x0], $0xffff  }
0xb6: {  	s25 =	simm.s32 $0x60;
	s26 =	simm.s32 $0x78;
	s22 =	simm.s32 $0x60;
	[tilespmem:s18+$0xFFFFFF40] =	vst v22;
	v17 =	vor.u32 $0x5, v3;
	v15 =	vshll.u32 v15, $0x4;
	v22 =	vld.idx.msk [tilespmem:v24+s16+$0x0], $0xffff  }
0xb7: {  	s29 =	sand.u32 $0x78, s26;
	s21 =	sand.u32 $0xFFFFFF80, s25;
	s26 =	sand.u32 $0x60, s22;
	[tilespmem:s19+$0xFFFFFF10] =	vst v21;
	v21 =	vld.idx.msk [tilespmem:v25+s16+$0x0], $0xffff;
	v15 =	vor.u32 v0, v15  }
0xb8: {  	s31 =	sor.u32 s26, s21;
	[tilespmem:s19+$0xFFFFFF90] =	vst v18;
	v24 =	vor.u32 $0x5, v4;
	v25 =	vld.idx.msk [tilespmem:v26+s16+$0x0], $0xffff  }
0xb9: {  	[tilespmem:s19+$0x10] =	vst v11;
	v18 =	vld.idx.msk [tilespmem:v27+s16+$0x0], $0xffff;
	v26 =	vmov s31  }
0xba: {  	v6 =	vor.u32 $0x7, v6;
	[tilespmem:s18+$0xFFFFFFC0] =	vst v20;
	v11 =	vld.idx.msk [tilespmem:v28+s16+$0x0], $0xffff  }
0xbb: {  	v2 =	vor.u32 $0x7, v2;
	v17 =	vld.idx.msk [tilespmem:v17+s16+$0x0], $0xffff;
	v20 =	vshll.u32 v22, $0x4  }
0xbc: {  	[tilespmem:s18+$0x40] =	vst v9;
	v15 =	vld.idx.msk [tilespmem:v15+s3+$0x0], $0xffff;
	v20 =	vor.u32 v0, v20  }
0xbd: {  	v16 =	vld.idx.msk [tilespmem:v24+s16+$0x0], $0xffff;
	v9 =	vshll.u32 v25, $0x4;
	v22 =	vor.u32 $0x6, v8  }
0xbe: {  	v18 =	vshll.u32 v18, $0x4;
	v28 =	vld.idx.msk [tilespmem:v26+s16+$0x0], $0xffff;
	v7 =	vor.u32 v0, v9  }
0xbf: {  	[tilespmem:s17+$0x60] =	vst v10;
	v11 =	vshll.u32 v11, $0x4;
	v9 =	vld.idx.msk [tilespmem:v6+s16+$0x0], $0xffff;
	v10 =	vor.u32 v0, v18  }
0xc0: {  	v18 =	vshll.u32 v21, $0x4;
	v6 =	vld.idx.msk [tilespmem:v2+s16+$0x0], $0xffff;
	v2 =	vor.u32 v0, v11  }
0xc1: {  	v11 =	vor.u32 v0, v18;
	v17 =	vshll.u32 v17, $0x4;
	[tilespmem:s18+$0xD0] =	vst v15;
	v18 =	vld.idx.msk [tilespmem:v20+s3+$0x0], $0xffff  }
0xc2: {  	v15 =	vor.u32 v0, v17;
	v16 =	vshll.u32 v16, $0x4;
	v17 =	vld.idx.msk [tilespmem:v22+s16+$0x0], $0xffff  }
0xc3: {  	v7 =	vld.idx.msk [tilespmem:v7+s3+$0x0], $0xffff;
	v16 =	vor.u32 v0, v16  }
0xc4: {  	v20 =	vor.u32 $0x3, v1;
	v10 =	vld.idx.msk [tilespmem:v10+s3+$0x0], $0xffff  }
0xc5: {  	v21 =	vor.u32 $0x3, v14;
	v22 =	vld.idx.msk [tilespmem:v2+s3+$0x0], $0xffff  }
0xc6: {  	v24 =	vor.u32 $0x3, v12;
	v11 =	vld.idx.msk [tilespmem:v11+s3+$0x0], $0xffff  }
0xc7: {  	s28 =	simm.s32 $0x68;
	v25 =	vor.u32 $0x3, v13;
	v9 =	vshll.u32 v9, $0x4;
	v15 =	vld.idx.msk [tilespmem:v15+s3+$0x0], $0xffff  }
0xc8: {  	s23 =	sand.u32 $0x68, s28;
	v9 =	vor.u32 v0, v9;
	[tilespmem:s19+$0xA0] =	vst v18;
	v16 =	vld.idx.msk [tilespmem:v16+s3+$0x0], $0xffff  }
0xc9: {  	s23 =	sor.u32 s21, s23;
	v18 =	vor.u32 $0x6, v5;
	[tilespmem:s19+$0xFFFFFF20] =	vst v7;
	v20 =	vld.idx.msk [tilespmem:v20+s16+$0x0], $0xffff  }
0xca: {  	s25 =	simm.s32 $0x70;
	v2 =	vshll.u32 v17, $0x4;
	[tilespmem:s19+$0xFFFFFFA0] =	vst v10;
	v7 =	vmov s23;
	v21 =	vld.idx.msk [tilespmem:v21+s16+$0x0], $0xffff  }
0xcb: {  	s24 =	sor.u32 s21, s29;
	s30 =	sand.u32 $0x70, s25;
	[tilespmem:s19+$0x20] =	vst v22;
	v17 =	vor.u32 v0, v2;
	v10 =	vld.idx.msk [tilespmem:v24+s16+$0x0], $0xffff  }
0xcc: {  	s21 =	sor.u32 s21, s30;
	v2 =	vmov s24;
	v22 =	vld.idx.msk [tilespmem:v25+s16+$0x0], $0xffff  }
0xcd: {  	[tilespmem:s18+$0xFFFFFF50] =	vst v11;
	v25 =	vmov s21;
	v35 =	vld.idx.msk [tilespmem:v9+s3+$0x0], $0xffff  }
0xce: {  	v11 =	vld.idx.msk [tilespmem:v18+s16+$0x0], $0xffff;
	v18 =	vor.u32 $0x6, v3  }
0xcf: {  	v29 =	vor.u32 $0x6, v4;
	v27 =	vld.idx.msk [tilespmem:v7+s16+$0x0], $0xffff;
	v20 =	vshll.u32 v20, $0x4  }
0xd0: {  	v17 =	vld.idx.msk [tilespmem:v17+s3+$0x0], $0xffff;
	v20 =	vor.u32 v0, v20  }
0xd1: {  	v8 =	vor.u32 $0x7, v8;
	v24 =	vld.idx.msk [tilespmem:v2+s16+$0x0], $0xffff;
	v21 =	vshll.u32 v21, $0x4  }
0xd2: {  	[tilespmem:s18+$0xFFFFFFD0] =	vst v15;
	v10 =	vshll.u32 v10, $0x4;
	v15 =	vld.idx.msk [tilespmem:v25+s16+$0x0], $0xffff;
	v21 =	vor.u32 v0, v21  }
0xd3: {  	[tilespmem:s18+$0x50] =	vst v16;
	v22 =	vshll.u32 v22, $0x4;
	v10 =	vor.u32 v0, v10;
	v18 =	vld.idx.msk [tilespmem:v18+s16+$0x0], $0xffff  }
0xd4: {  	v19 =	vshll.u32 v19, $0x4;
	v22 =	vor.u32 v0, v22;
	v16 =	vshll.u32 v27, $0x4;
	v27 =	vld.idx.msk [tilespmem:v29+s16+$0x0], $0xffff  }
0xd5: {  	[tilespmem:s18+$0xE0] =	vst v17;
	v17 =	vor.u32 v0, v19;
	v20 =	vld.idx.msk [tilespmem:v20+s3+$0x0], $0xffff  }
0xd6: {  	v19 =	vshll.u32 v24, $0x4;
	v16 =	vor.u32 v0, v16;
	v8 =	vld.idx.msk [tilespmem:v8+s16+$0x0], $0xffff  }
0xd7: {  	v24 =	vshll.u32 v28, $0x4;
	v19 =	vor.u32 v0, v19;
	v21 =	vld.idx.msk [tilespmem:v21+s3+$0x0], $0xffff  }
0xd8: {  	v15 =	vshll.u32 v15, $0x4;
	v10 =	vld.idx.msk [tilespmem:v10+s3+$0x0], $0xffff;
	v24 =	vor.u32 v0, v24  }
0xd9: {  	v22 =	vld.idx.msk [tilespmem:v22+s3+$0x0], $0xffff;
	v15 =	vor.u32 v0, v15  }
0xda: {  	v30 =	vor.u32 $0x4, v1;
	v28 =	vld.idx.msk [tilespmem:v17+s3+$0x0], $0xffff  }
0xdb: {  	v11 =	vshll.u32 v11, $0x4;
	v17 =	vor.u32 $0x4, v14;
	v16 =	vld.idx.msk [tilespmem:v16+s3+$0x0], $0xffff  }
0xdc: {  	v11 =	vor.u32 v0, v11;
	v19 =	vld.idx.msk [tilespmem:v19+s3+$0x0], $0xffff  }
0xdd: {  	v8 =	vshll.u32 v8, $0x4;
	v24 =	vld.idx.msk [tilespmem:v24+s3+$0x0], $0xffff;
	[tilespmem:s19+$0xFFFFFF30] =	vst v21;
	v21 =	vor.u32 $0x1, v7  }
0xde: {  	[tilespmem:s19+$0xB0] =	vst v20;
	v15 =	vld.idx.msk [tilespmem:v15+s3+$0x0], $0xffff;
	v8 =	vor.u32 v0, v8  }
0xdf: {  	v20 =	vld.idx.msk [tilespmem:v30+s16+$0x0], $0xffff;
	v30 =	vor.u32 $0x1, v2  }
0xe0: {  	v31 =	vor.u32 $0x4, v12;
	s21 =	sadd.s32 $0x200, s19;
	v18 =	vshll.u32 v18, $0x4;
	v17 =	vld.idx.msk [tilespmem:v17+s16+$0x0], $0xffff  }
0xe1: {  	v32 =	vor.u32 $0x1, v26;
	[tilespmem:s21+$0xFFFFFF80] =	vst v16;
	v16 =	vor.u32 v0, v18;
	v18 =	vshll.u32 v27, $0x4;
	v27 =	vld.idx.msk [tilespmem:v11+s3+$0x0], $0xffff  }
0xe2: {  	v33 =	vor.u32 $0x1, v25;
	[tilespmem:s19+$0xFFFFFFB0] =	vst v10;
	v21 =	vld.idx.msk [tilespmem:v21+s16+$0x0], $0xffff  }
0xe3: {  	[tilespmem:s21+$0x80] =	vst v19;
	v29 =	vld.idx.msk [tilespmem:v8+s3+$0x0], $0xffff  }
0xe4: {  	[tilespmem:s21+$0x0] =	vst v15;
	v15 =	vor.u32 v0, v18;
	v10 =	vld.idx.msk [tilespmem:v30+s16+$0x0], $0xffff  }
0xe5: {  	[tilespmem:s21+$0xFFFFFF00] =	vst v24;
	v8 =	vor.u32 $0x4, v13;
	v19 =	vshll.u32 v20, $0x4;
	v20 =	vld.idx.msk [tilespmem:v31+s16+$0x0], $0xffff  }
0xe6: {  	v6 =	vshll.u32 v6, $0x4;
	v24 =	vld.idx.msk [tilespmem:v32+s16+$0x0], $0xffff;
	v19 =	vor.u32 v0, v19  }
0xe7: {  	v6 =	vor.u32 v0, v6;
	v18 =	vld.idx.msk [tilespmem:v33+s16+$0x0], $0xffff;
	v17 =	vshll.u32 v17, $0x4  }
0xe8: {  	v16 =	vld.idx.msk [tilespmem:v16+s3+$0x0], $0xffff;
	v17 =	vor.u32 v0, v17  }
0xe9: {  	v36 =	vor.u32 $0x7, v3;
	[tilespmem:s19+$0x30] =	vst v22;
	v21 =	vshll.u32 v21, $0x4;
	v30 =	vld.idx.msk [tilespmem:v15+s3+$0x0], $0xffff  }
0xea: {  	v8 =	vld.idx.msk [tilespmem:v8+s16+$0x0], $0xffff;
	v10 =	vshll.u32 v10, $0x4;
	v15 =	vor.u32 v0, v21  }
0xeb: {  	v19 =	vld.idx.msk [tilespmem:v19+s3+$0x0], $0xffff;
	v10 =	vor.u32 v0, v10  }
0xec: {  	v22 =	vor.u32 $0x5, v1;
	[tilespmem:s18+$0xFFFFFF60] =	vst v27;
	v27 =	vld.idx.msk [tilespmem:v6+s3+$0x0], $0xffff;
	v11 =	vshll.u32 v24, $0x4  }
0xed: {  	v18 =	vshll.u32 v18, $0x4;
	v11 =	vor.u32 v0, v11;
	[tilespmem:s18+$0xFFFFFFE0] =	vst v16;
	v17 =	vld.idx.msk [tilespmem:v17+s3+$0x0], $0xffff  }
0xee: {  	v20 =	vshll.u32 v20, $0x4;
	v18 =	vor.u32 v0, v18;
	v63 =	vld.idx.msk [tilespmem:v36+s16+$0x0], $0xffff  }
0xef: {  	v9 =	vor.u32 v0, v20;
	v8 =	vshll.u32 v8, $0x4;
	v15 =	vld.idx.msk [tilespmem:v15+s3+$0x0], $0xffff  }
0xf0: {  	v10 =	vld.idx.msk [tilespmem:v10+s3+$0x0], $0xffff;
	[tilespmem:s19+$0xC0] =	vst v19;
	v8 =	vor.u32 v0, v8  }
0xf1: {  	v20 =	vor.u32 $0x2, v2;
	v19 =	vld.idx.msk [tilespmem:v22+s16+$0x0], $0xffff  }
0xf2: {  	v21 =	vor.u32 $0x5, v14;
	v11 =	vld.idx.msk [tilespmem:v11+s3+$0x0], $0xffff  }
0xf3: {  	v18 =	vld.idx.msk [tilespmem:v18+s3+$0x0], $0xffff;
	v22 =	vor.u32 $0x2, v26  }
0xf4: {  	v24 =	vor.u32 $0x2, v7;
	v31 =	vld.idx.msk [tilespmem:v9+s3+$0x0], $0xffff  }
0xf5: {  	v58 =	vor.u32 $0x2, v25;
	[tilespmem:s21+$0x90] =	vst v10;
	v8 =	vld.idx.msk [tilespmem:v8+s3+$0x0], $0xffff  }
0xf6: {  	v59 =	vor.u32 $0x7, v5;
	v34 =	vor.u32 $0x5, v12;
	[tilespmem:s19+$0xFFFFFF40] =	vst v17;
	v17 =	vld.idx.msk [tilespmem:v20+s16+$0x0], $0xffff;
	v5 =	vshll.u32 v19, $0x4  }
0xf7: {  	v37 =	vor.u32 $0x7, v4;
	v62 =	vor.u32 $0x6, v1;
	v38 =	vld.idx.msk [tilespmem:v21+s16+$0x0], $0xffff;
	[tilespmem:s21+$0xFFFFFF10] =	vst v11;
	v19 =	vor.u32 v0, v5  }
0xf8: {  	v39 =	vor.u32 $0x5, v13;
	v4 =	vor.u32 $0x7, v12;
	v3 =	vor.u32 $0x7, v13;
	[tilespmem:s21+$0xFFFFFF90] =	vst v15;
	v40 =	vld.idx.msk [tilespmem:v22+s16+$0x0], $0xffff  }
0xf9: {  	v6 =	vor.u32 $0x7, v7;
	v16 =	vor.u32 $0x6, v26;
	v36 =	vor.u32 $0x3, v2;
	v41 =	vld.idx.msk [tilespmem:v24+s16+$0x0], $0xffff;
	[tilespmem:s21+$0x10] =	vst v18  }
0xfa: {  	v9 =	vor.u32 $0x6, v13;
	v13 =	vor.u32 $0x6, v7;
	v10 =	vor.u32 $0x6, v12;
	[tilespmem:s19+$0xFFFFFFC0] =	vst v31;
	v12 =	vld.idx.msk [tilespmem:v58+s16+$0x0], $0xffff  }
0xfb: {  	v21 =	vor.u32 $0x3, v25;
	v15 =	vor.u32 $0x5, v7;
	v60 =	vld.idx.msk [tilespmem:v34+s16+$0x0], $0xffff;
	[tilespmem:s19+$0x40] =	vst v8;
	v8 =	vshll.u32 v17, $0x4  }
0xfc: {  	v11 =	vor.u32 $0x6, v14;
	v24 =	vor.u32 $0x3, v26;
	v31 =	vld.idx.msk [tilespmem:v19+s3+$0x0], $0xffff;
	v61 =	vor.u32 v0, v8  }
0xfd: {  	v18 =	vor.u32 $0x4, v7;
	v20 =	vor.u32 $0x4, v26;
	v8 =	vshll.u32 v40, $0x4  }
0xfe: {  	v5 =	vor.u32 $0x7, v14;
	v39 =	vld.idx.msk [tilespmem:v39+s16+$0x0], $0xffff;
	v43 =	vor.u32 v0, v8;
	v8 =	vshll.u32 v41, $0x4  }
0xff: {  	v42 =	vld.idx.msk [tilespmem:v59+s16+$0x0], $0xffff;
	[tilespmem:s18+$0x60] =	vst v30;
	v14 =	vor.u32 $0x5, v26;
	v44 =	vor.u32 v0, v8;
	v8 =	vshll.u32 v12, $0x4  }
0x100: {  	[tilespmem:s17+$0xF0] =	vst v23;
	v37 =	vld.idx.msk [tilespmem:v37+s16+$0x0], $0xffff;
	v45 =	vor.u32 v0, v8;
	v8 =	vor.u32 $0x7, v26;
	v26 =	vshll.u32 v38, $0x4  }
0x101: {  	v22 =	vor.u32 $0x3, v7;
	v23 =	vshll.u32 v60, $0x4;
	v33 =	vld.idx.msk [tilespmem:v61+s3+$0x0], $0xffff;
	[tilespmem:s19+$0xD0] =	vst v31;
	v31 =	vor.u32 v0, v26  }
0x102: {  	v7 =	vor.u32 $0x7, v25;
	v17 =	vor.u32 $0x5, v25;
	v32 =	vor.u32 v0, v23;
	v30 =	vld.idx.msk [tilespmem:v62+s16+$0x0], $0xffff  }
0x103: {  	[tilespmem:s17+$0xFFFFFF70] =	vst v28;
	v19 =	vor.u32 $0x4, v25;
	v12 =	vor.u32 $0x6, v25;
	v23 =	vshll.u32 v39, $0x4;
	v34 =	vld.idx.msk [tilespmem:v43+s3+$0x0], $0xffff  }
0x104: {  	s20 =	sshll.u32 s20, $0xE;
	[tilespmem:s18+$0xF0] =	vst v29;
	v25 =	vshll.u32 v63, $0x4;
	v28 =	vor.u32 v0, v23;
	v23 =	vshll.u32 v42, $0x4;
	v29 =	vld.idx.msk [tilespmem:v44+s3+$0x0], $0xffff  }
0x105: {  	s14 =	sadd.s32 $0x1, s14;
	s20 =	sadd.s32 $0x4800, s20;
	s23 =	simm.s32 $0xC;
	[tilespmem:s17+$0xFFFFFFF0] =	vst v35;
	v26 =	vor.u32 v0, v23;
	v23 =	vor.u32 v0, v25;
	v25 =	vshll.u32 v37, $0x4;
	v35 =	vld.idx.msk [tilespmem:v45+s3+$0x0], $0xffff  }
.LBB2_3:
0x106: {  	s23 =	sadd.s32 $0x4, s23;
	s22 =	sadd.s32 $0x20, s22;
	v31 =	vld.idx.msk [tilespmem:v31+s3+$0x0], $0xffff;
	v25 =	vor.u32 v0, v25;
	[tilespmem:s17+$0x70] =	vst v27;
	s17 =	smov.u32 s18  }
0x107: {  	s18 =	sshll.u32 s23, $0x3;
	s24 =	sadd.s32 $0x8, s22;
	s25 =	sadd.s32 $0x18, s22;
	[tilespmem:s21+$0xA0] =	vst v33;
	v32 =	vld.idx.msk [tilespmem:v32+s3+$0x0], $0xffff  }
0x108: {  	s26 =	sadd.s32 $0x10, s22;
	v27 =	vshll.u32 v30, $0x4;
	s18 =	sand.u32 $0xFFFFFF80, s18;
	s25 =	sand.u32 $0x78, s25;
	v33 =	vld.idx.msk [tilespmem:v36+s16+$0x0], $0xffff  }
0x109: {  	s24 =	sand.u32 $0x68, s24;
	s26 =	sand.u32 $0x70, s26;
	s25 =	sor.u32 s18, s25;
	[tilespmem:s21+$0xFFFFFF20] =	vst v34;
	v30 =	vld.idx.msk [tilespmem:v28+s3+$0x0], $0xffff;
	v34 =	vor.u32 v0, v27  }
0x10a: {  	s28 =	sand.u32 $0x60, s22;
	s24 =	sor.u32 s18, s24;
	s26 =	sor.u32 s18, s26;
	v36 =	vmov s25;
	v37 =	vld.idx.msk [tilespmem:v24+s16+$0x0], $0xffff;
	[tilespmem:s21+$0xFFFFFFA0] =	vst v29  }
0x10b: {  	p2 =	slt.u32 s23, $0x7C;
	s25 =	sor.u32 s28, s18;
	v38 =	vmov s24;
	v39 =	vmov s26;
	s18 =	smov.u32 s19;
	v40 =	vld.idx.msk [tilespmem:v22+s16+$0x0], $0xffff;
	[tilespmem:s21+$0x20] =	vst v35  }
0x10c: {  	s19 =	smov.u32 s21;
	v35 =	vmov s25;
	v41 =	vor.u32 $0x1, v38;
	v42 =	vor.u32 $0x1, v39;
	v43 =	vld.idx.msk [tilespmem:v21+s16+$0x0], $0xffff;
	[tilespmem:s18+$0xFFFFFF50] =	vst v31  }
0x10d: {  	v27 =	vor.u32 $0x2, v38;
	v44 =	vor.u32 $0x1, v35;
	v28 =	vor.u32 $0x2, v35;
	v45 =	vld.idx.msk [tilespmem:v11+s16+$0x0], $0xffff;
	[tilespmem:s18+$0xFFFFFFD0] =	vst v32;
	v11 =	vmovc v16  }
0x10e: {  	v29 =	vor.u32 $0x2, v39;
	v24 =	vor.u32 $0x3, v35;
	v16 =	vshll.u32 v33, $0x4;
	v32 =	vld.idx.msk [tilespmem:v34+s3+$0x0], $0xffff  }
0x10f: {  	v22 =	vor.u32 $0x3, v38;
	v21 =	vor.u32 $0x3, v39;
	v46 =	vor.u32 v0, v16;
	v33 =	vld.idx.msk [tilespmem:v36+s16+$0x0], $0xffff;
	[tilespmem:s18+$0x50] =	vst v30  }
0x110: {  	v47 =	vor.u32 $0x4, v35;
	v16 =	vshll.u32 v37, $0x4;
	v37 =	vor.u32 $0x7, v1;
	v1 =	vmovc v2;
	v2 =	vmovc v36;
	v48 =	vld.idx.msk [tilespmem:v38+s16+$0x0], $0xffff  }
0x111: {  	v49 =	vor.u32 $0x4, v38;
	v50 =	vor.u32 v0, v16;
	v16 =	vshll.u32 v40, $0x4;
	v36 =	vld.idx.msk [tilespmem:v35+s16+$0x0], $0xffff  }
0x112: {  	v51 =	vor.u32 $0x4, v39;
	v52 =	vor.u32 v0, v16;
	v16 =	vshll.u32 v43, $0x4;
	v40 =	vld.idx.msk [tilespmem:v39+s16+$0x0], $0xffff  }
0x113: {  	v31 =	vor.u32 $0x5, v38;
	v34 =	vor.u32 $0x5, v35;
	v43 =	vor.u32 v0, v16;
	v53 =	vld.idx.msk [tilespmem:v10+s16+$0x0], $0xffff;
	v10 =	vmovc v13  }
0x114: {  	v30 =	vor.u32 $0x5, v39;
	v16 =	vor.u32 $0x6, v35;
	v13 =	vor.u32 $0x6, v38;
	v46 =	vld.idx.msk [tilespmem:v46+s3+$0x0], $0xffff;
	[tilespmem:s18+$0xE0] =	vst v32  }
0x115: {  	v54 =	vor.u32 $0x6, v39;
	v32 =	vshll.u32 v33, $0x4;
	v33 =	vshll.u32 v45, $0x4;
	v37 =	vld.idx.msk [tilespmem:v37+s16+$0x0], $0xffff  }
0x116: {  	v45 =	vshll.u32 v48, $0x4;
	v48 =	vor.u32 v0, v32;
	v55 =	vor.u32 v0, v33;
	v50 =	vld.idx.msk [tilespmem:v50+s3+$0x0], $0xffff  }
0x117: {  	v32 =	vshll.u32 v36, $0x4;
	v36 =	vor.u32 v0, v45;
	v45 =	vld.idx.msk [tilespmem:v52+s3+$0x0], $0xffff;
	v52 =	vor.u32 $0x4, v1  }
0x118: {  	v35 =	vor.u32 $0x7, v35;
	v56 =	vor.u32 v0, v32;
	v33 =	vshll.u32 v40, $0x4;
	v40 =	vld.idx.msk [tilespmem:v43+s3+$0x0], $0xffff  }
0x119: {  	v32 =	vor.u32 $0x7, v38;
	v38 =	vor.u32 v0, v33;
	v43 =	vshll.u32 v53, $0x4;
	v53 =	vld.idx.msk [tilespmem:v9+s16+$0x0], $0xffff;
	v9 =	vmovc v12;
	v12 =	vmovc v54  }
0x11a: {  	v33 =	vor.u32 $0x7, v39;
	v39 =	vor.u32 v0, v43;
	v26 =	vld.idx.msk [tilespmem:v26+s3+$0x0], $0xffff  }
0x11b: {  	v37 =	vshll.u32 v37, $0x4;
	v43 =	vld.idx.msk [tilespmem:v48+s3+$0x0], $0xffff;
	[tilespmem:s21+$0xB0] =	vst v46  }
0x11c: {  	v37 =	vor.u32 v0, v37;
	[tilespmem:s21+$0xFFFFFF30] =	vst v50;
	v46 =	vld.idx.msk [tilespmem:v52+s16+$0x0], $0xffff  }
0x11d: {  	v50 =	vor.u32 $0x1, v2;
	v48 =	vld.idx.msk [tilespmem:v56+s3+$0x0], $0xffff;
	[tilespmem:s21+$0xFFFFFFB0] =	vst v45  }
0x11e: {  	v36 =	vld.idx.msk [tilespmem:v36+s3+$0x0], $0xffff;
	[tilespmem:s21+$0x30] =	vst v40  }
0x11f: {  	v40 =	vshll.u32 v53, $0x4;
	v38 =	vld.idx.msk [tilespmem:v38+s3+$0x0], $0xffff  }
0x120: {  	s21 =	sadd.s32 $0x200, s21;
	v40 =	vor.u32 v0, v40;
	v45 =	vld.idx.msk [tilespmem:v20+s16+$0x0], $0xffff;
	[tilespmem:s17+$0xFFFFFF70] =	vst v26;
	v20 =	vmov v47  }
0x121: {  	[tilespmem:s21+$0x80] =	vst v43;
	v26 =	vld.idx.msk [tilespmem:v37+s3+$0x0], $0xffff  }
0x122: {  	v43 =	vshll.u32 v46, $0x4;
	v37 =	vld.idx.msk [tilespmem:v50+s16+$0x0], $0xffff  }
0x123: {  	v43 =	vor.u32 v0, v43;
	[tilespmem:s21+$0xFFFFFF00] =	vst v48;
	v46 =	vld.idx.msk [tilespmem:v18+s16+$0x0], $0xffff;
	v18 =	vmov v49  }
0x124: {  	v44 =	vld.idx.msk [tilespmem:v44+s16+$0x0], $0xffff;
	[tilespmem:s21+$0xFFFFFF80] =	vst v36  }
0x125: {  	v36 =	vld.idx.msk [tilespmem:v41+s16+$0x0], $0xffff;
	[tilespmem:s21+$0x0] =	vst v38  }
0x126: {  	v41 =	vshll.u32 v45, $0x4;
	v38 =	vld.idx.msk [tilespmem:v42+s16+$0x0], $0xffff  }
0x127: {  	v41 =	vor.u32 v0, v41;
	v42 =	vld.idx.msk [tilespmem:v19+s16+$0x0], $0xffff;
	[tilespmem:s18+$0xF0] =	vst v26;
	v19 =	vmov v51  }
0x128: {  	v26 =	vshll.u32 v37, $0x4;
	v37 =	vld.idx.msk [tilespmem:v43+s3+$0x0], $0xffff  }
0x129: {  	v26 =	vor.u32 v0, v26;
	v43 =	vshll.u32 v46, $0x4;
	v45 =	vld.idx.msk [tilespmem:v55+s3+$0x0], $0xffff  }
0x12a: {  	v46 =	vor.u32 $0x5, v1;
	v44 =	vshll.u32 v44, $0x4;
	v43 =	vor.u32 v0, v43;
	v39 =	vld.idx.msk [tilespmem:v39+s3+$0x0], $0xffff  }
0x12b: {  	v44 =	vor.u32 v0, v44;
	v36 =	vshll.u32 v36, $0x4;
	v40 =	vld.idx.msk [tilespmem:v40+s3+$0x0], $0xffff  }
0x12c: {  	v36 =	vor.u32 v0, v36;
	v38 =	vshll.u32 v38, $0x4;
	v41 =	vld.idx.msk [tilespmem:v41+s3+$0x0], $0xffff  }
0x12d: {  	v38 =	vor.u32 v0, v38;
	v42 =	vshll.u32 v42, $0x4;
	v23 =	vld.idx.msk [tilespmem:v23+s3+$0x0], $0xffff  }
0x12e: {  	v42 =	vor.u32 v0, v42;
	v26 =	vld.idx.msk [tilespmem:v26+s3+$0x0], $0xffff;
	[tilespmem:s19+$0xC0] =	vst v37  }
0x12f: {  	v37 =	vld.idx.msk [tilespmem:v46+s16+$0x0], $0xffff;
	[tilespmem:s18+$0xFFFFFF60] =	vst v45  }
0x130: {  	v45 =	vor.u32 $0x2, v2;
	v44 =	vld.idx.msk [tilespmem:v44+s3+$0x0], $0xffff;
	[tilespmem:s18+$0xFFFFFFE0] =	vst v39  }
0x131: {  	v36 =	vld.idx.msk [tilespmem:v36+s3+$0x0], $0xffff;
	[tilespmem:s18+$0x60] =	vst v40  }
0x132: {  	v38 =	vld.idx.msk [tilespmem:v38+s3+$0x0], $0xffff;
	[tilespmem:s19+$0xFFFFFF40] =	vst v41  }
0x133: {  	v39 =	vld.idx.msk [tilespmem:v43+s3+$0x0], $0xffff;
	[tilespmem:s17+$0xFFFFFFF0] =	vst v23  }
0x134: {  	[tilespmem:s21+$0x90] =	vst v26;
	v23 =	vld.idx.msk [tilespmem:v42+s3+$0x0], $0xffff  }
0x135: {  	v37 =	vshll.u32 v37, $0x4;
	v26 =	vld.idx.msk [tilespmem:v45+s16+$0x0], $0xffff  }
0x136: {  	v37 =	vor.u32 v0, v37;
	[tilespmem:s21+$0xFFFFFF10] =	vst v44;
	v40 =	vld.idx.msk [tilespmem:v14+s16+$0x0], $0xffff;
	v14 =	vmov v34  }
0x137: {  	v28 =	vld.idx.msk [tilespmem:v28+s16+$0x0], $0xffff;
	[tilespmem:s21+$0xFFFFFF90] =	vst v36  }
0x138: {  	v27 =	vld.idx.msk [tilespmem:v27+s16+$0x0], $0xffff;
	[tilespmem:s21+$0x10] =	vst v38  }
0x139: {  	v29 =	vld.idx.msk [tilespmem:v29+s16+$0x0], $0xffff;
	[tilespmem:s19+$0xFFFFFFC0] =	vst v39  }
0x13a: {  	v34 =	vld.idx.msk [tilespmem:v15+s16+$0x0], $0xffff;
	[tilespmem:s19+$0x40] =	vst v23;
	v15 =	vmov v31  }
0x13b: {  	v23 =	vshll.u32 v26, $0x4;
	v26 =	vld.idx.msk [tilespmem:v37+s3+$0x0], $0xffff  }
0x13c: {  	v23 =	vor.u32 v0, v23;
	v31 =	vshll.u32 v40, $0x4;
	v36 =	vld.idx.msk [tilespmem:v17+s16+$0x0], $0xffff;
	v17 =	vmov v30  }
0x13d: {  	v28 =	vshll.u32 v28, $0x4;
	v31 =	vor.u32 v0, v31;
	v30 =	vor.u32 $0x6, v1;
	v37 =	vld.idx.msk [tilespmem:v5+s16+$0x0], $0xffff;
	v5 =	vmovc v8;
	v8 =	vmovc v35  }
0x13e: {  	v28 =	vor.u32 v0, v28;
	v27 =	vshll.u32 v27, $0x4;
	v35 =	vld.idx.msk [tilespmem:v4+s16+$0x0], $0xffff;
	v4 =	vmovc v6;
	v6 =	vmov v32  }
0x13f: {  	v38 =	vor.u32 v0, v27;
	v27 =	vshll.u32 v29, $0x4;
	v39 =	vld.idx.msk [tilespmem:v3+s16+$0x0], $0xffff;
	v3 =	vmovc v7;
	v7 =	vmov v33  }
0x140: {  	v40 =	vor.u32 v0, v27;
	v29 =	vshll.u32 v34, $0x4;
	v27 =	vld.idx.msk [tilespmem:v25+s3+$0x0], $0xffff  }
.Ltmp0:
0x141: {  	v32 =	vor.u32 v0, v29;
	v33 =	vld.idx.msk [tilespmem:v23+s3+$0x0], $0xffff;
	[tilespmem:s19+$0xD0] =	vst v26;
	(pc) =	sbr.rel @p2 .LBB2_3-.Ltmp0, $4  }
0x142: {  	v23 =	vshll.u32 v36, $0x4;
	v30 =	vld.idx.msk [tilespmem:v30+s16+$0x0], $0xffff  }
0x143: {  	v36 =	vor.u32 $0x3, v2;
	v34 =	vld.idx.msk [tilespmem:v28+s3+$0x0], $0xffff;
	v28 =	vor.u32 v0, v23;
	v23 =	vshll.u32 v37, $0x4  }
0x144: {  	v29 =	vld.idx.msk [tilespmem:v38+s3+$0x0], $0xffff;
	v26 =	vor.u32 v0, v23;
	v23 =	vshll.u32 v35, $0x4  }
0x145: {  	v25 =	vshll.u32 v39, $0x4;
	v35 =	vld.idx.msk [tilespmem:v40+s3+$0x0], $0xffff;
	v23 =	vor.u32 v0, v23  }
0x146: {  	_ =	sdelay $0x2  }
0x147: {  	[tilespmem:s21+$0xA0] =	vst v33  }
0x148: {  	v33 =	vld.idx.msk [tilespmem:v36+s16+$0x0], $0xffff;
	_ =	sdelay $0x1  }
0x149: {  	[tilespmem:s21+$0xFFFFFF20] =	vst v34  }
0x14a: {  	v24 =	vld.idx.msk [tilespmem:v24+s16+$0x0], $0xffff;
	[tilespmem:s21+$0xFFFFFFA0] =	vst v29  }
0x14b: {  	v22 =	vld.idx.msk [tilespmem:v22+s16+$0x0], $0xffff;
	[tilespmem:s21+$0x20] =	vst v35  }
0x14c: {  	v21 =	vld.idx.msk [tilespmem:v21+s16+$0x0], $0xffff;
	v46 =	vshll.u32 v33, $0x4  }
0x14d: {  	v29 =	vor.u32 v0, v46;
	_ =	sdelay $0x1  }
0x14e: {  	v24 =	vshll.u32 v24, $0x4  }
0x14f: {  	v24 =	vor.u32 v0, v24;
	v22 =	vshll.u32 v22, $0x4  }
0x150: {  	v22 =	vor.u32 v0, v22;
	v21 =	vshll.u32 v21, $0x4  }
0x151: {  	v21 =	vor.u32 v0, v21;
	v29 =	vld.idx.msk [tilespmem:v29+s3+$0x0], $0xffff  }
0x152: {  	v47 =	vor.u32 $0x4, v2;
	_ =	sdelay $0x1  }
0x153: {  	v24 =	vld.idx.msk [tilespmem:v24+s3+$0x0], $0xffff  }
0x154: {  	v22 =	vld.idx.msk [tilespmem:v22+s3+$0x0], $0xffff  }
0x155: {  	v21 =	vld.idx.msk [tilespmem:v21+s3+$0x0], $0xffff;
	[tilespmem:s21+$0xB0] =	vst v29  }
0x156: {  	v29 =	vld.idx.msk [tilespmem:v47+s16+$0x0], $0xffff;
	_ =	sdelay $0x1  }
0x157: {  	[tilespmem:s21+$0xFFFFFF30] =	vst v24  }
0x158: {  	[tilespmem:s21+$0xFFFFFFB0] =	vst v22;
	v20 =	vld.idx.msk [tilespmem:v20+s16+$0x0], $0xffff  }
0x159: {  	[tilespmem:s21+$0x30] =	vst v21;
	v18 =	vld.idx.msk [tilespmem:v18+s16+$0x0], $0xffff  }
0x15a: {  	v19 =	vld.idx.msk [tilespmem:v19+s16+$0x0], $0xffff;
	v48 =	vshll.u32 v29, $0x4  }
0x15b: {  	v21 =	vor.u32 v0, v48;
	_ =	sdelay $0x1  }
0x15c: {  	v20 =	vshll.u32 v20, $0x4  }
0x15d: {  	v20 =	vor.u32 v0, v20;
	v18 =	vshll.u32 v18, $0x4  }
0x15e: {  	v18 =	vor.u32 v0, v18;
	v19 =	vshll.u32 v19, $0x4  }
0x15f: {  	v19 =	vor.u32 v0, v19;
	v21 =	vld.idx.msk [tilespmem:v21+s3+$0x0], $0xffff  }
0x160: {  	v49 =	vor.u32 $0x5, v2;
	_ =	sdelay $0x1  }
0x161: {  	v20 =	vld.idx.msk [tilespmem:v20+s3+$0x0], $0xffff  }
0x162: {  	v18 =	vld.idx.msk [tilespmem:v18+s3+$0x0], $0xffff  }
0x163: {  	v19 =	vld.idx.msk [tilespmem:v19+s3+$0x0], $0xffff;
	[tilespmem:s21+$0xC0] =	vst v21  }
0x164: {  	v21 =	vld.idx.msk [tilespmem:v49+s16+$0x0], $0xffff;
	_ =	sdelay $0x1  }
0x165: {  	v51 =	vld.idx.msk [tilespmem:v31+s3+$0x0], $0xffff;
	[tilespmem:s21+$0xFFFFFF40] =	vst v20  }
0x166: {  	v14 =	vld.idx.msk [tilespmem:v14+s16+$0x0], $0xffff;
	[tilespmem:s21+$0xFFFFFFC0] =	vst v18  }
0x167: {  	v15 =	vld.idx.msk [tilespmem:v15+s16+$0x0], $0xffff;
	[tilespmem:s21+$0x40] =	vst v19  }
0x168: {  	v17 =	vld.idx.msk [tilespmem:v17+s16+$0x0], $0xffff;
	v50 =	vshll.u32 v21, $0x4  }
0x169: {  	v52 =	vld.idx.msk [tilespmem:v32+s3+$0x0], $0xffff;
	v18 =	vor.u32 v0, v50  }
0x16a: {  	v53 =	vld.idx.msk [tilespmem:v28+s3+$0x0], $0xffff  }
0x16b: {  	v14 =	vshll.u32 v14, $0x4  }
0x16c: {  	[tilespmem:s19+$0xFFFFFF50] =	vst v51;
	v14 =	vor.u32 v0, v14;
	v15 =	vshll.u32 v15, $0x4  }
0x16d: {  	v11 =	vld.idx.msk [tilespmem:v11+s16+$0x0], $0xffff;
	v15 =	vor.u32 v0, v15;
	v17 =	vshll.u32 v17, $0x4  }
0x16e: {  	[tilespmem:s19+$0xFFFFFFD0] =	vst v52;
	v17 =	vor.u32 v0, v17;
	v18 =	vld.idx.msk [tilespmem:v18+s3+$0x0], $0xffff  }
0x16f: {  	v54 =	vor.u32 $0x6, v2;
	[tilespmem:s19+$0x50] =	vst v53;
	v10 =	vld.idx.msk [tilespmem:v10+s16+$0x0], $0xffff  }
0x170: {  	v9 =	vld.idx.msk [tilespmem:v9+s16+$0x0], $0xffff  }
0x171: {  	v14 =	vld.idx.msk [tilespmem:v14+s3+$0x0], $0xffff  }
0x172: {  	v15 =	vld.idx.msk [tilespmem:v15+s3+$0x0], $0xffff  }
0x173: {  	v17 =	vld.idx.msk [tilespmem:v17+s3+$0x0], $0xffff;
	[tilespmem:s21+$0xD0] =	vst v18  }
0x174: {  	v11 =	vshll.u32 v11, $0x4;
	v18 =	vld.idx.msk [tilespmem:v54+s16+$0x0], $0xffff  }
0x175: {  	v55 =	vshll.u32 v30, $0x4;
	v11 =	vor.u32 v0, v11  }
0x176: {  	v20 =	vor.u32 v0, v55;
	[tilespmem:s21+$0xFFFFFF50] =	vst v14  }
0x177: {  	v10 =	vshll.u32 v10, $0x4;
	v14 =	vld.idx.msk [tilespmem:v16+s16+$0x0], $0xffff;
	[tilespmem:s21+$0xFFFFFFD0] =	vst v15  }
0x178: {  	v9 =	vshll.u32 v9, $0x4;
	v10 =	vor.u32 v0, v10;
	[tilespmem:s21+$0x50] =	vst v17;
	v13 =	vld.idx.msk [tilespmem:v13+s16+$0x0], $0xffff  }
0x179: {  	v9 =	vor.u32 v0, v9;
	v12 =	vld.idx.msk [tilespmem:v12+s16+$0x0], $0xffff;
	v57 =	vshll.u32 v18, $0x4  }
0x17a: {  	v11 =	vld.idx.msk [tilespmem:v11+s3+$0x0], $0xffff;
	v15 =	vor.u32 v0, v57  }
0x17b: {  	v56 =	vld.idx.msk [tilespmem:v20+s3+$0x0], $0xffff  }
0x17c: {  	v1 =	vor.u32 $0x7, v1;
	v14 =	vshll.u32 v14, $0x4  }
0x17d: {  	v10 =	vld.idx.msk [tilespmem:v10+s3+$0x0], $0xffff;
	v14 =	vor.u32 v0, v14;
	v13 =	vshll.u32 v13, $0x4  }
0x17e: {  	v9 =	vld.idx.msk [tilespmem:v9+s3+$0x0], $0xffff;
	v13 =	vor.u32 v0, v13;
	v12 =	vshll.u32 v12, $0x4  }
0x17f: {  	[tilespmem:s19+$0xFFFFFF60] =	vst v11;
	v12 =	vor.u32 v0, v12;
	v15 =	vld.idx.msk [tilespmem:v15+s3+$0x0], $0xffff  }
0x180: {  	v2 =	vor.u32 $0x7, v2;
	v5 =	vld.idx.msk [tilespmem:v5+s16+$0x0], $0xffff;
	[tilespmem:s19+$0xE0] =	vst v56  }
0x181: {  	v1 =	vld.idx.msk [tilespmem:v1+s16+$0x0], $0xffff  }
0x182: {  	v58 =	vld.idx.msk [tilespmem:v14+s3+$0x0], $0xffff  }
0x183: {  	v13 =	vld.idx.msk [tilespmem:v13+s3+$0x0], $0xffff  }
0x184: {  	v12 =	vld.idx.msk [tilespmem:v12+s3+$0x0], $0xffff;
	[tilespmem:s21+$0xE0] =	vst v15  }
0x185: {  	[tilespmem:s19+$0x60] =	vst v9;
	v2 =	vld.idx.msk [tilespmem:v2+s16+$0x0], $0xffff  }
0x186: {  	[tilespmem:s19+$0xFFFFFFE0] =	vst v10;
	v3 =	vld.idx.msk [tilespmem:v3+s16+$0x0], $0xffff  }
0x187: {  	v4 =	vld.idx.msk [tilespmem:v4+s16+$0x0], $0xffff;
	v1 =	vshll.u32 v1, $0x4;
	[tilespmem:s21+$0xFFFFFF60] =	vst v58  }
0x188: {  	v1 =	vor.u32 v0, v1;
	[tilespmem:s21+$0xFFFFFFE0] =	vst v13;
	v8 =	vld.idx.msk [tilespmem:v8+s16+$0x0], $0xffff  }
0x189: {  	v59 =	vor.u32 v0, v25;
	v5 =	vshll.u32 v5, $0x4;
	[tilespmem:s21+$0x60] =	vst v12;
	v6 =	vld.idx.msk [tilespmem:v6+s16+$0x0], $0xffff  }
0x18a: {  	v5 =	vor.u32 v0, v5;
	v7 =	vld.idx.msk [tilespmem:v7+s16+$0x0], $0xffff;
	v2 =	vshll.u32 v2, $0x4  }
0x18b: {  	v60 =	vld.idx.msk [tilespmem:v26+s3+$0x0], $0xffff;
	v3 =	vshll.u32 v3, $0x4;
	v2 =	vor.u32 v0, v2  }
0x18c: {  	v61 =	vld.idx.msk [tilespmem:v23+s3+$0x0], $0xffff;
	v4 =	vshll.u32 v4, $0x4;
	v3 =	vor.u32 v0, v3  }
0x18d: {  	v4 =	vor.u32 v0, v4;
	v1 =	vld.idx.msk [tilespmem:v1+s3+$0x0], $0xffff;
	v8 =	vshll.u32 v8, $0x4  }
0x18e: {  	v9 =	vld.idx.msk [tilespmem:v59+s3+$0x0], $0xffff;
	v8 =	vor.u32 v0, v8;
	v6 =	vshll.u32 v6, $0x4  }
0x18f: {  	[tilespmem:s17+$0x70] =	vst v27;
	v5 =	vld.idx.msk [tilespmem:v5+s3+$0x0], $0xffff;
	v6 =	vor.u32 v0, v6;
	v7 =	vshll.u32 v7, $0x4  }
0x190: {  	[tilespmem:s18+$0xFFFFFF70] =	vst v60;
	v7 =	vor.u32 v0, v7;
	v2 =	vld.idx.msk [tilespmem:v2+s3+$0x0], $0xffff  }
0x191: {  	[tilespmem:s18+$0xFFFFFFF0] =	vst v61;
	v3 =	vld.idx.msk [tilespmem:v3+s3+$0x0], $0xffff  }
0x192: {  	[tilespmem:s19+$0xF0] =	vst v1;
	v1 =	vld.idx.msk [tilespmem:v4+s3+$0x0], $0xffff  }
0x193: {  	[tilespmem:s18+$0x70] =	vst v9;
	v62 =	vld.idx.msk [tilespmem:v8+s3+$0x0], $0xffff  }
0x194: {  	[tilespmem:s19+$0xFFFFFF70] =	vst v5;
	v63 =	vld.idx.msk [tilespmem:v6+s3+$0x0], $0xffff  }
0x195: {  	[tilespmem:s21+$0xF0] =	vst v2;
	v2 =	vld.idx.msk [tilespmem:v7+s3+$0x0], $0xffff  }
0x196: {  	[tilespmem:s19+$0x70] =	vst v3  }
0x197: {  	[tilespmem:s19+$0xFFFFFFF0] =	vst v1  }
0x198: {  	[tilespmem:s21+$0xFFFFFF70] =	vst v62  }
0x199: {  	s15 =	sshll.u32 s15, $0xB;
	p2 =	sne.s32 @!p1 s14, $0x20;
	[tilespmem:s21+$0xFFFFFFF0] =	vst v63  }
0x19a: {  	s15 =	sadd.s32 s5, s15;
	p2 =	por p1, !p2;
	[tilespmem:s21+$0x70] =	vst v2  }
0x19b: {  	[hbm4b:s15+s3] =	stream.linear.scatter [tilespmem:s20], [sflag:$0x1], $0x4000, $0x38;
	[tilespmem:$0xC800] =	vst v63  }
.Ltmp1:
0x19c: {  	_ = 	snop;
	(pc) =	sbr.rel @!p2 .LBB2_2-.Ltmp1, $4  }
0x19d: {  	s15 =	simm.s32 @!p1 $0x2  }
0x19e: {  	_ =	swait.ge @!p1 [sflag:s15], $0x400  }
0x19f: {  	[sflag:s15] =	ssyncset.done @!p1 $0x0  }
0x1a0: {  	p0 =	por @!p1 !p0, !p0;
	[sflag:s15] =	ssyncadd.s32 @!p1 $0xFFFFFC00  }
0x1a1: {  	s13 =	sadd.s32 $0x1, s13  }
0x1a2: {  	_ =	swait.ge [sflag:s12], $0x4000;
	p0 =	sne.s32 s13, s8  }
.Ltmp2:
0x1a3: {  	[sflag:s12] =	ssyncset.done $0x0;
	(pc) =	sbr.rel @p0 .LBB2_1-.Ltmp2, $4  }
0x1a4: {  	[sflag:s12] =	ssyncadd.s32 $0xFFFFC000  }
0x1a5: {  	_ =	swait.ge [sflag:s12], $0x4000  }
0x1a6: {  	[sflag:s12] =	ssyncset.done $0x0  }
0x1a7: {  	[sflag:s12] =	ssyncadd.s32 $0xFFFFC000  }
0x1a8: {  	_ =	sfence.sel $0x180000  }
0x1a9: {  	[bflag:$0x0] =	sbarrier.arrive $0xFFFF  }
0x1aa: {  	p0 =	sne.s32 s1, $0x0;
	_ =	strace $0x9000004D  }
0x1ab: {  	s0 =	sadd.s32 @!p0 $0x100000, s0;
	[bflag:$0x2] =	sbarrier.arrive $0xFFFF  }
0x1ac: {  	[sflag:s0] =	ssyncadd.tile.s32 @!p0 $0x1;
	_ =	shalt  }
.Lfunc_end2:
_tile_overlayer_lowered:
.L_overlay_start_2:
0x1ad: {  	(tag) =	ssettag $0x2  }
0x1ae: {  	s0 =	rddreg [dreg:$0x0];
	s2 =	stileid.u32  }
0x1af: {  	s1 =	rddreg [dreg:$0x1];
	p0 =	sne.s32 s2, $0x0  }
0x1b0: {  	s3 =	rddreg [dreg:$0x2];
	[bflag:$0x3] =	sbarrier.arrive $0xFFFF;
	s2 =	simm.s32 @!p0 $0x1C03  }
0x1b1: {  	[timem:s3], [sflag:s2] =	dma.local @!p0 [hbm:s0], s1  }
0x1b2: {  	s0 =	simm.s32 @!p0 $0x3  }
0x1b3: {  	_ =	swait.ge @!p0 [sflag:s0], s1  }
0x1b4: {  	s1 =	ssub.s32 @!p0 $0x0, s1;
	[sflag:s0] =	ssyncset.done @!p0 $0x0  }
0x1b5: {  	[sflag:s0] =	ssyncadd.s32 @!p0 s1  }
0x1b6: {  	[bflag:$0x3] =	sbarrier.arrive $0xFFFF  }
0x1b7: {  	_ =	shalt  }

</sc_bundles>
